<compile_context>
chip_gen: v7x
topology: tpu7x:2x2x1
jax: 0.10.2.dev20260603
libtpu: 0.0.44.dev20260713+nightly
codegen_flags: <defaults>
</compile_context>

<pallas_src>
import jax
import jax.numpy as jnp
from jax import lax
from jax.experimental import pallas as pl
from jax.experimental.pallas import tpu as pltpu
from jax.experimental.pallas import tpu_sc as plsc

EMB_SIZE = 1000000
EMB_DIM = 64
BATCH = 16384

_NC = 2
_NS = 16
_NW = _NC * _NS
_BPW = BATCH // _NW
_CHUNK = 128
_NCHUNK = _BPW // _CHUNK
_L = 16
_GPC = _CHUNK // _L
_GRW = 16
_BIAS_ROWS = EMB_SIZE // _GRW
_EROWS = EMB_SIZE // 2


def _bias_body(p1_hbm, p2_hbm, biasg_hbm, b0_hbm, out_hbm,
               idx1_v, idx2_v, gid1_v, gid2_v, off1_v, off2_v,
               bg1_v, bg2_v, out_v, b0_v, sems):
    wid = lax.axis_index("s") * _NC + lax.axis_index("c")
    base = wid * _BPW

    stage = [pltpu.async_copy(b0_hbm, b0_v, sems.at[0])]
    for c in range(_NCHUNK):
        stage.append(pltpu.async_copy(
            p1_hbm.at[pl.ds(base + c * _CHUNK, _CHUNK)], idx1_v.at[c],
            sems.at[0]))
        stage.append(pltpu.async_copy(
            p2_hbm.at[pl.ds(base + c * _CHUNK, _CHUNK)], idx2_v.at[c],
            sems.at[0]))
    for cp in stage:
        cp.wait()

    for c in range(_NCHUNK):
        for j in range(_GPC):
            s = pl.ds(j * _L, _L)
            fs = pl.ds(c * _CHUNK + j * _L, _L)
            v1 = idx1_v[c, s]
            gid1_v[c, s] = jnp.right_shift(v1, 4)
            off1_v[fs] = jnp.bitwise_and(v1, 15)
            v2 = idx2_v[c, s]
            gid2_v[c, s] = jnp.right_shift(v2, 4)
            off2_v[fs] = jnp.bitwise_and(v2, 15)

    cps = []
    for c in range(_NCHUNK):
        sl = pl.ds(c * _CHUNK, _CHUNK)
        sem = sems.at[c]
        cps.append(pltpu.async_copy(biasg_hbm.at[gid1_v.at[c]],
                                    bg1_v.at[sl], sem))
        cps.append(pltpu.async_copy(biasg_hbm.at[gid2_v.at[c]],
                                    bg2_v.at[sl], sem))
    for cp in cps:
        cp.wait()

    lanes = lax.iota(jnp.int32, _L)
    b0vec = b0_v[...]

    def g_body(g, carry):
        start = pl.multiple_of(g * _L, _L)
        row_ids = g * _L + lanes
        b1 = plsc.load_gather(bg1_v, [row_ids, off1_v[pl.ds(start, _L)]])
        b2 = plsc.load_gather(bg2_v, [row_ids, off2_v[pl.ds(start, _L)]])
        out_v[pl.ds(start, _L)] = b1 + b2 + b0vec
        return carry

    lax.fori_loop(0, _BPW // _L, g_body, 0)

    pltpu.sync_copy(out_v, out_hbm.at[pl.ds(base, _BPW)])


def _dot_body(p1_hbm, p2_hbm, emb_hbm, bsum_hbm, out_hbm,
              idx1_v, idx2_v, rid1_v, rid2_v,
              ra1_v, ra2_v, rb1_v, rb2_v,
              bsum_v, out_v, sems):
    wid = lax.axis_index("s") * _NC + lax.axis_index("c")
    base = wid * _BPW

    stage = [pltpu.async_copy(bsum_hbm.at[pl.ds(base, _BPW)], bsum_v,
                              sems.at[0])]
    for c in range(_NCHUNK):
        stage.append(pltpu.async_copy(
            p1_hbm.at[pl.ds(base + c * _CHUNK, _CHUNK)], idx1_v.at[c],
            sems.at[0]))
        stage.append(pltpu.async_copy(
            p2_hbm.at[pl.ds(base + c * _CHUNK, _CHUNK)], idx2_v.at[c],
            sems.at[0]))
    for cp in stage:
        cp.wait()

    for c in range(_NCHUNK):
        for j in range(_GPC):
            s = pl.ds(j * _L, _L)
            rid1_v[c, s] = jnp.right_shift(idx1_v[c, s], 1)
            rid2_v[c, s] = jnp.right_shift(idx2_v[c, s], 1)

    slots = ((ra1_v, ra2_v), (rb1_v, rb2_v))

    def fire(c):
        b1, b2 = slots[c % 2]
        sem = sems.at[c]
        return [
            pltpu.async_copy(emb_hbm.at[rid1_v.at[c]], b1, sem),
            pltpu.async_copy(emb_hbm.at[rid2_v.at[c]], b2, sem),
        ]

    lanes = lax.iota(jnp.int32, _L)

    pend = fire(0)
    for c in range(_NCHUNK):
        nxt = fire(c + 1) if c + 1 < _NCHUNK else []
        for cp in pend:
            cp.wait()
        pend = nxt
        b1ref, b2ref = slots[c % 2]

        def g_body(g, carry):
            start = pl.multiple_of(c * _CHUNK + g * _L, _L)
            s16 = pl.ds(pl.multiple_of(g * _L, _L), _L)
            pos = g * _L + lanes
            par1 = jnp.bitwise_and(idx1_v[c, s16], 1)
            par2 = jnp.bitwise_and(idx2_v[c, s16], 1)
            f1 = jnp.left_shift(pos, 7) + jnp.left_shift(par1, 6)
            f2 = jnp.left_shift(pos, 7) + jnp.left_shift(par2, 6)
            acc0 = bsum_v[pl.ds(start, _L)]
            zeros16 = jnp.zeros((_L,), jnp.int32)

            def d_body(dd, carry2):
                acc, fa, fb = carry2
                v1 = plsc.load_gather(b1ref, [zeros16, fa])
                v2 = plsc.load_gather(b2ref, [zeros16, fb])
                return acc + v1 * v2, fa + 1, fb + 1

            acc, _, _ = lax.fori_loop(0, EMB_DIM, d_body, (acc0, f1, f2),
                                      unroll=4)
            out_v[pl.ds(start, _L)] = acc
            return carry

        lax.fori_loop(0, _GPC, g_body, 0)

    pltpu.sync_copy(out_v, out_hbm.at[pl.ds(base, _BPW)])


def kernel(product1, product2, emb_table, bias_table, bias):
    bias_g = bias_table.reshape(_BIAS_ROWS, _GRW)
    bias16 = jnp.broadcast_to(bias, (_L,))
    emb_w = lax.optimization_barrier(emb_table).reshape(_EROWS, 2 * EMB_DIM)
    mesh = plsc.VectorSubcoreMesh(core_axis_name="c", subcore_axis_name="s")

    bias_call = pl.kernel(
        _bias_body,
        mesh=mesh,
        compiler_params=pltpu.CompilerParams(
            needs_layout_passes=False, use_tc_tiling_on_sc=False),
        out_type=jax.ShapeDtypeStruct((BATCH,), jnp.float32),
        scratch_types=[
            pltpu.VMEM((_NCHUNK, _CHUNK), jnp.int32),
            pltpu.VMEM((_NCHUNK, _CHUNK), jnp.int32),
            pltpu.VMEM((_NCHUNK, _CHUNK), jnp.int32),
            pltpu.VMEM((_NCHUNK, _CHUNK), jnp.int32),
            pltpu.VMEM((_BPW,), jnp.int32),
            pltpu.VMEM((_BPW,), jnp.int32),
            pltpu.VMEM((_BPW, _GRW), jnp.float32),
            pltpu.VMEM((_BPW, _GRW), jnp.float32),
            pltpu.VMEM((_BPW,), jnp.float32),
            pltpu.VMEM((_L,), jnp.float32),
            pltpu.SemaphoreType.DMA((_NCHUNK,)),
        ],
    )
    bsum = bias_call(product1, product2, bias_g, bias16)

    dot_call = pl.kernel(
        _dot_body,
        mesh=mesh,
        compiler_params=pltpu.CompilerParams(
            needs_layout_passes=False, use_tc_tiling_on_sc=True),
        out_type=jax.ShapeDtypeStruct((BATCH,), jnp.float32),
        scratch_types=[
            pltpu.VMEM((_NCHUNK, _CHUNK), jnp.int32),
            pltpu.VMEM((_NCHUNK, _CHUNK), jnp.int32),
            pltpu.VMEM((_NCHUNK, _CHUNK), jnp.int32),
            pltpu.VMEM((_NCHUNK, _CHUNK), jnp.int32),
            pltpu.VMEM((_CHUNK, 2 * EMB_DIM), jnp.float32),
            pltpu.VMEM((_CHUNK, 2 * EMB_DIM), jnp.float32),
            pltpu.VMEM((_CHUNK, 2 * EMB_DIM), jnp.float32),
            pltpu.VMEM((_CHUNK, 2 * EMB_DIM), jnp.float32),
            pltpu.VMEM((_BPW,), jnp.float32),
            pltpu.VMEM((_BPW,), jnp.float32),
            pltpu.SemaphoreType.DMA((_NCHUNK,)),
        ],
    )
    return dot_call(product1, product2, emb_w, bsum)

# --- scband reference (transcript-rebuilt; emitter-appended) ---
"""Pipeline reference for scband-mfbias-continuous-60516089201165 (READ-ONLY COPY).

The authoritative reference and input builder live on the scoring server;
editing this copy changes nothing except your own understanding.
"""

import jax, jax.numpy as jnp
import numpy as np

EMB_SIZE = 1000000
EMB_DIM = 64
BATCH = 16384

def setup_inputs(seed: int = 0) -> dict:
    key = jax.random.key(seed)
    k1, k2, k3, k4 = jax.random.split(key, 4)
    product1 = jax.random.randint(k1, (BATCH,), 0, EMB_SIZE, dtype=jnp.int64 if jax.config.jax_enable_x64 else jnp.int32).astype(jnp.int32)
    product2 = jax.random.randint(k2, (BATCH,), 0, EMB_SIZE, dtype=jnp.int64 if jax.config.jax_enable_x64 else jnp.int32).astype(jnp.int32)
    emb_table = jax.random.normal(k3, (EMB_SIZE, EMB_DIM), dtype=jnp.float32)
    bias_table = jax.random.normal(k4, (EMB_SIZE, 1), dtype=jnp.float32)
    bias = jnp.ones((1,), dtype=jnp.float32)
    return {"product1": product1, "product2": product2, "emb_table": emb_table, "bias_table": bias_table, "bias": bias}

def reference(product1, product2, emb_table, bias_table, bias):
    emb_product1 = jnp.take(emb_table, product1, axis=0)
    emb_product2 = jnp.take(emb_table, product2, axis=0)
    interaction = jnp.sum(emb_product1 * emb_product2, axis=1).astype(jnp.float32)
    bias_product1 = jnp.take(bias_table, product1, axis=0).squeeze(-1)
    bias_product2 = jnp.take(bias_table, product2, axis=0).squeeze(-1)
    biases = bias + bias_product1 + bias_product2
    prediction = interaction + biases
    return prediction

if __name__ == "__main__":
    import jax
    _d = setup_inputs()
    print(jax.jit(kernel)(*tuple(_d.values())))

</pallas_src>

<mosaic_0001>
#map = affine_map<(d0, d1) -> (0)>
#map1 = affine_map<(d0, d1) -> (0, 0)>
module attributes {stable_mosaic.version = 14 : i64} {
  func.func @_dot_body(%arg0: i32, %arg1: i32, %arg2: memref<16384xi32, #tpu.memory_space<hbm>>, %arg3: memref<16384xi32, #tpu.memory_space<hbm>>, %arg4: memref<500000x128xf32, #tpu.memory_space<hbm>>, %arg5: memref<16384xf32, #tpu.memory_space<hbm>>, %arg6: memref<16384xf32, #tpu.memory_space<hbm>>, %arg7: memref<4x128xi32, #tpu.memory_space<vmem>>, %arg8: memref<4x128xi32, #tpu.memory_space<vmem>>, %arg9: memref<4x128xi32, #tpu.memory_space<vmem>>, %arg10: memref<4x128xi32, #tpu.memory_space<vmem>>, %arg11: memref<128x128xf32, #tpu.memory_space<vmem>>, %arg12: memref<128x128xf32, #tpu.memory_space<vmem>>, %arg13: memref<128x128xf32, #tpu.memory_space<vmem>>, %arg14: memref<128x128xf32, #tpu.memory_space<vmem>>, %arg15: memref<512xf32, #tpu.memory_space<vmem>>, %arg16: memref<512xf32, #tpu.memory_space<vmem>>, %arg17: memref<4x!tpu.dma_semaphore, #tpu.memory_space<semaphore_mem>>) attributes {dimension_semantics = [#tpu.dimension_semantics<core_parallel>, #tpu.dimension_semantics<subcore_parallel>], iteration_bounds = array<i64: 2, 16>, scalar_prefetch = 0 : i64, scratch_operands = 11 : i64, tpu.core_type = #tpu.core_type<sc_vector_subcore>, window_params = [{transform_indices = #map}, {transform_indices = #map}, {transform_indices = #map1}, {transform_indices = #map}, {transform_indices = #map}]} {
    %mul3A = arith.constant 2 : i32
    %mul3A_0 = arith.muli %arg1, %mul3A : i32
    %add3A = arith.addi %mul3A_0, %arg0 : i32
    %mul3A_1 = arith.constant 512 : i32
    %mul3A_2 = arith.muli %add3A, %mul3A_1 : i32
    %dma_start3A = arith.constant 0 : i32
    %dma_start3A_3 = tpu.memref_slice %arg5[%mul3A_2] : memref<16384xf32, #tpu.memory_space<hbm>> -> memref<512xf32, #tpu.memory_space<hbm>>
    %dma_start3A_4 = tpu.memref_slice %arg17[%dma_start3A] : memref<4x!tpu.dma_semaphore, #tpu.memory_space<semaphore_mem>> -> memref<1x!tpu.dma_semaphore, #tpu.memory_space<semaphore_mem>>
    %dma_start3A_5 = tpu.memref_squeeze %dma_start3A_4 : memref<1x!tpu.dma_semaphore, #tpu.memory_space<semaphore_mem>> -> memref<!tpu.dma_semaphore, #tpu.memory_space<semaphore_mem>>
    %dma_start3A_6 = tpu.memref_slice %arg5[%mul3A_2] : memref<16384xf32, #tpu.memory_space<hbm>> -> memref<512xf32, #tpu.memory_space<hbm>>
    tpu.enqueue_dma source(%dma_start3A_6 : memref<512xf32, #tpu.memory_space<hbm>>) target(%arg15 : memref<512xf32, #tpu.memory_space<vmem>>) target_semaphore(%dma_start3A_5 : memref<!tpu.dma_semaphore, #tpu.memory_space<semaphore_mem>>)
    %add3A_7 = arith.constant 0 : i32
    %add3A_8 = arith.addi %mul3A_2, %add3A_7 : i32
    %dma_start3A_9 = arith.constant 0 : i32
    %dma_start3A_10 = arith.constant 0 : i32
    %dma_start3A_11 = arith.constant 0 : i32
    %dma_start3A_12 = tpu.memref_slice %arg7[%dma_start3A_9, %dma_start3A_11] : memref<4x128xi32, #tpu.memory_space<vmem>> -> memref<1x128xi32, #tpu.memory_space<vmem>>
    %dma_start3A_13 = tpu.memref_squeeze %dma_start3A_12 : memref<1x128xi32, #tpu.memory_space<vmem>> -> memref<128xi32, #tpu.memory_space<vmem>>
    %dma_start3A_14 = tpu.memref_slice %arg2[%add3A_8] : memref<16384xi32, #tpu.memory_space<hbm>> -> memref<128xi32, #tpu.memory_space<hbm>>
    %dma_start3A_15 = tpu.memref_slice %arg17[%dma_start3A_10] : memref<4x!tpu.dma_semaphore, #tpu.memory_space<semaphore_mem>> -> memref<1x!tpu.dma_semaphore, #tpu.memory_space<semaphore_mem>>
    %dma_start3A_16 = tpu.memref_squeeze %dma_start3A_15 : memref<1x!tpu.dma_semaphore, #tpu.memory_space<semaphore_mem>> -> memref<!tpu.dma_semaphore, #tpu.memory_space<semaphore_mem>>
    %dma_start3A_17 = arith.constant 0 : i32
    %dma_start3A_18 = tpu.memref_slice %arg7[%dma_start3A_9, %dma_start3A_17] : memref<4x128xi32, #tpu.memory_space<vmem>> -> memref<1x128xi32, #tpu.memory_space<vmem>>
    %dma_start3A_19 = tpu.memref_squeeze %dma_start3A_18 : memref<1x128xi32, #tpu.memory_space<vmem>> -> memref<128xi32, #tpu.memory_space<vmem>>
    %dma_start3A_20 = tpu.memref_slice %arg2[%add3A_8] : memref<16384xi32, #tpu.memory_space<hbm>> -> memref<128xi32, #tpu.memory_space<hbm>>
    tpu.enqueue_dma source(%dma_start3A_20 : memref<128xi32, #tpu.memory_space<hbm>>) target(%dma_start3A_19 : memref<128xi32, #tpu.memory_space<vmem>>) target_semaphore(%dma_start3A_16 : memref<!tpu.dma_semaphore, #tpu.memory_space<semaphore_mem>>)
    %add3A_21 = arith.constant 0 : i32
    %add3A_22 = arith.addi %mul3A_2, %add3A_21 : i32
    %dma_start3A_23 = arith.constant 0 : i32
    %dma_start3A_24 = arith.constant 0 : i32
    %dma_start3A_25 = arith.constant 0 : i32
    %dma_start3A_26 = tpu.memref_slice %arg8[%dma_start3A_23, %dma_start3A_25] : memref<4x128xi32, #tpu.memory_space<vmem>> -> memref<1x128xi32, #tpu.memory_space<vmem>>
    %dma_start3A_27 = tpu.memref_squeeze %dma_start3A_26 : memref<1x128xi32, #tpu.memory_space<vmem>> -> memref<128xi32, #tpu.memory_space<vmem>>
    %dma_start3A_28 = tpu.memref_slice %arg3[%add3A_22] : memref<16384xi32, #tpu.memory_space<hbm>> -> memref<128xi32, #tpu.memory_space<hbm>>
    %dma_start3A_29 = tpu.memref_slice %arg17[%dma_start3A_24] : memref<4x!tpu.dma_semaphore, #tpu.memory_space<semaphore_mem>> -> memref<1x!tpu.dma_semaphore, #tpu.memory_space<semaphore_mem>>
    %dma_start3A_30 = tpu.memref_squeeze %dma_start3A_29 : memref<1x!tpu.dma_semaphore, #tpu.memory_space<semaphore_mem>> -> memref<!tpu.dma_semaphore, #tpu.memory_space<semaphore_mem>>
    %dma_start3A_31 = arith.constant 0 : i32
    %dma_start3A_32 = tpu.memref_slice %arg8[%dma_start3A_23, %dma_start3A_31] : memref<4x128xi32, #tpu.memory_space<vmem>> -> memref<1x128xi32, #tpu.memory_space<vmem>>
    %dma_start3A_33 = tpu.memref_squeeze %dma_start3A_32 : memref<1x128xi32, #tpu.memory_space<vmem>> -> memref<128xi32, #tpu.memory_space<vmem>>
    %dma_start3A_34 = tpu.memref_slice %arg3[%add3A_22] : memref<16384xi32, #tpu.memory_space<hbm>> -> memref<128xi32, #tpu.memory_space<hbm>>
    tpu.enqueue_dma source(%dma_start3A_34 : memref<128xi32, #tpu.memory_space<hbm>>) target(%dma_start3A_33 : memref<128xi32, #tpu.memory_space<vmem>>) target_semaphore(%dma_start3A_30 : memref<!tpu.dma_semaphore, #tpu.memory_space<semaphore_mem>>)
    %add3A_35 = arith.constant 128 : i32
    %add3A_36 = arith.addi %mul3A_2, %add3A_35 : i32
    %dma_start3A_37 = arith.constant 1 : i32
    %dma_start3A_38 = arith.constant 0 : i32
    %dma_start3A_39 = arith.constant 0 : i32
    %dma_start3A_40 = tpu.memref_slice %arg7[%dma_start3A_37, %dma_start3A_39] : memref<4x128xi32, #tpu.memory_space<vmem>> -> memref<1x128xi32, #tpu.memory_space<vmem>>
    %dma_start3A_41 = tpu.memref_squeeze %dma_start3A_40 : memref<1x128xi32, #tpu.memory_space<vmem>> -> memref<128xi32, #tpu.memory_space<vmem>>
    %dma_start3A_42 = tpu.memref_slice %arg2[%add3A_36] : memref<16384xi32, #tpu.memory_space<hbm>> -> memref<128xi32, #tpu.memory_space<hbm>>
    %dma_start3A_43 = tpu.memref_slice %arg17[%dma_start3A_38] : memref<4x!tpu.dma_semaphore, #tpu.memory_space<semaphore_mem>> -> memref<1x!tpu.dma_semaphore, #tpu.memory_space<semaphore_mem>>
    %dma_start3A_44 = tpu.memref_squeeze %dma_start3A_43 : memref<1x!tpu.dma_semaphore, #tpu.memory_space<semaphore_mem>> -> memref<!tpu.dma_semaphore, #tpu.memory_space<semaphore_mem>>
    %dma_start3A_45 = arith.constant 0 : i32
    %dma_start3A_46 = tpu.memref_slice %arg7[%dma_start3A_37, %dma_start3A_45] : memref<4x128xi32, #tpu.memory_space<vmem>> -> memref<1x128xi32, #tpu.memory_space<vmem>>
    %dma_start3A_47 = tpu.memref_squeeze %dma_start3A_46 : memref<1x128xi32, #tpu.memory_space<vmem>> -> memref<128xi32, #tpu.memory_space<vmem>>
    %dma_start3A_48 = tpu.memref_slice %arg2[%add3A_36] : memref<16384xi32, #tpu.memory_space<hbm>> -> memref<128xi32, #tpu.memory_space<hbm>>
    tpu.enqueue_dma source(%dma_start3A_48 : memref<128xi32, #tpu.memory_space<hbm>>) target(%dma_start3A_47 : memref<128xi32, #tpu.memory_space<vmem>>) target_semaphore(%dma_start3A_44 : memref<!tpu.dma_semaphore, #tpu.memory_space<semaphore_mem>>)
    %add3A_49 = arith.constant 128 : i32
    %add3A_50 = arith.addi %mul3A_2, %add3A_49 : i32
    %dma_start3A_51 = arith.constant 1 : i32
    %dma_start3A_52 = arith.constant 0 : i32
    %dma_start3A_53 = arith.constant 0 : i32
    %dma_start3A_54 = tpu.memref_slice %arg8[%dma_start3A_51, %dma_start3A_53] : memref<4x128xi32, #tpu.memory_space<vmem>> -> memref<1x128xi32, #tpu.memory_space<vmem>>
    %dma_start3A_55 = tpu.memref_squeeze %dma_start3A_54 : memref<1x128xi32, #tpu.memory_space<vmem>> -> memref<128xi32, #tpu.memory_space<vmem>>
    %dma_start3A_56 = tpu.memref_slice %arg3[%add3A_50] : memref<16384xi32, #tpu.memory_space<hbm>> -> memref<128xi32, #tpu.memory_space<hbm>>
    %dma_start3A_57 = tpu.memref_slice %arg17[%dma_start3A_52] : memref<4x!tpu.dma_semaphore, #tpu.memory_space<semaphore_mem>> -> memref<1x!tpu.dma_semaphore, #tpu.memory_space<semaphore_mem>>
    %dma_start3A_58 = tpu.memref_squeeze %dma_start3A_57 : memref<1x!tpu.dma_semaphore, #tpu.memory_space<semaphore_mem>> -> memref<!tpu.dma_semaphore, #tpu.memory_space<semaphore_mem>>
    %dma_start3A_59 = arith.constant 0 : i32
    %dma_start3A_60 = tpu.memref_slice %arg8[%dma_start3A_51, %dma_start3A_59] : memref<4x128xi32, #tpu.memory_space<vmem>> -> memref<1x128xi32, #tpu.memory_space<vmem>>
    %dma_start3A_61 = tpu.memref_squeeze %dma_start3A_60 : memref<1x128xi32, #tpu.memory_space<vmem>> -> memref<128xi32, #tpu.memory_space<vmem>>
    %dma_start3A_62 = tpu.memref_slice %arg3[%add3A_50] : memref<16384xi32, #tpu.memory_space<hbm>> -> memref<128xi32, #tpu.memory_space<hbm>>
    tpu.enqueue_dma source(%dma_start3A_62 : memref<128xi32, #tpu.memory_space<hbm>>) target(%dma_start3A_61 : memref<128xi32, #tpu.memory_space<vmem>>) target_semaphore(%dma_start3A_58 : memref<!tpu.dma_semaphore, #tpu.memory_space<semaphore_mem>>)
    %add3A_63 = arith.constant 256 : i32
    %add3A_64 = arith.addi %mul3A_2, %add3A_63 : i32
    %dma_start3A_65 = arith.constant 2 : i32
    %dma_start3A_66 = arith.constant 0 : i32
    %dma_start3A_67 = arith.constant 0 : i32
    %dma_start3A_68 = tpu.memref_slice %arg7[%dma_start3A_65, %dma_start3A_67] : memref<4x128xi32, #tpu.memory_space<vmem>> -> memref<1x128xi32, #tpu.memory_space<vmem>>
    %dma_start3A_69 = tpu.memref_squeeze %dma_start3A_68 : memref<1x128xi32, #tpu.memory_space<vmem>> -> memref<128xi32, #tpu.memory_space<vmem>>
    %dma_start3A_70 = tpu.memref_slice %arg2[%add3A_64] : memref<16384xi32, #tpu.memory_space<hbm>> -> memref<128xi32, #tpu.memory_space<hbm>>
    %dma_start3A_71 = tpu.memref_slice %arg17[%dma_start3A_66] : memref<4x!tpu.dma_semaphore, #tpu.memory_space<semaphore_mem>> -> memref<1x!tpu.dma_semaphore, #tpu.memory_space<semaphore_mem>>
    %dma_start3A_72 = tpu.memref_squeeze %dma_start3A_71 : memref<1x!tpu.dma_semaphore, #tpu.memory_space<semaphore_mem>> -> memref<!tpu.dma_semaphore, #tpu.memory_space<semaphore_mem>>
    %dma_start3A_73 = arith.constant 0 : i32
    %dma_start3A_74 = tpu.memref_slice %arg7[%dma_start3A_65, %dma_start3A_73] : memref<4x128xi32, #tpu.memory_space<vmem>> -> memref<1x128xi32, #tpu.memory_space<vmem>>
    %dma_start3A_75 = tpu.memref_squeeze %dma_start3A_74 : memref<1x128xi32, #tpu.memory_space<vmem>> -> memref<128xi32, #tpu.memory_space<vmem>>
    %dma_start3A_76 = tpu.memref_slice %arg2[%add3A_64] : memref<16384xi32, #tpu.memory_space<hbm>> -> memref<128xi32, #tpu.memory_space<hbm>>
    tpu.enqueue_dma source(%dma_start3A_76 : memref<128xi32, #tpu.memory_space<hbm>>) target(%dma_start3A_75 : memref<128xi32, #tpu.memory_space<vmem>>) target_semaphore(%dma_start3A_72 : memref<!tpu.dma_semaphore, #tpu.memory_space<semaphore_mem>>)
    %add3A_77 = arith.constant 256 : i32
    %add3A_78 = arith.addi %mul3A_2, %add3A_77 : i32
    %dma_start3A_79 = arith.constant 2 : i32
    %dma_start3A_80 = arith.constant 0 : i32
    %dma_start3A_81 = arith.constant 0 : i32
    %dma_start3A_82 = tpu.memref_slice %arg8[%dma_start3A_79, %dma_start3A_81] : memref<4x128xi32, #tpu.memory_space<vmem>> -> memref<1x128xi32, #tpu.memory_space<vmem>>
    %dma_start3A_83 = tpu.memref_squeeze %dma_start3A_82 : memref<1x128xi32, #tpu.memory_space<vmem>> -> memref<128xi32, #tpu.memory_space<vmem>>
    %dma_start3A_84 = tpu.memref_slice %arg3[%add3A_78] : memref<16384xi32, #tpu.memory_space<hbm>> -> memref<128xi32, #tpu.memory_space<hbm>>
    %dma_start3A_85 = tpu.memref_slice %arg17[%dma_start3A_80] : memref<4x!tpu.dma_semaphore, #tpu.memory_space<semaphore_mem>> -> memref<1x!tpu.dma_semaphore, #tpu.memory_space<semaphore_mem>>
    %dma_start3A_86 = tpu.memref_squeeze %dma_start3A_85 : memref<1x!tpu.dma_semaphore, #tpu.memory_space<semaphore_mem>> -> memref<!tpu.dma_semaphore, #tpu.memory_space<semaphore_mem>>
    %dma_start3A_87 = arith.constant 0 : i32
    %dma_start3A_88 = tpu.memref_slice %arg8[%dma_start3A_79, %dma_start3A_87] : memref<4x128xi32, #tpu.memory_space<vmem>> -> memref<1x128xi32, #tpu.memory_space<vmem>>
    %dma_start3A_89 = tpu.memref_squeeze %dma_start3A_88 : memref<1x128xi32, #tpu.memory_space<vmem>> -> memref<128xi32, #tpu.memory_space<vmem>>
    %dma_start3A_90 = tpu.memref_slice %arg3[%add3A_78] : memref<16384xi32, #tpu.memory_space<hbm>> -> memref<128xi32, #tpu.memory_space<hbm>>
    tpu.enqueue_dma source(%dma_start3A_90 : memref<128xi32, #tpu.memory_space<hbm>>) target(%dma_start3A_89 : memref<128xi32, #tpu.memory_space<vmem>>) target_semaphore(%dma_start3A_86 : memref<!tpu.dma_semaphore, #tpu.memory_space<semaphore_mem>>)
    %add3A_91 = arith.constant 384 : i32
    %add3A_92 = arith.addi %mul3A_2, %add3A_91 : i32
    %dma_start3A_93 = arith.constant 3 : i32
    %dma_start3A_94 = arith.constant 0 : i32
    %dma_start3A_95 = arith.constant 0 : i32
    %dma_start3A_96 = tpu.memref_slice %arg7[%dma_start3A_93, %dma_start3A_95] : memref<4x128xi32, #tpu.memory_space<vmem>> -> memref<1x128xi32, #tpu.memory_space<vmem>>
    %dma_start3A_97 = tpu.memref_squeeze %dma_start3A_96 : memref<1x128xi32, #tpu.memory_space<vmem>> -> memref<128xi32, #tpu.memory_space<vmem>>
    %dma_start3A_98 = tpu.memref_slice %arg2[%add3A_92] : memref<16384xi32, #tpu.memory_space<hbm>> -> memref<128xi32, #tpu.memory_space<hbm>>
    %dma_start3A_99 = tpu.memref_slice %arg17[%dma_start3A_94] : memref<4x!tpu.dma_semaphore, #tpu.memory_space<semaphore_mem>> -> memref<1x!tpu.dma_semaphore, #tpu.memory_space<semaphore_mem>>
    %dma_start3A_100 = tpu.memref_squeeze %dma_start3A_99 : memref<1x!tpu.dma_semaphore, #tpu.memory_space<semaphore_mem>> -> memref<!tpu.dma_semaphore, #tpu.memory_space<semaphore_mem>>
    %dma_start3A_101 = arith.constant 0 : i32
    %dma_start3A_102 = tpu.memref_slice %arg7[%dma_start3A_93, %dma_start3A_101] : memref<4x128xi32, #tpu.memory_space<vmem>> -> memref<1x128xi32, #tpu.memory_space<vmem>>
    %dma_start3A_103 = tpu.memref_squeeze %dma_start3A_102 : memref<1x128xi32, #tpu.memory_space<vmem>> -> memref<128xi32, #tpu.memory_space<vmem>>
    %dma_start3A_104 = tpu.memref_slice %arg2[%add3A_92] : memref<16384xi32, #tpu.memory_space<hbm>> -> memref<128xi32, #tpu.memory_space<hbm>>
    tpu.enqueue_dma source(%dma_start3A_104 : memref<128xi32, #tpu.memory_space<hbm>>) target(%dma_start3A_103 : memref<128xi32, #tpu.memory_space<vmem>>) target_semaphore(%dma_start3A_100 : memref<!tpu.dma_semaphore, #tpu.memory_space<semaphore_mem>>)
    %add3A_105 = arith.constant 384 : i32
    %add3A_106 = arith.addi %mul3A_2, %add3A_105 : i32
    %dma_start3A_107 = arith.constant 3 : i32
    %dma_start3A_108 = arith.constant 0 : i32
    %dma_start3A_109 = arith.constant 0 : i32
    %dma_start3A_110 = tpu.memref_slice %arg8[%dma_start3A_107, %dma_start3A_109] : memref<4x128xi32, #tpu.memory_space<vmem>> -> memref<1x128xi32, #tpu.memory_space<vmem>>
    %dma_start3A_111 = tpu.memref_squeeze %dma_start3A_110 : memref<1x128xi32, #tpu.memory_space<vmem>> -> memref<128xi32, #tpu.memory_space<vmem>>
    %dma_start3A_112 = tpu.memref_slice %arg3[%add3A_106] : memref<16384xi32, #tpu.memory_space<hbm>> -> memref<128xi32, #tpu.memory_space<hbm>>
    %dma_start3A_113 = tpu.memref_slice %arg17[%dma_start3A_108] : memref<4x!tpu.dma_semaphore, #tpu.memory_space<semaphore_mem>> -> memref<1x!tpu.dma_semaphore, #tpu.memory_space<semaphore_mem>>
    %dma_start3A_114 = tpu.memref_squeeze %dma_start3A_113 : memref<1x!tpu.dma_semaphore, #tpu.memory_space<semaphore_mem>> -> memref<!tpu.dma_semaphore, #tpu.memory_space<semaphore_mem>>
    %dma_start3A_115 = arith.constant 0 : i32
    %dma_start3A_116 = tpu.memref_slice %arg8[%dma_start3A_107, %dma_start3A_115] : memref<4x128xi32, #tpu.memory_space<vmem>> -> memref<1x128xi32, #tpu.memory_space<vmem>>
    %dma_start3A_117 = tpu.memref_squeeze %dma_start3A_116 : memref<1x128xi32, #tpu.memory_space<vmem>> -> memref<128xi32, #tpu.memory_space<vmem>>
    %dma_start3A_118 = tpu.memref_slice %arg3[%add3A_106] : memref<16384xi32, #tpu.memory_space<hbm>> -> memref<128xi32, #tpu.memory_space<hbm>>
    tpu.enqueue_dma source(%dma_start3A_118 : memref<128xi32, #tpu.memory_space<hbm>>) target(%dma_start3A_117 : memref<128xi32, #tpu.memory_space<vmem>>) target_semaphore(%dma_start3A_114 : memref<!tpu.dma_semaphore, #tpu.memory_space<semaphore_mem>>)
    %dma_wait3A = arith.constant 0 : i32
    %dma_wait3A_119 = tpu.memref_slice %arg5[%mul3A_2] : memref<16384xf32, #tpu.memory_space<hbm>> -> memref<512xf32, #tpu.memory_space<hbm>>
    %dma_wait3A_120 = tpu.memref_slice %arg17[%dma_wait3A] : memref<4x!tpu.dma_semaphore, #tpu.memory_space<semaphore_mem>> -> memref<1x!tpu.dma_semaphore, #tpu.memory_space<semaphore_mem>>
    %dma_wait3A_121 = tpu.memref_squeeze %dma_wait3A_120 : memref<1x!tpu.dma_semaphore, #tpu.memory_space<semaphore_mem>> -> memref<!tpu.dma_semaphore, #tpu.memory_space<semaphore_mem>>
    %dma_wait3A_122 = tpu.memref_slice %arg5[%mul3A_2] : memref<16384xf32, #tpu.memory_space<hbm>> -> memref<512xf32, #tpu.memory_space<hbm>>
    tpu.wait_dma2 semaphore(%dma_wait3A_121 : memref<!tpu.dma_semaphore, #tpu.memory_space<semaphore_mem>>) src(%dma_wait3A_122 : memref<512xf32, #tpu.memory_space<hbm>>) dst(%arg15 : memref<512xf32, #tpu.memory_space<vmem>>)
    %dma_wait3A_123 = arith.constant 0 : i32
    %dma_wait3A_124 = arith.constant 0 : i32
    %dma_wait3A_125 = arith.constant 0 : i32
    %dma_wait3A_126 = tpu.memref_slice %arg7[%dma_wait3A_123, %dma_wait3A_125] : memref<4x128xi32, #tpu.memory_space<vmem>> -> memref<1x128xi32, #tpu.memory_space<vmem>>
    %dma_wait3A_127 = tpu.memref_squeeze %dma_wait3A_126 : memref<1x128xi32, #tpu.memory_space<vmem>> -> memref<128xi32, #tpu.memory_space<vmem>>
    %dma_wait3A_128 = tpu.memref_slice %arg2[%add3A_8] : memref<16384xi32, #tpu.memory_space<hbm>> -> memref<128xi32, #tpu.memory_space<hbm>>
    %dma_wait3A_129 = tpu.memref_slice %arg17[%dma_wait3A_124] : memref<4x!tpu.dma_semaphore, #tpu.memory_space<semaphore_mem>> -> memref<1x!tpu.dma_semaphore, #tpu.memory_space<semaphore_mem>>
    %dma_wait3A_130 = tpu.memref_squeeze %dma_wait3A_129 : memref<1x!tpu.dma_semaphore, #tpu.memory_space<semaphore_mem>> -> memref<!tpu.dma_semaphore, #tpu.memory_space<semaphore_mem>>
    %dma_wait3A_131 = arith.constant 0 : i32
    %dma_wait3A_132 = tpu.memref_slice %arg7[%dma_wait3A_123, %dma_wait3A_131] : memref<4x128xi32, #tpu.memory_space<vmem>> -> memref<1x128xi32, #tpu.memory_space<vmem>>
    %dma_wait3A_133 = tpu.memref_squeeze %dma_wait3A_132 : memref<1x128xi32, #tpu.memory_space<vmem>> -> memref<128xi32, #tpu.memory_space<vmem>>
    %dma_wait3A_134 = tpu.memref_slice %arg2[%add3A_8] : memref<16384xi32, #tpu.memory_space<hbm>> -> memref<128xi32, #tpu.memory_space<hbm>>
    tpu.wait_dma2 semaphore(%dma_wait3A_130 : memref<!tpu.dma_semaphore, #tpu.memory_space<semaphore_mem>>) src(%dma_wait3A_134 : memref<128xi32, #tpu.memory_space<hbm>>) dst(%dma_wait3A_133 : memref<128xi32, #tpu.memory_space<vmem>>)
    %dma_wait3A_135 = arith.constant 0 : i32
    %dma_wait3A_136 = arith.constant 0 : i32
    %dma_wait3A_137 = arith.constant 0 : i32
    %dma_wait3A_138 = tpu.memref_slice %arg8[%dma_wait3A_135, %dma_wait3A_137] : memref<4x128xi32, #tpu.memory_space<vmem>> -> memref<1x128xi32, #tpu.memory_space<vmem>>
    %dma_wait3A_139 = tpu.memref_squeeze %dma_wait3A_138 : memref<1x128xi32, #tpu.memory_space<vmem>> -> memref<128xi32, #tpu.memory_space<vmem>>
    %dma_wait3A_140 = tpu.memref_slice %arg3[%add3A_22] : memref<16384xi32, #tpu.memory_space<hbm>> -> memref<128xi32, #tpu.memory_space<hbm>>
    %dma_wait3A_141 = tpu.memref_slice %arg17[%dma_wait3A_136] : memref<4x!tpu.dma_semaphore, #tpu.memory_space<semaphore_mem>> -> memref<1x!tpu.dma_semaphore, #tpu.memory_space<semaphore_mem>>
    %dma_wait3A_142 = tpu.memref_squeeze %dma_wait3A_141 : memref<1x!tpu.dma_semaphore, #tpu.memory_space<semaphore_mem>> -> memref<!tpu.dma_semaphore, #tpu.memory_space<semaphore_mem>>
    %dma_wait3A_143 = arith.constant 0 : i32
    %dma_wait3A_144 = tpu.memref_slice %arg8[%dma_wait3A_135, %dma_wait3A_143] : memref<4x128xi32, #tpu.memory_space<vmem>> -> memref<1x128xi32, #tpu.memory_space<vmem>>
    %dma_wait3A_145 = tpu.memref_squeeze %dma_wait3A_144 : memref<1x128xi32, #tpu.memory_space<vmem>> -> memref<128xi32, #tpu.memory_space<vmem>>
    %dma_wait3A_146 = tpu.memref_slice %arg3[%add3A_22] : memref<16384xi32, #tpu.memory_space<hbm>> -> memref<128xi32, #tpu.memory_space<hbm>>
    tpu.wait_dma2 semaphore(%dma_wait3A_142 : memref<!tpu.dma_semaphore, #tpu.memory_space<semaphore_mem>>) src(%dma_wait3A_146 : memref<128xi32, #tpu.memory_space<hbm>>) dst(%dma_wait3A_145 : memref<128xi32, #tpu.memory_space<vmem>>)
    %dma_wait3A_147 = arith.constant 1 : i32
    %dma_wait3A_148 = arith.constant 0 : i32
    %dma_wait3A_149 = arith.constant 0 : i32
    %dma_wait3A_150 = tpu.memref_slice %arg7[%dma_wait3A_147, %dma_wait3A_149] : memref<4x128xi32, #tpu.memory_space<vmem>> -> memref<1x128xi32, #tpu.memory_space<vmem>>
    %dma_wait3A_151 = tpu.memref_squeeze %dma_wait3A_150 : memref<1x128xi32, #tpu.memory_space<vmem>> -> memref<128xi32, #tpu.memory_space<vmem>>
    %dma_wait3A_152 = tpu.memref_slice %arg2[%add3A_36] : memref<16384xi32, #tpu.memory_space<hbm>> -> memref<128xi32, #tpu.memory_space<hbm>>
    %dma_wait3A_153 = tpu.memref_slice %arg17[%dma_wait3A_148] : memref<4x!tpu.dma_semaphore, #tpu.memory_space<semaphore_mem>> -> memref<1x!tpu.dma_semaphore, #tpu.memory_space<semaphore_mem>>
    %dma_wait3A_154 = tpu.memref_squeeze %dma_wait3A_153 : memref<1x!tpu.dma_semaphore, #tpu.memory_space<semaphore_mem>> -> memref<!tpu.dma_semaphore, #tpu.memory_space<semaphore_mem>>
    %dma_wait3A_155 = arith.constant 0 : i32
    %dma_wait3A_156 = tpu.memref_slice %arg7[%dma_wait3A_147, %dma_wait3A_155] : memref<4x128xi32, #tpu.memory_space<vmem>> -> memref<1x128xi32, #tpu.memory_space<vmem>>
    %dma_wait3A_157 = tpu.memref_squeeze %dma_wait3A_156 : memref<1x128xi32, #tpu.memory_space<vmem>> -> memref<128xi32, #tpu.memory_space<vmem>>
    %dma_wait3A_158 = tpu.memref_slice %arg2[%add3A_36] : memref<16384xi32, #tpu.memory_space<hbm>> -> memref<128xi32, #tpu.memory_space<hbm>>
    tpu.wait_dma2 semaphore(%dma_wait3A_154 : memref<!tpu.dma_semaphore, #tpu.memory_space<semaphore_mem>>) src(%dma_wait3A_158 : memref<128xi32, #tpu.memory_space<hbm>>) dst(%dma_wait3A_157 : memref<128xi32, #tpu.memory_space<vmem>>)
    %dma_wait3A_159 = arith.constant 1 : i32
    %dma_wait3A_160 = arith.constant 0 : i32
    %dma_wait3A_161 = arith.constant 0 : i32
    %dma_wait3A_162 = tpu.memref_slice %arg8[%dma_wait3A_159, %dma_wait3A_161] : memref<4x128xi32, #tpu.memory_space<vmem>> -> memref<1x128xi32, #tpu.memory_space<vmem>>
    %dma_wait3A_163 = tpu.memref_squeeze %dma_wait3A_162 : memref<1x128xi32, #tpu.memory_space<vmem>> -> memref<128xi32, #tpu.memory_space<vmem>>
    %dma_wait3A_164 = tpu.memref_slice %arg3[%add3A_50] : memref<16384xi32, #tpu.memory_space<hbm>> -> memref<128xi32, #tpu.memory_space<hbm>>
    %dma_wait3A_165 = tpu.memref_slice %arg17[%dma_wait3A_160] : memref<4x!tpu.dma_semaphore, #tpu.memory_space<semaphore_mem>> -> memref<1x!tpu.dma_semaphore, #tpu.memory_space<semaphore_mem>>
    %dma_wait3A_166 = tpu.memref_squeeze %dma_wait3A_165 : memref<1x!tpu.dma_semaphore, #tpu.memory_space<semaphore_mem>> -> memref<!tpu.dma_semaphore, #tpu.memory_space<semaphore_mem>>
    %dma_wait3A_167 = arith.constant 0 : i32
    %dma_wait3A_168 = tpu.memref_slice %arg8[%dma_wait3A_159, %dma_wait3A_167] : memref<4x128xi32, #tpu.memory_space<vmem>> -> memref<1x128xi32, #tpu.memory_space<vmem>>
    %dma_wait3A_169 = tpu.memref_squeeze %dma_wait3A_168 : memref<1x128xi32, #tpu.memory_space<vmem>> -> memref<128xi32, #tpu.memory_space<vmem>>
    %dma_wait3A_170 = tpu.memref_slice %arg3[%add3A_50] : memref<16384xi32, #tpu.memory_space<hbm>> -> memref<128xi32, #tpu.memory_space<hbm>>
    tpu.wait_dma2 semaphore(%dma_wait3A_166 : memref<!tpu.dma_semaphore, #tpu.memory_space<semaphore_mem>>) src(%dma_wait3A_170 : memref<128xi32, #tpu.memory_space<hbm>>) dst(%dma_wait3A_169 : memref<128xi32, #tpu.memory_space<vmem>>)
    %dma_wait3A_171 = arith.constant 2 : i32
    %dma_wait3A_172 = arith.constant 0 : i32
    %dma_wait3A_173 = arith.constant 0 : i32
    %dma_wait3A_174 = tpu.memref_slice %arg7[%dma_wait3A_171, %dma_wait3A_173] : memref<4x128xi32, #tpu.memory_space<vmem>> -> memref<1x128xi32, #tpu.memory_space<vmem>>
    %dma_wait3A_175 = tpu.memref_squeeze %dma_wait3A_174 : memref<1x128xi32, #tpu.memory_space<vmem>> -> memref<128xi32, #tpu.memory_space<vmem>>
    %dma_wait3A_176 = tpu.memref_slice %arg2[%add3A_64] : memref<16384xi32, #tpu.memory_space<hbm>> -> memref<128xi32, #tpu.memory_space<hbm>>
    %dma_wait3A_177 = tpu.memref_slice %arg17[%dma_wait3A_172] : memref<4x!tpu.dma_semaphore, #tpu.memory_space<semaphore_mem>> -> memref<1x!tpu.dma_semaphore, #tpu.memory_space<semaphore_mem>>
    %dma_wait3A_178 = tpu.memref_squeeze %dma_wait3A_177 : memref<1x!tpu.dma_semaphore, #tpu.memory_space<semaphore_mem>> -> memref<!tpu.dma_semaphore, #tpu.memory_space<semaphore_mem>>
    %dma_wait3A_179 = arith.constant 0 : i32
    %dma_wait3A_180 = tpu.memref_slice %arg7[%dma_wait3A_171, %dma_wait3A_179] : memref<4x128xi32, #tpu.memory_space<vmem>> -> memref<1x128xi32, #tpu.memory_space<vmem>>
    %dma_wait3A_181 = tpu.memref_squeeze %dma_wait3A_180 : memref<1x128xi32, #tpu.memory_space<vmem>> -> memref<128xi32, #tpu.memory_space<vmem>>
    %dma_wait3A_182 = tpu.memref_slice %arg2[%add3A_64] : memref<16384xi32, #tpu.memory_space<hbm>> -> memref<128xi32, #tpu.memory_space<hbm>>
    tpu.wait_dma2 semaphore(%dma_wait3A_178 : memref<!tpu.dma_semaphore, #tpu.memory_space<semaphore_mem>>) src(%dma_wait3A_182 : memref<128xi32, #tpu.memory_space<hbm>>) dst(%dma_wait3A_181 : memref<128xi32, #tpu.memory_space<vmem>>)
    %dma_wait3A_183 = arith.constant 2 : i32
    %dma_wait3A_184 = arith.constant 0 : i32
    %dma_wait3A_185 = arith.constant 0 : i32
    %dma_wait3A_186 = tpu.memref_slice %arg8[%dma_wait3A_183, %dma_wait3A_185] : memref<4x128xi32, #tpu.memory_space<vmem>> -> memref<1x128xi32, #tpu.memory_space<vmem>>
    %dma_wait3A_187 = tpu.memref_squeeze %dma_wait3A_186 : memref<1x128xi32, #tpu.memory_space<vmem>> -> memref<128xi32, #tpu.memory_space<vmem>>
    %dma_wait3A_188 = tpu.memref_slice %arg3[%add3A_78] : memref<16384xi32, #tpu.memory_space<hbm>> -> memref<128xi32, #tpu.memory_space<hbm>>
    %dma_wait3A_189 = tpu.memref_slice %arg17[%dma_wait3A_184] : memref<4x!tpu.dma_semaphore, #tpu.memory_space<semaphore_mem>> -> memref<1x!tpu.dma_semaphore, #tpu.memory_space<semaphore_mem>>
    %dma_wait3A_190 = tpu.memref_squeeze %dma_wait3A_189 : memref<1x!tpu.dma_semaphore, #tpu.memory_space<semaphore_mem>> -> memref<!tpu.dma_semaphore, #tpu.memory_space<semaphore_mem>>
    %dma_wait3A_191 = arith.constant 0 : i32
    %dma_wait3A_192 = tpu.memref_slice %arg8[%dma_wait3A_183, %dma_wait3A_191] : memref<4x128xi32, #tpu.memory_space<vmem>> -> memref<1x128xi32, #tpu.memory_space<vmem>>
    %dma_wait3A_193 = tpu.memref_squeeze %dma_wait3A_192 : memref<1x128xi32, #tpu.memory_space<vmem>> -> memref<128xi32, #tpu.memory_space<vmem>>
    %dma_wait3A_194 = tpu.memref_slice %arg3[%add3A_78] : memref<16384xi32, #tpu.memory_space<hbm>> -> memref<128xi32, #tpu.memory_space<hbm>>
    tpu.wait_dma2 semaphore(%dma_wait3A_190 : memref<!tpu.dma_semaphore, #tpu.memory_space<semaphore_mem>>) src(%dma_wait3A_194 : memref<128xi32, #tpu.memory_space<hbm>>) dst(%dma_wait3A_193 : memref<128xi32, #tpu.memory_space<vmem>>)
    %dma_wait3A_195 = arith.constant 3 : i32
    %dma_wait3A_196 = arith.constant 0 : i32
    %dma_wait3A_197 = arith.constant 0 : i32
    %dma_wait3A_198 = tpu.memref_slice %arg7[%dma_wait3A_195, %dma_wait3A_197] : memref<4x128xi32, #tpu.memory_space<vmem>> -> memref<1x128xi32, #tpu.memory_space<vmem>>
    %dma_wait3A_199 = tpu.memref_squeeze %dma_wait3A_198 : memref<1x128xi32, #tpu.memory_space<vmem>> -> memref<128xi32, #tpu.memory_space<vmem>>
    %dma_wait3A_200 = tpu.memref_slice %arg2[%add3A_92] : memref<16384xi32, #tpu.memory_space<hbm>> -> memref<128xi32, #tpu.memory_space<hbm>>
    %dma_wait3A_201 = tpu.memref_slice %arg17[%dma_wait3A_196] : memref<4x!tpu.dma_semaphore, #tpu.memory_space<semaphore_mem>> -> memref<1x!tpu.dma_semaphore, #tpu.memory_space<semaphore_mem>>
    %dma_wait3A_202 = tpu.memref_squeeze %dma_wait3A_201 : memref<1x!tpu.dma_semaphore, #tpu.memory_space<semaphore_mem>> -> memref<!tpu.dma_semaphore, #tpu.memory_space<semaphore_mem>>
    %dma_wait3A_203 = arith.constant 0 : i32
    %dma_wait3A_204 = tpu.memref_slice %arg7[%dma_wait3A_195, %dma_wait3A_203] : memref<4x128xi32, #tpu.memory_space<vmem>> -> memref<1x128xi32, #tpu.memory_space<vmem>>
    %dma_wait3A_205 = tpu.memref_squeeze %dma_wait3A_204 : memref<1x128xi32, #tpu.memory_space<vmem>> -> memref<128xi32, #tpu.memory_space<vmem>>
    %dma_wait3A_206 = tpu.memref_slice %arg2[%add3A_92] : memref<16384xi32, #tpu.memory_space<hbm>> -> memref<128xi32, #tpu.memory_space<hbm>>
    tpu.wait_dma2 semaphore(%dma_wait3A_202 : memref<!tpu.dma_semaphore, #tpu.memory_space<semaphore_mem>>) src(%dma_wait3A_206 : memref<128xi32, #tpu.memory_space<hbm>>) dst(%dma_wait3A_205 : memref<128xi32, #tpu.memory_space<vmem>>)
    %dma_wait3A_207 = arith.constant 3 : i32
    %dma_wait3A_208 = arith.constant 0 : i32
    %dma_wait3A_209 = arith.constant 0 : i32
    %dma_wait3A_210 = tpu.memref_slice %arg8[%dma_wait3A_207, %dma_wait3A_209] : memref<4x128xi32, #tpu.memory_space<vmem>> -> memref<1x128xi32, #tpu.memory_space<vmem>>
    %dma_wait3A_211 = tpu.memref_squeeze %dma_wait3A_210 : memref<1x128xi32, #tpu.memory_space<vmem>> -> memref<128xi32, #tpu.memory_space<vmem>>
    %dma_wait3A_212 = tpu.memref_slice %arg3[%add3A_106] : memref<16384xi32, #tpu.memory_space<hbm>> -> memref<128xi32, #tpu.memory_space<hbm>>
    %dma_wait3A_213 = tpu.memref_slice %arg17[%dma_wait3A_208] : memref<4x!tpu.dma_semaphore, #tpu.memory_space<semaphore_mem>> -> memref<1x!tpu.dma_semaphore, #tpu.memory_space<semaphore_mem>>
    %dma_wait3A_214 = tpu.memref_squeeze %dma_wait3A_213 : memref<1x!tpu.dma_semaphore, #tpu.memory_space<semaphore_mem>> -> memref<!tpu.dma_semaphore, #tpu.memory_space<semaphore_mem>>
    %dma_wait3A_215 = arith.constant 0 : i32
    %dma_wait3A_216 = tpu.memref_slice %arg8[%dma_wait3A_207, %dma_wait3A_215] : memref<4x128xi32, #tpu.memory_space<vmem>> -> memref<1x128xi32, #tpu.memory_space<vmem>>
    %dma_wait3A_217 = tpu.memref_squeeze %dma_wait3A_216 : memref<1x128xi32, #tpu.memory_space<vmem>> -> memref<128xi32, #tpu.memory_space<vmem>>
    %dma_wait3A_218 = tpu.memref_slice %arg3[%add3A_106] : memref<16384xi32, #tpu.memory_space<hbm>> -> memref<128xi32, #tpu.memory_space<hbm>>
    tpu.wait_dma2 semaphore(%dma_wait3A_214 : memref<!tpu.dma_semaphore, #tpu.memory_space<semaphore_mem>>) src(%dma_wait3A_218 : memref<128xi32, #tpu.memory_space<hbm>>) dst(%dma_wait3A_217 : memref<128xi32, #tpu.memory_space<vmem>>)
    %get3A = arith.constant 0 : i32
    %get3A_219 = arith.index_cast %get3A : i32 to index
    %get3A_220 = arith.constant 0 : index
    %get3A_221 = tpu.vector_load %arg7[%get3A_219, %get3A_220] {strides = array<i32>} : memref<4x128xi32, #tpu.memory_space<vmem>>, vector<16xi32>,
    %shift_right_arithmetic3A = arith.constant 1 : i32
    %shift_right_arithmetic3A_222 = vector.broadcast %shift_right_arithmetic3A : i32 to vector<16xi32>
    %shift_right_arithmetic3A_223 = arith.shrsi %get3A_221, %shift_right_arithmetic3A_222 : vector<16xi32>
    %swap3A = arith.constant 0 : i32
    %swap3A_224 = arith.index_cast %swap3A : i32 to index
    %swap3A_225 = arith.constant 0 : index
    %swap3A_226 = tpu.vector_load %arg9[%swap3A_224, %swap3A_225] {strides = array<i32>} : memref<4x128xi32, #tpu.memory_space<vmem>>, vector<16xi32>,
    tpu.vector_store %arg9[%swap3A_224, %swap3A_225], %shift_right_arithmetic3A_223 {strides = array<i32>} : memref<4x128xi32, #tpu.memory_space<vmem>>, vector<16xi32>,
    %get3A_227 = arith.constant 0 : i32
    %get3A_228 = arith.index_cast %get3A_227 : i32 to index
    %get3A_229 = arith.constant 0 : index
    %get3A_230 = tpu.vector_load %arg8[%get3A_228, %get3A_229] {strides = array<i32>} : memref<4x128xi32, #tpu.memory_space<vmem>>, vector<16xi32>,
    %shift_right_arithmetic3A_231 = arith.constant 1 : i32
    %shift_right_arithmetic3A_232 = vector.broadcast %shift_right_arithmetic3A_231 : i32 to vector<16xi32>
    %shift_right_arithmetic3A_233 = arith.shrsi %get3A_230, %shift_right_arithmetic3A_232 : vector<16xi32>
    %swap3A_234 = arith.constant 0 : i32
    %swap3A_235 = arith.index_cast %swap3A_234 : i32 to index
    %swap3A_236 = arith.constant 0 : index
    %swap3A_237 = tpu.vector_load %arg10[%swap3A_235, %swap3A_236] {strides = array<i32>} : memref<4x128xi32, #tpu.memory_space<vmem>>, vector<16xi32>,
    tpu.vector_store %arg10[%swap3A_235, %swap3A_236], %shift_right_arithmetic3A_233 {strides = array<i32>} : memref<4x128xi32, #tpu.memory_space<vmem>>, vector<16xi32>,
    %get3A_238 = arith.constant 0 : i32
    %get3A_239 = arith.index_cast %get3A_238 : i32 to index
    %get3A_240 = arith.constant 16 : index
    %get3A_241 = tpu.vector_load %arg7[%get3A_239, %get3A_240] {strides = array<i32>} : memref<4x128xi32, #tpu.memory_space<vmem>>, vector<16xi32>,
    %shift_right_arithmetic3A_242 = arith.constant 1 : i32
    %shift_right_arithmetic3A_243 = vector.broadcast %shift_right_arithmetic3A_242 : i32 to vector<16xi32>
    %shift_right_arithmetic3A_244 = arith.shrsi %get3A_241, %shift_right_arithmetic3A_243 : vector<16xi32>
    %swap3A_245 = arith.constant 0 : i32
    %swap3A_246 = arith.index_cast %swap3A_245 : i32 to index
    %swap3A_247 = arith.constant 16 : index
    %swap3A_248 = tpu.vector_load %arg9[%swap3A_246, %swap3A_247] {strides = array<i32>} : memref<4x128xi32, #tpu.memory_space<vmem>>, vector<16xi32>,
    tpu.vector_store %arg9[%swap3A_246, %swap3A_247], %shift_right_arithmetic3A_244 {strides = array<i32>} : memref<4x128xi32, #tpu.memory_space<vmem>>, vector<16xi32>,
    %get3A_249 = arith.constant 0 : i32
    %get3A_250 = arith.index_cast %get3A_249 : i32 to index
    %get3A_251 = arith.constant 16 : index
    %get3A_252 = tpu.vector_load %arg8[%get3A_250, %get3A_251] {strides = array<i32>} : memref<4x128xi32, #tpu.memory_space<vmem>>, vector<16xi32>,
    %shift_right_arithmetic3A_253 = arith.constant 1 : i32
    %shift_right_arithmetic3A_254 = vector.broadcast %shift_right_arithmetic3A_253 : i32 to vector<16xi32>
    %shift_right_arithmetic3A_255 = arith.shrsi %get3A_252, %shift_right_arithmetic3A_254 : vector<16xi32>
    %swap3A_256 = arith.constant 0 : i32
    %swap3A_257 = arith.index_cast %swap3A_256 : i32 to index
    %swap3A_258 = arith.constant 16 : index
    %swap3A_259 = tpu.vector_load %arg10[%swap3A_257, %swap3A_258] {strides = array<i32>} : memref<4x128xi32, #tpu.memory_space<vmem>>, vector<16xi32>,
    tpu.vector_store %arg10[%swap3A_257, %swap3A_258], %shift_right_arithmetic3A_255 {strides = array<i32>} : memref<4x128xi32, #tpu.memory_space<vmem>>, vector<16xi32>,
    %get3A_260 = arith.constant 0 : i32
    %get3A_261 = arith.index_cast %get3A_260 : i32 to index
    %get3A_262 = arith.constant 32 : index
    %get3A_263 = tpu.vector_load %arg7[%get3A_261, %get3A_262] {strides = array<i32>} : memref<4x128xi32, #tpu.memory_space<vmem>>, vector<16xi32>,
    %shift_right_arithmetic3A_264 = arith.constant 1 : i32
    %shift_right_arithmetic3A_265 = vector.broadcast %shift_right_arithmetic3A_264 : i32 to vector<16xi32>
    %shift_right_arithmetic3A_266 = arith.shrsi %get3A_263, %shift_right_arithmetic3A_265 : vector<16xi32>
    %swap3A_267 = arith.constant 0 : i32
    %swap3A_268 = arith.index_cast %swap3A_267 : i32 to index
    %swap3A_269 = arith.constant 32 : index
    %swap3A_270 = tpu.vector_load %arg9[%swap3A_268, %swap3A_269] {strides = array<i32>} : memref<4x128xi32, #tpu.memory_space<vmem>>, vector<16xi32>,
    tpu.vector_store %arg9[%swap3A_268, %swap3A_269], %shift_right_arithmetic3A_266 {strides = array<i32>} : memref<4x128xi32, #tpu.memory_space<vmem>>, vector<16xi32>,
    %get3A_271 = arith.constant 0 : i32
    %get3A_272 = arith.index_cast %get3A_271 : i32 to index
    %get3A_273 = arith.constant 32 : index
    %get3A_274 = tpu.vector_load %arg8[%get3A_272, %get3A_273] {strides = array<i32>} : memref<4x128xi32, #tpu.memory_space<vmem>>, vector<16xi32>,
    %shift_right_arithmetic3A_275 = arith.constant 1 : i32
    %shift_right_arithmetic3A_276 = vector.broadcast %shift_right_arithmetic3A_275 : i32 to vector<16xi32>
    %shift_right_arithmetic3A_277 = arith.shrsi %get3A_274, %shift_right_arithmetic3A_276 : vector<16xi32>
    %swap3A_278 = arith.constant 0 : i32
    %swap3A_279 = arith.index_cast %swap3A_278 : i32 to index
    %swap3A_280 = arith.constant 32 : index
    %swap3A_281 = tpu.vector_load %arg10[%swap3A_279, %swap3A_280] {strides = array<i32>} : memref<4x128xi32, #tpu.memory_space<vmem>>, vector<16xi32>,
    tpu.vector_store %arg10[%swap3A_279, %swap3A_280], %shift_right_arithmetic3A_277 {strides = array<i32>} : memref<4x128xi32, #tpu.memory_space<vmem>>, vector<16xi32>,
    %get3A_282 = arith.constant 0 : i32
    %get3A_283 = arith.index_cast %get3A_282 : i32 to index
    %get3A_284 = arith.constant 48 : index
    %get3A_285 = tpu.vector_load %arg7[%get3A_283, %get3A_284] {strides = array<i32>} : memref<4x128xi32, #tpu.memory_space<vmem>>, vector<16xi32>,
    %shift_right_arithmetic3A_286 = arith.constant 1 : i32
    %shift_right_arithmetic3A_287 = vector.broadcast %shift_right_arithmetic3A_286 : i32 to vector<16xi32>
    %shift_right_arithmetic3A_288 = arith.shrsi %get3A_285, %shift_right_arithmetic3A_287 : vector<16xi32>
    %swap3A_289 = arith.constant 0 : i32
    %swap3A_290 = arith.index_cast %swap3A_289 : i32 to index
    %swap3A_291 = arith.constant 48 : index
    %swap3A_292 = tpu.vector_load %arg9[%swap3A_290, %swap3A_291] {strides = array<i32>} : memref<4x128xi32, #tpu.memory_space<vmem>>, vector<16xi32>,
    tpu.vector_store %arg9[%swap3A_290, %swap3A_291], %shift_right_arithmetic3A_288 {strides = array<i32>} : memref<4x128xi32, #tpu.memory_space<vmem>>, vector<16xi32>,
    %get3A_293 = arith.constant 0 : i32
    %get3A_294 = arith.index_cast %get3A_293 : i32 to index
    %get3A_295 = arith.constant 48 : index
    %get3A_296 = tpu.vector_load %arg8[%get3A_294, %get3A_295] {strides = array<i32>} : memref<4x128xi32, #tpu.memory_space<vmem>>, vector<16xi32>,
    %shift_right_arithmetic3A_297 = arith.constant 1 : i32
    %shift_right_arithmetic3A_298 = vector.broadcast %shift_right_arithmetic3A_297 : i32 to vector<16xi32>
    %shift_right_arithmetic3A_299 = arith.shrsi %get3A_296, %shift_right_arithmetic3A_298 : vector<16xi32>
    %swap3A_300 = arith.constant 0 : i32
    %swap3A_301 = arith.index_cast %swap3A_300 : i32 to index
    %swap3A_302 = arith.constant 48 : index
    %swap3A_303 = tpu.vector_load %arg10[%swap3A_301, %swap3A_302] {strides = array<i32>} : memref<4x128xi32, #tpu.memory_space<vmem>>, vector<16xi32>,
    tpu.vector_store %arg10[%swap3A_301, %swap3A_302], %shift_right_arithmetic3A_299 {strides = array<i32>} : memref<4x128xi32, #tpu.memory_space<vmem>>, vector<16xi32>,
    %get3A_304 = arith.constant 0 : i32
    %get3A_305 = arith.index_cast %get3A_304 : i32 to index
    %get3A_306 = arith.constant 64 : index
    %get3A_307 = tpu.vector_load %arg7[%get3A_305, %get3A_306] {strides = array<i32>} : memref<4x128xi32, #tpu.memory_space<vmem>>, vector<16xi32>,
    %shift_right_arithmetic3A_308 = arith.constant 1 : i32
    %shift_right_arithmetic3A_309 = vector.broadcast %shift_right_arithmetic3A_308 : i32 to vector<16xi32>
    %shift_right_arithmetic3A_310 = arith.shrsi %get3A_307, %shift_right_arithmetic3A_309 : vector<16xi32>
    %swap3A_311 = arith.constant 0 : i32
    %swap3A_312 = arith.index_cast %swap3A_311 : i32 to index
    %swap3A_313 = arith.constant 64 : index
    %swap3A_314 = tpu.vector_load %arg9[%swap3A_312, %swap3A_313] {strides = array<i32>} : memref<4x128xi32, #tpu.memory_space<vmem>>, vector<16xi32>,
    tpu.vector_store %arg9[%swap3A_312, %swap3A_313], %shift_right_arithmetic3A_310 {strides = array<i32>} : memref<4x128xi32, #tpu.memory_space<vmem>>, vector<16xi32>,
    %get3A_315 = arith.constant 0 : i32
    %get3A_316 = arith.index_cast %get3A_315 : i32 to index
    %get3A_317 = arith.constant 64 : index
    %get3A_318 = tpu.vector_load %arg8[%get3A_316, %get3A_317] {strides = array<i32>} : memref<4x128xi32, #tpu.memory_space<vmem>>, vector<16xi32>,
    %shift_right_arithmetic3A_319 = arith.constant 1 : i32
    %shift_right_arithmetic3A_320 = vector.broadcast %shift_right_arithmetic3A_319 : i32 to vector<16xi32>
    %shift_right_arithmetic3A_321 = arith.shrsi %get3A_318, %shift_right_arithmetic3A_320 : vector<16xi32>
    %swap3A_322 = arith.constant 0 : i32
    %swap3A_323 = arith.index_cast %swap3A_322 : i32 to index
    %swap3A_324 = arith.constant 64 : index
    %swap3A_325 = tpu.vector_load %arg10[%swap3A_323, %swap3A_324] {strides = array<i32>} : memref<4x128xi32, #tpu.memory_space<vmem>>, vector<16xi32>,
    tpu.vector_store %arg10[%swap3A_323, %swap3A_324], %shift_right_arithmetic3A_321 {strides = array<i32>} : memref<4x128xi32, #tpu.memory_space<vmem>>, vector<16xi32>,
    %get3A_326 = arith.constant 0 : i32
    %get3A_327 = arith.index_cast %get3A_326 : i32 to index
    %get3A_328 = arith.constant 80 : index
    %get3A_329 = tpu.vector_load %arg7[%get3A_327, %get3A_328] {strides = array<i32>} : memref<4x128xi32, #tpu.memory_space<vmem>>, vector<16xi32>,
    %shift_right_arithmetic3A_330 = arith.constant 1 : i32
    %shift_right_arithmetic3A_331 = vector.broadcast %shift_right_arithmetic3A_330 : i32 to vector<16xi32>
    %shift_right_arithmetic3A_332 = arith.shrsi %get3A_329, %shift_right_arithmetic3A_331 : vector<16xi32>
    %swap3A_333 = arith.constant 0 : i32
    %swap3A_334 = arith.index_cast %swap3A_333 : i32 to index
    %swap3A_335 = arith.constant 80 : index
    %swap3A_336 = tpu.vector_load %arg9[%swap3A_334, %swap3A_335] {strides = array<i32>} : memref<4x128xi32, #tpu.memory_space<vmem>>, vector<16xi32>,
    tpu.vector_store %arg9[%swap3A_334, %swap3A_335], %shift_right_arithmetic3A_332 {strides = array<i32>} : memref<4x128xi32, #tpu.memory_space<vmem>>, vector<16xi32>,
    %get3A_337 = arith.constant 0 : i32
    %get3A_338 = arith.index_cast %get3A_337 : i32 to index
    %get3A_339 = arith.constant 80 : index
    %get3A_340 = tpu.vector_load %arg8[%get3A_338, %get3A_339] {strides = array<i32>} : memref<4x128xi32, #tpu.memory_space<vmem>>, vector<16xi32>,
    %shift_right_arithmetic3A_341 = arith.constant 1 : i32
    %shift_right_arithmetic3A_342 = vector.broadcast %shift_right_arithmetic3A_341 : i32 to vector<16xi32>
    %shift_right_arithmetic3A_343 = arith.shrsi %get3A_340, %shift_right_arithmetic3A_342 : vector<16xi32>
    %swap3A_344 = arith.constant 0 : i32
    %swap3A_345 = arith.index_cast %swap3A_344 : i32 to index
    %swap3A_346 = arith.constant 80 : index
    %swap3A_347 = tpu.vector_load %arg10[%swap3A_345, %swap3A_346] {strides = array<i32>} : memref<4x128xi32, #tpu.memory_space<vmem>>, vector<16xi32>,
    tpu.vector_store %arg10[%swap3A_345, %swap3A_346], %shift_right_arithmetic3A_343 {strides = array<i32>} : memref<4x128xi32, #tpu.memory_space<vmem>>, vector<16xi32>,
    %get3A_348 = arith.constant 0 : i32
    %get3A_349 = arith.index_cast %get3A_348 : i32 to index
    %get3A_350 = arith.constant 96 : index
    %get3A_351 = tpu.vector_load %arg7[%get3A_349, %get3A_350] {strides = array<i32>} : memref<4x128xi32, #tpu.memory_space<vmem>>, vector<16xi32>,
    %shift_right_arithmetic3A_352 = arith.constant 1 : i32
    %shift_right_arithmetic3A_353 = vector.broadcast %shift_right_arithmetic3A_352 : i32 to vector<16xi32>
    %shift_right_arithmetic3A_354 = arith.shrsi %get3A_351, %shift_right_arithmetic3A_353 : vector<16xi32>
    %swap3A_355 = arith.constant 0 : i32
    %swap3A_356 = arith.index_cast %swap3A_355 : i32 to index
    %swap3A_357 = arith.constant 96 : index
    %swap3A_358 = tpu.vector_load %arg9[%swap3A_356, %swap3A_357] {strides = array<i32>} : memref<4x128xi32, #tpu.memory_space<vmem>>, vector<16xi32>,
    tpu.vector_store %arg9[%swap3A_356, %swap3A_357], %shift_right_arithmetic3A_354 {strides = array<i32>} : memref<4x128xi32, #tpu.memory_space<vmem>>, vector<16xi32>,
    %get3A_359 = arith.constant 0 : i32
    %get3A_360 = arith.index_cast %get3A_359 : i32 to index
    %get3A_361 = arith.constant 96 : index
    %get3A_362 = tpu.vector_load %arg8[%get3A_360, %get3A_361] {strides = array<i32>} : memref<4x128xi32, #tpu.memory_space<vmem>>, vector<16xi32>,
    %shift_right_arithmetic3A_363 = arith.constant 1 : i32
    %shift_right_arithmetic3A_364 = vector.broadcast %shift_right_arithmetic3A_363 : i32 to vector<16xi32>
    %shift_right_arithmetic3A_365 = arith.shrsi %get3A_362, %shift_right_arithmetic3A_364 : vector<16xi32>
    %swap3A_366 = arith.constant 0 : i32
    %swap3A_367 = arith.index_cast %swap3A_366 : i32 to index
    %swap3A_368 = arith.constant 96 : index
    %swap3A_369 = tpu.vector_load %arg10[%swap3A_367, %swap3A_368] {strides = array<i32>} : memref<4x128xi32, #tpu.memory_space<vmem>>, vector<16xi32>,
    tpu.vector_store %arg10[%swap3A_367, %swap3A_368], %shift_right_arithmetic3A_365 {strides = array<i32>} : memref<4x128xi32, #tpu.memory_space<vmem>>, vector<16xi32>,
    %get3A_370 = arith.constant 0 : i32
    %get3A_371 = arith.index_cast %get3A_370 : i32 to index
    %get3A_372 = arith.constant 112 : index
    %get3A_373 = tpu.vector_load %arg7[%get3A_371, %get3A_372] {strides = array<i32>} : memref<4x128xi32, #tpu.memory_space<vmem>>, vector<16xi32>,
    %shift_right_arithmetic3A_374 = arith.constant 1 : i32
    %shift_right_arithmetic3A_375 = vector.broadcast %shift_right_arithmetic3A_374 : i32 to vector<16xi32>
    %shift_right_arithmetic3A_376 = arith.shrsi %get3A_373, %shift_right_arithmetic3A_375 : vector<16xi32>
    %swap3A_377 = arith.constant 0 : i32
    %swap3A_378 = arith.index_cast %swap3A_377 : i32 to index
    %swap3A_379 = arith.constant 112 : index
    %swap3A_380 = tpu.vector_load %arg9[%swap3A_378, %swap3A_379] {strides = array<i32>} : memref<4x128xi32, #tpu.memory_space<vmem>>, vector<16xi32>,
    tpu.vector_store %arg9[%swap3A_378, %swap3A_379], %shift_right_arithmetic3A_376 {strides = array<i32>} : memref<4x128xi32, #tpu.memory_space<vmem>>, vector<16xi32>,
    %get3A_381 = arith.constant 0 : i32
    %get3A_382 = arith.index_cast %get3A_381 : i32 to index
    %get3A_383 = arith.constant 112 : index
    %get3A_384 = tpu.vector_load %arg8[%get3A_382, %get3A_383] {strides = array<i32>} : memref<4x128xi32, #tpu.memory_space<vmem>>, vector<16xi32>,
    %shift_right_arithmetic3A_385 = arith.constant 1 : i32
    %shift_right_arithmetic3A_386 = vector.broadcast %shift_right_arithmetic3A_385 : i32 to vector<16xi32>
    %shift_right_arithmetic3A_387 = arith.shrsi %get3A_384, %shift_right_arithmetic3A_386 : vector<16xi32>
    %swap3A_388 = arith.constant 0 : i32
    %swap3A_389 = arith.index_cast %swap3A_388 : i32 to index
    %swap3A_390 = arith.constant 112 : index
    %swap3A_391 = tpu.vector_load %arg10[%swap3A_389, %swap3A_390] {strides = array<i32>} : memref<4x128xi32, #tpu.memory_space<vmem>>, vector<16xi32>,
    tpu.vector_store %arg10[%swap3A_389, %swap3A_390], %shift_right_arithmetic3A_387 {strides = array<i32>} : memref<4x128xi32, #tpu.memory_space<vmem>>, vector<16xi32>,
    %get3A_392 = arith.constant 1 : i32
    %get3A_393 = arith.index_cast %get3A_392 : i32 to index
    %get3A_394 = arith.constant 0 : index
    %get3A_395 = tpu.vector_load %arg7[%get3A_393, %get3A_394] {strides = array<i32>} : memref<4x128xi32, #tpu.memory_space<vmem>>, vector<16xi32>,
    %shift_right_arithmetic3A_396 = arith.constant 1 : i32
    %shift_right_arithmetic3A_397 = vector.broadcast %shift_right_arithmetic3A_396 : i32 to vector<16xi32>
    %shift_right_arithmetic3A_398 = arith.shrsi %get3A_395, %shift_right_arithmetic3A_397 : vector<16xi32>
    %swap3A_399 = arith.constant 1 : i32
    %swap3A_400 = arith.index_cast %swap3A_399 : i32 to index
    %swap3A_401 = arith.constant 0 : index
    %swap3A_402 = tpu.vector_load %arg9[%swap3A_400, %swap3A_401] {strides = array<i32>} : memref<4x128xi32, #tpu.memory_space<vmem>>, vector<16xi32>,
    tpu.vector_store %arg9[%swap3A_400, %swap3A_401], %shift_right_arithmetic3A_398 {strides = array<i32>} : memref<4x128xi32, #tpu.memory_space<vmem>>, vector<16xi32>,
    %get3A_403 = arith.constant 1 : i32
    %get3A_404 = arith.index_cast %get3A_403 : i32 to index
    %get3A_405 = arith.constant 0 : index
    %get3A_406 = tpu.vector_load %arg8[%get3A_404, %get3A_405] {strides = array<i32>} : memref<4x128xi32, #tpu.memory_space<vmem>>, vector<16xi32>,
    %shift_right_arithmetic3A_407 = arith.constant 1 : i32
    %shift_right_arithmetic3A_408 = vector.broadcast %shift_right_arithmetic3A_407 : i32 to vector<16xi32>
    %shift_right_arithmetic3A_409 = arith.shrsi %get3A_406, %shift_right_arithmetic3A_408 : vector<16xi32>
    %swap3A_410 = arith.constant 1 : i32
    %swap3A_411 = arith.index_cast %swap3A_410 : i32 to index
    %swap3A_412 = arith.constant 0 : index
    %swap3A_413 = tpu.vector_load %arg10[%swap3A_411, %swap3A_412] {strides = array<i32>} : memref<4x128xi32, #tpu.memory_space<vmem>>, vector<16xi32>,
    tpu.vector_store %arg10[%swap3A_411, %swap3A_412], %shift_right_arithmetic3A_409 {strides = array<i32>} : memref<4x128xi32, #tpu.memory_space<vmem>>, vector<16xi32>,
    %get3A_414 = arith.constant 1 : i32
    %get3A_415 = arith.index_cast %get3A_414 : i32 to index
    %get3A_416 = arith.constant 16 : index
    %get3A_417 = tpu.vector_load %arg7[%get3A_415, %get3A_416] {strides = array<i32>} : memref<4x128xi32, #tpu.memory_space<vmem>>, vector<16xi32>,
    %shift_right_arithmetic3A_418 = arith.constant 1 : i32
    %shift_right_arithmetic3A_419 = vector.broadcast %shift_right_arithmetic3A_418 : i32 to vector<16xi32>
    %shift_right_arithmetic3A_420 = arith.shrsi %get3A_417, %shift_right_arithmetic3A_419 : vector<16xi32>
    %swap3A_421 = arith.constant 1 : i32
    %swap3A_422 = arith.index_cast %swap3A_421 : i32 to index
    %swap3A_423 = arith.constant 16 : index
    %swap3A_424 = tpu.vector_load %arg9[%swap3A_422, %swap3A_423] {strides = array<i32>} : memref<4x128xi32, #tpu.memory_space<vmem>>, vector<16xi32>,
    tpu.vector_store %arg9[%swap3A_422, %swap3A_423], %shift_right_arithmetic3A_420 {strides = array<i32>} : memref<4x128xi32, #tpu.memory_space<vmem>>, vector<16xi32>,
    %get3A_425 = arith.constant 1 : i32
    %get3A_426 = arith.index_cast %get3A_425 : i32 to index
    %get3A_427 = arith.constant 16 : index
    %get3A_428 = tpu.vector_load %arg8[%get3A_426, %get3A_427] {strides = array<i32>} : memref<4x128xi32, #tpu.memory_space<vmem>>, vector<16xi32>,
    %shift_right_arithmetic3A_429 = arith.constant 1 : i32
    %shift_right_arithmetic3A_430 = vector.broadcast %shift_right_arithmetic3A_429 : i32 to vector<16xi32>
    %shift_right_arithmetic3A_431 = arith.shrsi %get3A_428, %shift_right_arithmetic3A_430 : vector<16xi32>
    %swap3A_432 = arith.constant 1 : i32
    %swap3A_433 = arith.index_cast %swap3A_432 : i32 to index
    %swap3A_434 = arith.constant 16 : index
    %swap3A_435 = tpu.vector_load %arg10[%swap3A_433, %swap3A_434] {strides = array<i32>} : memref<4x128xi32, #tpu.memory_space<vmem>>, vector<16xi32>,
    tpu.vector_store %arg10[%swap3A_433, %swap3A_434], %shift_right_arithmetic3A_431 {strides = array<i32>} : memref<4x128xi32, #tpu.memory_space<vmem>>, vector<16xi32>,
    %get3A_436 = arith.constant 1 : i32
    %get3A_437 = arith.index_cast %get3A_436 : i32 to index
    %get3A_438 = arith.constant 32 : index
    %get3A_439 = tpu.vector_load %arg7[%get3A_437, %get3A_438] {strides = array<i32>} : memref<4x128xi32, #tpu.memory_space<vmem>>, vector<16xi32>,
    %shift_right_arithmetic3A_440 = arith.constant 1 : i32
    %shift_right_arithmetic3A_441 = vector.broadcast %shift_right_arithmetic3A_440 : i32 to vector<16xi32>
    %shift_right_arithmetic3A_442 = arith.shrsi %get3A_439, %shift_right_arithmetic3A_441 : vector<16xi32>
    %swap3A_443 = arith.constant 1 : i32
    %swap3A_444 = arith.index_cast %swap3A_443 : i32 to index
    %swap3A_445 = arith.constant 32 : index
    %swap3A_446 = tpu.vector_load %arg9[%swap3A_444, %swap3A_445] {strides = array<i32>} : memref<4x128xi32, #tpu.memory_space<vmem>>, vector<16xi32>,
    tpu.vector_store %arg9[%swap3A_444, %swap3A_445], %shift_right_arithmetic3A_442 {strides = array<i32>} : memref<4x128xi32, #tpu.memory_space<vmem>>, vector<16xi32>,
    %get3A_447 = arith.constant 1 : i32
    %get3A_448 = arith.index_cast %get3A_447 : i32 to index
    %get3A_449 = arith.constant 32 : index
    %get3A_450 = tpu.vector_load %arg8[%get3A_448, %get3A_449] {strides = array<i32>} : memref<4x128xi32, #tpu.memory_space<vmem>>, vector<16xi32>,
    %shift_right_arithmetic3A_451 = arith.constant 1 : i32
    %shift_right_arithmetic3A_452 = vector.broadcast %shift_right_arithmetic3A_451 : i32 to vector<16xi32>
    %shift_right_arithmetic3A_453 = arith.shrsi %get3A_450, %shift_right_arithmetic3A_452 : vector<16xi32>
    %swap3A_454 = arith.constant 1 : i32
    %swap3A_455 = arith.index_cast %swap3A_454 : i32 to index
    %swap3A_456 = arith.constant 32 : index
    %swap3A_457 = tpu.vector_load %arg10[%swap3A_455, %swap3A_456] {strides = array<i32>} : memref<4x128xi32, #tpu.memory_space<vmem>>, vector<16xi32>,
    tpu.vector_store %arg10[%swap3A_455, %swap3A_456], %shift_right_arithmetic3A_453 {strides = array<i32>} : memref<4x128xi32, #tpu.memory_space<vmem>>, vector<16xi32>,
    %get3A_458 = arith.constant 1 : i32
    %get3A_459 = arith.index_cast %get3A_458 : i32 to index
    %get3A_460 = arith.constant 48 : index
    %get3A_461 = tpu.vector_load %arg7[%get3A_459, %get3A_460] {strides = array<i32>} : memref<4x128xi32, #tpu.memory_space<vmem>>, vector<16xi32>,
    %shift_right_arithmetic3A_462 = arith.constant 1 : i32
    %shift_right_arithmetic3A_463 = vector.broadcast %shift_right_arithmetic3A_462 : i32 to vector<16xi32>
    %shift_right_arithmetic3A_464 = arith.shrsi %get3A_461, %shift_right_arithmetic3A_463 : vector<16xi32>
    %swap3A_465 = arith.constant 1 : i32
    %swap3A_466 = arith.index_cast %swap3A_465 : i32 to index
    %swap3A_467 = arith.constant 48 : index
    %swap3A_468 = tpu.vector_load %arg9[%swap3A_466, %swap3A_467] {strides = array<i32>} : memref<4x128xi32, #tpu.memory_space<vmem>>, vector<16xi32>,
    tpu.vector_store %arg9[%swap3A_466, %swap3A_467], %shift_right_arithmetic3A_464 {strides = array<i32>} : memref<4x128xi32, #tpu.memory_space<vmem>>, vector<16xi32>,
    %get3A_469 = arith.constant 1 : i32
    %get3A_470 = arith.index_cast %get3A_469 : i32 to index
    %get3A_471 = arith.constant 48 : index
    %get3A_472 = tpu.vector_load %arg8[%get3A_470, %get3A_471] {strides = array<i32>} : memref<4x128xi32, #tpu.memory_space<vmem>>, vector<16xi32>,
    %shift_right_arithmetic3A_473 = arith.constant 1 : i32
    %shift_right_arithmetic3A_474 = vector.broadcast %shift_right_arithmetic3A_473 : i32 to vector<16xi32>
    %shift_right_arithmetic3A_475 = arith.shrsi %get3A_472, %shift_right_arithmetic3A_474 : vector<16xi32>
    %swap3A_476 = arith.constant 1 : i32
    %swap3A_477 = arith.index_cast %swap3A_476 : i32 to index
    %swap3A_478 = arith.constant 48 : index
    %swap3A_479 = tpu.vector_load %arg10[%swap3A_477, %swap3A_478] {strides = array<i32>} : memref<4x128xi32, #tpu.memory_space<vmem>>, vector<16xi32>,
    tpu.vector_store %arg10[%swap3A_477, %swap3A_478], %shift_right_arithmetic3A_475 {strides = array<i32>} : memref<4x128xi32, #tpu.memory_space<vmem>>, vector<16xi32>,
    %get3A_480 = arith.constant 1 : i32
    %get3A_481 = arith.index_cast %get3A_480 : i32 to index
    %get3A_482 = arith.constant 64 : index
    %get3A_483 = tpu.vector_load %arg7[%get3A_481, %get3A_482] {strides = array<i32>} : memref<4x128xi32, #tpu.memory_space<vmem>>, vector<16xi32>,
    %shift_right_arithmetic3A_484 = arith.constant 1 : i32
    %shift_right_arithmetic3A_485 = vector.broadcast %shift_right_arithmetic3A_484 : i32 to vector<16xi32>
    %shift_right_arithmetic3A_486 = arith.shrsi %get3A_483, %shift_right_arithmetic3A_485 : vector<16xi32>
    %swap3A_487 = arith.constant 1 : i32
    %swap3A_488 = arith.index_cast %swap3A_487 : i32 to index
    %swap3A_489 = arith.constant 64 : index
    %swap3A_490 = tpu.vector_load %arg9[%swap3A_488, %swap3A_489] {strides = array<i32>} : memref<4x128xi32, #tpu.memory_space<vmem>>, vector<16xi32>,
    tpu.vector_store %arg9[%swap3A_488, %swap3A_489], %shift_right_arithmetic3A_486 {strides = array<i32>} : memref<4x128xi32, #tpu.memory_space<vmem>>, vector<16xi32>,
    %get3A_491 = arith.constant 1 : i32
    %get3A_492 = arith.index_cast %get3A_491 : i32 to index
    %get3A_493 = arith.constant 64 : index
    %get3A_494 = tpu.vector_load %arg8[%get3A_492, %get3A_493] {strides = array<i32>} : memref<4x128xi32, #tpu.memory_space<vmem>>, vector<16xi32>,
    %shift_right_arithmetic3A_495 = arith.constant 1 : i32
    %shift_right_arithmetic3A_496 = vector.broadcast %shift_right_arithmetic3A_495 : i32 to vector<16xi32>
    %shift_right_arithmetic3A_497 = arith.shrsi %get3A_494, %shift_right_arithmetic3A_496 : vector<16xi32>
    %swap3A_498 = arith.constant 1 : i32
    %swap3A_499 = arith.index_cast %swap3A_498 : i32 to index
    %swap3A_500 = arith.constant 64 : index
    %swap3A_501 = tpu.vector_load %arg10[%swap3A_499, %swap3A_500] {strides = array<i32>} : memref<4x128xi32, #tpu.memory_space<vmem>>, vector<16xi32>,
    tpu.vector_store %arg10[%swap3A_499, %swap3A_500], %shift_right_arithmetic3A_497 {strides = array<i32>} : memref<4x128xi32, #tpu.memory_space<vmem>>, vector<16xi32>,
    %get3A_502 = arith.constant 1 : i32
    %get3A_503 = arith.index_cast %get3A_502 : i32 to index
    %get3A_504 = arith.constant 80 : index
    %get3A_505 = tpu.vector_load %arg7[%get3A_503, %get3A_504] {strides = array<i32>} : memref<4x128xi32, #tpu.memory_space<vmem>>, vector<16xi32>,
    %shift_right_arithmetic3A_506 = arith.constant 1 : i32
    %shift_right_arithmetic3A_507 = vector.broadcast %shift_right_arithmetic3A_506 : i32 to vector<16xi32>
    %shift_right_arithmetic3A_508 = arith.shrsi %get3A_505, %shift_right_arithmetic3A_507 : vector<16xi32>
    %swap3A_509 = arith.constant 1 : i32
    %swap3A_510 = arith.index_cast %swap3A_509 : i32 to index
    %swap3A_511 = arith.constant 80 : index
    %swap3A_512 = tpu.vector_load %arg9[%swap3A_510, %swap3A_511] {strides = array<i32>} : memref<4x128xi32, #tpu.memory_space<vmem>>, vector<16xi32>,
    tpu.vector_store %arg9[%swap3A_510, %swap3A_511], %shift_right_arithmetic3A_508 {strides = array<i32>} : memref<4x128xi32, #tpu.memory_space<vmem>>, vector<16xi32>,
    %get3A_513 = arith.constant 1 : i32
    %get3A_514 = arith.index_cast %get3A_513 : i32 to index
    %get3A_515 = arith.constant 80 : index
    %get3A_516 = tpu.vector_load %arg8[%get3A_514, %get3A_515] {strides = array<i32>} : memref<4x128xi32, #tpu.memory_space<vmem>>, vector<16xi32>,
    %shift_right_arithmetic3A_517 = arith.constant 1 : i32
    %shift_right_arithmetic3A_518 = vector.broadcast %shift_right_arithmetic3A_517 : i32 to vector<16xi32>
    %shift_right_arithmetic3A_519 = arith.shrsi %get3A_516, %shift_right_arithmetic3A_518 : vector<16xi32>
    %swap3A_520 = arith.constant 1 : i32
    %swap3A_521 = arith.index_cast %swap3A_520 : i32 to index
    %swap3A_522 = arith.constant 80 : index
    %swap3A_523 = tpu.vector_load %arg10[%swap3A_521, %swap3A_522] {strides = array<i32>} : memref<4x128xi32, #tpu.memory_space<vmem>>, vector<16xi32>,
    tpu.vector_store %arg10[%swap3A_521, %swap3A_522], %shift_right_arithmetic3A_519 {strides = array<i32>} : memref<4x128xi32, #tpu.memory_space<vmem>>, vector<16xi32>,
    %get3A_524 = arith.constant 1 : i32
    %get3A_525 = arith.index_cast %get3A_524 : i32 to index
    %get3A_526 = arith.constant 96 : index
    %get3A_527 = tpu.vector_load %arg7[%get3A_525, %get3A_526] {strides = array<i32>} : memref<4x128xi32, #tpu.memory_space<vmem>>, vector<16xi32>,
    %shift_right_arithmetic3A_528 = arith.constant 1 : i32
    %shift_right_arithmetic3A_529 = vector.broadcast %shift_right_arithmetic3A_528 : i32 to vector<16xi32>
    %shift_right_arithmetic3A_530 = arith.shrsi %get3A_527, %shift_right_arithmetic3A_529 : vector<16xi32>
    %swap3A_531 = arith.constant 1 : i32
    %swap3A_532 = arith.index_cast %swap3A_531 : i32 to index
    %swap3A_533 = arith.constant 96 : index
    %swap3A_534 = tpu.vector_load %arg9[%swap3A_532, %swap3A_533] {strides = array<i32>} : memref<4x128xi32, #tpu.memory_space<vmem>>, vector<16xi32>,
    tpu.vector_store %arg9[%swap3A_532, %swap3A_533], %shift_right_arithmetic3A_530 {strides = array<i32>} : memref<4x128xi32, #tpu.memory_space<vmem>>, vector<16xi32>,
    %get3A_535 = arith.constant 1 : i32
    %get3A_536 = arith.index_cast %get3A_535 : i32 to index
    %get3A_537 = arith.constant 96 : index
    %get3A_538 = tpu.vector_load %arg8[%get3A_536, %get3A_537] {strides = array<i32>} : memref<4x128xi32, #tpu.memory_space<vmem>>, vector<16xi32>,
    %shift_right_arithmetic3A_539 = arith.constant 1 : i32
    %shift_right_arithmetic3A_540 = vector.broadcast %shift_right_arithmetic3A_539 : i32 to vector<16xi32>
    %shift_right_arithmetic3A_541 = arith.shrsi %get3A_538, %shift_right_arithmetic3A_540 : vector<16xi32>
    %swap3A_542 = arith.constant 1 : i32
    %swap3A_543 = arith.index_cast %swap3A_542 : i32 to index
    %swap3A_544 = arith.constant 96 : index
    %swap3A_545 = tpu.vector_load %arg10[%swap3A_543, %swap3A_544] {strides = array<i32>} : memref<4x128xi32, #tpu.memory_space<vmem>>, vector<16xi32>,
    tpu.vector_store %arg10[%swap3A_543, %swap3A_544], %shift_right_arithmetic3A_541 {strides = array<i32>} : memref<4x128xi32, #tpu.memory_space<vmem>>, vector<16xi32>,
    %get3A_546 = arith.constant 1 : i32
    %get3A_547 = arith.index_cast %get3A_546 : i32 to index
    %get3A_548 = arith.constant 112 : index
    %get3A_549 = tpu.vector_load %arg7[%get3A_547, %get3A_548] {strides = array<i32>} : memref<4x128xi32, #tpu.memory_space<vmem>>, vector<16xi32>,
    %shift_right_arithmetic3A_550 = arith.constant 1 : i32
    %shift_right_arithmetic3A_551 = vector.broadcast %shift_right_arithmetic3A_550 : i32 to vector<16xi32>
    %shift_right_arithmetic3A_552 = arith.shrsi %get3A_549, %shift_right_arithmetic3A_551 : vector<16xi32>
    %swap3A_553 = arith.constant 1 : i32
    %swap3A_554 = arith.index_cast %swap3A_553 : i32 to index
    %swap3A_555 = arith.constant 112 : index
    %swap3A_556 = tpu.vector_load %arg9[%swap3A_554, %swap3A_555] {strides = array<i32>} : memref<4x128xi32, #tpu.memory_space<vmem>>, vector<16xi32>,
    tpu.vector_store %arg9[%swap3A_554, %swap3A_555], %shift_right_arithmetic3A_552 {strides = array<i32>} : memref<4x128xi32, #tpu.memory_space<vmem>>, vector<16xi32>,
    %get3A_557 = arith.constant 1 : i32
    %get3A_558 = arith.index_cast %get3A_557 : i32 to index
    %get3A_559 = arith.constant 112 : index
    %get3A_560 = tpu.vector_load %arg8[%get3A_558, %get3A_559] {strides = array<i32>} : memref<4x128xi32, #tpu.memory_space<vmem>>, vector<16xi32>,
    %shift_right_arithmetic3A_561 = arith.constant 1 : i32
    %shift_right_arithmetic3A_562 = vector.broadcast %shift_right_arithmetic3A_561 : i32 to vector<16xi32>
    %shift_right_arithmetic3A_563 = arith.shrsi %get3A_560, %shift_right_arithmetic3A_562 : vector<16xi32>
    %swap3A_564 = arith.constant 1 : i32
    %swap3A_565 = arith.index_cast %swap3A_564 : i32 to index
    %swap3A_566 = arith.constant 112 : index
    %swap3A_567 = tpu.vector_load %arg10[%swap3A_565, %swap3A_566] {strides = array<i32>} : memref<4x128xi32, #tpu.memory_space<vmem>>, vector<16xi32>,
    tpu.vector_store %arg10[%swap3A_565, %swap3A_566], %shift_right_arithmetic3A_563 {strides = array<i32>} : memref<4x128xi32, #tpu.memory_space<vmem>>, vector<16xi32>,
    %get3A_568 = arith.constant 2 : i32
    %get3A_569 = arith.index_cast %get3A_568 : i32 to index
    %get3A_570 = arith.constant 0 : index
    %get3A_571 = tpu.vector_load %arg7[%get3A_569, %get3A_570] {strides = array<i32>} : memref<4x128xi32, #tpu.memory_space<vmem>>, vector<16xi32>,
    %shift_right_arithmetic3A_572 = arith.constant 1 : i32
    %shift_right_arithmetic3A_573 = vector.broadcast %shift_right_arithmetic3A_572 : i32 to vector<16xi32>
    %shift_right_arithmetic3A_574 = arith.shrsi %get3A_571, %shift_right_arithmetic3A_573 : vector<16xi32>
    %swap3A_575 = arith.constant 2 : i32
    %swap3A_576 = arith.index_cast %swap3A_575 : i32 to index
    %swap3A_577 = arith.constant 0 : index
    %swap3A_578 = tpu.vector_load %arg9[%swap3A_576, %swap3A_577] {strides = array<i32>} : memref<4x128xi32, #tpu.memory_space<vmem>>, vector<16xi32>,
    tpu.vector_store %arg9[%swap3A_576, %swap3A_577], %shift_right_arithmetic3A_574 {strides = array<i32>} : memref<4x128xi32, #tpu.memory_space<vmem>>, vector<16xi32>,
    %get3A_579 = arith.constant 2 : i32
    %get3A_580 = arith.index_cast %get3A_579 : i32 to index
    %get3A_581 = arith.constant 0 : index
    %get3A_582 = tpu.vector_load %arg8[%get3A_580, %get3A_581] {strides = array<i32>} : memref<4x128xi32, #tpu.memory_space<vmem>>, vector<16xi32>,
    %shift_right_arithmetic3A_583 = arith.constant 1 : i32
    %shift_right_arithmetic3A_584 = vector.broadcast %shift_right_arithmetic3A_583 : i32 to vector<16xi32>
    %shift_right_arithmetic3A_585 = arith.shrsi %get3A_582, %shift_right_arithmetic3A_584 : vector<16xi32>
    %swap3A_586 = arith.constant 2 : i32
    %swap3A_587 = arith.index_cast %swap3A_586 : i32 to index
    %swap3A_588 = arith.constant 0 : index
    %swap3A_589 = tpu.vector_load %arg10[%swap3A_587, %swap3A_588] {strides = array<i32>} : memref<4x128xi32, #tpu.memory_space<vmem>>, vector<16xi32>,
    tpu.vector_store %arg10[%swap3A_587, %swap3A_588], %shift_right_arithmetic3A_585 {strides = array<i32>} : memref<4x128xi32, #tpu.memory_space<vmem>>, vector<16xi32>,
    %get3A_590 = arith.constant 2 : i32
    %get3A_591 = arith.index_cast %get3A_590 : i32 to index
    %get3A_592 = arith.constant 16 : index
    %get3A_593 = tpu.vector_load %arg7[%get3A_591, %get3A_592] {strides = array<i32>} : memref<4x128xi32, #tpu.memory_space<vmem>>, vector<16xi32>,
    %shift_right_arithmetic3A_594 = arith.constant 1 : i32
    %shift_right_arithmetic3A_595 = vector.broadcast %shift_right_arithmetic3A_594 : i32 to vector<16xi32>
    %shift_right_arithmetic3A_596 = arith.shrsi %get3A_593, %shift_right_arithmetic3A_595 : vector<16xi32>
    %swap3A_597 = arith.constant 2 : i32
    %swap3A_598 = arith.index_cast %swap3A_597 : i32 to index
    %swap3A_599 = arith.constant 16 : index
    %swap3A_600 = tpu.vector_load %arg9[%swap3A_598, %swap3A_599] {strides = array<i32>} : memref<4x128xi32, #tpu.memory_space<vmem>>, vector<16xi32>,
    tpu.vector_store %arg9[%swap3A_598, %swap3A_599], %shift_right_arithmetic3A_596 {strides = array<i32>} : memref<4x128xi32, #tpu.memory_space<vmem>>, vector<16xi32>,
    %get3A_601 = arith.constant 2 : i32
    %get3A_602 = arith.index_cast %get3A_601 : i32 to index
    %get3A_603 = arith.constant 16 : index
    %get3A_604 = tpu.vector_load %arg8[%get3A_602, %get3A_603] {strides = array<i32>} : memref<4x128xi32, #tpu.memory_space<vmem>>, vector<16xi32>,
    %shift_right_arithmetic3A_605 = arith.constant 1 : i32
    %shift_right_arithmetic3A_606 = vector.broadcast %shift_right_arithmetic3A_605 : i32 to vector<16xi32>
    %shift_right_arithmetic3A_607 = arith.shrsi %get3A_604, %shift_right_arithmetic3A_606 : vector<16xi32>
    %swap3A_608 = arith.constant 2 : i32
    %swap3A_609 = arith.index_cast %swap3A_608 : i32 to index
    %swap3A_610 = arith.constant 16 : index
    %swap3A_611 = tpu.vector_load %arg10[%swap3A_609, %swap3A_610] {strides = array<i32>} : memref<4x128xi32, #tpu.memory_space<vmem>>, vector<16xi32>,
    tpu.vector_store %arg10[%swap3A_609, %swap3A_610], %shift_right_arithmetic3A_607 {strides = array<i32>} : memref<4x128xi32, #tpu.memory_space<vmem>>, vector<16xi32>,
    %get3A_612 = arith.constant 2 : i32
    %get3A_613 = arith.index_cast %get3A_612 : i32 to index
    %get3A_614 = arith.constant 32 : index
    %get3A_615 = tpu.vector_load %arg7[%get3A_613, %get3A_614] {strides = array<i32>} : memref<4x128xi32, #tpu.memory_space<vmem>>, vector<16xi32>,
    %shift_right_arithmetic3A_616 = arith.constant 1 : i32
    %shift_right_arithmetic3A_617 = vector.broadcast %shift_right_arithmetic3A_616 : i32 to vector<16xi32>
    %shift_right_arithmetic3A_618 = arith.shrsi %get3A_615, %shift_right_arithmetic3A_617 : vector<16xi32>
    %swap3A_619 = arith.constant 2 : i32
    %swap3A_620 = arith.index_cast %swap3A_619 : i32 to index
    %swap3A_621 = arith.constant 32 : index
    %swap3A_622 = tpu.vector_load %arg9[%swap3A_620, %swap3A_621] {strides = array<i32>} : memref<4x128xi32, #tpu.memory_space<vmem>>, vector<16xi32>,
    tpu.vector_store %arg9[%swap3A_620, %swap3A_621], %shift_right_arithmetic3A_618 {strides = array<i32>} : memref<4x128xi32, #tpu.memory_space<vmem>>, vector<16xi32>,
    %get3A_623 = arith.constant 2 : i32
    %get3A_624 = arith.index_cast %get3A_623 : i32 to index
    %get3A_625 = arith.constant 32 : index
    %get3A_626 = tpu.vector_load %arg8[%get3A_624, %get3A_625] {strides = array<i32>} : memref<4x128xi32, #tpu.memory_space<vmem>>, vector<16xi32>,
    %shift_right_arithmetic3A_627 = arith.constant 1 : i32
    %shift_right_arithmetic3A_628 = vector.broadcast %shift_right_arithmetic3A_627 : i32 to vector<16xi32>
    %shift_right_arithmetic3A_629 = arith.shrsi %get3A_626, %shift_right_arithmetic3A_628 : vector<16xi32>
    %swap3A_630 = arith.constant 2 : i32
    %swap3A_631 = arith.index_cast %swap3A_630 : i32 to index
    %swap3A_632 = arith.constant 32 : index
    %swap3A_633 = tpu.vector_load %arg10[%swap3A_631, %swap3A_632] {strides = array<i32>} : memref<4x128xi32, #tpu.memory_space<vmem>>, vector<16xi32>,
    tpu.vector_store %arg10[%swap3A_631, %swap3A_632], %shift_right_arithmetic3A_629 {strides = array<i32>} : memref<4x128xi32, #tpu.memory_space<vmem>>, vector<16xi32>,
    %get3A_634 = arith.constant 2 : i32
    %get3A_635 = arith.index_cast %get3A_634 : i32 to index
    %get3A_636 = arith.constant 48 : index
    %get3A_637 = tpu.vector_load %arg7[%get3A_635, %get3A_636] {strides = array<i32>} : memref<4x128xi32, #tpu.memory_space<vmem>>, vector<16xi32>,
    %shift_right_arithmetic3A_638 = arith.constant 1 : i32
    %shift_right_arithmetic3A_639 = vector.broadcast %shift_right_arithmetic3A_638 : i32 to vector<16xi32>
    %shift_right_arithmetic3A_640 = arith.shrsi %get3A_637, %shift_right_arithmetic3A_639 : vector<16xi32>
    %swap3A_641 = arith.constant 2 : i32
    %swap3A_642 = arith.index_cast %swap3A_641 : i32 to index
    %swap3A_643 = arith.constant 48 : index
    %swap3A_644 = tpu.vector_load %arg9[%swap3A_642, %swap3A_643] {strides = array<i32>} : memref<4x128xi32, #tpu.memory_space<vmem>>, vector<16xi32>,
    tpu.vector_store %arg9[%swap3A_642, %swap3A_643], %shift_right_arithmetic3A_640 {strides = array<i32>} : memref<4x128xi32, #tpu.memory_space<vmem>>, vector<16xi32>,
    %get3A_645 = arith.constant 2 : i32
    %get3A_646 = arith.index_cast %get3A_645 : i32 to index
    %get3A_647 = arith.constant 48 : index
    %get3A_648 = tpu.vector_load %arg8[%get3A_646, %get3A_647] {strides = array<i32>} : memref<4x128xi32, #tpu.memory_space<vmem>>, vector<16xi32>,
    %shift_right_arithmetic3A_649 = arith.constant 1 : i32
    %shift_right_arithmetic3A_650 = vector.broadcast %shift_right_arithmetic3A_649 : i32 to vector<16xi32>
    %shift_right_arithmetic3A_651 = arith.shrsi %get3A_648, %shift_right_arithmetic3A_650 : vector<16xi32>
    %swap3A_652 = arith.constant 2 : i32
    %swap3A_653 = arith.index_cast %swap3A_652 : i32 to index
    %swap3A_654 = arith.constant 48 : index
    %swap3A_655 = tpu.vector_load %arg10[%swap3A_653, %swap3A_654] {strides = array<i32>} : memref<4x128xi32, #tpu.memory_space<vmem>>, vector<16xi32>,
    tpu.vector_store %arg10[%swap3A_653, %swap3A_654], %shift_right_arithmetic3A_651 {strides = array<i32>} : memref<4x128xi32, #tpu.memory_space<vmem>>, vector<16xi32>,
    %get3A_656 = arith.constant 2 : i32
    %get3A_657 = arith.index_cast %get3A_656 : i32 to index
    %get3A_658 = arith.constant 64 : index
    %get3A_659 = tpu.vector_load %arg7[%get3A_657, %get3A_658] {strides = array<i32>} : memref<4x128xi32, #tpu.memory_space<vmem>>, vector<16xi32>,
    %shift_right_arithmetic3A_660 = arith.constant 1 : i32
    %shift_right_arithmetic3A_661 = vector.broadcast %shift_right_arithmetic3A_660 : i32 to vector<16xi32>
    %shift_right_arithmetic3A_662 = arith.shrsi %get3A_659, %shift_right_arithmetic3A_661 : vector<16xi32>
    %swap3A_663 = arith.constant 2 : i32
    %swap3A_664 = arith.index_cast %swap3A_663 : i32 to index
    %swap3A_665 = arith.constant 64 : index
    %swap3A_666 = tpu.vector_load %arg9[%swap3A_664, %swap3A_665] {strides = array<i32>} : memref<4x128xi32, #tpu.memory_space<vmem>>, vector<16xi32>,
    tpu.vector_store %arg9[%swap3A_664, %swap3A_665], %shift_right_arithmetic3A_662 {strides = array<i32>} : memref<4x128xi32, #tpu.memory_space<vmem>>, vector<16xi32>,
    %get3A_667 = arith.constant 2 : i32
    %get3A_668 = arith.index_cast %get3A_667 : i32 to index
    %get3A_669 = arith.constant 64 : index
    %get3A_670 = tpu.vector_load %arg8[%get3A_668, %get3A_669] {strides = array<i32>} : memref<4x128xi32, #tpu.memory_space<vmem>>, vector<16xi32>,
    %shift_right_arithmetic3A_671 = arith.constant 1 : i32
    %shift_right_arithmetic3A_672 = vector.broadcast %shift_right_arithmetic3A_671 : i32 to vector<16xi32>
    %shift_right_arithmetic3A_673 = arith.shrsi %get3A_670, %shift_right_arithmetic3A_672 : vector<16xi32>
    %swap3A_674 = arith.constant 2 : i32
    %swap3A_675 = arith.index_cast %swap3A_674 : i32 to index
    %swap3A_676 = arith.constant 64 : index
    %swap3A_677 = tpu.vector_load %arg10[%swap3A_675, %swap3A_676] {strides = array<i32>} : memref<4x128xi32, #tpu.memory_space<vmem>>, vector<16xi32>,
    tpu.vector_store %arg10[%swap3A_675, %swap3A_676], %shift_right_arithmetic3A_673 {strides = array<i32>} : memref<4x128xi32, #tpu.memory_space<vmem>>, vector<16xi32>,
    %get3A_678 = arith.constant 2 : i32
    %get3A_679 = arith.index_cast %get3A_678 : i32 to index
    %get3A_680 = arith.constant 80 : index
    %get3A_681 = tpu.vector_load %arg7[%get3A_679, %get3A_680] {strides = array<i32>} : memref<4x128xi32, #tpu.memory_space<vmem>>, vector<16xi32>,
    %shift_right_arithmetic3A_682 = arith.constant 1 : i32
    %shift_right_arithmetic3A_683 = vector.broadcast %shift_right_arithmetic3A_682 : i32 to vector<16xi32>
    %shift_right_arithmetic3A_684 = arith.shrsi %get3A_681, %shift_right_arithmetic3A_683 : vector<16xi32>
    %swap3A_685 = arith.constant 2 : i32
    %swap3A_686 = arith.index_cast %swap3A_685 : i32 to index
    %swap3A_687 = arith.constant 80 : index
    %swap3A_688 = tpu.vector_load %arg9[%swap3A_686, %swap3A_687] {strides = array<i32>} : memref<4x128xi32, #tpu.memory_space<vmem>>, vector<16xi32>,
    tpu.vector_store %arg9[%swap3A_686, %swap3A_687], %shift_right_arithmetic3A_684 {strides = array<i32>} : memref<4x128xi32, #tpu.memory_space<vmem>>, vector<16xi32>,
    %get3A_689 = arith.constant 2 : i32
    %get3A_690 = arith.index_cast %get3A_689 : i32 to index
    %get3A_691 = arith.constant 80 : index
    %get3A_692 = tpu.vector_load %arg8[%get3A_690, %get3A_691] {strides = array<i32>} : memref<4x128xi32, #tpu.memory_space<vmem>>, vector<16xi32>,
    %shift_right_arithmetic3A_693 = arith.constant 1 : i32
    %shift_right_arithmetic3A_694 = vector.broadcast %shift_right_arithmetic3A_693 : i32 to vector<16xi32>
    %shift_right_arithmetic3A_695 = arith.shrsi %get3A_692, %shift_right_arithmetic3A_694 : vector<16xi32>
    %swap3A_696 = arith.constant 2 : i32
    %swap3A_697 = arith.index_cast %swap3A_696 : i32 to index
    %swap3A_698 = arith.constant 80 : index
    %swap3A_699 = tpu.vector_load %arg10[%swap3A_697, %swap3A_698] {strides = array<i32>} : memref<4x128xi32, #tpu.memory_space<vmem>>, vector<16xi32>,
    tpu.vector_store %arg10[%swap3A_697, %swap3A_698], %shift_right_arithmetic3A_695 {strides = array<i32>} : memref<4x128xi32, #tpu.memory_space<vmem>>, vector<16xi32>,
    %get3A_700 = arith.constant 2 : i32
    %get3A_701 = arith.index_cast %get3A_700 : i32 to index
    %get3A_702 = arith.constant 96 : index
    %get3A_703 = tpu.vector_load %arg7[%get3A_701, %get3A_702] {strides = array<i32>} : memref<4x128xi32, #tpu.memory_space<vmem>>, vector<16xi32>,
    %shift_right_arithmetic3A_704 = arith.constant 1 : i32
    %shift_right_arithmetic3A_705 = vector.broadcast %shift_right_arithmetic3A_704 : i32 to vector<16xi32>
    %shift_right_arithmetic3A_706 = arith.shrsi %get3A_703, %shift_right_arithmetic3A_705 : vector<16xi32>
    %swap3A_707 = arith.constant 2 : i32
    %swap3A_708 = arith.index_cast %swap3A_707 : i32 to index
    %swap3A_709 = arith.constant 96 : index
    %swap3A_710 = tpu.vector_load %arg9[%swap3A_708, %swap3A_709] {strides = array<i32>} : memref<4x128xi32, #tpu.memory_space<vmem>>, vector<16xi32>,
    tpu.vector_store %arg9[%swap3A_708, %swap3A_709], %shift_right_arithmetic3A_706 {strides = array<i32>} : memref<4x128xi32, #tpu.memory_space<vmem>>, vector<16xi32>,
    %get3A_711 = arith.constant 2 : i32
    %get3A_712 = arith.index_cast %get3A_711 : i32 to index
    %get3A_713 = arith.constant 96 : index
    %get3A_714 = tpu.vector_load %arg8[%get3A_712, %get3A_713] {strides = array<i32>} : memref<4x128xi32, #tpu.memory_space<vmem>>, vector<16xi32>,
    %shift_right_arithmetic3A_715 = arith.constant 1 : i32
    %shift_right_arithmetic3A_716 = vector.broadcast %shift_right_arithmetic3A_715 : i32 to vector<16xi32>
    %shift_right_arithmetic3A_717 = arith.shrsi %get3A_714, %shift_right_arithmetic3A_716 : vector<16xi32>
    %swap3A_718 = arith.constant 2 : i32
    %swap3A_719 = arith.index_cast %swap3A_718 : i32 to index
    %swap3A_720 = arith.constant 96 : index
    %swap3A_721 = tpu.vector_load %arg10[%swap3A_719, %swap3A_720] {strides = array<i32>} : memref<4x128xi32, #tpu.memory_space<vmem>>, vector<16xi32>,
    tpu.vector_store %arg10[%swap3A_719, %swap3A_720], %shift_right_arithmetic3A_717 {strides = array<i32>} : memref<4x128xi32, #tpu.memory_space<vmem>>, vector<16xi32>,
    %get3A_722 = arith.constant 2 : i32
    %get3A_723 = arith.index_cast %get3A_722 : i32 to index
    %get3A_724 = arith.constant 112 : index
    %get3A_725 = tpu.vector_load %arg7[%get3A_723, %get3A_724] {strides = array<i32>} : memref<4x128xi32, #tpu.memory_space<vmem>>, vector<16xi32>,
    %shift_right_arithmetic3A_726 = arith.constant 1 : i32
    %shift_right_arithmetic3A_727 = vector.broadcast %shift_right_arithmetic3A_726 : i32 to vector<16xi32>
    %shift_right_arithmetic3A_728 = arith.shrsi %get3A_725, %shift_right_arithmetic3A_727 : vector<16xi32>
    %swap3A_729 = arith.constant 2 : i32
    %swap3A_730 = arith.index_cast %swap3A_729 : i32 to index
    %swap3A_731 = arith.constant 112 : index
    %swap3A_732 = tpu.vector_load %arg9[%swap3A_730, %swap3A_731] {strides = array<i32>} : memref<4x128xi32, #tpu.memory_space<vmem>>, vector<16xi32>,
    tpu.vector_store %arg9[%swap3A_730, %swap3A_731], %shift_right_arithmetic3A_728 {strides = array<i32>} : memref<4x128xi32, #tpu.memory_space<vmem>>, vector<16xi32>,
    %get3A_733 = arith.constant 2 : i32
    %get3A_734 = arith.index_cast %get3A_733 : i32 to index
    %get3A_735 = arith.constant 112 : index
    %get3A_736 = tpu.vector_load %arg8[%get3A_734, %get3A_735] {strides = array<i32>} : memref<4x128xi32, #tpu.memory_space<vmem>>, vector<16xi32>,
    %shift_right_arithmetic3A_737 = arith.constant 1 : i32
    %shift_right_arithmetic3A_738 = vector.broadcast %shift_right_arithmetic3A_737 : i32 to vector<16xi32>
    %shift_right_arithmetic3A_739 = arith.shrsi %get3A_736, %shift_right_arithmetic3A_738 : vector<16xi32>
    %swap3A_740 = arith.constant 2 : i32
    %swap3A_741 = arith.index_cast %swap3A_740 : i32 to index
    %swap3A_742 = arith.constant 112 : index
    %swap3A_743 = tpu.vector_load %arg10[%swap3A_741, %swap3A_742] {strides = array<i32>} : memref<4x128xi32, #tpu.memory_space<vmem>>, vector<16xi32>,
    tpu.vector_store %arg10[%swap3A_741, %swap3A_742], %shift_right_arithmetic3A_739 {strides = array<i32>} : memref<4x128xi32, #tpu.memory_space<vmem>>, vector<16xi32>,
    %get3A_744 = arith.constant 3 : i32
    %get3A_745 = arith.index_cast %get3A_744 : i32 to index
    %get3A_746 = arith.constant 0 : index
    %get3A_747 = tpu.vector_load %arg7[%get3A_745, %get3A_746] {strides = array<i32>} : memref<4x128xi32, #tpu.memory_space<vmem>>, vector<16xi32>,
    %shift_right_arithmetic3A_748 = arith.constant 1 : i32
    %shift_right_arithmetic3A_749 = vector.broadcast %shift_right_arithmetic3A_748 : i32 to vector<16xi32>
    %shift_right_arithmetic3A_750 = arith.shrsi %get3A_747, %shift_right_arithmetic3A_749 : vector<16xi32>
    %swap3A_751 = arith.constant 3 : i32
    %swap3A_752 = arith.index_cast %swap3A_751 : i32 to index
    %swap3A_753 = arith.constant 0 : index
    %swap3A_754 = tpu.vector_load %arg9[%swap3A_752, %swap3A_753] {strides = array<i32>} : memref<4x128xi32, #tpu.memory_space<vmem>>, vector<16xi32>,
    tpu.vector_store %arg9[%swap3A_752, %swap3A_753], %shift_right_arithmetic3A_750 {strides = array<i32>} : memref<4x128xi32, #tpu.memory_space<vmem>>, vector<16xi32>,
    %get3A_755 = arith.constant 3 : i32
    %get3A_756 = arith.index_cast %get3A_755 : i32 to index
    %get3A_757 = arith.constant 0 : index
    %get3A_758 = tpu.vector_load %arg8[%get3A_756, %get3A_757] {strides = array<i32>} : memref<4x128xi32, #tpu.memory_space<vmem>>, vector<16xi32>,
    %shift_right_arithmetic3A_759 = arith.constant 1 : i32
    %shift_right_arithmetic3A_760 = vector.broadcast %shift_right_arithmetic3A_759 : i32 to vector<16xi32>
    %shift_right_arithmetic3A_761 = arith.shrsi %get3A_758, %shift_right_arithmetic3A_760 : vector<16xi32>
    %swap3A_762 = arith.constant 3 : i32
    %swap3A_763 = arith.index_cast %swap3A_762 : i32 to index
    %swap3A_764 = arith.constant 0 : index
    %swap3A_765 = tpu.vector_load %arg10[%swap3A_763, %swap3A_764] {strides = array<i32>} : memref<4x128xi32, #tpu.memory_space<vmem>>, vector<16xi32>,
    tpu.vector_store %arg10[%swap3A_763, %swap3A_764], %shift_right_arithmetic3A_761 {strides = array<i32>} : memref<4x128xi32, #tpu.memory_space<vmem>>, vector<16xi32>,
    %get3A_766 = arith.constant 3 : i32
    %get3A_767 = arith.index_cast %get3A_766 : i32 to index
    %get3A_768 = arith.constant 16 : index
    %get3A_769 = tpu.vector_load %arg7[%get3A_767, %get3A_768] {strides = array<i32>} : memref<4x128xi32, #tpu.memory_space<vmem>>, vector<16xi32>,
    %shift_right_arithmetic3A_770 = arith.constant 1 : i32
    %shift_right_arithmetic3A_771 = vector.broadcast %shift_right_arithmetic3A_770 : i32 to vector<16xi32>
    %shift_right_arithmetic3A_772 = arith.shrsi %get3A_769, %shift_right_arithmetic3A_771 : vector<16xi32>
    %swap3A_773 = arith.constant 3 : i32
    %swap3A_774 = arith.index_cast %swap3A_773 : i32 to index
    %swap3A_775 = arith.constant 16 : index
    %swap3A_776 = tpu.vector_load %arg9[%swap3A_774, %swap3A_775] {strides = array<i32>} : memref<4x128xi32, #tpu.memory_space<vmem>>, vector<16xi32>,
    tpu.vector_store %arg9[%swap3A_774, %swap3A_775], %shift_right_arithmetic3A_772 {strides = array<i32>} : memref<4x128xi32, #tpu.memory_space<vmem>>, vector<16xi32>,
    %get3A_777 = arith.constant 3 : i32
    %get3A_778 = arith.index_cast %get3A_777 : i32 to index
    %get3A_779 = arith.constant 16 : index
    %get3A_780 = tpu.vector_load %arg8[%get3A_778, %get3A_779] {strides = array<i32>} : memref<4x128xi32, #tpu.memory_space<vmem>>, vector<16xi32>,
    %shift_right_arithmetic3A_781 = arith.constant 1 : i32
    %shift_right_arithmetic3A_782 = vector.broadcast %shift_right_arithmetic3A_781 : i32 to vector<16xi32>
    %shift_right_arithmetic3A_783 = arith.shrsi %get3A_780, %shift_right_arithmetic3A_782 : vector<16xi32>
    %swap3A_784 = arith.constant 3 : i32
    %swap3A_785 = arith.index_cast %swap3A_784 : i32 to index
    %swap3A_786 = arith.constant 16 : index
    %swap3A_787 = tpu.vector_load %arg10[%swap3A_785, %swap3A_786] {strides = array<i32>} : memref<4x128xi32, #tpu.memory_space<vmem>>, vector<16xi32>,
    tpu.vector_store %arg10[%swap3A_785, %swap3A_786], %shift_right_arithmetic3A_783 {strides = array<i32>} : memref<4x128xi32, #tpu.memory_space<vmem>>, vector<16xi32>,
    %get3A_788 = arith.constant 3 : i32
    %get3A_789 = arith.index_cast %get3A_788 : i32 to index
    %get3A_790 = arith.constant 32 : index
    %get3A_791 = tpu.vector_load %arg7[%get3A_789, %get3A_790] {strides = array<i32>} : memref<4x128xi32, #tpu.memory_space<vmem>>, vector<16xi32>,
    %shift_right_arithmetic3A_792 = arith.constant 1 : i32
    %shift_right_arithmetic3A_793 = vector.broadcast %shift_right_arithmetic3A_792 : i32 to vector<16xi32>
    %shift_right_arithmetic3A_794 = arith.shrsi %get3A_791, %shift_right_arithmetic3A_793 : vector<16xi32>
    %swap3A_795 = arith.constant 3 : i32
    %swap3A_796 = arith.index_cast %swap3A_795 : i32 to index
    %swap3A_797 = arith.constant 32 : index
    %swap3A_798 = tpu.vector_load %arg9[%swap3A_796, %swap3A_797] {strides = array<i32>} : memref<4x128xi32, #tpu.memory_space<vmem>>, vector<16xi32>,
    tpu.vector_store %arg9[%swap3A_796, %swap3A_797], %shift_right_arithmetic3A_794 {strides = array<i32>} : memref<4x128xi32, #tpu.memory_space<vmem>>, vector<16xi32>,
    %get3A_799 = arith.constant 3 : i32
    %get3A_800 = arith.index_cast %get3A_799 : i32 to index
    %get3A_801 = arith.constant 32 : index
    %get3A_802 = tpu.vector_load %arg8[%get3A_800, %get3A_801] {strides = array<i32>} : memref<4x128xi32, #tpu.memory_space<vmem>>, vector<16xi32>,
    %shift_right_arithmetic3A_803 = arith.constant 1 : i32
    %shift_right_arithmetic3A_804 = vector.broadcast %shift_right_arithmetic3A_803 : i32 to vector<16xi32>
    %shift_right_arithmetic3A_805 = arith.shrsi %get3A_802, %shift_right_arithmetic3A_804 : vector<16xi32>
    %swap3A_806 = arith.constant 3 : i32
    %swap3A_807 = arith.index_cast %swap3A_806 : i32 to index
    %swap3A_808 = arith.constant 32 : index
    %swap3A_809 = tpu.vector_load %arg10[%swap3A_807, %swap3A_808] {strides = array<i32>} : memref<4x128xi32, #tpu.memory_space<vmem>>, vector<16xi32>,
    tpu.vector_store %arg10[%swap3A_807, %swap3A_808], %shift_right_arithmetic3A_805 {strides = array<i32>} : memref<4x128xi32, #tpu.memory_space<vmem>>, vector<16xi32>,
    %get3A_810 = arith.constant 3 : i32
    %get3A_811 = arith.index_cast %get3A_810 : i32 to index
    %get3A_812 = arith.constant 48 : index
    %get3A_813 = tpu.vector_load %arg7[%get3A_811, %get3A_812] {strides = array<i32>} : memref<4x128xi32, #tpu.memory_space<vmem>>, vector<16xi32>,
    %shift_right_arithmetic3A_814 = arith.constant 1 : i32
    %shift_right_arithmetic3A_815 = vector.broadcast %shift_right_arithmetic3A_814 : i32 to vector<16xi32>
    %shift_right_arithmetic3A_816 = arith.shrsi %get3A_813, %shift_right_arithmetic3A_815 : vector<16xi32>
    %swap3A_817 = arith.constant 3 : i32
    %swap3A_818 = arith.index_cast %swap3A_817 : i32 to index
    %swap3A_819 = arith.constant 48 : index
    %swap3A_820 = tpu.vector_load %arg9[%swap3A_818, %swap3A_819] {strides = array<i32>} : memref<4x128xi32, #tpu.memory_space<vmem>>, vector<16xi32>,
    tpu.vector_store %arg9[%swap3A_818, %swap3A_819], %shift_right_arithmetic3A_816 {strides = array<i32>} : memref<4x128xi32, #tpu.memory_space<vmem>>, vector<16xi32>,
    %get3A_821 = arith.constant 3 : i32
    %get3A_822 = arith.index_cast %get3A_821 : i32 to index
    %get3A_823 = arith.constant 48 : index
    %get3A_824 = tpu.vector_load %arg8[%get3A_822, %get3A_823] {strides = array<i32>} : memref<4x128xi32, #tpu.memory_space<vmem>>, vector<16xi32>,
    %shift_right_arithmetic3A_825 = arith.constant 1 : i32
    %shift_right_arithmetic3A_826 = vector.broadcast %shift_right_arithmetic3A_825 : i32 to vector<16xi32>
    %shift_right_arithmetic3A_827 = arith.shrsi %get3A_824, %shift_right_arithmetic3A_826 : vector<16xi32>
    %swap3A_828 = arith.constant 3 : i32
    %swap3A_829 = arith.index_cast %swap3A_828 : i32 to index
    %swap3A_830 = arith.constant 48 : index
    %swap3A_831 = tpu.vector_load %arg10[%swap3A_829, %swap3A_830] {strides = array<i32>} : memref<4x128xi32, #tpu.memory_space<vmem>>, vector<16xi32>,
    tpu.vector_store %arg10[%swap3A_829, %swap3A_830], %shift_right_arithmetic3A_827 {strides = array<i32>} : memref<4x128xi32, #tpu.memory_space<vmem>>, vector<16xi32>,
    %get3A_832 = arith.constant 3 : i32
    %get3A_833 = arith.index_cast %get3A_832 : i32 to index
    %get3A_834 = arith.constant 64 : index
    %get3A_835 = tpu.vector_load %arg7[%get3A_833, %get3A_834] {strides = array<i32>} : memref<4x128xi32, #tpu.memory_space<vmem>>, vector<16xi32>,
    %shift_right_arithmetic3A_836 = arith.constant 1 : i32
    %shift_right_arithmetic3A_837 = vector.broadcast %shift_right_arithmetic3A_836 : i32 to vector<16xi32>
    %shift_right_arithmetic3A_838 = arith.shrsi %get3A_835, %shift_right_arithmetic3A_837 : vector<16xi32>
    %swap3A_839 = arith.constant 3 : i32
    %swap3A_840 = arith.index_cast %swap3A_839 : i32 to index
    %swap3A_841 = arith.constant 64 : index
    %swap3A_842 = tpu.vector_load %arg9[%swap3A_840, %swap3A_841] {strides = array<i32>} : memref<4x128xi32, #tpu.memory_space<vmem>>, vector<16xi32>,
    tpu.vector_store %arg9[%swap3A_840, %swap3A_841], %shift_right_arithmetic3A_838 {strides = array<i32>} : memref<4x128xi32, #tpu.memory_space<vmem>>, vector<16xi32>,
    %get3A_843 = arith.constant 3 : i32
    %get3A_844 = arith.index_cast %get3A_843 : i32 to index
    %get3A_845 = arith.constant 64 : index
    %get3A_846 = tpu.vector_load %arg8[%get3A_844, %get3A_845] {strides = array<i32>} : memref<4x128xi32, #tpu.memory_space<vmem>>, vector<16xi32>,
    %shift_right_arithmetic3A_847 = arith.constant 1 : i32
    %shift_right_arithmetic3A_848 = vector.broadcast %shift_right_arithmetic3A_847 : i32 to vector<16xi32>
    %shift_right_arithmetic3A_849 = arith.shrsi %get3A_846, %shift_right_arithmetic3A_848 : vector<16xi32>
    %swap3A_850 = arith.constant 3 : i32
    %swap3A_851 = arith.index_cast %swap3A_850 : i32 to index
    %swap3A_852 = arith.constant 64 : index
    %swap3A_853 = tpu.vector_load %arg10[%swap3A_851, %swap3A_852] {strides = array<i32>} : memref<4x128xi32, #tpu.memory_space<vmem>>, vector<16xi32>,
    tpu.vector_store %arg10[%swap3A_851, %swap3A_852], %shift_right_arithmetic3A_849 {strides = array<i32>} : memref<4x128xi32, #tpu.memory_space<vmem>>, vector<16xi32>,
    %get3A_854 = arith.constant 3 : i32
    %get3A_855 = arith.index_cast %get3A_854 : i32 to index
    %get3A_856 = arith.constant 80 : index
    %get3A_857 = tpu.vector_load %arg7[%get3A_855, %get3A_856] {strides = array<i32>} : memref<4x128xi32, #tpu.memory_space<vmem>>, vector<16xi32>,
    %shift_right_arithmetic3A_858 = arith.constant 1 : i32
    %shift_right_arithmetic3A_859 = vector.broadcast %shift_right_arithmetic3A_858 : i32 to vector<16xi32>
    %shift_right_arithmetic3A_860 = arith.shrsi %get3A_857, %shift_right_arithmetic3A_859 : vector<16xi32>
    %swap3A_861 = arith.constant 3 : i32
    %swap3A_862 = arith.index_cast %swap3A_861 : i32 to index
    %swap3A_863 = arith.constant 80 : index
    %swap3A_864 = tpu.vector_load %arg9[%swap3A_862, %swap3A_863] {strides = array<i32>} : memref<4x128xi32, #tpu.memory_space<vmem>>, vector<16xi32>,
    tpu.vector_store %arg9[%swap3A_862, %swap3A_863], %shift_right_arithmetic3A_860 {strides = array<i32>} : memref<4x128xi32, #tpu.memory_space<vmem>>, vector<16xi32>,
    %get3A_865 = arith.constant 3 : i32
    %get3A_866 = arith.index_cast %get3A_865 : i32 to index
    %get3A_867 = arith.constant 80 : index
    %get3A_868 = tpu.vector_load %arg8[%get3A_866, %get3A_867] {strides = array<i32>} : memref<4x128xi32, #tpu.memory_space<vmem>>, vector<16xi32>,
    %shift_right_arithmetic3A_869 = arith.constant 1 : i32
    %shift_right_arithmetic3A_870 = vector.broadcast %shift_right_arithmetic3A_869 : i32 to vector<16xi32>
    %shift_right_arithmetic3A_871 = arith.shrsi %get3A_868, %shift_right_arithmetic3A_870 : vector<16xi32>
    %swap3A_872 = arith.constant 3 : i32
    %swap3A_873 = arith.index_cast %swap3A_872 : i32 to index
    %swap3A_874 = arith.constant 80 : index
    %swap3A_875 = tpu.vector_load %arg10[%swap3A_873, %swap3A_874] {strides = array<i32>} : memref<4x128xi32, #tpu.memory_space<vmem>>, vector<16xi32>,
    tpu.vector_store %arg10[%swap3A_873, %swap3A_874], %shift_right_arithmetic3A_871 {strides = array<i32>} : memref<4x128xi32, #tpu.memory_space<vmem>>, vector<16xi32>,
    %get3A_876 = arith.constant 3 : i32
    %get3A_877 = arith.index_cast %get3A_876 : i32 to index
    %get3A_878 = arith.constant 96 : index
    %get3A_879 = tpu.vector_load %arg7[%get3A_877, %get3A_878] {strides = array<i32>} : memref<4x128xi32, #tpu.memory_space<vmem>>, vector<16xi32>,
    %shift_right_arithmetic3A_880 = arith.constant 1 : i32
    %shift_right_arithmetic3A_881 = vector.broadcast %shift_right_arithmetic3A_880 : i32 to vector<16xi32>
    %shift_right_arithmetic3A_882 = arith.shrsi %get3A_879, %shift_right_arithmetic3A_881 : vector<16xi32>
    %swap3A_883 = arith.constant 3 : i32
    %swap3A_884 = arith.index_cast %swap3A_883 : i32 to index
    %swap3A_885 = arith.constant 96 : index
    %swap3A_886 = tpu.vector_load %arg9[%swap3A_884, %swap3A_885] {strides = array<i32>} : memref<4x128xi32, #tpu.memory_space<vmem>>, vector<16xi32>,
    tpu.vector_store %arg9[%swap3A_884, %swap3A_885], %shift_right_arithmetic3A_882 {strides = array<i32>} : memref<4x128xi32, #tpu.memory_space<vmem>>, vector<16xi32>,
    %get3A_887 = arith.constant 3 : i32
    %get3A_888 = arith.index_cast %get3A_887 : i32 to index
    %get3A_889 = arith.constant 96 : index
    %get3A_890 = tpu.vector_load %arg8[%get3A_888, %get3A_889] {strides = array<i32>} : memref<4x128xi32, #tpu.memory_space<vmem>>, vector<16xi32>,
    %shift_right_arithmetic3A_891 = arith.constant 1 : i32
    %shift_right_arithmetic3A_892 = vector.broadcast %shift_right_arithmetic3A_891 : i32 to vector<16xi32>
    %shift_right_arithmetic3A_893 = arith.shrsi %get3A_890, %shift_right_arithmetic3A_892 : vector<16xi32>
    %swap3A_894 = arith.constant 3 : i32
    %swap3A_895 = arith.index_cast %swap3A_894 : i32 to index
    %swap3A_896 = arith.constant 96 : index
    %swap3A_897 = tpu.vector_load %arg10[%swap3A_895, %swap3A_896] {strides = array<i32>} : memref<4x128xi32, #tpu.memory_space<vmem>>, vector<16xi32>,
    tpu.vector_store %arg10[%swap3A_895, %swap3A_896], %shift_right_arithmetic3A_893 {strides = array<i32>} : memref<4x128xi32, #tpu.memory_space<vmem>>, vector<16xi32>,
    %get3A_898 = arith.constant 3 : i32
    %get3A_899 = arith.index_cast %get3A_898 : i32 to index
    %get3A_900 = arith.constant 112 : index
    %get3A_901 = tpu.vector_load %arg7[%get3A_899, %get3A_900] {strides = array<i32>} : memref<4x128xi32, #tpu.memory_space<vmem>>, vector<16xi32>,
    %shift_right_arithmetic3A_902 = arith.constant 1 : i32
    %shift_right_arithmetic3A_903 = vector.broadcast %shift_right_arithmetic3A_902 : i32 to vector<16xi32>
    %shift_right_arithmetic3A_904 = arith.shrsi %get3A_901, %shift_right_arithmetic3A_903 : vector<16xi32>
    %swap3A_905 = arith.constant 3 : i32
    %swap3A_906 = arith.index_cast %swap3A_905 : i32 to index
    %swap3A_907 = arith.constant 112 : index
    %swap3A_908 = tpu.vector_load %arg9[%swap3A_906, %swap3A_907] {strides = array<i32>} : memref<4x128xi32, #tpu.memory_space<vmem>>, vector<16xi32>,
    tpu.vector_store %arg9[%swap3A_906, %swap3A_907], %shift_right_arithmetic3A_904 {strides = array<i32>} : memref<4x128xi32, #tpu.memory_space<vmem>>, vector<16xi32>,
    %get3A_909 = arith.constant 3 : i32
    %get3A_910 = arith.index_cast %get3A_909 : i32 to index
    %get3A_911 = arith.constant 112 : index
    %get3A_912 = tpu.vector_load %arg8[%get3A_910, %get3A_911] {strides = array<i32>} : memref<4x128xi32, #tpu.memory_space<vmem>>, vector<16xi32>,
    %shift_right_arithmetic3A_913 = arith.constant 1 : i32
    %shift_right_arithmetic3A_914 = vector.broadcast %shift_right_arithmetic3A_913 : i32 to vector<16xi32>
    %shift_right_arithmetic3A_915 = arith.shrsi %get3A_912, %shift_right_arithmetic3A_914 : vector<16xi32>
    %swap3A_916 = arith.constant 3 : i32
    %swap3A_917 = arith.index_cast %swap3A_916 : i32 to index
    %swap3A_918 = arith.constant 112 : index
    %swap3A_919 = tpu.vector_load %arg10[%swap3A_917, %swap3A_918] {strides = array<i32>} : memref<4x128xi32, #tpu.memory_space<vmem>>, vector<16xi32>,
    tpu.vector_store %arg10[%swap3A_917, %swap3A_918], %shift_right_arithmetic3A_915 {strides = array<i32>} : memref<4x128xi32, #tpu.memory_space<vmem>>, vector<16xi32>,
    %iota3A = tpu.iota {dimensions = array<i32: 0>} : vector<16xi32>
    %dma_start3A_920 = arith.constant 0 : i32
    %dma_start3A_921 = arith.constant 0 : i32
    %dma_start3A_922 = arith.constant 0 : i32
    %dma_start3A_923 = tpu.memref_slice %arg9[%dma_start3A_920, %dma_start3A_922] : memref<4x128xi32, #tpu.memory_space<vmem>> -> memref<1x128xi32, #tpu.memory_space<vmem>>
    %dma_start3A_924 = tpu.memref_squeeze %dma_start3A_923 : memref<1x128xi32, #tpu.memory_space<vmem>> -> memref<128xi32, #tpu.memory_space<vmem>>
    %dma_start3A_925 = arith.constant 0 : i32
    %dma_start3A_926 = arith.constant 0 : i32
    %dma_start3A_927 = tpu.memref_slice %arg4[%dma_start3A_925, %dma_start3A_926] : memref<500000x128xf32, #tpu.memory_space<hbm>> -> memref<500000x128xf32, #tpu.memory_space<hbm>>
    %dma_start3A_928 = tpu.memref_slice %arg17[%dma_start3A_921] : memref<4x!tpu.dma_semaphore, #tpu.memory_space<semaphore_mem>> -> memref<1x!tpu.dma_semaphore, #tpu.memory_space<semaphore_mem>>
    %dma_start3A_929 = tpu.memref_squeeze %dma_start3A_928 : memref<1x!tpu.dma_semaphore, #tpu.memory_space<semaphore_mem>> -> memref<!tpu.dma_semaphore, #tpu.memory_space<semaphore_mem>>
    tpu.enqueue_indirect_dma source(%dma_start3A_927 : memref<500000x128xf32, #tpu.memory_space<hbm>>) target(%arg11 : memref<128x128xf32, #tpu.memory_space<vmem>>) offsets(%dma_start3A_924 : memref<128xi32, #tpu.memory_space<vmem>>) semaphore(%dma_start3A_929 : memref<!tpu.dma_semaphore, #tpu.memory_space<semaphore_mem>>)
    %dma_start3A_930 = arith.constant 0 : i32
    %dma_start3A_931 = arith.constant 0 : i32
    %dma_start3A_932 = arith.constant 0 : i32
    %dma_start3A_933 = tpu.memref_slice %arg10[%dma_start3A_930, %dma_start3A_932] : memref<4x128xi32, #tpu.memory_space<vmem>> -> memref<1x128xi32, #tpu.memory_space<vmem>>
    %dma_start3A_934 = tpu.memref_squeeze %dma_start3A_933 : memref<1x128xi32, #tpu.memory_space<vmem>> -> memref<128xi32, #tpu.memory_space<vmem>>
    %dma_start3A_935 = arith.constant 0 : i32
    %dma_start3A_936 = arith.constant 0 : i32
    %dma_start3A_937 = tpu.memref_slice %arg4[%dma_start3A_935, %dma_start3A_936] : memref<500000x128xf32, #tpu.memory_space<hbm>> -> memref<500000x128xf32, #tpu.memory_space<hbm>>
    %dma_start3A_938 = tpu.memref_slice %arg17[%dma_start3A_931] : memref<4x!tpu.dma_semaphore, #tpu.memory_space<semaphore_mem>> -> memref<1x!tpu.dma_semaphore, #tpu.memory_space<semaphore_mem>>
    %dma_start3A_939 = tpu.memref_squeeze %dma_start3A_938 : memref<1x!tpu.dma_semaphore, #tpu.memory_space<semaphore_mem>> -> memref<!tpu.dma_semaphore, #tpu.memory_space<semaphore_mem>>
    tpu.enqueue_indirect_dma source(%dma_start3A_937 : memref<500000x128xf32, #tpu.memory_space<hbm>>) target(%arg12 : memref<128x128xf32, #tpu.memory_space<vmem>>) offsets(%dma_start3A_934 : memref<128xi32, #tpu.memory_space<vmem>>) semaphore(%dma_start3A_939 : memref<!tpu.dma_semaphore, #tpu.memory_space<semaphore_mem>>)
    %dma_start3A_940 = arith.constant 1 : i32
    %dma_start3A_941 = arith.constant 1 : i32
    %dma_start3A_942 = arith.constant 0 : i32
    %dma_start3A_943 = tpu.memref_slice %arg9[%dma_start3A_940, %dma_start3A_942] : memref<4x128xi32, #tpu.memory_space<vmem>> -> memref<1x128xi32, #tpu.memory_space<vmem>>
    %dma_start3A_944 = tpu.memref_squeeze %dma_start3A_943 : memref<1x128xi32, #tpu.memory_space<vmem>> -> memref<128xi32, #tpu.memory_space<vmem>>
    %dma_start3A_945 = arith.constant 0 : i32
    %dma_start3A_946 = arith.constant 0 : i32
    %dma_start3A_947 = tpu.memref_slice %arg4[%dma_start3A_945, %dma_start3A_946] : memref<500000x128xf32, #tpu.memory_space<hbm>> -> memref<500000x128xf32, #tpu.memory_space<hbm>>
    %dma_start3A_948 = tpu.memref_slice %arg17[%dma_start3A_941] : memref<4x!tpu.dma_semaphore, #tpu.memory_space<semaphore_mem>> -> memref<1x!tpu.dma_semaphore, #tpu.memory_space<semaphore_mem>>
    %dma_start3A_949 = tpu.memref_squeeze %dma_start3A_948 : memref<1x!tpu.dma_semaphore, #tpu.memory_space<semaphore_mem>> -> memref<!tpu.dma_semaphore, #tpu.memory_space<semaphore_mem>>
    tpu.enqueue_indirect_dma source(%dma_start3A_947 : memref<500000x128xf32, #tpu.memory_space<hbm>>) target(%arg13 : memref<128x128xf32, #tpu.memory_space<vmem>>) offsets(%dma_start3A_944 : memref<128xi32, #tpu.memory_space<vmem>>) semaphore(%dma_start3A_949 : memref<!tpu.dma_semaphore, #tpu.memory_space<semaphore_mem>>)
    %dma_start3A_950 = arith.constant 1 : i32
    %dma_start3A_951 = arith.constant 1 : i32
    %dma_start3A_952 = arith.constant 0 : i32
    %dma_start3A_953 = tpu.memref_slice %arg10[%dma_start3A_950, %dma_start3A_952] : memref<4x128xi32, #tpu.memory_space<vmem>> -> memref<1x128xi32, #tpu.memory_space<vmem>>
    %dma_start3A_954 = tpu.memref_squeeze %dma_start3A_953 : memref<1x128xi32, #tpu.memory_space<vmem>> -> memref<128xi32, #tpu.memory_space<vmem>>
    %dma_start3A_955 = arith.constant 0 : i32
    %dma_start3A_956 = arith.constant 0 : i32
    %dma_start3A_957 = tpu.memref_slice %arg4[%dma_start3A_955, %dma_start3A_956] : memref<500000x128xf32, #tpu.memory_space<hbm>> -> memref<500000x128xf32, #tpu.memory_space<hbm>>
    %dma_start3A_958 = tpu.memref_slice %arg17[%dma_start3A_951] : memref<4x!tpu.dma_semaphore, #tpu.memory_space<semaphore_mem>> -> memref<1x!tpu.dma_semaphore, #tpu.memory_space<semaphore_mem>>
    %dma_start3A_959 = tpu.memref_squeeze %dma_start3A_958 : memref<1x!tpu.dma_semaphore, #tpu.memory_space<semaphore_mem>> -> memref<!tpu.dma_semaphore, #tpu.memory_space<semaphore_mem>>
    tpu.enqueue_indirect_dma source(%dma_start3A_957 : memref<500000x128xf32, #tpu.memory_space<hbm>>) target(%arg14 : memref<128x128xf32, #tpu.memory_space<vmem>>) offsets(%dma_start3A_954 : memref<128xi32, #tpu.memory_space<vmem>>) semaphore(%dma_start3A_959 : memref<!tpu.dma_semaphore, #tpu.memory_space<semaphore_mem>>)
    %dma_wait3A_960 = arith.constant 0 : i32
    %dma_wait3A_961 = arith.constant 0 : i32
    %dma_wait3A_962 = arith.constant 0 : i32
    %dma_wait3A_963 = tpu.memref_slice %arg9[%dma_wait3A_960, %dma_wait3A_962] : memref<4x128xi32, #tpu.memory_space<vmem>> -> memref<1x128xi32, #tpu.memory_space<vmem>>
    %dma_wait3A_964 = tpu.memref_squeeze %dma_wait3A_963 : memref<1x128xi32, #tpu.memory_space<vmem>> -> memref<128xi32, #tpu.memory_space<vmem>>
    %dma_wait3A_965 = arith.constant 0 : i32
    %dma_wait3A_966 = arith.constant 0 : i32
    %dma_wait3A_967 = tpu.memref_slice %arg4[%dma_wait3A_965, %dma_wait3A_966] : memref<500000x128xf32, #tpu.memory_space<hbm>> -> memref<500000x128xf32, #tpu.memory_space<hbm>>
    %dma_wait3A_968 = tpu.memref_slice %arg17[%dma_wait3A_961] : memref<4x!tpu.dma_semaphore, #tpu.memory_space<semaphore_mem>> -> memref<1x!tpu.dma_semaphore, #tpu.memory_space<semaphore_mem>>
    %dma_wait3A_969 = tpu.memref_squeeze %dma_wait3A_968 : memref<1x!tpu.dma_semaphore, #tpu.memory_space<semaphore_mem>> -> memref<!tpu.dma_semaphore, #tpu.memory_space<semaphore_mem>>
    tpu.wait_indirect_dma semaphore(%dma_wait3A_969 : memref<!tpu.dma_semaphore, #tpu.memory_space<semaphore_mem>>) src(%dma_wait3A_967 : memref<500000x128xf32, #tpu.memory_space<hbm>>) dst(%arg11 : memref<128x128xf32, #tpu.memory_space<vmem>>)
    %dma_wait3A_970 = arith.constant 0 : i32
    %dma_wait3A_971 = arith.constant 0 : i32
    %dma_wait3A_972 = arith.constant 0 : i32
    %dma_wait3A_973 = tpu.memref_slice %arg10[%dma_wait3A_970, %dma_wait3A_972] : memref<4x128xi32, #tpu.memory_space<vmem>> -> memref<1x128xi32, #tpu.memory_space<vmem>>
    %dma_wait3A_974 = tpu.memref_squeeze %dma_wait3A_973 : memref<1x128xi32, #tpu.memory_space<vmem>> -> memref<128xi32, #tpu.memory_space<vmem>>
    %dma_wait3A_975 = arith.constant 0 : i32
    %dma_wait3A_976 = arith.constant 0 : i32
    %dma_wait3A_977 = tpu.memref_slice %arg4[%dma_wait3A_975, %dma_wait3A_976] : memref<500000x128xf32, #tpu.memory_space<hbm>> -> memref<500000x128xf32, #tpu.memory_space<hbm>>
    %dma_wait3A_978 = tpu.memref_slice %arg17[%dma_wait3A_971] : memref<4x!tpu.dma_semaphore, #tpu.memory_space<semaphore_mem>> -> memref<1x!tpu.dma_semaphore, #tpu.memory_space<semaphore_mem>>
    %dma_wait3A_979 = tpu.memref_squeeze %dma_wait3A_978 : memref<1x!tpu.dma_semaphore, #tpu.memory_space<semaphore_mem>> -> memref<!tpu.dma_semaphore, #tpu.memory_space<semaphore_mem>>
    tpu.wait_indirect_dma semaphore(%dma_wait3A_979 : memref<!tpu.dma_semaphore, #tpu.memory_space<semaphore_mem>>) src(%dma_wait3A_977 : memref<500000x128xf32, #tpu.memory_space<hbm>>) dst(%arg12 : memref<128x128xf32, #tpu.memory_space<vmem>>)
    %scan3A = arith.constant 0 : i32
    %scan3A_980 = arith.constant 0 : i32
    %scan3A_981 = arith.constant 8 : i32
    %scan3A_982 = arith.addi %scan3A_980, %scan3A_981 : i32
    %scan3A_983 = arith.constant 1 : i32
    scf.for %scan3A_1103 = %scan3A_980 to %scan3A_982 step %scan3A_983  : i32 {
      %mul3A_1104 = arith.constant 16 : i32
      %mul3A_1105 = arith.muli %scan3A_1103, %mul3A_1104 : i32
      %add3A_1106 = arith.constant 0 : i32
      %add3A_1107 = arith.addi %add3A_1106, %mul3A_1105 : i32
      %multiple_of3A = tpu.assume_multiple %add3A_1107, 16 : i32
      %mul3A_1108 = arith.constant 16 : i32
      %mul3A_1109 = arith.muli %scan3A_1103, %mul3A_1108 : i32
      %multiple_of3A_1110 = tpu.assume_multiple %mul3A_1109, 16 : i32
      %mul3A_1111 = arith.constant 16 : i32
      %mul3A_1112 = arith.muli %scan3A_1103, %mul3A_1111 : i32
      %add3A_1113 = vector.broadcast %mul3A_1112 : i32 to vector<16xi32>
      %add3A_1114 = arith.addi %add3A_1113, %iota3A : vector<16xi32>
      %get3A_1115 = arith.constant 0 : i32
      %get3A_1116 = arith.index_cast %get3A_1115 : i32 to index
      %get3A_1117 = arith.index_cast %multiple_of3A_1110 : i32 to index
      %get3A_1118 = tpu.vector_load %arg7[%get3A_1116, %get3A_1117] {strides = array<i32>} : memref<4x128xi32, #tpu.memory_space<vmem>>, vector<16xi32>,
      %and3A = arith.constant 1 : i32
      %and3A_1119 = vector.broadcast %and3A : i32 to vector<16xi32>
      %and3A_1120 = arith.andi %get3A_1118, %and3A_1119 : vector<16xi32>
      %get3A_1121 = arith.constant 0 : i32
      %get3A_1122 = arith.index_cast %get3A_1121 : i32 to index
      %get3A_1123 = arith.index_cast %multiple_of3A_1110 : i32 to index
      %get3A_1124 = tpu.vector_load %arg8[%get3A_1122, %get3A_1123] {strides = array<i32>} : memref<4x128xi32, #tpu.memory_space<vmem>>, vector<16xi32>,
      %and3A_1125 = arith.constant 1 : i32
      %and3A_1126 = vector.broadcast %and3A_1125 : i32 to vector<16xi32>
      %and3A_1127 = arith.andi %get3A_1124, %and3A_1126 : vector<16xi32>
      %shift_left3A = arith.constant 7 : i32
      %shift_left3A_1128 = vector.broadcast %shift_left3A : i32 to vector<16xi32>
      %shift_left3A_1129 = arith.shli %add3A_1114, %shift_left3A_1128 : vector<16xi32>
      %shift_left3A_1130 = arith.constant 6 : i32
      %shift_left3A_1131 = vector.broadcast %shift_left3A_1130 : i32 to vector<16xi32>
      %shift_left3A_1132 = arith.shli %and3A_1120, %shift_left3A_1131 : vector<16xi32>
      %add3A_1133 = arith.addi %shift_left3A_1129, %shift_left3A_1132 : vector<16xi32>
      %shift_left3A_1134 = arith.constant 7 : i32
      %shift_left3A_1135 = vector.broadcast %shift_left3A_1134 : i32 to vector<16xi32>
      %shift_left3A_1136 = arith.shli %add3A_1114, %shift_left3A_1135 : vector<16xi32>
      %shift_left3A_1137 = arith.constant 6 : i32
      %shift_left3A_1138 = vector.broadcast %shift_left3A_1137 : i32 to vector<16xi32>
      %shift_left3A_1139 = arith.shli %and3A_1127, %shift_left3A_1138 : vector<16xi32>
      %add3A_1140 = arith.addi %shift_left3A_1136, %shift_left3A_1139 : vector<16xi32>
      %get3A_1141 = arith.index_cast %multiple_of3A : i32 to index
      %get3A_1142 = tpu.vector_load %arg15[%get3A_1141] {strides = array<i32>} : memref<512xf32, #tpu.memory_space<vmem>>, vector<16xf32>,
      %broadcast_in_dim3A = arith.constant 0 : i32
      %broadcast_in_dim3A_1143 = vector.broadcast %broadcast_in_dim3A : i32 to vector<16xi32>
      %scan3A_1144 = arith.constant 0 : i32
      %scan3A_1145 = arith.constant 64 : i32
      %scan3A_1146 = arith.addi %scan3A_1144, %scan3A_1145 : i32
      %scan3A_1147 = arith.constant 4 : i32
      %scan3A_1148:3 = scf.for %scan3A_1152 = %scan3A_1144 to %scan3A_1146 step %scan3A_1147 iter_args(%scan3A_1153 = %get3A_1142, %scan3A_1154 = %add3A_1133, %scan3A_1155 = %add3A_1140) -> (vector<16xf32>, vector<16xi32>, vector<16xi32>)  : i32 {
        %gather3A = tpu.vector_load_idx %arg11[%broadcast_in_dim3A_1143, %scan3A_1154] : memref<128x128xf32, #tpu.memory_space<vmem>>[vector<16xi32>, vector<16xi32>], vector<16xf32>,
        %gather3A_1156 = tpu.vector_load_idx %arg12[%broadcast_in_dim3A_1143, %scan3A_1155] : memref<128x128xf32, #tpu.memory_space<vmem>>[vector<16xi32>, vector<16xi32>], vector<16xf32>,
        %mul3A_1157 = arith.mulf %gather3A, %gather3A_1156 : vector<16xf32>
        %add3A_1158 = arith.addf %scan3A_1153, %mul3A_1157 : vector<16xf32>
        %add3A_1159 = arith.constant 1 : i32
        %add3A_1160 = vector.broadcast %add3A_1159 : i32 to vector<16xi32>
        %add3A_1161 = arith.addi %scan3A_1154, %add3A_1160 : vector<16xi32>
        %add3A_1162 = arith.constant 1 : i32
        %add3A_1163 = vector.broadcast %add3A_1162 : i32 to vector<16xi32>
        %add3A_1164 = arith.addi %scan3A_1155, %add3A_1163 : vector<16xi32>
        %scan3A_1165 = arith.constant 1 : i32
        %scan3A_1166 = arith.addi %scan3A_1152, %scan3A_1165 : i32
        %gather3A_1167 = tpu.vector_load_idx %arg11[%broadcast_in_dim3A_1143, %add3A_1161] : memref<128x128xf32, #tpu.memory_space<vmem>>[vector<16xi32>, vector<16xi32>], vector<16xf32>,
        %gather3A_1168 = tpu.vector_load_idx %arg12[%broadcast_in_dim3A_1143, %add3A_1164] : memref<128x128xf32, #tpu.memory_space<vmem>>[vector<16xi32>, vector<16xi32>], vector<16xf32>,
        %mul3A_1169 = arith.mulf %gather3A_1167, %gather3A_1168 : vector<16xf32>
        %add3A_1170 = arith.addf %add3A_1158, %mul3A_1169 : vector<16xf32>
        %add3A_1171 = arith.constant 1 : i32
        %add3A_1172 = vector.broadcast %add3A_1171 : i32 to vector<16xi32>
        %add3A_1173 = arith.addi %add3A_1161, %add3A_1172 : vector<16xi32>
        %add3A_1174 = arith.constant 1 : i32
        %add3A_1175 = vector.broadcast %add3A_1174 : i32 to vector<16xi32>
        %add3A_1176 = arith.addi %add3A_1164, %add3A_1175 : vector<16xi32>
        %scan3A_1177 = arith.constant 2 : i32
        %scan3A_1178 = arith.addi %scan3A_1152, %scan3A_1177 : i32
        %gather3A_1179 = tpu.vector_load_idx %arg11[%broadcast_in_dim3A_1143, %add3A_1173] : memref<128x128xf32, #tpu.memory_space<vmem>>[vector<16xi32>, vector<16xi32>], vector<16xf32>,
        %gather3A_1180 = tpu.vector_load_idx %arg12[%broadcast_in_dim3A_1143, %add3A_1176] : memref<128x128xf32, #tpu.memory_space<vmem>>[vector<16xi32>, vector<16xi32>], vector<16xf32>,
        %mul3A_1181 = arith.mulf %gather3A_1179, %gather3A_1180 : vector<16xf32>
        %add3A_1182 = arith.addf %add3A_1170, %mul3A_1181 : vector<16xf32>
        %add3A_1183 = arith.constant 1 : i32
        %add3A_1184 = vector.broadcast %add3A_1183 : i32 to vector<16xi32>
        %add3A_1185 = arith.addi %add3A_1173, %add3A_1184 : vector<16xi32>
        %add3A_1186 = arith.constant 1 : i32
        %add3A_1187 = vector.broadcast %add3A_1186 : i32 to vector<16xi32>
        %add3A_1188 = arith.addi %add3A_1176, %add3A_1187 : vector<16xi32>
        %scan3A_1189 = arith.constant 3 : i32
        %scan3A_1190 = arith.addi %scan3A_1152, %scan3A_1189 : i32
        %gather3A_1191 = tpu.vector_load_idx %arg11[%broadcast_in_dim3A_1143, %add3A_1185] : memref<128x128xf32, #tpu.memory_space<vmem>>[vector<16xi32>, vector<16xi32>], vector<16xf32>,
        %gather3A_1192 = tpu.vector_load_idx %arg12[%broadcast_in_dim3A_1143, %add3A_1188] : memref<128x128xf32, #tpu.memory_space<vmem>>[vector<16xi32>, vector<16xi32>], vector<16xf32>,
        %mul3A_1193 = arith.mulf %gather3A_1191, %gather3A_1192 : vector<16xf32>
        %add3A_1194 = arith.addf %add3A_1182, %mul3A_1193 : vector<16xf32>
        %add3A_1195 = arith.constant 1 : i32
        %add3A_1196 = vector.broadcast %add3A_1195 : i32 to vector<16xi32>
        %add3A_1197 = arith.addi %add3A_1185, %add3A_1196 : vector<16xi32>
        %add3A_1198 = arith.constant 1 : i32
        %add3A_1199 = vector.broadcast %add3A_1198 : i32 to vector<16xi32>
        %add3A_1200 = arith.addi %add3A_1188, %add3A_1199 : vector<16xi32>
        scf.yield %add3A_1194, %add3A_1197, %add3A_1200 : vector<16xf32>, vector<16xi32>, vector<16xi32>
      }
      %scan3A_1149 = arith.constant 64 : i32
      %swap3A_1150 = arith.index_cast %multiple_of3A : i32 to index
      %swap3A_1151 = tpu.vector_load %arg16[%swap3A_1150] {strides = array<i32>} : memref<512xf32, #tpu.memory_space<vmem>>, vector<16xf32>,
      tpu.vector_store %arg16[%swap3A_1150], %scan3A_1148#0 {strides = array<i32>} : memref<512xf32, #tpu.memory_space<vmem>>, vector<16xf32>,
    }
    %scan3A_984 = arith.constant 8 : i32
    %dma_start3A_985 = arith.constant 2 : i32
    %dma_start3A_986 = arith.constant 2 : i32
    %dma_start3A_987 = arith.constant 0 : i32
    %dma_start3A_988 = tpu.memref_slice %arg9[%dma_start3A_985, %dma_start3A_987] : memref<4x128xi32, #tpu.memory_space<vmem>> -> memref<1x128xi32, #tpu.memory_space<vmem>>
    %dma_start3A_989 = tpu.memref_squeeze %dma_start3A_988 : memref<1x128xi32, #tpu.memory_space<vmem>> -> memref<128xi32, #tpu.memory_space<vmem>>
    %dma_start3A_990 = arith.constant 0 : i32
    %dma_start3A_991 = arith.constant 0 : i32
    %dma_start3A_992 = tpu.memref_slice %arg4[%dma_start3A_990, %dma_start3A_991] : memref<500000x128xf32, #tpu.memory_space<hbm>> -> memref<500000x128xf32, #tpu.memory_space<hbm>>
    %dma_start3A_993 = tpu.memref_slice %arg17[%dma_start3A_986] : memref<4x!tpu.dma_semaphore, #tpu.memory_space<semaphore_mem>> -> memref<1x!tpu.dma_semaphore, #tpu.memory_space<semaphore_mem>>
    %dma_start3A_994 = tpu.memref_squeeze %dma_start3A_993 : memref<1x!tpu.dma_semaphore, #tpu.memory_space<semaphore_mem>> -> memref<!tpu.dma_semaphore, #tpu.memory_space<semaphore_mem>>
    tpu.enqueue_indirect_dma source(%dma_start3A_992 : memref<500000x128xf32, #tpu.memory_space<hbm>>) target(%arg11 : memref<128x128xf32, #tpu.memory_space<vmem>>) offsets(%dma_start3A_989 : memref<128xi32, #tpu.memory_space<vmem>>) semaphore(%dma_start3A_994 : memref<!tpu.dma_semaphore, #tpu.memory_space<semaphore_mem>>)
    %dma_start3A_995 = arith.constant 2 : i32
    %dma_start3A_996 = arith.constant 2 : i32
    %dma_start3A_997 = arith.constant 0 : i32
    %dma_start3A_998 = tpu.memref_slice %arg10[%dma_start3A_995, %dma_start3A_997] : memref<4x128xi32, #tpu.memory_space<vmem>> -> memref<1x128xi32, #tpu.memory_space<vmem>>
    %dma_start3A_999 = tpu.memref_squeeze %dma_start3A_998 : memref<1x128xi32, #tpu.memory_space<vmem>> -> memref<128xi32, #tpu.memory_space<vmem>>
    %dma_start3A_1000 = arith.constant 0 : i32
    %dma_start3A_1001 = arith.constant 0 : i32
    %dma_start3A_1002 = tpu.memref_slice %arg4[%dma_start3A_1000, %dma_start3A_1001] : memref<500000x128xf32, #tpu.memory_space<hbm>> -> memref<500000x128xf32, #tpu.memory_space<hbm>>
    %dma_start3A_1003 = tpu.memref_slice %arg17[%dma_start3A_996] : memref<4x!tpu.dma_semaphore, #tpu.memory_space<semaphore_mem>> -> memref<1x!tpu.dma_semaphore, #tpu.memory_space<semaphore_mem>>
    %dma_start3A_1004 = tpu.memref_squeeze %dma_start3A_1003 : memref<1x!tpu.dma_semaphore, #tpu.memory_space<semaphore_mem>> -> memref<!tpu.dma_semaphore, #tpu.memory_space<semaphore_mem>>
    tpu.enqueue_indirect_dma source(%dma_start3A_1002 : memref<500000x128xf32, #tpu.memory_space<hbm>>) target(%arg12 : memref<128x128xf32, #tpu.memory_space<vmem>>) offsets(%dma_start3A_999 : memref<128xi32, #tpu.memory_space<vmem>>) semaphore(%dma_start3A_1004 : memref<!tpu.dma_semaphore, #tpu.memory_space<semaphore_mem>>)
    %dma_wait3A_1005 = arith.constant 1 : i32
    %dma_wait3A_1006 = arith.constant 1 : i32
    %dma_wait3A_1007 = arith.constant 0 : i32
    %dma_wait3A_1008 = tpu.memref_slice %arg9[%dma_wait3A_1005, %dma_wait3A_1007] : memref<4x128xi32, #tpu.memory_space<vmem>> -> memref<1x128xi32, #tpu.memory_space<vmem>>
    %dma_wait3A_1009 = tpu.memref_squeeze %dma_wait3A_1008 : memref<1x128xi32, #tpu.memory_space<vmem>> -> memref<128xi32, #tpu.memory_space<vmem>>
    %dma_wait3A_1010 = arith.constant 0 : i32
    %dma_wait3A_1011 = arith.constant 0 : i32
    %dma_wait3A_1012 = tpu.memref_slice %arg4[%dma_wait3A_1010, %dma_wait3A_1011] : memref<500000x128xf32, #tpu.memory_space<hbm>> -> memref<500000x128xf32, #tpu.memory_space<hbm>>
    %dma_wait3A_1013 = tpu.memref_slice %arg17[%dma_wait3A_1006] : memref<4x!tpu.dma_semaphore, #tpu.memory_space<semaphore_mem>> -> memref<1x!tpu.dma_semaphore, #tpu.memory_space<semaphore_mem>>
    %dma_wait3A_1014 = tpu.memref_squeeze %dma_wait3A_1013 : memref<1x!tpu.dma_semaphore, #tpu.memory_space<semaphore_mem>> -> memref<!tpu.dma_semaphore, #tpu.memory_space<semaphore_mem>>
    tpu.wait_indirect_dma semaphore(%dma_wait3A_1014 : memref<!tpu.dma_semaphore, #tpu.memory_space<semaphore_mem>>) src(%dma_wait3A_1012 : memref<500000x128xf32, #tpu.memory_space<hbm>>) dst(%arg13 : memref<128x128xf32, #tpu.memory_space<vmem>>)
    %dma_wait3A_1015 = arith.constant 1 : i32
    %dma_wait3A_1016 = arith.constant 1 : i32
    %dma_wait3A_1017 = arith.constant 0 : i32
    %dma_wait3A_1018 = tpu.memref_slice %arg10[%dma_wait3A_1015, %dma_wait3A_1017] : memref<4x128xi32, #tpu.memory_space<vmem>> -> memref<1x128xi32, #tpu.memory_space<vmem>>
    %dma_wait3A_1019 = tpu.memref_squeeze %dma_wait3A_1018 : memref<1x128xi32, #tpu.memory_space<vmem>> -> memref<128xi32, #tpu.memory_space<vmem>>
    %dma_wait3A_1020 = arith.constant 0 : i32
    %dma_wait3A_1021 = arith.constant 0 : i32
    %dma_wait3A_1022 = tpu.memref_slice %arg4[%dma_wait3A_1020, %dma_wait3A_1021] : memref<500000x128xf32, #tpu.memory_space<hbm>> -> memref<500000x128xf32, #tpu.memory_space<hbm>>
    %dma_wait3A_1023 = tpu.memref_slice %arg17[%dma_wait3A_1016] : memref<4x!tpu.dma_semaphore, #tpu.memory_space<semaphore_mem>> -> memref<1x!tpu.dma_semaphore, #tpu.memory_space<semaphore_mem>>
    %dma_wait3A_1024 = tpu.memref_squeeze %dma_wait3A_1023 : memref<1x!tpu.dma_semaphore, #tpu.memory_space<semaphore_mem>> -> memref<!tpu.dma_semaphore, #tpu.memory_space<semaphore_mem>>
    tpu.wait_indirect_dma semaphore(%dma_wait3A_1024 : memref<!tpu.dma_semaphore, #tpu.memory_space<semaphore_mem>>) src(%dma_wait3A_1022 : memref<500000x128xf32, #tpu.memory_space<hbm>>) dst(%arg14 : memref<128x128xf32, #tpu.memory_space<vmem>>)
    %scan3A_1025 = arith.constant 0 : i32
    %scan3A_1026 = arith.constant 0 : i32
    %scan3A_1027 = arith.constant 8 : i32
    %scan3A_1028 = arith.addi %scan3A_1026, %scan3A_1027 : i32
    %scan3A_1029 = arith.constant 1 : i32
    scf.for %scan3A_1103 = %scan3A_1026 to %scan3A_1028 step %scan3A_1029  : i32 {
      %mul3A_1104 = arith.constant 16 : i32
      %mul3A_1105 = arith.muli %scan3A_1103, %mul3A_1104 : i32
      %add3A_1106 = arith.constant 128 : i32
      %add3A_1107 = arith.addi %add3A_1106, %mul3A_1105 : i32
      %multiple_of3A = tpu.assume_multiple %add3A_1107, 16 : i32
      %mul3A_1108 = arith.constant 16 : i32
      %mul3A_1109 = arith.muli %scan3A_1103, %mul3A_1108 : i32
      %multiple_of3A_1110 = tpu.assume_multiple %mul3A_1109, 16 : i32
      %mul3A_1111 = arith.constant 16 : i32
      %mul3A_1112 = arith.muli %scan3A_1103, %mul3A_1111 : i32
      %add3A_1113 = vector.broadcast %mul3A_1112 : i32 to vector<16xi32>
      %add3A_1114 = arith.addi %add3A_1113, %iota3A : vector<16xi32>
      %get3A_1115 = arith.constant 1 : i32
      %get3A_1116 = arith.index_cast %get3A_1115 : i32 to index
      %get3A_1117 = arith.index_cast %multiple_of3A_1110 : i32 to index
      %get3A_1118 = tpu.vector_load %arg7[%get3A_1116, %get3A_1117] {strides = array<i32>} : memref<4x128xi32, #tpu.memory_space<vmem>>, vector<16xi32>,
      %and3A = arith.constant 1 : i32
      %and3A_1119 = vector.broadcast %and3A : i32 to vector<16xi32>
      %and3A_1120 = arith.andi %get3A_1118, %and3A_1119 : vector<16xi32>
      %get3A_1121 = arith.constant 1 : i32
      %get3A_1122 = arith.index_cast %get3A_1121 : i32 to index
      %get3A_1123 = arith.index_cast %multiple_of3A_1110 : i32 to index
      %get3A_1124 = tpu.vector_load %arg8[%get3A_1122, %get3A_1123] {strides = array<i32>} : memref<4x128xi32, #tpu.memory_space<vmem>>, vector<16xi32>,
      %and3A_1125 = arith.constant 1 : i32
      %and3A_1126 = vector.broadcast %and3A_1125 : i32 to vector<16xi32>
      %and3A_1127 = arith.andi %get3A_1124, %and3A_1126 : vector<16xi32>
      %shift_left3A = arith.constant 7 : i32
      %shift_left3A_1128 = vector.broadcast %shift_left3A : i32 to vector<16xi32>
      %shift_left3A_1129 = arith.shli %add3A_1114, %shift_left3A_1128 : vector<16xi32>
      %shift_left3A_1130 = arith.constant 6 : i32
      %shift_left3A_1131 = vector.broadcast %shift_left3A_1130 : i32 to vector<16xi32>
      %shift_left3A_1132 = arith.shli %and3A_1120, %shift_left3A_1131 : vector<16xi32>
      %add3A_1133 = arith.addi %shift_left3A_1129, %shift_left3A_1132 : vector<16xi32>
      %shift_left3A_1134 = arith.constant 7 : i32
      %shift_left3A_1135 = vector.broadcast %shift_left3A_1134 : i32 to vector<16xi32>
      %shift_left3A_1136 = arith.shli %add3A_1114, %shift_left3A_1135 : vector<16xi32>
      %shift_left3A_1137 = arith.constant 6 : i32
      %shift_left3A_1138 = vector.broadcast %shift_left3A_1137 : i32 to vector<16xi32>
      %shift_left3A_1139 = arith.shli %and3A_1127, %shift_left3A_1138 : vector<16xi32>
      %add3A_1140 = arith.addi %shift_left3A_1136, %shift_left3A_1139 : vector<16xi32>
      %get3A_1141 = arith.index_cast %multiple_of3A : i32 to index
      %get3A_1142 = tpu.vector_load %arg15[%get3A_1141] {strides = array<i32>} : memref<512xf32, #tpu.memory_space<vmem>>, vector<16xf32>,
      %broadcast_in_dim3A = arith.constant 0 : i32
      %broadcast_in_dim3A_1143 = vector.broadcast %broadcast_in_dim3A : i32 to vector<16xi32>
      %scan3A_1144 = arith.constant 0 : i32
      %scan3A_1145 = arith.constant 64 : i32
      %scan3A_1146 = arith.addi %scan3A_1144, %scan3A_1145 : i32
      %scan3A_1147 = arith.constant 4 : i32
      %scan3A_1148:3 = scf.for %scan3A_1152 = %scan3A_1144 to %scan3A_1146 step %scan3A_1147 iter_args(%scan3A_1153 = %get3A_1142, %scan3A_1154 = %add3A_1133, %scan3A_1155 = %add3A_1140) -> (vector<16xf32>, vector<16xi32>, vector<16xi32>)  : i32 {
        %gather3A = tpu.vector_load_idx %arg13[%broadcast_in_dim3A_1143, %scan3A_1154] : memref<128x128xf32, #tpu.memory_space<vmem>>[vector<16xi32>, vector<16xi32>], vector<16xf32>,
        %gather3A_1156 = tpu.vector_load_idx %arg14[%broadcast_in_dim3A_1143, %scan3A_1155] : memref<128x128xf32, #tpu.memory_space<vmem>>[vector<16xi32>, vector<16xi32>], vector<16xf32>,
        %mul3A_1157 = arith.mulf %gather3A, %gather3A_1156 : vector<16xf32>
        %add3A_1158 = arith.addf %scan3A_1153, %mul3A_1157 : vector<16xf32>
        %add3A_1159 = arith.constant 1 : i32
        %add3A_1160 = vector.broadcast %add3A_1159 : i32 to vector<16xi32>
        %add3A_1161 = arith.addi %scan3A_1154, %add3A_1160 : vector<16xi32>
        %add3A_1162 = arith.constant 1 : i32
        %add3A_1163 = vector.broadcast %add3A_1162 : i32 to vector<16xi32>
        %add3A_1164 = arith.addi %scan3A_1155, %add3A_1163 : vector<16xi32>
        %scan3A_1165 = arith.constant 1 : i32
        %scan3A_1166 = arith.addi %scan3A_1152, %scan3A_1165 : i32
        %gather3A_1167 = tpu.vector_load_idx %arg13[%broadcast_in_dim3A_1143, %add3A_1161] : memref<128x128xf32, #tpu.memory_space<vmem>>[vector<16xi32>, vector<16xi32>], vector<16xf32>,
        %gather3A_1168 = tpu.vector_load_idx %arg14[%broadcast_in_dim3A_1143, %add3A_1164] : memref<128x128xf32, #tpu.memory_space<vmem>>[vector<16xi32>, vector<16xi32>], vector<16xf32>,
        %mul3A_1169 = arith.mulf %gather3A_1167, %gather3A_1168 : vector<16xf32>
        %add3A_1170 = arith.addf %add3A_1158, %mul3A_1169 : vector<16xf32>
        %add3A_1171 = arith.constant 1 : i32
        %add3A_1172 = vector.broadcast %add3A_1171 : i32 to vector<16xi32>
        %add3A_1173 = arith.addi %add3A_1161, %add3A_1172 : vector<16xi32>
        %add3A_1174 = arith.constant 1 : i32
        %add3A_1175 = vector.broadcast %add3A_1174 : i32 to vector<16xi32>
        %add3A_1176 = arith.addi %add3A_1164, %add3A_1175 : vector<16xi32>
        %scan3A_1177 = arith.constant 2 : i32
        %scan3A_1178 = arith.addi %scan3A_1152, %scan3A_1177 : i32
        %gather3A_1179 = tpu.vector_load_idx %arg13[%broadcast_in_dim3A_1143, %add3A_1173] : memref<128x128xf32, #tpu.memory_space<vmem>>[vector<16xi32>, vector<16xi32>], vector<16xf32>,
        %gather3A_1180 = tpu.vector_load_idx %arg14[%broadcast_in_dim3A_1143, %add3A_1176] : memref<128x128xf32, #tpu.memory_space<vmem>>[vector<16xi32>, vector<16xi32>], vector<16xf32>,
        %mul3A_1181 = arith.mulf %gather3A_1179, %gather3A_1180 : vector<16xf32>
        %add3A_1182 = arith.addf %add3A_1170, %mul3A_1181 : vector<16xf32>
        %add3A_1183 = arith.constant 1 : i32
        %add3A_1184 = vector.broadcast %add3A_1183 : i32 to vector<16xi32>
        %add3A_1185 = arith.addi %add3A_1173, %add3A_1184 : vector<16xi32>
        %add3A_1186 = arith.constant 1 : i32
        %add3A_1187 = vector.broadcast %add3A_1186 : i32 to vector<16xi32>
        %add3A_1188 = arith.addi %add3A_1176, %add3A_1187 : vector<16xi32>
        %scan3A_1189 = arith.constant 3 : i32
        %scan3A_1190 = arith.addi %scan3A_1152, %scan3A_1189 : i32
        %gather3A_1191 = tpu.vector_load_idx %arg13[%broadcast_in_dim3A_1143, %add3A_1185] : memref<128x128xf32, #tpu.memory_space<vmem>>[vector<16xi32>, vector<16xi32>], vector<16xf32>,
        %gather3A_1192 = tpu.vector_load_idx %arg14[%broadcast_in_dim3A_1143, %add3A_1188] : memref<128x128xf32, #tpu.memory_space<vmem>>[vector<16xi32>, vector<16xi32>], vector<16xf32>,
        %mul3A_1193 = arith.mulf %gather3A_1191, %gather3A_1192 : vector<16xf32>
        %add3A_1194 = arith.addf %add3A_1182, %mul3A_1193 : vector<16xf32>
        %add3A_1195 = arith.constant 1 : i32
        %add3A_1196 = vector.broadcast %add3A_1195 : i32 to vector<16xi32>
        %add3A_1197 = arith.addi %add3A_1185, %add3A_1196 : vector<16xi32>
        %add3A_1198 = arith.constant 1 : i32
        %add3A_1199 = vector.broadcast %add3A_1198 : i32 to vector<16xi32>
        %add3A_1200 = arith.addi %add3A_1188, %add3A_1199 : vector<16xi32>
        scf.yield %add3A_1194, %add3A_1197, %add3A_1200 : vector<16xf32>, vector<16xi32>, vector<16xi32>
      }
      %scan3A_1149 = arith.constant 64 : i32
      %swap3A_1150 = arith.index_cast %multiple_of3A : i32 to index
      %swap3A_1151 = tpu.vector_load %arg16[%swap3A_1150] {strides = array<i32>} : memref<512xf32, #tpu.memory_space<vmem>>, vector<16xf32>,
      tpu.vector_store %arg16[%swap3A_1150], %scan3A_1148#0 {strides = array<i32>} : memref<512xf32, #tpu.memory_space<vmem>>, vector<16xf32>,
    }
    %scan3A_1030 = arith.constant 8 : i32
    %dma_start3A_1031 = arith.constant 3 : i32
    %dma_start3A_1032 = arith.constant 3 : i32
    %dma_start3A_1033 = arith.constant 0 : i32
    %dma_start3A_1034 = tpu.memref_slice %arg9[%dma_start3A_1031, %dma_start3A_1033] : memref<4x128xi32, #tpu.memory_space<vmem>> -> memref<1x128xi32, #tpu.memory_space<vmem>>
    %dma_start3A_1035 = tpu.memref_squeeze %dma_start3A_1034 : memref<1x128xi32, #tpu.memory_space<vmem>> -> memref<128xi32, #tpu.memory_space<vmem>>
    %dma_start3A_1036 = arith.constant 0 : i32
    %dma_start3A_1037 = arith.constant 0 : i32
    %dma_start3A_1038 = tpu.memref_slice %arg4[%dma_start3A_1036, %dma_start3A_1037] : memref<500000x128xf32, #tpu.memory_space<hbm>> -> memref<500000x128xf32, #tpu.memory_space<hbm>>
    %dma_start3A_1039 = tpu.memref_slice %arg17[%dma_start3A_1032] : memref<4x!tpu.dma_semaphore, #tpu.memory_space<semaphore_mem>> -> memref<1x!tpu.dma_semaphore, #tpu.memory_space<semaphore_mem>>
    %dma_start3A_1040 = tpu.memref_squeeze %dma_start3A_1039 : memref<1x!tpu.dma_semaphore, #tpu.memory_space<semaphore_mem>> -> memref<!tpu.dma_semaphore, #tpu.memory_space<semaphore_mem>>
    tpu.enqueue_indirect_dma source(%dma_start3A_1038 : memref<500000x128xf32, #tpu.memory_space<hbm>>) target(%arg13 : memref<128x128xf32, #tpu.memory_space<vmem>>) offsets(%dma_start3A_1035 : memref<128xi32, #tpu.memory_space<vmem>>) semaphore(%dma_start3A_1040 : memref<!tpu.dma_semaphore, #tpu.memory_space<semaphore_mem>>)
    %dma_start3A_1041 = arith.constant 3 : i32
    %dma_start3A_1042 = arith.constant 3 : i32
    %dma_start3A_1043 = arith.constant 0 : i32
    %dma_start3A_1044 = tpu.memref_slice %arg10[%dma_start3A_1041, %dma_start3A_1043] : memref<4x128xi32, #tpu.memory_space<vmem>> -> memref<1x128xi32, #tpu.memory_space<vmem>>
    %dma_start3A_1045 = tpu.memref_squeeze %dma_start3A_1044 : memref<1x128xi32, #tpu.memory_space<vmem>> -> memref<128xi32, #tpu.memory_space<vmem>>
    %dma_start3A_1046 = arith.constant 0 : i32
    %dma_start3A_1047 = arith.constant 0 : i32
    %dma_start3A_1048 = tpu.memref_slice %arg4[%dma_start3A_1046, %dma_start3A_1047] : memref<500000x128xf32, #tpu.memory_space<hbm>> -> memref<500000x128xf32, #tpu.memory_space<hbm>>
    %dma_start3A_1049 = tpu.memref_slice %arg17[%dma_start3A_1042] : memref<4x!tpu.dma_semaphore, #tpu.memory_space<semaphore_mem>> -> memref<1x!tpu.dma_semaphore, #tpu.memory_space<semaphore_mem>>
    %dma_start3A_1050 = tpu.memref_squeeze %dma_start3A_1049 : memref<1x!tpu.dma_semaphore, #tpu.memory_space<semaphore_mem>> -> memref<!tpu.dma_semaphore, #tpu.memory_space<semaphore_mem>>
    tpu.enqueue_indirect_dma source(%dma_start3A_1048 : memref<500000x128xf32, #tpu.memory_space<hbm>>) target(%arg14 : memref<128x128xf32, #tpu.memory_space<vmem>>) offsets(%dma_start3A_1045 : memref<128xi32, #tpu.memory_space<vmem>>) semaphore(%dma_start3A_1050 : memref<!tpu.dma_semaphore, #tpu.memory_space<semaphore_mem>>)
    %dma_wait3A_1051 = arith.constant 2 : i32
    %dma_wait3A_1052 = arith.constant 2 : i32
    %dma_wait3A_1053 = arith.constant 0 : i32
    %dma_wait3A_1054 = tpu.memref_slice %arg9[%dma_wait3A_1051, %dma_wait3A_1053] : memref<4x128xi32, #tpu.memory_space<vmem>> -> memref<1x128xi32, #tpu.memory_space<vmem>>
    %dma_wait3A_1055 = tpu.memref_squeeze %dma_wait3A_1054 : memref<1x128xi32, #tpu.memory_space<vmem>> -> memref<128xi32, #tpu.memory_space<vmem>>
    %dma_wait3A_1056 = arith.constant 0 : i32
    %dma_wait3A_1057 = arith.constant 0 : i32
    %dma_wait3A_1058 = tpu.memref_slice %arg4[%dma_wait3A_1056, %dma_wait3A_1057] : memref<500000x128xf32, #tpu.memory_space<hbm>> -> memref<500000x128xf32, #tpu.memory_space<hbm>>
    %dma_wait3A_1059 = tpu.memref_slice %arg17[%dma_wait3A_1052] : memref<4x!tpu.dma_semaphore, #tpu.memory_space<semaphore_mem>> -> memref<1x!tpu.dma_semaphore, #tpu.memory_space<semaphore_mem>>
    %dma_wait3A_1060 = tpu.memref_squeeze %dma_wait3A_1059 : memref<1x!tpu.dma_semaphore, #tpu.memory_space<semaphore_mem>> -> memref<!tpu.dma_semaphore, #tpu.memory_space<semaphore_mem>>
    tpu.wait_indirect_dma semaphore(%dma_wait3A_1060 : memref<!tpu.dma_semaphore, #tpu.memory_space<semaphore_mem>>) src(%dma_wait3A_1058 : memref<500000x128xf32, #tpu.memory_space<hbm>>) dst(%arg11 : memref<128x128xf32, #tpu.memory_space<vmem>>)
    %dma_wait3A_1061 = arith.constant 2 : i32
    %dma_wait3A_1062 = arith.constant 2 : i32
    %dma_wait3A_1063 = arith.constant 0 : i32
    %dma_wait3A_1064 = tpu.memref_slice %arg10[%dma_wait3A_1061, %dma_wait3A_1063] : memref<4x128xi32, #tpu.memory_space<vmem>> -> memref<1x128xi32, #tpu.memory_space<vmem>>
    %dma_wait3A_1065 = tpu.memref_squeeze %dma_wait3A_1064 : memref<1x128xi32, #tpu.memory_space<vmem>> -> memref<128xi32, #tpu.memory_space<vmem>>
    %dma_wait3A_1066 = arith.constant 0 : i32
    %dma_wait3A_1067 = arith.constant 0 : i32
    %dma_wait3A_1068 = tpu.memref_slice %arg4[%dma_wait3A_1066, %dma_wait3A_1067] : memref<500000x128xf32, #tpu.memory_space<hbm>> -> memref<500000x128xf32, #tpu.memory_space<hbm>>
    %dma_wait3A_1069 = tpu.memref_slice %arg17[%dma_wait3A_1062] : memref<4x!tpu.dma_semaphore, #tpu.memory_space<semaphore_mem>> -> memref<1x!tpu.dma_semaphore, #tpu.memory_space<semaphore_mem>>
    %dma_wait3A_1070 = tpu.memref_squeeze %dma_wait3A_1069 : memref<1x!tpu.dma_semaphore, #tpu.memory_space<semaphore_mem>> -> memref<!tpu.dma_semaphore, #tpu.memory_space<semaphore_mem>>
    tpu.wait_indirect_dma semaphore(%dma_wait3A_1070 : memref<!tpu.dma_semaphore, #tpu.memory_space<semaphore_mem>>) src(%dma_wait3A_1068 : memref<500000x128xf32, #tpu.memory_space<hbm>>) dst(%arg12 : memref<128x128xf32, #tpu.memory_space<vmem>>)
    %scan3A_1071 = arith.constant 0 : i32
    %scan3A_1072 = arith.constant 0 : i32
    %scan3A_1073 = arith.constant 8 : i32
    %scan3A_1074 = arith.addi %scan3A_1072, %scan3A_1073 : i32
    %scan3A_1075 = arith.constant 1 : i32
    scf.for %scan3A_1103 = %scan3A_1072 to %scan3A_1074 step %scan3A_1075  : i32 {
      %mul3A_1104 = arith.constant 16 : i32
      %mul3A_1105 = arith.muli %scan3A_1103, %mul3A_1104 : i32
      %add3A_1106 = arith.constant 256 : i32
      %add3A_1107 = arith.addi %add3A_1106, %mul3A_1105 : i32
      %multiple_of3A = tpu.assume_multiple %add3A_1107, 16 : i32
      %mul3A_1108 = arith.constant 16 : i32
      %mul3A_1109 = arith.muli %scan3A_1103, %mul3A_1108 : i32
      %multiple_of3A_1110 = tpu.assume_multiple %mul3A_1109, 16 : i32
      %mul3A_1111 = arith.constant 16 : i32
      %mul3A_1112 = arith.muli %scan3A_1103, %mul3A_1111 : i32
      %add3A_1113 = vector.broadcast %mul3A_1112 : i32 to vector<16xi32>
      %add3A_1114 = arith.addi %add3A_1113, %iota3A : vector<16xi32>
      %get3A_1115 = arith.constant 2 : i32
      %get3A_1116 = arith.index_cast %get3A_1115 : i32 to index
      %get3A_1117 = arith.index_cast %multiple_of3A_1110 : i32 to index
      %get3A_1118 = tpu.vector_load %arg7[%get3A_1116, %get3A_1117] {strides = array<i32>} : memref<4x128xi32, #tpu.memory_space<vmem>>, vector<16xi32>,
      %and3A = arith.constant 1 : i32
      %and3A_1119 = vector.broadcast %and3A : i32 to vector<16xi32>
      %and3A_1120 = arith.andi %get3A_1118, %and3A_1119 : vector<16xi32>
      %get3A_1121 = arith.constant 2 : i32
      %get3A_1122 = arith.index_cast %get3A_1121 : i32 to index
      %get3A_1123 = arith.index_cast %multiple_of3A_1110 : i32 to index
      %get3A_1124 = tpu.vector_load %arg8[%get3A_1122, %get3A_1123] {strides = array<i32>} : memref<4x128xi32, #tpu.memory_space<vmem>>, vector<16xi32>,
      %and3A_1125 = arith.constant 1 : i32
      %and3A_1126 = vector.broadcast %and3A_1125 : i32 to vector<16xi32>
      %and3A_1127 = arith.andi %get3A_1124, %and3A_1126 : vector<16xi32>
      %shift_left3A = arith.constant 7 : i32
      %shift_left3A_1128 = vector.broadcast %shift_left3A : i32 to vector<16xi32>
      %shift_left3A_1129 = arith.shli %add3A_1114, %shift_left3A_1128 : vector<16xi32>
      %shift_left3A_1130 = arith.constant 6 : i32
      %shift_left3A_1131 = vector.broadcast %shift_left3A_1130 : i32 to vector<16xi32>
      %shift_left3A_1132 = arith.shli %and3A_1120, %shift_left3A_1131 : vector<16xi32>
      %add3A_1133 = arith.addi %shift_left3A_1129, %shift_left3A_1132 : vector<16xi32>
      %shift_left3A_1134 = arith.constant 7 : i32
      %shift_left3A_1135 = vector.broadcast %shift_left3A_1134 : i32 to vector<16xi32>
      %shift_left3A_1136 = arith.shli %add3A_1114, %shift_left3A_1135 : vector<16xi32>
      %shift_left3A_1137 = arith.constant 6 : i32
      %shift_left3A_1138 = vector.broadcast %shift_left3A_1137 : i32 to vector<16xi32>
      %shift_left3A_1139 = arith.shli %and3A_1127, %shift_left3A_1138 : vector<16xi32>
      %add3A_1140 = arith.addi %shift_left3A_1136, %shift_left3A_1139 : vector<16xi32>
      %get3A_1141 = arith.index_cast %multiple_of3A : i32 to index
      %get3A_1142 = tpu.vector_load %arg15[%get3A_1141] {strides = array<i32>} : memref<512xf32, #tpu.memory_space<vmem>>, vector<16xf32>,
      %broadcast_in_dim3A = arith.constant 0 : i32
      %broadcast_in_dim3A_1143 = vector.broadcast %broadcast_in_dim3A : i32 to vector<16xi32>
      %scan3A_1144 = arith.constant 0 : i32
      %scan3A_1145 = arith.constant 64 : i32
      %scan3A_1146 = arith.addi %scan3A_1144, %scan3A_1145 : i32
      %scan3A_1147 = arith.constant 4 : i32
      %scan3A_1148:3 = scf.for %scan3A_1152 = %scan3A_1144 to %scan3A_1146 step %scan3A_1147 iter_args(%scan3A_1153 = %get3A_1142, %scan3A_1154 = %add3A_1133, %scan3A_1155 = %add3A_1140) -> (vector<16xf32>, vector<16xi32>, vector<16xi32>)  : i32 {
        %gather3A = tpu.vector_load_idx %arg11[%broadcast_in_dim3A_1143, %scan3A_1154] : memref<128x128xf32, #tpu.memory_space<vmem>>[vector<16xi32>, vector<16xi32>], vector<16xf32>,
        %gather3A_1156 = tpu.vector_load_idx %arg12[%broadcast_in_dim3A_1143, %scan3A_1155] : memref<128x128xf32, #tpu.memory_space<vmem>>[vector<16xi32>, vector<16xi32>], vector<16xf32>,
        %mul3A_1157 = arith.mulf %gather3A, %gather3A_1156 : vector<16xf32>
        %add3A_1158 = arith.addf %scan3A_1153, %mul3A_1157 : vector<16xf32>
        %add3A_1159 = arith.constant 1 : i32
        %add3A_1160 = vector.broadcast %add3A_1159 : i32 to vector<16xi32>
        %add3A_1161 = arith.addi %scan3A_1154, %add3A_1160 : vector<16xi32>
        %add3A_1162 = arith.constant 1 : i32
        %add3A_1163 = vector.broadcast %add3A_1162 : i32 to vector<16xi32>
        %add3A_1164 = arith.addi %scan3A_1155, %add3A_1163 : vector<16xi32>
        %scan3A_1165 = arith.constant 1 : i32
        %scan3A_1166 = arith.addi %scan3A_1152, %scan3A_1165 : i32
        %gather3A_1167 = tpu.vector_load_idx %arg11[%broadcast_in_dim3A_1143, %add3A_1161] : memref<128x128xf32, #tpu.memory_space<vmem>>[vector<16xi32>, vector<16xi32>], vector<16xf32>,
        %gather3A_1168 = tpu.vector_load_idx %arg12[%broadcast_in_dim3A_1143, %add3A_1164] : memref<128x128xf32, #tpu.memory_space<vmem>>[vector<16xi32>, vector<16xi32>], vector<16xf32>,
        %mul3A_1169 = arith.mulf %gather3A_1167, %gather3A_1168 : vector<16xf32>
        %add3A_1170 = arith.addf %add3A_1158, %mul3A_1169 : vector<16xf32>
        %add3A_1171 = arith.constant 1 : i32
        %add3A_1172 = vector.broadcast %add3A_1171 : i32 to vector<16xi32>
        %add3A_1173 = arith.addi %add3A_1161, %add3A_1172 : vector<16xi32>
        %add3A_1174 = arith.constant 1 : i32
        %add3A_1175 = vector.broadcast %add3A_1174 : i32 to vector<16xi32>
        %add3A_1176 = arith.addi %add3A_1164, %add3A_1175 : vector<16xi32>
        %scan3A_1177 = arith.constant 2 : i32
        %scan3A_1178 = arith.addi %scan3A_1152, %scan3A_1177 : i32
        %gather3A_1179 = tpu.vector_load_idx %arg11[%broadcast_in_dim3A_1143, %add3A_1173] : memref<128x128xf32, #tpu.memory_space<vmem>>[vector<16xi32>, vector<16xi32>], vector<16xf32>,
        %gather3A_1180 = tpu.vector_load_idx %arg12[%broadcast_in_dim3A_1143, %add3A_1176] : memref<128x128xf32, #tpu.memory_space<vmem>>[vector<16xi32>, vector<16xi32>], vector<16xf32>,
        %mul3A_1181 = arith.mulf %gather3A_1179, %gather3A_1180 : vector<16xf32>
        %add3A_1182 = arith.addf %add3A_1170, %mul3A_1181 : vector<16xf32>
        %add3A_1183 = arith.constant 1 : i32
        %add3A_1184 = vector.broadcast %add3A_1183 : i32 to vector<16xi32>
        %add3A_1185 = arith.addi %add3A_1173, %add3A_1184 : vector<16xi32>
        %add3A_1186 = arith.constant 1 : i32
        %add3A_1187 = vector.broadcast %add3A_1186 : i32 to vector<16xi32>
        %add3A_1188 = arith.addi %add3A_1176, %add3A_1187 : vector<16xi32>
        %scan3A_1189 = arith.constant 3 : i32
        %scan3A_1190 = arith.addi %scan3A_1152, %scan3A_1189 : i32
        %gather3A_1191 = tpu.vector_load_idx %arg11[%broadcast_in_dim3A_1143, %add3A_1185] : memref<128x128xf32, #tpu.memory_space<vmem>>[vector<16xi32>, vector<16xi32>], vector<16xf32>,
        %gather3A_1192 = tpu.vector_load_idx %arg12[%broadcast_in_dim3A_1143, %add3A_1188] : memref<128x128xf32, #tpu.memory_space<vmem>>[vector<16xi32>, vector<16xi32>], vector<16xf32>,
        %mul3A_1193 = arith.mulf %gather3A_1191, %gather3A_1192 : vector<16xf32>
        %add3A_1194 = arith.addf %add3A_1182, %mul3A_1193 : vector<16xf32>
        %add3A_1195 = arith.constant 1 : i32
        %add3A_1196 = vector.broadcast %add3A_1195 : i32 to vector<16xi32>
        %add3A_1197 = arith.addi %add3A_1185, %add3A_1196 : vector<16xi32>
        %add3A_1198 = arith.constant 1 : i32
        %add3A_1199 = vector.broadcast %add3A_1198 : i32 to vector<16xi32>
        %add3A_1200 = arith.addi %add3A_1188, %add3A_1199 : vector<16xi32>
        scf.yield %add3A_1194, %add3A_1197, %add3A_1200 : vector<16xf32>, vector<16xi32>, vector<16xi32>
      }
      %scan3A_1149 = arith.constant 64 : i32
      %swap3A_1150 = arith.index_cast %multiple_of3A : i32 to index
      %swap3A_1151 = tpu.vector_load %arg16[%swap3A_1150] {strides = array<i32>} : memref<512xf32, #tpu.memory_space<vmem>>, vector<16xf32>,
      tpu.vector_store %arg16[%swap3A_1150], %scan3A_1148#0 {strides = array<i32>} : memref<512xf32, #tpu.memory_space<vmem>>, vector<16xf32>,
    }
    %scan3A_1076 = arith.constant 8 : i32
    %dma_wait3A_1077 = arith.constant 3 : i32
    %dma_wait3A_1078 = arith.constant 3 : i32
    %dma_wait3A_1079 = arith.constant 0 : i32
    %dma_wait3A_1080 = tpu.memref_slice %arg9[%dma_wait3A_1077, %dma_wait3A_1079] : memref<4x128xi32, #tpu.memory_space<vmem>> -> memref<1x128xi32, #tpu.memory_space<vmem>>
    %dma_wait3A_1081 = tpu.memref_squeeze %dma_wait3A_1080 : memref<1x128xi32, #tpu.memory_space<vmem>> -> memref<128xi32, #tpu.memory_space<vmem>>
    %dma_wait3A_1082 = arith.constant 0 : i32
    %dma_wait3A_1083 = arith.constant 0 : i32
    %dma_wait3A_1084 = tpu.memref_slice %arg4[%dma_wait3A_1082, %dma_wait3A_1083] : memref<500000x128xf32, #tpu.memory_space<hbm>> -> memref<500000x128xf32, #tpu.memory_space<hbm>>
    %dma_wait3A_1085 = tpu.memref_slice %arg17[%dma_wait3A_1078] : memref<4x!tpu.dma_semaphore, #tpu.memory_space<semaphore_mem>> -> memref<1x!tpu.dma_semaphore, #tpu.memory_space<semaphore_mem>>
    %dma_wait3A_1086 = tpu.memref_squeeze %dma_wait3A_1085 : memref<1x!tpu.dma_semaphore, #tpu.memory_space<semaphore_mem>> -> memref<!tpu.dma_semaphore, #tpu.memory_space<semaphore_mem>>
    tpu.wait_indirect_dma semaphore(%dma_wait3A_1086 : memref<!tpu.dma_semaphore, #tpu.memory_space<semaphore_mem>>) src(%dma_wait3A_1084 : memref<500000x128xf32, #tpu.memory_space<hbm>>) dst(%arg13 : memref<128x128xf32, #tpu.memory_space<vmem>>)
    %dma_wait3A_1087 = arith.constant 3 : i32
    %dma_wait3A_1088 = arith.constant 3 : i32
    %dma_wait3A_1089 = arith.constant 0 : i32
    %dma_wait3A_1090 = tpu.memref_slice %arg10[%dma_wait3A_1087, %dma_wait3A_1089] : memref<4x128xi32, #tpu.memory_space<vmem>> -> memref<1x128xi32, #tpu.memory_space<vmem>>
    %dma_wait3A_1091 = tpu.memref_squeeze %dma_wait3A_1090 : memref<1x128xi32, #tpu.memory_space<vmem>> -> memref<128xi32, #tpu.memory_space<vmem>>
    %dma_wait3A_1092 = arith.constant 0 : i32
    %dma_wait3A_1093 = arith.constant 0 : i32
    %dma_wait3A_1094 = tpu.memref_slice %arg4[%dma_wait3A_1092, %dma_wait3A_1093] : memref<500000x128xf32, #tpu.memory_space<hbm>> -> memref<500000x128xf32, #tpu.memory_space<hbm>>
    %dma_wait3A_1095 = tpu.memref_slice %arg17[%dma_wait3A_1088] : memref<4x!tpu.dma_semaphore, #tpu.memory_space<semaphore_mem>> -> memref<1x!tpu.dma_semaphore, #tpu.memory_space<semaphore_mem>>
    %dma_wait3A_1096 = tpu.memref_squeeze %dma_wait3A_1095 : memref<1x!tpu.dma_semaphore, #tpu.memory_space<semaphore_mem>> -> memref<!tpu.dma_semaphore, #tpu.memory_space<semaphore_mem>>
    tpu.wait_indirect_dma semaphore(%dma_wait3A_1096 : memref<!tpu.dma_semaphore, #tpu.memory_space<semaphore_mem>>) src(%dma_wait3A_1094 : memref<500000x128xf32, #tpu.memory_space<hbm>>) dst(%arg14 : memref<128x128xf32, #tpu.memory_space<vmem>>)
    %scan3A_1097 = arith.constant 0 : i32
    %scan3A_1098 = arith.constant 0 : i32
    %scan3A_1099 = arith.constant 8 : i32
    %scan3A_1100 = arith.addi %scan3A_1098, %scan3A_1099 : i32
    %scan3A_1101 = arith.constant 1 : i32
    scf.for %scan3A_1103 = %scan3A_1098 to %scan3A_1100 step %scan3A_1101  : i32 {
      %mul3A_1104 = arith.constant 16 : i32
      %mul3A_1105 = arith.muli %scan3A_1103, %mul3A_1104 : i32
      %add3A_1106 = arith.constant 384 : i32
      %add3A_1107 = arith.addi %add3A_1106, %mul3A_1105 : i32
      %multiple_of3A = tpu.assume_multiple %add3A_1107, 16 : i32
      %mul3A_1108 = arith.constant 16 : i32
      %mul3A_1109 = arith.muli %scan3A_1103, %mul3A_1108 : i32
      %multiple_of3A_1110 = tpu.assume_multiple %mul3A_1109, 16 : i32
      %mul3A_1111 = arith.constant 16 : i32
      %mul3A_1112 = arith.muli %scan3A_1103, %mul3A_1111 : i32
      %add3A_1113 = vector.broadcast %mul3A_1112 : i32 to vector<16xi32>
      %add3A_1114 = arith.addi %add3A_1113, %iota3A : vector<16xi32>
      %get3A_1115 = arith.constant 3 : i32
      %get3A_1116 = arith.index_cast %get3A_1115 : i32 to index
      %get3A_1117 = arith.index_cast %multiple_of3A_1110 : i32 to index
      %get3A_1118 = tpu.vector_load %arg7[%get3A_1116, %get3A_1117] {strides = array<i32>} : memref<4x128xi32, #tpu.memory_space<vmem>>, vector<16xi32>,
      %and3A = arith.constant 1 : i32
      %and3A_1119 = vector.broadcast %and3A : i32 to vector<16xi32>
      %and3A_1120 = arith.andi %get3A_1118, %and3A_1119 : vector<16xi32>
      %get3A_1121 = arith.constant 3 : i32
      %get3A_1122 = arith.index_cast %get3A_1121 : i32 to index
      %get3A_1123 = arith.index_cast %multiple_of3A_1110 : i32 to index
      %get3A_1124 = tpu.vector_load %arg8[%get3A_1122, %get3A_1123] {strides = array<i32>} : memref<4x128xi32, #tpu.memory_space<vmem>>, vector<16xi32>,
      %and3A_1125 = arith.constant 1 : i32
      %and3A_1126 = vector.broadcast %and3A_1125 : i32 to vector<16xi32>
      %and3A_1127 = arith.andi %get3A_1124, %and3A_1126 : vector<16xi32>
      %shift_left3A = arith.constant 7 : i32
      %shift_left3A_1128 = vector.broadcast %shift_left3A : i32 to vector<16xi32>
      %shift_left3A_1129 = arith.shli %add3A_1114, %shift_left3A_1128 : vector<16xi32>
      %shift_left3A_1130 = arith.constant 6 : i32
      %shift_left3A_1131 = vector.broadcast %shift_left3A_1130 : i32 to vector<16xi32>
      %shift_left3A_1132 = arith.shli %and3A_1120, %shift_left3A_1131 : vector<16xi32>
      %add3A_1133 = arith.addi %shift_left3A_1129, %shift_left3A_1132 : vector<16xi32>
      %shift_left3A_1134 = arith.constant 7 : i32
      %shift_left3A_1135 = vector.broadcast %shift_left3A_1134 : i32 to vector<16xi32>
      %shift_left3A_1136 = arith.shli %add3A_1114, %shift_left3A_1135 : vector<16xi32>
      %shift_left3A_1137 = arith.constant 6 : i32
      %shift_left3A_1138 = vector.broadcast %shift_left3A_1137 : i32 to vector<16xi32>
      %shift_left3A_1139 = arith.shli %and3A_1127, %shift_left3A_1138 : vector<16xi32>
      %add3A_1140 = arith.addi %shift_left3A_1136, %shift_left3A_1139 : vector<16xi32>
      %get3A_1141 = arith.index_cast %multiple_of3A : i32 to index
      %get3A_1142 = tpu.vector_load %arg15[%get3A_1141] {strides = array<i32>} : memref<512xf32, #tpu.memory_space<vmem>>, vector<16xf32>,
      %broadcast_in_dim3A = arith.constant 0 : i32
      %broadcast_in_dim3A_1143 = vector.broadcast %broadcast_in_dim3A : i32 to vector<16xi32>
      %scan3A_1144 = arith.constant 0 : i32
      %scan3A_1145 = arith.constant 64 : i32
      %scan3A_1146 = arith.addi %scan3A_1144, %scan3A_1145 : i32
      %scan3A_1147 = arith.constant 4 : i32
      %scan3A_1148:3 = scf.for %scan3A_1152 = %scan3A_1144 to %scan3A_1146 step %scan3A_1147 iter_args(%scan3A_1153 = %get3A_1142, %scan3A_1154 = %add3A_1133, %scan3A_1155 = %add3A_1140) -> (vector<16xf32>, vector<16xi32>, vector<16xi32>)  : i32 {
        %gather3A = tpu.vector_load_idx %arg13[%broadcast_in_dim3A_1143, %scan3A_1154] : memref<128x128xf32, #tpu.memory_space<vmem>>[vector<16xi32>, vector<16xi32>], vector<16xf32>,
        %gather3A_1156 = tpu.vector_load_idx %arg14[%broadcast_in_dim3A_1143, %scan3A_1155] : memref<128x128xf32, #tpu.memory_space<vmem>>[vector<16xi32>, vector<16xi32>], vector<16xf32>,
        %mul3A_1157 = arith.mulf %gather3A, %gather3A_1156 : vector<16xf32>
        %add3A_1158 = arith.addf %scan3A_1153, %mul3A_1157 : vector<16xf32>
        %add3A_1159 = arith.constant 1 : i32
        %add3A_1160 = vector.broadcast %add3A_1159 : i32 to vector<16xi32>
        %add3A_1161 = arith.addi %scan3A_1154, %add3A_1160 : vector<16xi32>
        %add3A_1162 = arith.constant 1 : i32
        %add3A_1163 = vector.broadcast %add3A_1162 : i32 to vector<16xi32>
        %add3A_1164 = arith.addi %scan3A_1155, %add3A_1163 : vector<16xi32>
        %scan3A_1165 = arith.constant 1 : i32
        %scan3A_1166 = arith.addi %scan3A_1152, %scan3A_1165 : i32
        %gather3A_1167 = tpu.vector_load_idx %arg13[%broadcast_in_dim3A_1143, %add3A_1161] : memref<128x128xf32, #tpu.memory_space<vmem>>[vector<16xi32>, vector<16xi32>], vector<16xf32>,
        %gather3A_1168 = tpu.vector_load_idx %arg14[%broadcast_in_dim3A_1143, %add3A_1164] : memref<128x128xf32, #tpu.memory_space<vmem>>[vector<16xi32>, vector<16xi32>], vector<16xf32>,
        %mul3A_1169 = arith.mulf %gather3A_1167, %gather3A_1168 : vector<16xf32>
        %add3A_1170 = arith.addf %add3A_1158, %mul3A_1169 : vector<16xf32>
        %add3A_1171 = arith.constant 1 : i32
        %add3A_1172 = vector.broadcast %add3A_1171 : i32 to vector<16xi32>
        %add3A_1173 = arith.addi %add3A_1161, %add3A_1172 : vector<16xi32>
        %add3A_1174 = arith.constant 1 : i32
        %add3A_1175 = vector.broadcast %add3A_1174 : i32 to vector<16xi32>
        %add3A_1176 = arith.addi %add3A_1164, %add3A_1175 : vector<16xi32>
        %scan3A_1177 = arith.constant 2 : i32
        %scan3A_1178 = arith.addi %scan3A_1152, %scan3A_1177 : i32
        %gather3A_1179 = tpu.vector_load_idx %arg13[%broadcast_in_dim3A_1143, %add3A_1173] : memref<128x128xf32, #tpu.memory_space<vmem>>[vector<16xi32>, vector<16xi32>], vector<16xf32>,
        %gather3A_1180 = tpu.vector_load_idx %arg14[%broadcast_in_dim3A_1143, %add3A_1176] : memref<128x128xf32, #tpu.memory_space<vmem>>[vector<16xi32>, vector<16xi32>], vector<16xf32>,
        %mul3A_1181 = arith.mulf %gather3A_1179, %gather3A_1180 : vector<16xf32>
        %add3A_1182 = arith.addf %add3A_1170, %mul3A_1181 : vector<16xf32>
        %add3A_1183 = arith.constant 1 : i32
        %add3A_1184 = vector.broadcast %add3A_1183 : i32 to vector<16xi32>
        %add3A_1185 = arith.addi %add3A_1173, %add3A_1184 : vector<16xi32>
        %add3A_1186 = arith.constant 1 : i32
        %add3A_1187 = vector.broadcast %add3A_1186 : i32 to vector<16xi32>
        %add3A_1188 = arith.addi %add3A_1176, %add3A_1187 : vector<16xi32>
        %scan3A_1189 = arith.constant 3 : i32
        %scan3A_1190 = arith.addi %scan3A_1152, %scan3A_1189 : i32
        %gather3A_1191 = tpu.vector_load_idx %arg13[%broadcast_in_dim3A_1143, %add3A_1185] : memref<128x128xf32, #tpu.memory_space<vmem>>[vector<16xi32>, vector<16xi32>], vector<16xf32>,
        %gather3A_1192 = tpu.vector_load_idx %arg14[%broadcast_in_dim3A_1143, %add3A_1188] : memref<128x128xf32, #tpu.memory_space<vmem>>[vector<16xi32>, vector<16xi32>], vector<16xf32>,
        %mul3A_1193 = arith.mulf %gather3A_1191, %gather3A_1192 : vector<16xf32>
        %add3A_1194 = arith.addf %add3A_1182, %mul3A_1193 : vector<16xf32>
        %add3A_1195 = arith.constant 1 : i32
        %add3A_1196 = vector.broadcast %add3A_1195 : i32 to vector<16xi32>
        %add3A_1197 = arith.addi %add3A_1185, %add3A_1196 : vector<16xi32>
        %add3A_1198 = arith.constant 1 : i32
        %add3A_1199 = vector.broadcast %add3A_1198 : i32 to vector<16xi32>
        %add3A_1200 = arith.addi %add3A_1188, %add3A_1199 : vector<16xi32>
        scf.yield %add3A_1194, %add3A_1197, %add3A_1200 : vector<16xf32>, vector<16xi32>, vector<16xi32>
      }
      %scan3A_1149 = arith.constant 64 : i32
      %swap3A_1150 = arith.index_cast %multiple_of3A : i32 to index
      %swap3A_1151 = tpu.vector_load %arg16[%swap3A_1150] {strides = array<i32>} : memref<512xf32, #tpu.memory_space<vmem>>, vector<16xf32>,
      tpu.vector_store %arg16[%swap3A_1150], %scan3A_1148#0 {strides = array<i32>} : memref<512xf32, #tpu.memory_space<vmem>>, vector<16xf32>,
    }
    %scan3A_1102 = arith.constant 8 : i32
    "tpu.region"() ({
      %run_scoped3A = tpu.sem_alloc : memref<!tpu.dma_semaphore, #tpu.memory_space<semaphore_mem>>
      %dma_start3A_1103 = tpu.memref_slice %arg6[%mul3A_2] : memref<16384xf32, #tpu.memory_space<hbm>> -> memref<512xf32, #tpu.memory_space<hbm>>
      %dma_start3A_1104 = tpu.memref_slice %arg6[%mul3A_2] : memref<16384xf32, #tpu.memory_space<hbm>> -> memref<512xf32, #tpu.memory_space<hbm>>
      tpu.enqueue_dma source(%arg16 : memref<512xf32, #tpu.memory_space<vmem>>) target(%dma_start3A_1104 : memref<512xf32, #tpu.memory_space<hbm>>) target_semaphore(%run_scoped3A : memref<!tpu.dma_semaphore, #tpu.memory_space<semaphore_mem>>)
      %dma_wait3A_1105 = tpu.memref_slice %arg6[%mul3A_2] : memref<16384xf32, #tpu.memory_space<hbm>> -> memref<512xf32, #tpu.memory_space<hbm>>
      %dma_wait3A_1106 = tpu.memref_slice %arg6[%mul3A_2] : memref<16384xf32, #tpu.memory_space<hbm>> -> memref<512xf32, #tpu.memory_space<hbm>>
      tpu.wait_dma2 semaphore(%run_scoped3A : memref<!tpu.dma_semaphore, #tpu.memory_space<semaphore_mem>>) src(%arg16 : memref<512xf32, #tpu.memory_space<vmem>>) dst(%dma_wait3A_1106 : memref<512xf32, #tpu.memory_space<hbm>>)
      tpu.yield
    }) : () -> ()
    return
  }
}

#map = affine_map<(d0, d1) -> (0)>
#map1 = affine_map<(d0, d1) -> (0, 0)>
module attributes {stable_mosaic.version = 14 : i64} {
  func.func @_bias_body(%arg0: i32, %arg1: i32, %arg2: memref<16384xi32, #tpu.memory_space<hbm>>, %arg3: memref<16384xi32, #tpu.memory_space<hbm>>, %arg4: memref<62500x16xf32, #tpu.memory_space<hbm>>, %arg5: memref<16xf32, #tpu.memory_space<hbm>>, %arg6: memref<16384xf32, #tpu.memory_space<hbm>>, %arg7: memref<4x128xi32, #tpu.memory_space<vmem>>, %arg8: memref<4x128xi32, #tpu.memory_space<vmem>>, %arg9: memref<4x128xi32, #tpu.memory_space<vmem>>, %arg10: memref<4x128xi32, #tpu.memory_space<vmem>>, %arg11: memref<512xi32, #tpu.memory_space<vmem>>, %arg12: memref<512xi32, #tpu.memory_space<vmem>>, %arg13: memref<512x16xf32, #tpu.memory_space<vmem>>, %arg14: memref<512x16xf32, #tpu.memory_space<vmem>>, %arg15: memref<512xf32, #tpu.memory_space<vmem>>, %arg16: memref<16xf32, #tpu.memory_space<vmem>>, %arg17: memref<4x!tpu.dma_semaphore, #tpu.memory_space<semaphore_mem>>) attributes {dimension_semantics = [#tpu.dimension_semantics<core_parallel>, #tpu.dimension_semantics<subcore_parallel>], iteration_bounds = array<i64: 2, 16>, scalar_prefetch = 0 : i64, scratch_operands = 11 : i64, tpu.core_type = #tpu.core_type<sc_vector_subcore>, window_params = [{transform_indices = #map}, {transform_indices = #map}, {transform_indices = #map1}, {transform_indices = #map}, {transform_indices = #map}]} {
    %mul3A = arith.constant 2 : i32
    %mul3A_0 = arith.muli %arg1, %mul3A : i32
    %add3A = arith.addi %mul3A_0, %arg0 : i32
    %mul3A_1 = arith.constant 512 : i32
    %mul3A_2 = arith.muli %add3A, %mul3A_1 : i32
    %dma_start3A = arith.constant 0 : i32
    %dma_start3A_3 = tpu.memref_slice %arg17[%dma_start3A] : memref<4x!tpu.dma_semaphore, #tpu.memory_space<semaphore_mem>> -> memref<1x!tpu.dma_semaphore, #tpu.memory_space<semaphore_mem>>
    %dma_start3A_4 = tpu.memref_squeeze %dma_start3A_3 : memref<1x!tpu.dma_semaphore, #tpu.memory_space<semaphore_mem>> -> memref<!tpu.dma_semaphore, #tpu.memory_space<semaphore_mem>>
    tpu.enqueue_dma source(%arg5 : memref<16xf32, #tpu.memory_space<hbm>>) target(%arg16 : memref<16xf32, #tpu.memory_space<vmem>>) target_semaphore(%dma_start3A_4 : memref<!tpu.dma_semaphore, #tpu.memory_space<semaphore_mem>>)
    %add3A_5 = arith.constant 0 : i32
    %add3A_6 = arith.addi %mul3A_2, %add3A_5 : i32
    %dma_start3A_7 = arith.constant 0 : i32
    %dma_start3A_8 = arith.constant 0 : i32
    %dma_start3A_9 = arith.constant 0 : i32
    %dma_start3A_10 = tpu.memref_slice %arg7[%dma_start3A_7, %dma_start3A_9] : memref<4x128xi32, #tpu.memory_space<vmem>> -> memref<1x128xi32, #tpu.memory_space<vmem>>
    %dma_start3A_11 = tpu.memref_squeeze %dma_start3A_10 : memref<1x128xi32, #tpu.memory_space<vmem>> -> memref<128xi32, #tpu.memory_space<vmem>>
    %dma_start3A_12 = tpu.memref_slice %arg2[%add3A_6] : memref<16384xi32, #tpu.memory_space<hbm>> -> memref<128xi32, #tpu.memory_space<hbm>>
    %dma_start3A_13 = tpu.memref_slice %arg17[%dma_start3A_8] : memref<4x!tpu.dma_semaphore, #tpu.memory_space<semaphore_mem>> -> memref<1x!tpu.dma_semaphore, #tpu.memory_space<semaphore_mem>>
    %dma_start3A_14 = tpu.memref_squeeze %dma_start3A_13 : memref<1x!tpu.dma_semaphore, #tpu.memory_space<semaphore_mem>> -> memref<!tpu.dma_semaphore, #tpu.memory_space<semaphore_mem>>
    %dma_start3A_15 = arith.constant 0 : i32
    %dma_start3A_16 = tpu.memref_slice %arg7[%dma_start3A_7, %dma_start3A_15] : memref<4x128xi32, #tpu.memory_space<vmem>> -> memref<1x128xi32, #tpu.memory_space<vmem>>
    %dma_start3A_17 = tpu.memref_squeeze %dma_start3A_16 : memref<1x128xi32, #tpu.memory_space<vmem>> -> memref<128xi32, #tpu.memory_space<vmem>>
    %dma_start3A_18 = tpu.memref_slice %arg2[%add3A_6] : memref<16384xi32, #tpu.memory_space<hbm>> -> memref<128xi32, #tpu.memory_space<hbm>>
    tpu.enqueue_dma source(%dma_start3A_18 : memref<128xi32, #tpu.memory_space<hbm>>) target(%dma_start3A_17 : memref<128xi32, #tpu.memory_space<vmem>>) target_semaphore(%dma_start3A_14 : memref<!tpu.dma_semaphore, #tpu.memory_space<semaphore_mem>>)
    %add3A_19 = arith.constant 0 : i32
    %add3A_20 = arith.addi %mul3A_2, %add3A_19 : i32
    %dma_start3A_21 = arith.constant 0 : i32
    %dma_start3A_22 = arith.constant 0 : i32
    %dma_start3A_23 = arith.constant 0 : i32
    %dma_start3A_24 = tpu.memref_slice %arg8[%dma_start3A_21, %dma_start3A_23] : memref<4x128xi32, #tpu.memory_space<vmem>> -> memref<1x128xi32, #tpu.memory_space<vmem>>
    %dma_start3A_25 = tpu.memref_squeeze %dma_start3A_24 : memref<1x128xi32, #tpu.memory_space<vmem>> -> memref<128xi32, #tpu.memory_space<vmem>>
    %dma_start3A_26 = tpu.memref_slice %arg3[%add3A_20] : memref<16384xi32, #tpu.memory_space<hbm>> -> memref<128xi32, #tpu.memory_space<hbm>>
    %dma_start3A_27 = tpu.memref_slice %arg17[%dma_start3A_22] : memref<4x!tpu.dma_semaphore, #tpu.memory_space<semaphore_mem>> -> memref<1x!tpu.dma_semaphore, #tpu.memory_space<semaphore_mem>>
    %dma_start3A_28 = tpu.memref_squeeze %dma_start3A_27 : memref<1x!tpu.dma_semaphore, #tpu.memory_space<semaphore_mem>> -> memref<!tpu.dma_semaphore, #tpu.memory_space<semaphore_mem>>
    %dma_start3A_29 = arith.constant 0 : i32
    %dma_start3A_30 = tpu.memref_slice %arg8[%dma_start3A_21, %dma_start3A_29] : memref<4x128xi32, #tpu.memory_space<vmem>> -> memref<1x128xi32, #tpu.memory_space<vmem>>
    %dma_start3A_31 = tpu.memref_squeeze %dma_start3A_30 : memref<1x128xi32, #tpu.memory_space<vmem>> -> memref<128xi32, #tpu.memory_space<vmem>>
    %dma_start3A_32 = tpu.memref_slice %arg3[%add3A_20] : memref<16384xi32, #tpu.memory_space<hbm>> -> memref<128xi32, #tpu.memory_space<hbm>>
    tpu.enqueue_dma source(%dma_start3A_32 : memref<128xi32, #tpu.memory_space<hbm>>) target(%dma_start3A_31 : memref<128xi32, #tpu.memory_space<vmem>>) target_semaphore(%dma_start3A_28 : memref<!tpu.dma_semaphore, #tpu.memory_space<semaphore_mem>>)
    %add3A_33 = arith.constant 128 : i32
    %add3A_34 = arith.addi %mul3A_2, %add3A_33 : i32
    %dma_start3A_35 = arith.constant 1 : i32
    %dma_start3A_36 = arith.constant 0 : i32
    %dma_start3A_37 = arith.constant 0 : i32
    %dma_start3A_38 = tpu.memref_slice %arg7[%dma_start3A_35, %dma_start3A_37] : memref<4x128xi32, #tpu.memory_space<vmem>> -> memref<1x128xi32, #tpu.memory_space<vmem>>
    %dma_start3A_39 = tpu.memref_squeeze %dma_start3A_38 : memref<1x128xi32, #tpu.memory_space<vmem>> -> memref<128xi32, #tpu.memory_space<vmem>>
    %dma_start3A_40 = tpu.memref_slice %arg2[%add3A_34] : memref<16384xi32, #tpu.memory_space<hbm>> -> memref<128xi32, #tpu.memory_space<hbm>>
    %dma_start3A_41 = tpu.memref_slice %arg17[%dma_start3A_36] : memref<4x!tpu.dma_semaphore, #tpu.memory_space<semaphore_mem>> -> memref<1x!tpu.dma_semaphore, #tpu.memory_space<semaphore_mem>>
    %dma_start3A_42 = tpu.memref_squeeze %dma_start3A_41 : memref<1x!tpu.dma_semaphore, #tpu.memory_space<semaphore_mem>> -> memref<!tpu.dma_semaphore, #tpu.memory_space<semaphore_mem>>
    %dma_start3A_43 = arith.constant 0 : i32
    %dma_start3A_44 = tpu.memref_slice %arg7[%dma_start3A_35, %dma_start3A_43] : memref<4x128xi32, #tpu.memory_space<vmem>> -> memref<1x128xi32, #tpu.memory_space<vmem>>
    %dma_start3A_45 = tpu.memref_squeeze %dma_start3A_44 : memref<1x128xi32, #tpu.memory_space<vmem>> -> memref<128xi32, #tpu.memory_space<vmem>>
    %dma_start3A_46 = tpu.memref_slice %arg2[%add3A_34] : memref<16384xi32, #tpu.memory_space<hbm>> -> memref<128xi32, #tpu.memory_space<hbm>>
    tpu.enqueue_dma source(%dma_start3A_46 : memref<128xi32, #tpu.memory_space<hbm>>) target(%dma_start3A_45 : memref<128xi32, #tpu.memory_space<vmem>>) target_semaphore(%dma_start3A_42 : memref<!tpu.dma_semaphore, #tpu.memory_space<semaphore_mem>>)
    %add3A_47 = arith.constant 128 : i32
    %add3A_48 = arith.addi %mul3A_2, %add3A_47 : i32
    %dma_start3A_49 = arith.constant 1 : i32
    %dma_start3A_50 = arith.constant 0 : i32
    %dma_start3A_51 = arith.constant 0 : i32
    %dma_start3A_52 = tpu.memref_slice %arg8[%dma_start3A_49, %dma_start3A_51] : memref<4x128xi32, #tpu.memory_space<vmem>> -> memref<1x128xi32, #tpu.memory_space<vmem>>
    %dma_start3A_53 = tpu.memref_squeeze %dma_start3A_52 : memref<1x128xi32, #tpu.memory_space<vmem>> -> memref<128xi32, #tpu.memory_space<vmem>>
    %dma_start3A_54 = tpu.memref_slice %arg3[%add3A_48] : memref<16384xi32, #tpu.memory_space<hbm>> -> memref<128xi32, #tpu.memory_space<hbm>>
    %dma_start3A_55 = tpu.memref_slice %arg17[%dma_start3A_50] : memref<4x!tpu.dma_semaphore, #tpu.memory_space<semaphore_mem>> -> memref<1x!tpu.dma_semaphore, #tpu.memory_space<semaphore_mem>>
    %dma_start3A_56 = tpu.memref_squeeze %dma_start3A_55 : memref<1x!tpu.dma_semaphore, #tpu.memory_space<semaphore_mem>> -> memref<!tpu.dma_semaphore, #tpu.memory_space<semaphore_mem>>
    %dma_start3A_57 = arith.constant 0 : i32
    %dma_start3A_58 = tpu.memref_slice %arg8[%dma_start3A_49, %dma_start3A_57] : memref<4x128xi32, #tpu.memory_space<vmem>> -> memref<1x128xi32, #tpu.memory_space<vmem>>
    %dma_start3A_59 = tpu.memref_squeeze %dma_start3A_58 : memref<1x128xi32, #tpu.memory_space<vmem>> -> memref<128xi32, #tpu.memory_space<vmem>>
    %dma_start3A_60 = tpu.memref_slice %arg3[%add3A_48] : memref<16384xi32, #tpu.memory_space<hbm>> -> memref<128xi32, #tpu.memory_space<hbm>>
    tpu.enqueue_dma source(%dma_start3A_60 : memref<128xi32, #tpu.memory_space<hbm>>) target(%dma_start3A_59 : memref<128xi32, #tpu.memory_space<vmem>>) target_semaphore(%dma_start3A_56 : memref<!tpu.dma_semaphore, #tpu.memory_space<semaphore_mem>>)
    %add3A_61 = arith.constant 256 : i32
    %add3A_62 = arith.addi %mul3A_2, %add3A_61 : i32
    %dma_start3A_63 = arith.constant 2 : i32
    %dma_start3A_64 = arith.constant 0 : i32
    %dma_start3A_65 = arith.constant 0 : i32
    %dma_start3A_66 = tpu.memref_slice %arg7[%dma_start3A_63, %dma_start3A_65] : memref<4x128xi32, #tpu.memory_space<vmem>> -> memref<1x128xi32, #tpu.memory_space<vmem>>
    %dma_start3A_67 = tpu.memref_squeeze %dma_start3A_66 : memref<1x128xi32, #tpu.memory_space<vmem>> -> memref<128xi32, #tpu.memory_space<vmem>>
    %dma_start3A_68 = tpu.memref_slice %arg2[%add3A_62] : memref<16384xi32, #tpu.memory_space<hbm>> -> memref<128xi32, #tpu.memory_space<hbm>>
    %dma_start3A_69 = tpu.memref_slice %arg17[%dma_start3A_64] : memref<4x!tpu.dma_semaphore, #tpu.memory_space<semaphore_mem>> -> memref<1x!tpu.dma_semaphore, #tpu.memory_space<semaphore_mem>>
    %dma_start3A_70 = tpu.memref_squeeze %dma_start3A_69 : memref<1x!tpu.dma_semaphore, #tpu.memory_space<semaphore_mem>> -> memref<!tpu.dma_semaphore, #tpu.memory_space<semaphore_mem>>
    %dma_start3A_71 = arith.constant 0 : i32
    %dma_start3A_72 = tpu.memref_slice %arg7[%dma_start3A_63, %dma_start3A_71] : memref<4x128xi32, #tpu.memory_space<vmem>> -> memref<1x128xi32, #tpu.memory_space<vmem>>
    %dma_start3A_73 = tpu.memref_squeeze %dma_start3A_72 : memref<1x128xi32, #tpu.memory_space<vmem>> -> memref<128xi32, #tpu.memory_space<vmem>>
    %dma_start3A_74 = tpu.memref_slice %arg2[%add3A_62] : memref<16384xi32, #tpu.memory_space<hbm>> -> memref<128xi32, #tpu.memory_space<hbm>>
    tpu.enqueue_dma source(%dma_start3A_74 : memref<128xi32, #tpu.memory_space<hbm>>) target(%dma_start3A_73 : memref<128xi32, #tpu.memory_space<vmem>>) target_semaphore(%dma_start3A_70 : memref<!tpu.dma_semaphore, #tpu.memory_space<semaphore_mem>>)
    %add3A_75 = arith.constant 256 : i32
    %add3A_76 = arith.addi %mul3A_2, %add3A_75 : i32
    %dma_start3A_77 = arith.constant 2 : i32
    %dma_start3A_78 = arith.constant 0 : i32
    %dma_start3A_79 = arith.constant 0 : i32
    %dma_start3A_80 = tpu.memref_slice %arg8[%dma_start3A_77, %dma_start3A_79] : memref<4x128xi32, #tpu.memory_space<vmem>> -> memref<1x128xi32, #tpu.memory_space<vmem>>
    %dma_start3A_81 = tpu.memref_squeeze %dma_start3A_80 : memref<1x128xi32, #tpu.memory_space<vmem>> -> memref<128xi32, #tpu.memory_space<vmem>>
    %dma_start3A_82 = tpu.memref_slice %arg3[%add3A_76] : memref<16384xi32, #tpu.memory_space<hbm>> -> memref<128xi32, #tpu.memory_space<hbm>>
    %dma_start3A_83 = tpu.memref_slice %arg17[%dma_start3A_78] : memref<4x!tpu.dma_semaphore, #tpu.memory_space<semaphore_mem>> -> memref<1x!tpu.dma_semaphore, #tpu.memory_space<semaphore_mem>>
    %dma_start3A_84 = tpu.memref_squeeze %dma_start3A_83 : memref<1x!tpu.dma_semaphore, #tpu.memory_space<semaphore_mem>> -> memref<!tpu.dma_semaphore, #tpu.memory_space<semaphore_mem>>
    %dma_start3A_85 = arith.constant 0 : i32
    %dma_start3A_86 = tpu.memref_slice %arg8[%dma_start3A_77, %dma_start3A_85] : memref<4x128xi32, #tpu.memory_space<vmem>> -> memref<1x128xi32, #tpu.memory_space<vmem>>
    %dma_start3A_87 = tpu.memref_squeeze %dma_start3A_86 : memref<1x128xi32, #tpu.memory_space<vmem>> -> memref<128xi32, #tpu.memory_space<vmem>>
    %dma_start3A_88 = tpu.memref_slice %arg3[%add3A_76] : memref<16384xi32, #tpu.memory_space<hbm>> -> memref<128xi32, #tpu.memory_space<hbm>>
    tpu.enqueue_dma source(%dma_start3A_88 : memref<128xi32, #tpu.memory_space<hbm>>) target(%dma_start3A_87 : memref<128xi32, #tpu.memory_space<vmem>>) target_semaphore(%dma_start3A_84 : memref<!tpu.dma_semaphore, #tpu.memory_space<semaphore_mem>>)
    %add3A_89 = arith.constant 384 : i32
    %add3A_90 = arith.addi %mul3A_2, %add3A_89 : i32
    %dma_start3A_91 = arith.constant 3 : i32
    %dma_start3A_92 = arith.constant 0 : i32
    %dma_start3A_93 = arith.constant 0 : i32
    %dma_start3A_94 = tpu.memref_slice %arg7[%dma_start3A_91, %dma_start3A_93] : memref<4x128xi32, #tpu.memory_space<vmem>> -> memref<1x128xi32, #tpu.memory_space<vmem>>
    %dma_start3A_95 = tpu.memref_squeeze %dma_start3A_94 : memref<1x128xi32, #tpu.memory_space<vmem>> -> memref<128xi32, #tpu.memory_space<vmem>>
    %dma_start3A_96 = tpu.memref_slice %arg2[%add3A_90] : memref<16384xi32, #tpu.memory_space<hbm>> -> memref<128xi32, #tpu.memory_space<hbm>>
    %dma_start3A_97 = tpu.memref_slice %arg17[%dma_start3A_92] : memref<4x!tpu.dma_semaphore, #tpu.memory_space<semaphore_mem>> -> memref<1x!tpu.dma_semaphore, #tpu.memory_space<semaphore_mem>>
    %dma_start3A_98 = tpu.memref_squeeze %dma_start3A_97 : memref<1x!tpu.dma_semaphore, #tpu.memory_space<semaphore_mem>> -> memref<!tpu.dma_semaphore, #tpu.memory_space<semaphore_mem>>
    %dma_start3A_99 = arith.constant 0 : i32
    %dma_start3A_100 = tpu.memref_slice %arg7[%dma_start3A_91, %dma_start3A_99] : memref<4x128xi32, #tpu.memory_space<vmem>> -> memref<1x128xi32, #tpu.memory_space<vmem>>
    %dma_start3A_101 = tpu.memref_squeeze %dma_start3A_100 : memref<1x128xi32, #tpu.memory_space<vmem>> -> memref<128xi32, #tpu.memory_space<vmem>>
    %dma_start3A_102 = tpu.memref_slice %arg2[%add3A_90] : memref<16384xi32, #tpu.memory_space<hbm>> -> memref<128xi32, #tpu.memory_space<hbm>>
    tpu.enqueue_dma source(%dma_start3A_102 : memref<128xi32, #tpu.memory_space<hbm>>) target(%dma_start3A_101 : memref<128xi32, #tpu.memory_space<vmem>>) target_semaphore(%dma_start3A_98 : memref<!tpu.dma_semaphore, #tpu.memory_space<semaphore_mem>>)
    %add3A_103 = arith.constant 384 : i32
    %add3A_104 = arith.addi %mul3A_2, %add3A_103 : i32
    %dma_start3A_105 = arith.constant 3 : i32
    %dma_start3A_106 = arith.constant 0 : i32
    %dma_start3A_107 = arith.constant 0 : i32
    %dma_start3A_108 = tpu.memref_slice %arg8[%dma_start3A_105, %dma_start3A_107] : memref<4x128xi32, #tpu.memory_space<vmem>> -> memref<1x128xi32, #tpu.memory_space<vmem>>
    %dma_start3A_109 = tpu.memref_squeeze %dma_start3A_108 : memref<1x128xi32, #tpu.memory_space<vmem>> -> memref<128xi32, #tpu.memory_space<vmem>>
    %dma_start3A_110 = tpu.memref_slice %arg3[%add3A_104] : memref<16384xi32, #tpu.memory_space<hbm>> -> memref<128xi32, #tpu.memory_space<hbm>>
    %dma_start3A_111 = tpu.memref_slice %arg17[%dma_start3A_106] : memref<4x!tpu.dma_semaphore, #tpu.memory_space<semaphore_mem>> -> memref<1x!tpu.dma_semaphore, #tpu.memory_space<semaphore_mem>>
    %dma_start3A_112 = tpu.memref_squeeze %dma_start3A_111 : memref<1x!tpu.dma_semaphore, #tpu.memory_space<semaphore_mem>> -> memref<!tpu.dma_semaphore, #tpu.memory_space<semaphore_mem>>
    %dma_start3A_113 = arith.constant 0 : i32
    %dma_start3A_114 = tpu.memref_slice %arg8[%dma_start3A_105, %dma_start3A_113] : memref<4x128xi32, #tpu.memory_space<vmem>> -> memref<1x128xi32, #tpu.memory_space<vmem>>
    %dma_start3A_115 = tpu.memref_squeeze %dma_start3A_114 : memref<1x128xi32, #tpu.memory_space<vmem>> -> memref<128xi32, #tpu.memory_space<vmem>>
    %dma_start3A_116 = tpu.memref_slice %arg3[%add3A_104] : memref<16384xi32, #tpu.memory_space<hbm>> -> memref<128xi32, #tpu.memory_space<hbm>>
    tpu.enqueue_dma source(%dma_start3A_116 : memref<128xi32, #tpu.memory_space<hbm>>) target(%dma_start3A_115 : memref<128xi32, #tpu.memory_space<vmem>>) target_semaphore(%dma_start3A_112 : memref<!tpu.dma_semaphore, #tpu.memory_space<semaphore_mem>>)
    %dma_wait3A = arith.constant 0 : i32
    %dma_wait3A_117 = tpu.memref_slice %arg17[%dma_wait3A] : memref<4x!tpu.dma_semaphore, #tpu.memory_space<semaphore_mem>> -> memref<1x!tpu.dma_semaphore, #tpu.memory_space<semaphore_mem>>
    %dma_wait3A_118 = tpu.memref_squeeze %dma_wait3A_117 : memref<1x!tpu.dma_semaphore, #tpu.memory_space<semaphore_mem>> -> memref<!tpu.dma_semaphore, #tpu.memory_space<semaphore_mem>>
    tpu.wait_dma2 semaphore(%dma_wait3A_118 : memref<!tpu.dma_semaphore, #tpu.memory_space<semaphore_mem>>) src(%arg5 : memref<16xf32, #tpu.memory_space<hbm>>) dst(%arg16 : memref<16xf32, #tpu.memory_space<vmem>>)
    %dma_wait3A_119 = arith.constant 0 : i32
    %dma_wait3A_120 = arith.constant 0 : i32
    %dma_wait3A_121 = arith.constant 0 : i32
    %dma_wait3A_122 = tpu.memref_slice %arg7[%dma_wait3A_119, %dma_wait3A_121] : memref<4x128xi32, #tpu.memory_space<vmem>> -> memref<1x128xi32, #tpu.memory_space<vmem>>
    %dma_wait3A_123 = tpu.memref_squeeze %dma_wait3A_122 : memref<1x128xi32, #tpu.memory_space<vmem>> -> memref<128xi32, #tpu.memory_space<vmem>>
    %dma_wait3A_124 = tpu.memref_slice %arg2[%add3A_6] : memref<16384xi32, #tpu.memory_space<hbm>> -> memref<128xi32, #tpu.memory_space<hbm>>
    %dma_wait3A_125 = tpu.memref_slice %arg17[%dma_wait3A_120] : memref<4x!tpu.dma_semaphore, #tpu.memory_space<semaphore_mem>> -> memref<1x!tpu.dma_semaphore, #tpu.memory_space<semaphore_mem>>
    %dma_wait3A_126 = tpu.memref_squeeze %dma_wait3A_125 : memref<1x!tpu.dma_semaphore, #tpu.memory_space<semaphore_mem>> -> memref<!tpu.dma_semaphore, #tpu.memory_space<semaphore_mem>>
    %dma_wait3A_127 = arith.constant 0 : i32
    %dma_wait3A_128 = tpu.memref_slice %arg7[%dma_wait3A_119, %dma_wait3A_127] : memref<4x128xi32, #tpu.memory_space<vmem>> -> memref<1x128xi32, #tpu.memory_space<vmem>>
    %dma_wait3A_129 = tpu.memref_squeeze %dma_wait3A_128 : memref<1x128xi32, #tpu.memory_space<vmem>> -> memref<128xi32, #tpu.memory_space<vmem>>
    %dma_wait3A_130 = tpu.memref_slice %arg2[%add3A_6] : memref<16384xi32, #tpu.memory_space<hbm>> -> memref<128xi32, #tpu.memory_space<hbm>>
    tpu.wait_dma2 semaphore(%dma_wait3A_126 : memref<!tpu.dma_semaphore, #tpu.memory_space<semaphore_mem>>) src(%dma_wait3A_130 : memref<128xi32, #tpu.memory_space<hbm>>) dst(%dma_wait3A_129 : memref<128xi32, #tpu.memory_space<vmem>>)
    %dma_wait3A_131 = arith.constant 0 : i32
    %dma_wait3A_132 = arith.constant 0 : i32
    %dma_wait3A_133 = arith.constant 0 : i32
    %dma_wait3A_134 = tpu.memref_slice %arg8[%dma_wait3A_131, %dma_wait3A_133] : memref<4x128xi32, #tpu.memory_space<vmem>> -> memref<1x128xi32, #tpu.memory_space<vmem>>
    %dma_wait3A_135 = tpu.memref_squeeze %dma_wait3A_134 : memref<1x128xi32, #tpu.memory_space<vmem>> -> memref<128xi32, #tpu.memory_space<vmem>>
    %dma_wait3A_136 = tpu.memref_slice %arg3[%add3A_20] : memref<16384xi32, #tpu.memory_space<hbm>> -> memref<128xi32, #tpu.memory_space<hbm>>
    %dma_wait3A_137 = tpu.memref_slice %arg17[%dma_wait3A_132] : memref<4x!tpu.dma_semaphore, #tpu.memory_space<semaphore_mem>> -> memref<1x!tpu.dma_semaphore, #tpu.memory_space<semaphore_mem>>
    %dma_wait3A_138 = tpu.memref_squeeze %dma_wait3A_137 : memref<1x!tpu.dma_semaphore, #tpu.memory_space<semaphore_mem>> -> memref<!tpu.dma_semaphore, #tpu.memory_space<semaphore_mem>>
    %dma_wait3A_139 = arith.constant 0 : i32
    %dma_wait3A_140 = tpu.memref_slice %arg8[%dma_wait3A_131, %dma_wait3A_139] : memref<4x128xi32, #tpu.memory_space<vmem>> -> memref<1x128xi32, #tpu.memory_space<vmem>>
    %dma_wait3A_141 = tpu.memref_squeeze %dma_wait3A_140 : memref<1x128xi32, #tpu.memory_space<vmem>> -> memref<128xi32, #tpu.memory_space<vmem>>
    %dma_wait3A_142 = tpu.memref_slice %arg3[%add3A_20] : memref<16384xi32, #tpu.memory_space<hbm>> -> memref<128xi32, #tpu.memory_space<hbm>>
    tpu.wait_dma2 semaphore(%dma_wait3A_138 : memref<!tpu.dma_semaphore, #tpu.memory_space<semaphore_mem>>) src(%dma_wait3A_142 : memref<128xi32, #tpu.memory_space<hbm>>) dst(%dma_wait3A_141 : memref<128xi32, #tpu.memory_space<vmem>>)
    %dma_wait3A_143 = arith.constant 1 : i32
    %dma_wait3A_144 = arith.constant 0 : i32
    %dma_wait3A_145 = arith.constant 0 : i32
    %dma_wait3A_146 = tpu.memref_slice %arg7[%dma_wait3A_143, %dma_wait3A_145] : memref<4x128xi32, #tpu.memory_space<vmem>> -> memref<1x128xi32, #tpu.memory_space<vmem>>
    %dma_wait3A_147 = tpu.memref_squeeze %dma_wait3A_146 : memref<1x128xi32, #tpu.memory_space<vmem>> -> memref<128xi32, #tpu.memory_space<vmem>>
    %dma_wait3A_148 = tpu.memref_slice %arg2[%add3A_34] : memref<16384xi32, #tpu.memory_space<hbm>> -> memref<128xi32, #tpu.memory_space<hbm>>
    %dma_wait3A_149 = tpu.memref_slice %arg17[%dma_wait3A_144] : memref<4x!tpu.dma_semaphore, #tpu.memory_space<semaphore_mem>> -> memref<1x!tpu.dma_semaphore, #tpu.memory_space<semaphore_mem>>
    %dma_wait3A_150 = tpu.memref_squeeze %dma_wait3A_149 : memref<1x!tpu.dma_semaphore, #tpu.memory_space<semaphore_mem>> -> memref<!tpu.dma_semaphore, #tpu.memory_space<semaphore_mem>>
    %dma_wait3A_151 = arith.constant 0 : i32
    %dma_wait3A_152 = tpu.memref_slice %arg7[%dma_wait3A_143, %dma_wait3A_151] : memref<4x128xi32, #tpu.memory_space<vmem>> -> memref<1x128xi32, #tpu.memory_space<vmem>>
    %dma_wait3A_153 = tpu.memref_squeeze %dma_wait3A_152 : memref<1x128xi32, #tpu.memory_space<vmem>> -> memref<128xi32, #tpu.memory_space<vmem>>
    %dma_wait3A_154 = tpu.memref_slice %arg2[%add3A_34] : memref<16384xi32, #tpu.memory_space<hbm>> -> memref<128xi32, #tpu.memory_space<hbm>>
    tpu.wait_dma2 semaphore(%dma_wait3A_150 : memref<!tpu.dma_semaphore, #tpu.memory_space<semaphore_mem>>) src(%dma_wait3A_154 : memref<128xi32, #tpu.memory_space<hbm>>) dst(%dma_wait3A_153 : memref<128xi32, #tpu.memory_space<vmem>>)
    %dma_wait3A_155 = arith.constant 1 : i32
    %dma_wait3A_156 = arith.constant 0 : i32
    %dma_wait3A_157 = arith.constant 0 : i32
    %dma_wait3A_158 = tpu.memref_slice %arg8[%dma_wait3A_155, %dma_wait3A_157] : memref<4x128xi32, #tpu.memory_space<vmem>> -> memref<1x128xi32, #tpu.memory_space<vmem>>
    %dma_wait3A_159 = tpu.memref_squeeze %dma_wait3A_158 : memref<1x128xi32, #tpu.memory_space<vmem>> -> memref<128xi32, #tpu.memory_space<vmem>>
    %dma_wait3A_160 = tpu.memref_slice %arg3[%add3A_48] : memref<16384xi32, #tpu.memory_space<hbm>> -> memref<128xi32, #tpu.memory_space<hbm>>
    %dma_wait3A_161 = tpu.memref_slice %arg17[%dma_wait3A_156] : memref<4x!tpu.dma_semaphore, #tpu.memory_space<semaphore_mem>> -> memref<1x!tpu.dma_semaphore, #tpu.memory_space<semaphore_mem>>
    %dma_wait3A_162 = tpu.memref_squeeze %dma_wait3A_161 : memref<1x!tpu.dma_semaphore, #tpu.memory_space<semaphore_mem>> -> memref<!tpu.dma_semaphore, #tpu.memory_space<semaphore_mem>>
    %dma_wait3A_163 = arith.constant 0 : i32
    %dma_wait3A_164 = tpu.memref_slice %arg8[%dma_wait3A_155, %dma_wait3A_163] : memref<4x128xi32, #tpu.memory_space<vmem>> -> memref<1x128xi32, #tpu.memory_space<vmem>>
    %dma_wait3A_165 = tpu.memref_squeeze %dma_wait3A_164 : memref<1x128xi32, #tpu.memory_space<vmem>> -> memref<128xi32, #tpu.memory_space<vmem>>
    %dma_wait3A_166 = tpu.memref_slice %arg3[%add3A_48] : memref<16384xi32, #tpu.memory_space<hbm>> -> memref<128xi32, #tpu.memory_space<hbm>>
    tpu.wait_dma2 semaphore(%dma_wait3A_162 : memref<!tpu.dma_semaphore, #tpu.memory_space<semaphore_mem>>) src(%dma_wait3A_166 : memref<128xi32, #tpu.memory_space<hbm>>) dst(%dma_wait3A_165 : memref<128xi32, #tpu.memory_space<vmem>>)
    %dma_wait3A_167 = arith.constant 2 : i32
    %dma_wait3A_168 = arith.constant 0 : i32
    %dma_wait3A_169 = arith.constant 0 : i32
    %dma_wait3A_170 = tpu.memref_slice %arg7[%dma_wait3A_167, %dma_wait3A_169] : memref<4x128xi32, #tpu.memory_space<vmem>> -> memref<1x128xi32, #tpu.memory_space<vmem>>
    %dma_wait3A_171 = tpu.memref_squeeze %dma_wait3A_170 : memref<1x128xi32, #tpu.memory_space<vmem>> -> memref<128xi32, #tpu.memory_space<vmem>>
    %dma_wait3A_172 = tpu.memref_slice %arg2[%add3A_62] : memref<16384xi32, #tpu.memory_space<hbm>> -> memref<128xi32, #tpu.memory_space<hbm>>
    %dma_wait3A_173 = tpu.memref_slice %arg17[%dma_wait3A_168] : memref<4x!tpu.dma_semaphore, #tpu.memory_space<semaphore_mem>> -> memref<1x!tpu.dma_semaphore, #tpu.memory_space<semaphore_mem>>
    %dma_wait3A_174 = tpu.memref_squeeze %dma_wait3A_173 : memref<1x!tpu.dma_semaphore, #tpu.memory_space<semaphore_mem>> -> memref<!tpu.dma_semaphore, #tpu.memory_space<semaphore_mem>>
    %dma_wait3A_175 = arith.constant 0 : i32
    %dma_wait3A_176 = tpu.memref_slice %arg7[%dma_wait3A_167, %dma_wait3A_175] : memref<4x128xi32, #tpu.memory_space<vmem>> -> memref<1x128xi32, #tpu.memory_space<vmem>>
    %dma_wait3A_177 = tpu.memref_squeeze %dma_wait3A_176 : memref<1x128xi32, #tpu.memory_space<vmem>> -> memref<128xi32, #tpu.memory_space<vmem>>
    %dma_wait3A_178 = tpu.memref_slice %arg2[%add3A_62] : memref<16384xi32, #tpu.memory_space<hbm>> -> memref<128xi32, #tpu.memory_space<hbm>>
    tpu.wait_dma2 semaphore(%dma_wait3A_174 : memref<!tpu.dma_semaphore, #tpu.memory_space<semaphore_mem>>) src(%dma_wait3A_178 : memref<128xi32, #tpu.memory_space<hbm>>) dst(%dma_wait3A_177 : memref<128xi32, #tpu.memory_space<vmem>>)
    %dma_wait3A_179 = arith.constant 2 : i32
    %dma_wait3A_180 = arith.constant 0 : i32
    %dma_wait3A_181 = arith.constant 0 : i32
    %dma_wait3A_182 = tpu.memref_slice %arg8[%dma_wait3A_179, %dma_wait3A_181] : memref<4x128xi32, #tpu.memory_space<vmem>> -> memref<1x128xi32, #tpu.memory_space<vmem>>
    %dma_wait3A_183 = tpu.memref_squeeze %dma_wait3A_182 : memref<1x128xi32, #tpu.memory_space<vmem>> -> memref<128xi32, #tpu.memory_space<vmem>>
    %dma_wait3A_184 = tpu.memref_slice %arg3[%add3A_76] : memref<16384xi32, #tpu.memory_space<hbm>> -> memref<128xi32, #tpu.memory_space<hbm>>
    %dma_wait3A_185 = tpu.memref_slice %arg17[%dma_wait3A_180] : memref<4x!tpu.dma_semaphore, #tpu.memory_space<semaphore_mem>> -> memref<1x!tpu.dma_semaphore, #tpu.memory_space<semaphore_mem>>
    %dma_wait3A_186 = tpu.memref_squeeze %dma_wait3A_185 : memref<1x!tpu.dma_semaphore, #tpu.memory_space<semaphore_mem>> -> memref<!tpu.dma_semaphore, #tpu.memory_space<semaphore_mem>>
    %dma_wait3A_187 = arith.constant 0 : i32
    %dma_wait3A_188 = tpu.memref_slice %arg8[%dma_wait3A_179, %dma_wait3A_187] : memref<4x128xi32, #tpu.memory_space<vmem>> -> memref<1x128xi32, #tpu.memory_space<vmem>>
    %dma_wait3A_189 = tpu.memref_squeeze %dma_wait3A_188 : memref<1x128xi32, #tpu.memory_space<vmem>> -> memref<128xi32, #tpu.memory_space<vmem>>
    %dma_wait3A_190 = tpu.memref_slice %arg3[%add3A_76] : memref<16384xi32, #tpu.memory_space<hbm>> -> memref<128xi32, #tpu.memory_space<hbm>>
    tpu.wait_dma2 semaphore(%dma_wait3A_186 : memref<!tpu.dma_semaphore, #tpu.memory_space<semaphore_mem>>) src(%dma_wait3A_190 : memref<128xi32, #tpu.memory_space<hbm>>) dst(%dma_wait3A_189 : memref<128xi32, #tpu.memory_space<vmem>>)
    %dma_wait3A_191 = arith.constant 3 : i32
    %dma_wait3A_192 = arith.constant 0 : i32
    %dma_wait3A_193 = arith.constant 0 : i32
    %dma_wait3A_194 = tpu.memref_slice %arg7[%dma_wait3A_191, %dma_wait3A_193] : memref<4x128xi32, #tpu.memory_space<vmem>> -> memref<1x128xi32, #tpu.memory_space<vmem>>
    %dma_wait3A_195 = tpu.memref_squeeze %dma_wait3A_194 : memref<1x128xi32, #tpu.memory_space<vmem>> -> memref<128xi32, #tpu.memory_space<vmem>>
    %dma_wait3A_196 = tpu.memref_slice %arg2[%add3A_90] : memref<16384xi32, #tpu.memory_space<hbm>> -> memref<128xi32, #tpu.memory_space<hbm>>
    %dma_wait3A_197 = tpu.memref_slice %arg17[%dma_wait3A_192] : memref<4x!tpu.dma_semaphore, #tpu.memory_space<semaphore_mem>> -> memref<1x!tpu.dma_semaphore, #tpu.memory_space<semaphore_mem>>
    %dma_wait3A_198 = tpu.memref_squeeze %dma_wait3A_197 : memref<1x!tpu.dma_semaphore, #tpu.memory_space<semaphore_mem>> -> memref<!tpu.dma_semaphore, #tpu.memory_space<semaphore_mem>>
    %dma_wait3A_199 = arith.constant 0 : i32
    %dma_wait3A_200 = tpu.memref_slice %arg7[%dma_wait3A_191, %dma_wait3A_199] : memref<4x128xi32, #tpu.memory_space<vmem>> -> memref<1x128xi32, #tpu.memory_space<vmem>>
    %dma_wait3A_201 = tpu.memref_squeeze %dma_wait3A_200 : memref<1x128xi32, #tpu.memory_space<vmem>> -> memref<128xi32, #tpu.memory_space<vmem>>
    %dma_wait3A_202 = tpu.memref_slice %arg2[%add3A_90] : memref<16384xi32, #tpu.memory_space<hbm>> -> memref<128xi32, #tpu.memory_space<hbm>>
    tpu.wait_dma2 semaphore(%dma_wait3A_198 : memref<!tpu.dma_semaphore, #tpu.memory_space<semaphore_mem>>) src(%dma_wait3A_202 : memref<128xi32, #tpu.memory_space<hbm>>) dst(%dma_wait3A_201 : memref<128xi32, #tpu.memory_space<vmem>>)
    %dma_wait3A_203 = arith.constant 3 : i32
    %dma_wait3A_204 = arith.constant 0 : i32
    %dma_wait3A_205 = arith.constant 0 : i32
    %dma_wait3A_206 = tpu.memref_slice %arg8[%dma_wait3A_203, %dma_wait3A_205] : memref<4x128xi32, #tpu.memory_space<vmem>> -> memref<1x128xi32, #tpu.memory_space<vmem>>
    %dma_wait3A_207 = tpu.memref_squeeze %dma_wait3A_206 : memref<1x128xi32, #tpu.memory_space<vmem>> -> memref<128xi32, #tpu.memory_space<vmem>>
    %dma_wait3A_208 = tpu.memref_slice %arg3[%add3A_104] : memref<16384xi32, #tpu.memory_space<hbm>> -> memref<128xi32, #tpu.memory_space<hbm>>
    %dma_wait3A_209 = tpu.memref_slice %arg17[%dma_wait3A_204] : memref<4x!tpu.dma_semaphore, #tpu.memory_space<semaphore_mem>> -> memref<1x!tpu.dma_semaphore, #tpu.memory_space<semaphore_mem>>
    %dma_wait3A_210 = tpu.memref_squeeze %dma_wait3A_209 : memref<1x!tpu.dma_semaphore, #tpu.memory_space<semaphore_mem>> -> memref<!tpu.dma_semaphore, #tpu.memory_space<semaphore_mem>>
    %dma_wait3A_211 = arith.constant 0 : i32
    %dma_wait3A_212 = tpu.memref_slice %arg8[%dma_wait3A_203, %dma_wait3A_211] : memref<4x128xi32, #tpu.memory_space<vmem>> -> memref<1x128xi32, #tpu.memory_space<vmem>>
    %dma_wait3A_213 = tpu.memref_squeeze %dma_wait3A_212 : memref<1x128xi32, #tpu.memory_space<vmem>> -> memref<128xi32, #tpu.memory_space<vmem>>
    %dma_wait3A_214 = tpu.memref_slice %arg3[%add3A_104] : memref<16384xi32, #tpu.memory_space<hbm>> -> memref<128xi32, #tpu.memory_space<hbm>>
    tpu.wait_dma2 semaphore(%dma_wait3A_210 : memref<!tpu.dma_semaphore, #tpu.memory_space<semaphore_mem>>) src(%dma_wait3A_214 : memref<128xi32, #tpu.memory_space<hbm>>) dst(%dma_wait3A_213 : memref<128xi32, #tpu.memory_space<vmem>>)
    %get3A = arith.constant 0 : i32
    %get3A_215 = arith.index_cast %get3A : i32 to index
    %get3A_216 = arith.constant 0 : index
    %get3A_217 = tpu.vector_load %arg7[%get3A_215, %get3A_216] {strides = array<i32>} : memref<4x128xi32, #tpu.memory_space<vmem>>, vector<16xi32>,
    %shift_right_arithmetic3A = arith.constant 4 : i32
    %shift_right_arithmetic3A_218 = vector.broadcast %shift_right_arithmetic3A : i32 to vector<16xi32>
    %shift_right_arithmetic3A_219 = arith.shrsi %get3A_217, %shift_right_arithmetic3A_218 : vector<16xi32>
    %swap3A = arith.constant 0 : i32
    %swap3A_220 = arith.index_cast %swap3A : i32 to index
    %swap3A_221 = arith.constant 0 : index
    %swap3A_222 = tpu.vector_load %arg9[%swap3A_220, %swap3A_221] {strides = array<i32>} : memref<4x128xi32, #tpu.memory_space<vmem>>, vector<16xi32>,
    tpu.vector_store %arg9[%swap3A_220, %swap3A_221], %shift_right_arithmetic3A_219 {strides = array<i32>} : memref<4x128xi32, #tpu.memory_space<vmem>>, vector<16xi32>,
    %and3A = arith.constant 15 : i32
    %and3A_223 = vector.broadcast %and3A : i32 to vector<16xi32>
    %and3A_224 = arith.andi %get3A_217, %and3A_223 : vector<16xi32>
    %swap3A_225 = arith.constant 0 : index
    %swap3A_226 = tpu.vector_load %arg11[%swap3A_225] {strides = array<i32>} : memref<512xi32, #tpu.memory_space<vmem>>, vector<16xi32>,
    tpu.vector_store %arg11[%swap3A_225], %and3A_224 {strides = array<i32>} : memref<512xi32, #tpu.memory_space<vmem>>, vector<16xi32>,
    %get3A_227 = arith.constant 0 : i32
    %get3A_228 = arith.index_cast %get3A_227 : i32 to index
    %get3A_229 = arith.constant 0 : index
    %get3A_230 = tpu.vector_load %arg8[%get3A_228, %get3A_229] {strides = array<i32>} : memref<4x128xi32, #tpu.memory_space<vmem>>, vector<16xi32>,
    %shift_right_arithmetic3A_231 = arith.constant 4 : i32
    %shift_right_arithmetic3A_232 = vector.broadcast %shift_right_arithmetic3A_231 : i32 to vector<16xi32>
    %shift_right_arithmetic3A_233 = arith.shrsi %get3A_230, %shift_right_arithmetic3A_232 : vector<16xi32>
    %swap3A_234 = arith.constant 0 : i32
    %swap3A_235 = arith.index_cast %swap3A_234 : i32 to index
    %swap3A_236 = arith.constant 0 : index
    %swap3A_237 = tpu.vector_load %arg10[%swap3A_235, %swap3A_236] {strides = array<i32>} : memref<4x128xi32, #tpu.memory_space<vmem>>, vector<16xi32>,
    tpu.vector_store %arg10[%swap3A_235, %swap3A_236], %shift_right_arithmetic3A_233 {strides = array<i32>} : memref<4x128xi32, #tpu.memory_space<vmem>>, vector<16xi32>,
    %and3A_238 = arith.constant 15 : i32
    %and3A_239 = vector.broadcast %and3A_238 : i32 to vector<16xi32>
    %and3A_240 = arith.andi %get3A_230, %and3A_239 : vector<16xi32>
    %swap3A_241 = arith.constant 0 : index
    %swap3A_242 = tpu.vector_load %arg12[%swap3A_241] {strides = array<i32>} : memref<512xi32, #tpu.memory_space<vmem>>, vector<16xi32>,
    tpu.vector_store %arg12[%swap3A_241], %and3A_240 {strides = array<i32>} : memref<512xi32, #tpu.memory_space<vmem>>, vector<16xi32>,
    %get3A_243 = arith.constant 0 : i32
    %get3A_244 = arith.index_cast %get3A_243 : i32 to index
    %get3A_245 = arith.constant 16 : index
    %get3A_246 = tpu.vector_load %arg7[%get3A_244, %get3A_245] {strides = array<i32>} : memref<4x128xi32, #tpu.memory_space<vmem>>, vector<16xi32>,
    %shift_right_arithmetic3A_247 = arith.constant 4 : i32
    %shift_right_arithmetic3A_248 = vector.broadcast %shift_right_arithmetic3A_247 : i32 to vector<16xi32>
    %shift_right_arithmetic3A_249 = arith.shrsi %get3A_246, %shift_right_arithmetic3A_248 : vector<16xi32>
    %swap3A_250 = arith.constant 0 : i32
    %swap3A_251 = arith.index_cast %swap3A_250 : i32 to index
    %swap3A_252 = arith.constant 16 : index
    %swap3A_253 = tpu.vector_load %arg9[%swap3A_251, %swap3A_252] {strides = array<i32>} : memref<4x128xi32, #tpu.memory_space<vmem>>, vector<16xi32>,
    tpu.vector_store %arg9[%swap3A_251, %swap3A_252], %shift_right_arithmetic3A_249 {strides = array<i32>} : memref<4x128xi32, #tpu.memory_space<vmem>>, vector<16xi32>,
    %and3A_254 = arith.constant 15 : i32
    %and3A_255 = vector.broadcast %and3A_254 : i32 to vector<16xi32>
    %and3A_256 = arith.andi %get3A_246, %and3A_255 : vector<16xi32>
    %swap3A_257 = arith.constant 16 : index
    %swap3A_258 = tpu.vector_load %arg11[%swap3A_257] {strides = array<i32>} : memref<512xi32, #tpu.memory_space<vmem>>, vector<16xi32>,
    tpu.vector_store %arg11[%swap3A_257], %and3A_256 {strides = array<i32>} : memref<512xi32, #tpu.memory_space<vmem>>, vector<16xi32>,
    %get3A_259 = arith.constant 0 : i32
    %get3A_260 = arith.index_cast %get3A_259 : i32 to index
    %get3A_261 = arith.constant 16 : index
    %get3A_262 = tpu.vector_load %arg8[%get3A_260, %get3A_261] {strides = array<i32>} : memref<4x128xi32, #tpu.memory_space<vmem>>, vector<16xi32>,
    %shift_right_arithmetic3A_263 = arith.constant 4 : i32
    %shift_right_arithmetic3A_264 = vector.broadcast %shift_right_arithmetic3A_263 : i32 to vector<16xi32>
    %shift_right_arithmetic3A_265 = arith.shrsi %get3A_262, %shift_right_arithmetic3A_264 : vector<16xi32>
    %swap3A_266 = arith.constant 0 : i32
    %swap3A_267 = arith.index_cast %swap3A_266 : i32 to index
    %swap3A_268 = arith.constant 16 : index
    %swap3A_269 = tpu.vector_load %arg10[%swap3A_267, %swap3A_268] {strides = array<i32>} : memref<4x128xi32, #tpu.memory_space<vmem>>, vector<16xi32>,
    tpu.vector_store %arg10[%swap3A_267, %swap3A_268], %shift_right_arithmetic3A_265 {strides = array<i32>} : memref<4x128xi32, #tpu.memory_space<vmem>>, vector<16xi32>,
    %and3A_270 = arith.constant 15 : i32
    %and3A_271 = vector.broadcast %and3A_270 : i32 to vector<16xi32>
    %and3A_272 = arith.andi %get3A_262, %and3A_271 : vector<16xi32>
    %swap3A_273 = arith.constant 16 : index
    %swap3A_274 = tpu.vector_load %arg12[%swap3A_273] {strides = array<i32>} : memref<512xi32, #tpu.memory_space<vmem>>, vector<16xi32>,
    tpu.vector_store %arg12[%swap3A_273], %and3A_272 {strides = array<i32>} : memref<512xi32, #tpu.memory_space<vmem>>, vector<16xi32>,
    %get3A_275 = arith.constant 0 : i32
    %get3A_276 = arith.index_cast %get3A_275 : i32 to index
    %get3A_277 = arith.constant 32 : index
    %get3A_278 = tpu.vector_load %arg7[%get3A_276, %get3A_277] {strides = array<i32>} : memref<4x128xi32, #tpu.memory_space<vmem>>, vector<16xi32>,
    %shift_right_arithmetic3A_279 = arith.constant 4 : i32
    %shift_right_arithmetic3A_280 = vector.broadcast %shift_right_arithmetic3A_279 : i32 to vector<16xi32>
    %shift_right_arithmetic3A_281 = arith.shrsi %get3A_278, %shift_right_arithmetic3A_280 : vector<16xi32>
    %swap3A_282 = arith.constant 0 : i32
    %swap3A_283 = arith.index_cast %swap3A_282 : i32 to index
    %swap3A_284 = arith.constant 32 : index
    %swap3A_285 = tpu.vector_load %arg9[%swap3A_283, %swap3A_284] {strides = array<i32>} : memref<4x128xi32, #tpu.memory_space<vmem>>, vector<16xi32>,
    tpu.vector_store %arg9[%swap3A_283, %swap3A_284], %shift_right_arithmetic3A_281 {strides = array<i32>} : memref<4x128xi32, #tpu.memory_space<vmem>>, vector<16xi32>,
    %and3A_286 = arith.constant 15 : i32
    %and3A_287 = vector.broadcast %and3A_286 : i32 to vector<16xi32>
    %and3A_288 = arith.andi %get3A_278, %and3A_287 : vector<16xi32>
    %swap3A_289 = arith.constant 32 : index
    %swap3A_290 = tpu.vector_load %arg11[%swap3A_289] {strides = array<i32>} : memref<512xi32, #tpu.memory_space<vmem>>, vector<16xi32>,
    tpu.vector_store %arg11[%swap3A_289], %and3A_288 {strides = array<i32>} : memref<512xi32, #tpu.memory_space<vmem>>, vector<16xi32>,
    %get3A_291 = arith.constant 0 : i32
    %get3A_292 = arith.index_cast %get3A_291 : i32 to index
    %get3A_293 = arith.constant 32 : index
    %get3A_294 = tpu.vector_load %arg8[%get3A_292, %get3A_293] {strides = array<i32>} : memref<4x128xi32, #tpu.memory_space<vmem>>, vector<16xi32>,
    %shift_right_arithmetic3A_295 = arith.constant 4 : i32
    %shift_right_arithmetic3A_296 = vector.broadcast %shift_right_arithmetic3A_295 : i32 to vector<16xi32>
    %shift_right_arithmetic3A_297 = arith.shrsi %get3A_294, %shift_right_arithmetic3A_296 : vector<16xi32>
    %swap3A_298 = arith.constant 0 : i32
    %swap3A_299 = arith.index_cast %swap3A_298 : i32 to index
    %swap3A_300 = arith.constant 32 : index
    %swap3A_301 = tpu.vector_load %arg10[%swap3A_299, %swap3A_300] {strides = array<i32>} : memref<4x128xi32, #tpu.memory_space<vmem>>, vector<16xi32>,
    tpu.vector_store %arg10[%swap3A_299, %swap3A_300], %shift_right_arithmetic3A_297 {strides = array<i32>} : memref<4x128xi32, #tpu.memory_space<vmem>>, vector<16xi32>,
    %and3A_302 = arith.constant 15 : i32
    %and3A_303 = vector.broadcast %and3A_302 : i32 to vector<16xi32>
    %and3A_304 = arith.andi %get3A_294, %and3A_303 : vector<16xi32>
    %swap3A_305 = arith.constant 32 : index
    %swap3A_306 = tpu.vector_load %arg12[%swap3A_305] {strides = array<i32>} : memref<512xi32, #tpu.memory_space<vmem>>, vector<16xi32>,
    tpu.vector_store %arg12[%swap3A_305], %and3A_304 {strides = array<i32>} : memref<512xi32, #tpu.memory_space<vmem>>, vector<16xi32>,
    %get3A_307 = arith.constant 0 : i32
    %get3A_308 = arith.index_cast %get3A_307 : i32 to index
    %get3A_309 = arith.constant 48 : index
    %get3A_310 = tpu.vector_load %arg7[%get3A_308, %get3A_309] {strides = array<i32>} : memref<4x128xi32, #tpu.memory_space<vmem>>, vector<16xi32>,
    %shift_right_arithmetic3A_311 = arith.constant 4 : i32
    %shift_right_arithmetic3A_312 = vector.broadcast %shift_right_arithmetic3A_311 : i32 to vector<16xi32>
    %shift_right_arithmetic3A_313 = arith.shrsi %get3A_310, %shift_right_arithmetic3A_312 : vector<16xi32>
    %swap3A_314 = arith.constant 0 : i32
    %swap3A_315 = arith.index_cast %swap3A_314 : i32 to index
    %swap3A_316 = arith.constant 48 : index
    %swap3A_317 = tpu.vector_load %arg9[%swap3A_315, %swap3A_316] {strides = array<i32>} : memref<4x128xi32, #tpu.memory_space<vmem>>, vector<16xi32>,
    tpu.vector_store %arg9[%swap3A_315, %swap3A_316], %shift_right_arithmetic3A_313 {strides = array<i32>} : memref<4x128xi32, #tpu.memory_space<vmem>>, vector<16xi32>,
    %and3A_318 = arith.constant 15 : i32
    %and3A_319 = vector.broadcast %and3A_318 : i32 to vector<16xi32>
    %and3A_320 = arith.andi %get3A_310, %and3A_319 : vector<16xi32>
    %swap3A_321 = arith.constant 48 : index
    %swap3A_322 = tpu.vector_load %arg11[%swap3A_321] {strides = array<i32>} : memref<512xi32, #tpu.memory_space<vmem>>, vector<16xi32>,
    tpu.vector_store %arg11[%swap3A_321], %and3A_320 {strides = array<i32>} : memref<512xi32, #tpu.memory_space<vmem>>, vector<16xi32>,
    %get3A_323 = arith.constant 0 : i32
    %get3A_324 = arith.index_cast %get3A_323 : i32 to index
    %get3A_325 = arith.constant 48 : index
    %get3A_326 = tpu.vector_load %arg8[%get3A_324, %get3A_325] {strides = array<i32>} : memref<4x128xi32, #tpu.memory_space<vmem>>, vector<16xi32>,
    %shift_right_arithmetic3A_327 = arith.constant 4 : i32
    %shift_right_arithmetic3A_328 = vector.broadcast %shift_right_arithmetic3A_327 : i32 to vector<16xi32>
    %shift_right_arithmetic3A_329 = arith.shrsi %get3A_326, %shift_right_arithmetic3A_328 : vector<16xi32>
    %swap3A_330 = arith.constant 0 : i32
    %swap3A_331 = arith.index_cast %swap3A_330 : i32 to index
    %swap3A_332 = arith.constant 48 : index
    %swap3A_333 = tpu.vector_load %arg10[%swap3A_331, %swap3A_332] {strides = array<i32>} : memref<4x128xi32, #tpu.memory_space<vmem>>, vector<16xi32>,
    tpu.vector_store %arg10[%swap3A_331, %swap3A_332], %shift_right_arithmetic3A_329 {strides = array<i32>} : memref<4x128xi32, #tpu.memory_space<vmem>>, vector<16xi32>,
    %and3A_334 = arith.constant 15 : i32
    %and3A_335 = vector.broadcast %and3A_334 : i32 to vector<16xi32>
    %and3A_336 = arith.andi %get3A_326, %and3A_335 : vector<16xi32>
    %swap3A_337 = arith.constant 48 : index
    %swap3A_338 = tpu.vector_load %arg12[%swap3A_337] {strides = array<i32>} : memref<512xi32, #tpu.memory_space<vmem>>, vector<16xi32>,
    tpu.vector_store %arg12[%swap3A_337], %and3A_336 {strides = array<i32>} : memref<512xi32, #tpu.memory_space<vmem>>, vector<16xi32>,
    %get3A_339 = arith.constant 0 : i32
    %get3A_340 = arith.index_cast %get3A_339 : i32 to index
    %get3A_341 = arith.constant 64 : index
    %get3A_342 = tpu.vector_load %arg7[%get3A_340, %get3A_341] {strides = array<i32>} : memref<4x128xi32, #tpu.memory_space<vmem>>, vector<16xi32>,
    %shift_right_arithmetic3A_343 = arith.constant 4 : i32
    %shift_right_arithmetic3A_344 = vector.broadcast %shift_right_arithmetic3A_343 : i32 to vector<16xi32>
    %shift_right_arithmetic3A_345 = arith.shrsi %get3A_342, %shift_right_arithmetic3A_344 : vector<16xi32>
    %swap3A_346 = arith.constant 0 : i32
    %swap3A_347 = arith.index_cast %swap3A_346 : i32 to index
    %swap3A_348 = arith.constant 64 : index
    %swap3A_349 = tpu.vector_load %arg9[%swap3A_347, %swap3A_348] {strides = array<i32>} : memref<4x128xi32, #tpu.memory_space<vmem>>, vector<16xi32>,
    tpu.vector_store %arg9[%swap3A_347, %swap3A_348], %shift_right_arithmetic3A_345 {strides = array<i32>} : memref<4x128xi32, #tpu.memory_space<vmem>>, vector<16xi32>,
    %and3A_350 = arith.constant 15 : i32
    %and3A_351 = vector.broadcast %and3A_350 : i32 to vector<16xi32>
    %and3A_352 = arith.andi %get3A_342, %and3A_351 : vector<16xi32>
    %swap3A_353 = arith.constant 64 : index
    %swap3A_354 = tpu.vector_load %arg11[%swap3A_353] {strides = array<i32>} : memref<512xi32, #tpu.memory_space<vmem>>, vector<16xi32>,
    tpu.vector_store %arg11[%swap3A_353], %and3A_352 {strides = array<i32>} : memref<512xi32, #tpu.memory_space<vmem>>, vector<16xi32>,
    %get3A_355 = arith.constant 0 : i32
    %get3A_356 = arith.index_cast %get3A_355 : i32 to index
    %get3A_357 = arith.constant 64 : index
    %get3A_358 = tpu.vector_load %arg8[%get3A_356, %get3A_357] {strides = array<i32>} : memref<4x128xi32, #tpu.memory_space<vmem>>, vector<16xi32>,
    %shift_right_arithmetic3A_359 = arith.constant 4 : i32
    %shift_right_arithmetic3A_360 = vector.broadcast %shift_right_arithmetic3A_359 : i32 to vector<16xi32>
    %shift_right_arithmetic3A_361 = arith.shrsi %get3A_358, %shift_right_arithmetic3A_360 : vector<16xi32>
    %swap3A_362 = arith.constant 0 : i32
    %swap3A_363 = arith.index_cast %swap3A_362 : i32 to index
    %swap3A_364 = arith.constant 64 : index
    %swap3A_365 = tpu.vector_load %arg10[%swap3A_363, %swap3A_364] {strides = array<i32>} : memref<4x128xi32, #tpu.memory_space<vmem>>, vector<16xi32>,
    tpu.vector_store %arg10[%swap3A_363, %swap3A_364], %shift_right_arithmetic3A_361 {strides = array<i32>} : memref<4x128xi32, #tpu.memory_space<vmem>>, vector<16xi32>,
    %and3A_366 = arith.constant 15 : i32
    %and3A_367 = vector.broadcast %and3A_366 : i32 to vector<16xi32>
    %and3A_368 = arith.andi %get3A_358, %and3A_367 : vector<16xi32>
    %swap3A_369 = arith.constant 64 : index
    %swap3A_370 = tpu.vector_load %arg12[%swap3A_369] {strides = array<i32>} : memref<512xi32, #tpu.memory_space<vmem>>, vector<16xi32>,
    tpu.vector_store %arg12[%swap3A_369], %and3A_368 {strides = array<i32>} : memref<512xi32, #tpu.memory_space<vmem>>, vector<16xi32>,
    %get3A_371 = arith.constant 0 : i32
    %get3A_372 = arith.index_cast %get3A_371 : i32 to index
    %get3A_373 = arith.constant 80 : index
    %get3A_374 = tpu.vector_load %arg7[%get3A_372, %get3A_373] {strides = array<i32>} : memref<4x128xi32, #tpu.memory_space<vmem>>, vector<16xi32>,
    %shift_right_arithmetic3A_375 = arith.constant 4 : i32
    %shift_right_arithmetic3A_376 = vector.broadcast %shift_right_arithmetic3A_375 : i32 to vector<16xi32>
    %shift_right_arithmetic3A_377 = arith.shrsi %get3A_374, %shift_right_arithmetic3A_376 : vector<16xi32>
    %swap3A_378 = arith.constant 0 : i32
    %swap3A_379 = arith.index_cast %swap3A_378 : i32 to index
    %swap3A_380 = arith.constant 80 : index
    %swap3A_381 = tpu.vector_load %arg9[%swap3A_379, %swap3A_380] {strides = array<i32>} : memref<4x128xi32, #tpu.memory_space<vmem>>, vector<16xi32>,
    tpu.vector_store %arg9[%swap3A_379, %swap3A_380], %shift_right_arithmetic3A_377 {strides = array<i32>} : memref<4x128xi32, #tpu.memory_space<vmem>>, vector<16xi32>,
    %and3A_382 = arith.constant 15 : i32
    %and3A_383 = vector.broadcast %and3A_382 : i32 to vector<16xi32>
    %and3A_384 = arith.andi %get3A_374, %and3A_383 : vector<16xi32>
    %swap3A_385 = arith.constant 80 : index
    %swap3A_386 = tpu.vector_load %arg11[%swap3A_385] {strides = array<i32>} : memref<512xi32, #tpu.memory_space<vmem>>, vector<16xi32>,
    tpu.vector_store %arg11[%swap3A_385], %and3A_384 {strides = array<i32>} : memref<512xi32, #tpu.memory_space<vmem>>, vector<16xi32>,
    %get3A_387 = arith.constant 0 : i32
    %get3A_388 = arith.index_cast %get3A_387 : i32 to index
    %get3A_389 = arith.constant 80 : index
    %get3A_390 = tpu.vector_load %arg8[%get3A_388, %get3A_389] {strides = array<i32>} : memref<4x128xi32, #tpu.memory_space<vmem>>, vector<16xi32>,
    %shift_right_arithmetic3A_391 = arith.constant 4 : i32
    %shift_right_arithmetic3A_392 = vector.broadcast %shift_right_arithmetic3A_391 : i32 to vector<16xi32>
    %shift_right_arithmetic3A_393 = arith.shrsi %get3A_390, %shift_right_arithmetic3A_392 : vector<16xi32>
    %swap3A_394 = arith.constant 0 : i32
    %swap3A_395 = arith.index_cast %swap3A_394 : i32 to index
    %swap3A_396 = arith.constant 80 : index
    %swap3A_397 = tpu.vector_load %arg10[%swap3A_395, %swap3A_396] {strides = array<i32>} : memref<4x128xi32, #tpu.memory_space<vmem>>, vector<16xi32>,
    tpu.vector_store %arg10[%swap3A_395, %swap3A_396], %shift_right_arithmetic3A_393 {strides = array<i32>} : memref<4x128xi32, #tpu.memory_space<vmem>>, vector<16xi32>,
    %and3A_398 = arith.constant 15 : i32
    %and3A_399 = vector.broadcast %and3A_398 : i32 to vector<16xi32>
    %and3A_400 = arith.andi %get3A_390, %and3A_399 : vector<16xi32>
    %swap3A_401 = arith.constant 80 : index
    %swap3A_402 = tpu.vector_load %arg12[%swap3A_401] {strides = array<i32>} : memref<512xi32, #tpu.memory_space<vmem>>, vector<16xi32>,
    tpu.vector_store %arg12[%swap3A_401], %and3A_400 {strides = array<i32>} : memref<512xi32, #tpu.memory_space<vmem>>, vector<16xi32>,
    %get3A_403 = arith.constant 0 : i32
    %get3A_404 = arith.index_cast %get3A_403 : i32 to index
    %get3A_405 = arith.constant 96 : index
    %get3A_406 = tpu.vector_load %arg7[%get3A_404, %get3A_405] {strides = array<i32>} : memref<4x128xi32, #tpu.memory_space<vmem>>, vector<16xi32>,
    %shift_right_arithmetic3A_407 = arith.constant 4 : i32
    %shift_right_arithmetic3A_408 = vector.broadcast %shift_right_arithmetic3A_407 : i32 to vector<16xi32>
    %shift_right_arithmetic3A_409 = arith.shrsi %get3A_406, %shift_right_arithmetic3A_408 : vector<16xi32>
    %swap3A_410 = arith.constant 0 : i32
    %swap3A_411 = arith.index_cast %swap3A_410 : i32 to index
    %swap3A_412 = arith.constant 96 : index
    %swap3A_413 = tpu.vector_load %arg9[%swap3A_411, %swap3A_412] {strides = array<i32>} : memref<4x128xi32, #tpu.memory_space<vmem>>, vector<16xi32>,
    tpu.vector_store %arg9[%swap3A_411, %swap3A_412], %shift_right_arithmetic3A_409 {strides = array<i32>} : memref<4x128xi32, #tpu.memory_space<vmem>>, vector<16xi32>,
    %and3A_414 = arith.constant 15 : i32
    %and3A_415 = vector.broadcast %and3A_414 : i32 to vector<16xi32>
    %and3A_416 = arith.andi %get3A_406, %and3A_415 : vector<16xi32>
    %swap3A_417 = arith.constant 96 : index
    %swap3A_418 = tpu.vector_load %arg11[%swap3A_417] {strides = array<i32>} : memref<512xi32, #tpu.memory_space<vmem>>, vector<16xi32>,
    tpu.vector_store %arg11[%swap3A_417], %and3A_416 {strides = array<i32>} : memref<512xi32, #tpu.memory_space<vmem>>, vector<16xi32>,
    %get3A_419 = arith.constant 0 : i32
    %get3A_420 = arith.index_cast %get3A_419 : i32 to index
    %get3A_421 = arith.constant 96 : index
    %get3A_422 = tpu.vector_load %arg8[%get3A_420, %get3A_421] {strides = array<i32>} : memref<4x128xi32, #tpu.memory_space<vmem>>, vector<16xi32>,
    %shift_right_arithmetic3A_423 = arith.constant 4 : i32
    %shift_right_arithmetic3A_424 = vector.broadcast %shift_right_arithmetic3A_423 : i32 to vector<16xi32>
    %shift_right_arithmetic3A_425 = arith.shrsi %get3A_422, %shift_right_arithmetic3A_424 : vector<16xi32>
    %swap3A_426 = arith.constant 0 : i32
    %swap3A_427 = arith.index_cast %swap3A_426 : i32 to index
    %swap3A_428 = arith.constant 96 : index
    %swap3A_429 = tpu.vector_load %arg10[%swap3A_427, %swap3A_428] {strides = array<i32>} : memref<4x128xi32, #tpu.memory_space<vmem>>, vector<16xi32>,
    tpu.vector_store %arg10[%swap3A_427, %swap3A_428], %shift_right_arithmetic3A_425 {strides = array<i32>} : memref<4x128xi32, #tpu.memory_space<vmem>>, vector<16xi32>,
    %and3A_430 = arith.constant 15 : i32
    %and3A_431 = vector.broadcast %and3A_430 : i32 to vector<16xi32>
    %and3A_432 = arith.andi %get3A_422, %and3A_431 : vector<16xi32>
    %swap3A_433 = arith.constant 96 : index
    %swap3A_434 = tpu.vector_load %arg12[%swap3A_433] {strides = array<i32>} : memref<512xi32, #tpu.memory_space<vmem>>, vector<16xi32>,
    tpu.vector_store %arg12[%swap3A_433], %and3A_432 {strides = array<i32>} : memref<512xi32, #tpu.memory_space<vmem>>, vector<16xi32>,
    %get3A_435 = arith.constant 0 : i32
    %get3A_436 = arith.index_cast %get3A_435 : i32 to index
    %get3A_437 = arith.constant 112 : index
    %get3A_438 = tpu.vector_load %arg7[%get3A_436, %get3A_437] {strides = array<i32>} : memref<4x128xi32, #tpu.memory_space<vmem>>, vector<16xi32>,
    %shift_right_arithmetic3A_439 = arith.constant 4 : i32
    %shift_right_arithmetic3A_440 = vector.broadcast %shift_right_arithmetic3A_439 : i32 to vector<16xi32>
    %shift_right_arithmetic3A_441 = arith.shrsi %get3A_438, %shift_right_arithmetic3A_440 : vector<16xi32>
    %swap3A_442 = arith.constant 0 : i32
    %swap3A_443 = arith.index_cast %swap3A_442 : i32 to index
    %swap3A_444 = arith.constant 112 : index
    %swap3A_445 = tpu.vector_load %arg9[%swap3A_443, %swap3A_444] {strides = array<i32>} : memref<4x128xi32, #tpu.memory_space<vmem>>, vector<16xi32>,
    tpu.vector_store %arg9[%swap3A_443, %swap3A_444], %shift_right_arithmetic3A_441 {strides = array<i32>} : memref<4x128xi32, #tpu.memory_space<vmem>>, vector<16xi32>,
    %and3A_446 = arith.constant 15 : i32
    %and3A_447 = vector.broadcast %and3A_446 : i32 to vector<16xi32>
    %and3A_448 = arith.andi %get3A_438, %and3A_447 : vector<16xi32>
    %swap3A_449 = arith.constant 112 : index
    %swap3A_450 = tpu.vector_load %arg11[%swap3A_449] {strides = array<i32>} : memref<512xi32, #tpu.memory_space<vmem>>, vector<16xi32>,
    tpu.vector_store %arg11[%swap3A_449], %and3A_448 {strides = array<i32>} : memref<512xi32, #tpu.memory_space<vmem>>, vector<16xi32>,
    %get3A_451 = arith.constant 0 : i32
    %get3A_452 = arith.index_cast %get3A_451 : i32 to index
    %get3A_453 = arith.constant 112 : index
    %get3A_454 = tpu.vector_load %arg8[%get3A_452, %get3A_453] {strides = array<i32>} : memref<4x128xi32, #tpu.memory_space<vmem>>, vector<16xi32>,
    %shift_right_arithmetic3A_455 = arith.constant 4 : i32
    %shift_right_arithmetic3A_456 = vector.broadcast %shift_right_arithmetic3A_455 : i32 to vector<16xi32>
    %shift_right_arithmetic3A_457 = arith.shrsi %get3A_454, %shift_right_arithmetic3A_456 : vector<16xi32>
    %swap3A_458 = arith.constant 0 : i32
    %swap3A_459 = arith.index_cast %swap3A_458 : i32 to index
    %swap3A_460 = arith.constant 112 : index
    %swap3A_461 = tpu.vector_load %arg10[%swap3A_459, %swap3A_460] {strides = array<i32>} : memref<4x128xi32, #tpu.memory_space<vmem>>, vector<16xi32>,
    tpu.vector_store %arg10[%swap3A_459, %swap3A_460], %shift_right_arithmetic3A_457 {strides = array<i32>} : memref<4x128xi32, #tpu.memory_space<vmem>>, vector<16xi32>,
    %and3A_462 = arith.constant 15 : i32
    %and3A_463 = vector.broadcast %and3A_462 : i32 to vector<16xi32>
    %and3A_464 = arith.andi %get3A_454, %and3A_463 : vector<16xi32>
    %swap3A_465 = arith.constant 112 : index
    %swap3A_466 = tpu.vector_load %arg12[%swap3A_465] {strides = array<i32>} : memref<512xi32, #tpu.memory_space<vmem>>, vector<16xi32>,
    tpu.vector_store %arg12[%swap3A_465], %and3A_464 {strides = array<i32>} : memref<512xi32, #tpu.memory_space<vmem>>, vector<16xi32>,
    %get3A_467 = arith.constant 1 : i32
    %get3A_468 = arith.index_cast %get3A_467 : i32 to index
    %get3A_469 = arith.constant 0 : index
    %get3A_470 = tpu.vector_load %arg7[%get3A_468, %get3A_469] {strides = array<i32>} : memref<4x128xi32, #tpu.memory_space<vmem>>, vector<16xi32>,
    %shift_right_arithmetic3A_471 = arith.constant 4 : i32
    %shift_right_arithmetic3A_472 = vector.broadcast %shift_right_arithmetic3A_471 : i32 to vector<16xi32>
    %shift_right_arithmetic3A_473 = arith.shrsi %get3A_470, %shift_right_arithmetic3A_472 : vector<16xi32>
    %swap3A_474 = arith.constant 1 : i32
    %swap3A_475 = arith.index_cast %swap3A_474 : i32 to index
    %swap3A_476 = arith.constant 0 : index
    %swap3A_477 = tpu.vector_load %arg9[%swap3A_475, %swap3A_476] {strides = array<i32>} : memref<4x128xi32, #tpu.memory_space<vmem>>, vector<16xi32>,
    tpu.vector_store %arg9[%swap3A_475, %swap3A_476], %shift_right_arithmetic3A_473 {strides = array<i32>} : memref<4x128xi32, #tpu.memory_space<vmem>>, vector<16xi32>,
    %and3A_478 = arith.constant 15 : i32
    %and3A_479 = vector.broadcast %and3A_478 : i32 to vector<16xi32>
    %and3A_480 = arith.andi %get3A_470, %and3A_479 : vector<16xi32>
    %swap3A_481 = arith.constant 128 : index
    %swap3A_482 = tpu.vector_load %arg11[%swap3A_481] {strides = array<i32>} : memref<512xi32, #tpu.memory_space<vmem>>, vector<16xi32>,
    tpu.vector_store %arg11[%swap3A_481], %and3A_480 {strides = array<i32>} : memref<512xi32, #tpu.memory_space<vmem>>, vector<16xi32>,
    %get3A_483 = arith.constant 1 : i32
    %get3A_484 = arith.index_cast %get3A_483 : i32 to index
    %get3A_485 = arith.constant 0 : index
    %get3A_486 = tpu.vector_load %arg8[%get3A_484, %get3A_485] {strides = array<i32>} : memref<4x128xi32, #tpu.memory_space<vmem>>, vector<16xi32>,
    %shift_right_arithmetic3A_487 = arith.constant 4 : i32
    %shift_right_arithmetic3A_488 = vector.broadcast %shift_right_arithmetic3A_487 : i32 to vector<16xi32>
    %shift_right_arithmetic3A_489 = arith.shrsi %get3A_486, %shift_right_arithmetic3A_488 : vector<16xi32>
    %swap3A_490 = arith.constant 1 : i32
    %swap3A_491 = arith.index_cast %swap3A_490 : i32 to index
    %swap3A_492 = arith.constant 0 : index
    %swap3A_493 = tpu.vector_load %arg10[%swap3A_491, %swap3A_492] {strides = array<i32>} : memref<4x128xi32, #tpu.memory_space<vmem>>, vector<16xi32>,
    tpu.vector_store %arg10[%swap3A_491, %swap3A_492], %shift_right_arithmetic3A_489 {strides = array<i32>} : memref<4x128xi32, #tpu.memory_space<vmem>>, vector<16xi32>,
    %and3A_494 = arith.constant 15 : i32
    %and3A_495 = vector.broadcast %and3A_494 : i32 to vector<16xi32>
    %and3A_496 = arith.andi %get3A_486, %and3A_495 : vector<16xi32>
    %swap3A_497 = arith.constant 128 : index
    %swap3A_498 = tpu.vector_load %arg12[%swap3A_497] {strides = array<i32>} : memref<512xi32, #tpu.memory_space<vmem>>, vector<16xi32>,
    tpu.vector_store %arg12[%swap3A_497], %and3A_496 {strides = array<i32>} : memref<512xi32, #tpu.memory_space<vmem>>, vector<16xi32>,
    %get3A_499 = arith.constant 1 : i32
    %get3A_500 = arith.index_cast %get3A_499 : i32 to index
    %get3A_501 = arith.constant 16 : index
    %get3A_502 = tpu.vector_load %arg7[%get3A_500, %get3A_501] {strides = array<i32>} : memref<4x128xi32, #tpu.memory_space<vmem>>, vector<16xi32>,
    %shift_right_arithmetic3A_503 = arith.constant 4 : i32
    %shift_right_arithmetic3A_504 = vector.broadcast %shift_right_arithmetic3A_503 : i32 to vector<16xi32>
    %shift_right_arithmetic3A_505 = arith.shrsi %get3A_502, %shift_right_arithmetic3A_504 : vector<16xi32>
    %swap3A_506 = arith.constant 1 : i32
    %swap3A_507 = arith.index_cast %swap3A_506 : i32 to index
    %swap3A_508 = arith.constant 16 : index
    %swap3A_509 = tpu.vector_load %arg9[%swap3A_507, %swap3A_508] {strides = array<i32>} : memref<4x128xi32, #tpu.memory_space<vmem>>, vector<16xi32>,
    tpu.vector_store %arg9[%swap3A_507, %swap3A_508], %shift_right_arithmetic3A_505 {strides = array<i32>} : memref<4x128xi32, #tpu.memory_space<vmem>>, vector<16xi32>,
    %and3A_510 = arith.constant 15 : i32
    %and3A_511 = vector.broadcast %and3A_510 : i32 to vector<16xi32>
    %and3A_512 = arith.andi %get3A_502, %and3A_511 : vector<16xi32>
    %swap3A_513 = arith.constant 144 : index
    %swap3A_514 = tpu.vector_load %arg11[%swap3A_513] {strides = array<i32>} : memref<512xi32, #tpu.memory_space<vmem>>, vector<16xi32>,
    tpu.vector_store %arg11[%swap3A_513], %and3A_512 {strides = array<i32>} : memref<512xi32, #tpu.memory_space<vmem>>, vector<16xi32>,
    %get3A_515 = arith.constant 1 : i32
    %get3A_516 = arith.index_cast %get3A_515 : i32 to index
    %get3A_517 = arith.constant 16 : index
    %get3A_518 = tpu.vector_load %arg8[%get3A_516, %get3A_517] {strides = array<i32>} : memref<4x128xi32, #tpu.memory_space<vmem>>, vector<16xi32>,
    %shift_right_arithmetic3A_519 = arith.constant 4 : i32
    %shift_right_arithmetic3A_520 = vector.broadcast %shift_right_arithmetic3A_519 : i32 to vector<16xi32>
    %shift_right_arithmetic3A_521 = arith.shrsi %get3A_518, %shift_right_arithmetic3A_520 : vector<16xi32>
    %swap3A_522 = arith.constant 1 : i32
    %swap3A_523 = arith.index_cast %swap3A_522 : i32 to index
    %swap3A_524 = arith.constant 16 : index
    %swap3A_525 = tpu.vector_load %arg10[%swap3A_523, %swap3A_524] {strides = array<i32>} : memref<4x128xi32, #tpu.memory_space<vmem>>, vector<16xi32>,
    tpu.vector_store %arg10[%swap3A_523, %swap3A_524], %shift_right_arithmetic3A_521 {strides = array<i32>} : memref<4x128xi32, #tpu.memory_space<vmem>>, vector<16xi32>,
    %and3A_526 = arith.constant 15 : i32
    %and3A_527 = vector.broadcast %and3A_526 : i32 to vector<16xi32>
    %and3A_528 = arith.andi %get3A_518, %and3A_527 : vector<16xi32>
    %swap3A_529 = arith.constant 144 : index
    %swap3A_530 = tpu.vector_load %arg12[%swap3A_529] {strides = array<i32>} : memref<512xi32, #tpu.memory_space<vmem>>, vector<16xi32>,
    tpu.vector_store %arg12[%swap3A_529], %and3A_528 {strides = array<i32>} : memref<512xi32, #tpu.memory_space<vmem>>, vector<16xi32>,
    %get3A_531 = arith.constant 1 : i32
    %get3A_532 = arith.index_cast %get3A_531 : i32 to index
    %get3A_533 = arith.constant 32 : index
    %get3A_534 = tpu.vector_load %arg7[%get3A_532, %get3A_533] {strides = array<i32>} : memref<4x128xi32, #tpu.memory_space<vmem>>, vector<16xi32>,
    %shift_right_arithmetic3A_535 = arith.constant 4 : i32
    %shift_right_arithmetic3A_536 = vector.broadcast %shift_right_arithmetic3A_535 : i32 to vector<16xi32>
    %shift_right_arithmetic3A_537 = arith.shrsi %get3A_534, %shift_right_arithmetic3A_536 : vector<16xi32>
    %swap3A_538 = arith.constant 1 : i32
    %swap3A_539 = arith.index_cast %swap3A_538 : i32 to index
    %swap3A_540 = arith.constant 32 : index
    %swap3A_541 = tpu.vector_load %arg9[%swap3A_539, %swap3A_540] {strides = array<i32>} : memref<4x128xi32, #tpu.memory_space<vmem>>, vector<16xi32>,
    tpu.vector_store %arg9[%swap3A_539, %swap3A_540], %shift_right_arithmetic3A_537 {strides = array<i32>} : memref<4x128xi32, #tpu.memory_space<vmem>>, vector<16xi32>,
    %and3A_542 = arith.constant 15 : i32
    %and3A_543 = vector.broadcast %and3A_542 : i32 to vector<16xi32>
    %and3A_544 = arith.andi %get3A_534, %and3A_543 : vector<16xi32>
    %swap3A_545 = arith.constant 160 : index
    %swap3A_546 = tpu.vector_load %arg11[%swap3A_545] {strides = array<i32>} : memref<512xi32, #tpu.memory_space<vmem>>, vector<16xi32>,
    tpu.vector_store %arg11[%swap3A_545], %and3A_544 {strides = array<i32>} : memref<512xi32, #tpu.memory_space<vmem>>, vector<16xi32>,
    %get3A_547 = arith.constant 1 : i32
    %get3A_548 = arith.index_cast %get3A_547 : i32 to index
    %get3A_549 = arith.constant 32 : index
    %get3A_550 = tpu.vector_load %arg8[%get3A_548, %get3A_549] {strides = array<i32>} : memref<4x128xi32, #tpu.memory_space<vmem>>, vector<16xi32>,
    %shift_right_arithmetic3A_551 = arith.constant 4 : i32
    %shift_right_arithmetic3A_552 = vector.broadcast %shift_right_arithmetic3A_551 : i32 to vector<16xi32>
    %shift_right_arithmetic3A_553 = arith.shrsi %get3A_550, %shift_right_arithmetic3A_552 : vector<16xi32>
    %swap3A_554 = arith.constant 1 : i32
    %swap3A_555 = arith.index_cast %swap3A_554 : i32 to index
    %swap3A_556 = arith.constant 32 : index
    %swap3A_557 = tpu.vector_load %arg10[%swap3A_555, %swap3A_556] {strides = array<i32>} : memref<4x128xi32, #tpu.memory_space<vmem>>, vector<16xi32>,
    tpu.vector_store %arg10[%swap3A_555, %swap3A_556], %shift_right_arithmetic3A_553 {strides = array<i32>} : memref<4x128xi32, #tpu.memory_space<vmem>>, vector<16xi32>,
    %and3A_558 = arith.constant 15 : i32
    %and3A_559 = vector.broadcast %and3A_558 : i32 to vector<16xi32>
    %and3A_560 = arith.andi %get3A_550, %and3A_559 : vector<16xi32>
    %swap3A_561 = arith.constant 160 : index
    %swap3A_562 = tpu.vector_load %arg12[%swap3A_561] {strides = array<i32>} : memref<512xi32, #tpu.memory_space<vmem>>, vector<16xi32>,
    tpu.vector_store %arg12[%swap3A_561], %and3A_560 {strides = array<i32>} : memref<512xi32, #tpu.memory_space<vmem>>, vector<16xi32>,
    %get3A_563 = arith.constant 1 : i32
    %get3A_564 = arith.index_cast %get3A_563 : i32 to index
    %get3A_565 = arith.constant 48 : index
    %get3A_566 = tpu.vector_load %arg7[%get3A_564, %get3A_565] {strides = array<i32>} : memref<4x128xi32, #tpu.memory_space<vmem>>, vector<16xi32>,
    %shift_right_arithmetic3A_567 = arith.constant 4 : i32
    %shift_right_arithmetic3A_568 = vector.broadcast %shift_right_arithmetic3A_567 : i32 to vector<16xi32>
    %shift_right_arithmetic3A_569 = arith.shrsi %get3A_566, %shift_right_arithmetic3A_568 : vector<16xi32>
    %swap3A_570 = arith.constant 1 : i32
    %swap3A_571 = arith.index_cast %swap3A_570 : i32 to index
    %swap3A_572 = arith.constant 48 : index
    %swap3A_573 = tpu.vector_load %arg9[%swap3A_571, %swap3A_572] {strides = array<i32>} : memref<4x128xi32, #tpu.memory_space<vmem>>, vector<16xi32>,
    tpu.vector_store %arg9[%swap3A_571, %swap3A_572], %shift_right_arithmetic3A_569 {strides = array<i32>} : memref<4x128xi32, #tpu.memory_space<vmem>>, vector<16xi32>,
    %and3A_574 = arith.constant 15 : i32
    %and3A_575 = vector.broadcast %and3A_574 : i32 to vector<16xi32>
    %and3A_576 = arith.andi %get3A_566, %and3A_575 : vector<16xi32>
    %swap3A_577 = arith.constant 176 : index
    %swap3A_578 = tpu.vector_load %arg11[%swap3A_577] {strides = array<i32>} : memref<512xi32, #tpu.memory_space<vmem>>, vector<16xi32>,
    tpu.vector_store %arg11[%swap3A_577], %and3A_576 {strides = array<i32>} : memref<512xi32, #tpu.memory_space<vmem>>, vector<16xi32>,
    %get3A_579 = arith.constant 1 : i32
    %get3A_580 = arith.index_cast %get3A_579 : i32 to index
    %get3A_581 = arith.constant 48 : index
    %get3A_582 = tpu.vector_load %arg8[%get3A_580, %get3A_581] {strides = array<i32>} : memref<4x128xi32, #tpu.memory_space<vmem>>, vector<16xi32>,
    %shift_right_arithmetic3A_583 = arith.constant 4 : i32
    %shift_right_arithmetic3A_584 = vector.broadcast %shift_right_arithmetic3A_583 : i32 to vector<16xi32>
    %shift_right_arithmetic3A_585 = arith.shrsi %get3A_582, %shift_right_arithmetic3A_584 : vector<16xi32>
    %swap3A_586 = arith.constant 1 : i32
    %swap3A_587 = arith.index_cast %swap3A_586 : i32 to index
    %swap3A_588 = arith.constant 48 : index
    %swap3A_589 = tpu.vector_load %arg10[%swap3A_587, %swap3A_588] {strides = array<i32>} : memref<4x128xi32, #tpu.memory_space<vmem>>, vector<16xi32>,
    tpu.vector_store %arg10[%swap3A_587, %swap3A_588], %shift_right_arithmetic3A_585 {strides = array<i32>} : memref<4x128xi32, #tpu.memory_space<vmem>>, vector<16xi32>,
    %and3A_590 = arith.constant 15 : i32
    %and3A_591 = vector.broadcast %and3A_590 : i32 to vector<16xi32>
    %and3A_592 = arith.andi %get3A_582, %and3A_591 : vector<16xi32>
    %swap3A_593 = arith.constant 176 : index
    %swap3A_594 = tpu.vector_load %arg12[%swap3A_593] {strides = array<i32>} : memref<512xi32, #tpu.memory_space<vmem>>, vector<16xi32>,
    tpu.vector_store %arg12[%swap3A_593], %and3A_592 {strides = array<i32>} : memref<512xi32, #tpu.memory_space<vmem>>, vector<16xi32>,
    %get3A_595 = arith.constant 1 : i32
    %get3A_596 = arith.index_cast %get3A_595 : i32 to index
    %get3A_597 = arith.constant 64 : index
    %get3A_598 = tpu.vector_load %arg7[%get3A_596, %get3A_597] {strides = array<i32>} : memref<4x128xi32, #tpu.memory_space<vmem>>, vector<16xi32>,
    %shift_right_arithmetic3A_599 = arith.constant 4 : i32
    %shift_right_arithmetic3A_600 = vector.broadcast %shift_right_arithmetic3A_599 : i32 to vector<16xi32>
    %shift_right_arithmetic3A_601 = arith.shrsi %get3A_598, %shift_right_arithmetic3A_600 : vector<16xi32>
    %swap3A_602 = arith.constant 1 : i32
    %swap3A_603 = arith.index_cast %swap3A_602 : i32 to index
    %swap3A_604 = arith.constant 64 : index
    %swap3A_605 = tpu.vector_load %arg9[%swap3A_603, %swap3A_604] {strides = array<i32>} : memref<4x128xi32, #tpu.memory_space<vmem>>, vector<16xi32>,
    tpu.vector_store %arg9[%swap3A_603, %swap3A_604], %shift_right_arithmetic3A_601 {strides = array<i32>} : memref<4x128xi32, #tpu.memory_space<vmem>>, vector<16xi32>,
    %and3A_606 = arith.constant 15 : i32
    %and3A_607 = vector.broadcast %and3A_606 : i32 to vector<16xi32>
    %and3A_608 = arith.andi %get3A_598, %and3A_607 : vector<16xi32>
    %swap3A_609 = arith.constant 192 : index
    %swap3A_610 = tpu.vector_load %arg11[%swap3A_609] {strides = array<i32>} : memref<512xi32, #tpu.memory_space<vmem>>, vector<16xi32>,
    tpu.vector_store %arg11[%swap3A_609], %and3A_608 {strides = array<i32>} : memref<512xi32, #tpu.memory_space<vmem>>, vector<16xi32>,
    %get3A_611 = arith.constant 1 : i32
    %get3A_612 = arith.index_cast %get3A_611 : i32 to index
    %get3A_613 = arith.constant 64 : index
    %get3A_614 = tpu.vector_load %arg8[%get3A_612, %get3A_613] {strides = array<i32>} : memref<4x128xi32, #tpu.memory_space<vmem>>, vector<16xi32>,
    %shift_right_arithmetic3A_615 = arith.constant 4 : i32
    %shift_right_arithmetic3A_616 = vector.broadcast %shift_right_arithmetic3A_615 : i32 to vector<16xi32>
    %shift_right_arithmetic3A_617 = arith.shrsi %get3A_614, %shift_right_arithmetic3A_616 : vector<16xi32>
    %swap3A_618 = arith.constant 1 : i32
    %swap3A_619 = arith.index_cast %swap3A_618 : i32 to index
    %swap3A_620 = arith.constant 64 : index
    %swap3A_621 = tpu.vector_load %arg10[%swap3A_619, %swap3A_620] {strides = array<i32>} : memref<4x128xi32, #tpu.memory_space<vmem>>, vector<16xi32>,
    tpu.vector_store %arg10[%swap3A_619, %swap3A_620], %shift_right_arithmetic3A_617 {strides = array<i32>} : memref<4x128xi32, #tpu.memory_space<vmem>>, vector<16xi32>,
    %and3A_622 = arith.constant 15 : i32
    %and3A_623 = vector.broadcast %and3A_622 : i32 to vector<16xi32>
    %and3A_624 = arith.andi %get3A_614, %and3A_623 : vector<16xi32>
    %swap3A_625 = arith.constant 192 : index
    %swap3A_626 = tpu.vector_load %arg12[%swap3A_625] {strides = array<i32>} : memref<512xi32, #tpu.memory_space<vmem>>, vector<16xi32>,
    tpu.vector_store %arg12[%swap3A_625], %and3A_624 {strides = array<i32>} : memref<512xi32, #tpu.memory_space<vmem>>, vector<16xi32>,
    %get3A_627 = arith.constant 1 : i32
    %get3A_628 = arith.index_cast %get3A_627 : i32 to index
    %get3A_629 = arith.constant 80 : index
    %get3A_630 = tpu.vector_load %arg7[%get3A_628, %get3A_629] {strides = array<i32>} : memref<4x128xi32, #tpu.memory_space<vmem>>, vector<16xi32>,
    %shift_right_arithmetic3A_631 = arith.constant 4 : i32
    %shift_right_arithmetic3A_632 = vector.broadcast %shift_right_arithmetic3A_631 : i32 to vector<16xi32>
    %shift_right_arithmetic3A_633 = arith.shrsi %get3A_630, %shift_right_arithmetic3A_632 : vector<16xi32>
    %swap3A_634 = arith.constant 1 : i32
    %swap3A_635 = arith.index_cast %swap3A_634 : i32 to index
    %swap3A_636 = arith.constant 80 : index
    %swap3A_637 = tpu.vector_load %arg9[%swap3A_635, %swap3A_636] {strides = array<i32>} : memref<4x128xi32, #tpu.memory_space<vmem>>, vector<16xi32>,
    tpu.vector_store %arg9[%swap3A_635, %swap3A_636], %shift_right_arithmetic3A_633 {strides = array<i32>} : memref<4x128xi32, #tpu.memory_space<vmem>>, vector<16xi32>,
    %and3A_638 = arith.constant 15 : i32
    %and3A_639 = vector.broadcast %and3A_638 : i32 to vector<16xi32>
    %and3A_640 = arith.andi %get3A_630, %and3A_639 : vector<16xi32>
    %swap3A_641 = arith.constant 208 : index
    %swap3A_642 = tpu.vector_load %arg11[%swap3A_641] {strides = array<i32>} : memref<512xi32, #tpu.memory_space<vmem>>, vector<16xi32>,
    tpu.vector_store %arg11[%swap3A_641], %and3A_640 {strides = array<i32>} : memref<512xi32, #tpu.memory_space<vmem>>, vector<16xi32>,
    %get3A_643 = arith.constant 1 : i32
    %get3A_644 = arith.index_cast %get3A_643 : i32 to index
    %get3A_645 = arith.constant 80 : index
    %get3A_646 = tpu.vector_load %arg8[%get3A_644, %get3A_645] {strides = array<i32>} : memref<4x128xi32, #tpu.memory_space<vmem>>, vector<16xi32>,
    %shift_right_arithmetic3A_647 = arith.constant 4 : i32
    %shift_right_arithmetic3A_648 = vector.broadcast %shift_right_arithmetic3A_647 : i32 to vector<16xi32>
    %shift_right_arithmetic3A_649 = arith.shrsi %get3A_646, %shift_right_arithmetic3A_648 : vector<16xi32>
    %swap3A_650 = arith.constant 1 : i32
    %swap3A_651 = arith.index_cast %swap3A_650 : i32 to index
    %swap3A_652 = arith.constant 80 : index
    %swap3A_653 = tpu.vector_load %arg10[%swap3A_651, %swap3A_652] {strides = array<i32>} : memref<4x128xi32, #tpu.memory_space<vmem>>, vector<16xi32>,
    tpu.vector_store %arg10[%swap3A_651, %swap3A_652], %shift_right_arithmetic3A_649 {strides = array<i32>} : memref<4x128xi32, #tpu.memory_space<vmem>>, vector<16xi32>,
    %and3A_654 = arith.constant 15 : i32
    %and3A_655 = vector.broadcast %and3A_654 : i32 to vector<16xi32>
    %and3A_656 = arith.andi %get3A_646, %and3A_655 : vector<16xi32>
    %swap3A_657 = arith.constant 208 : index
    %swap3A_658 = tpu.vector_load %arg12[%swap3A_657] {strides = array<i32>} : memref<512xi32, #tpu.memory_space<vmem>>, vector<16xi32>,
    tpu.vector_store %arg12[%swap3A_657], %and3A_656 {strides = array<i32>} : memref<512xi32, #tpu.memory_space<vmem>>, vector<16xi32>,
    %get3A_659 = arith.constant 1 : i32
    %get3A_660 = arith.index_cast %get3A_659 : i32 to index
    %get3A_661 = arith.constant 96 : index
    %get3A_662 = tpu.vector_load %arg7[%get3A_660, %get3A_661] {strides = array<i32>} : memref<4x128xi32, #tpu.memory_space<vmem>>, vector<16xi32>,
    %shift_right_arithmetic3A_663 = arith.constant 4 : i32
    %shift_right_arithmetic3A_664 = vector.broadcast %shift_right_arithmetic3A_663 : i32 to vector<16xi32>
    %shift_right_arithmetic3A_665 = arith.shrsi %get3A_662, %shift_right_arithmetic3A_664 : vector<16xi32>
    %swap3A_666 = arith.constant 1 : i32
    %swap3A_667 = arith.index_cast %swap3A_666 : i32 to index
    %swap3A_668 = arith.constant 96 : index
    %swap3A_669 = tpu.vector_load %arg9[%swap3A_667, %swap3A_668] {strides = array<i32>} : memref<4x128xi32, #tpu.memory_space<vmem>>, vector<16xi32>,
    tpu.vector_store %arg9[%swap3A_667, %swap3A_668], %shift_right_arithmetic3A_665 {strides = array<i32>} : memref<4x128xi32, #tpu.memory_space<vmem>>, vector<16xi32>,
    %and3A_670 = arith.constant 15 : i32
    %and3A_671 = vector.broadcast %and3A_670 : i32 to vector<16xi32>
    %and3A_672 = arith.andi %get3A_662, %and3A_671 : vector<16xi32>
    %swap3A_673 = arith.constant 224 : index
    %swap3A_674 = tpu.vector_load %arg11[%swap3A_673] {strides = array<i32>} : memref<512xi32, #tpu.memory_space<vmem>>, vector<16xi32>,
    tpu.vector_store %arg11[%swap3A_673], %and3A_672 {strides = array<i32>} : memref<512xi32, #tpu.memory_space<vmem>>, vector<16xi32>,
    %get3A_675 = arith.constant 1 : i32
    %get3A_676 = arith.index_cast %get3A_675 : i32 to index
    %get3A_677 = arith.constant 96 : index
    %get3A_678 = tpu.vector_load %arg8[%get3A_676, %get3A_677] {strides = array<i32>} : memref<4x128xi32, #tpu.memory_space<vmem>>, vector<16xi32>,
    %shift_right_arithmetic3A_679 = arith.constant 4 : i32
    %shift_right_arithmetic3A_680 = vector.broadcast %shift_right_arithmetic3A_679 : i32 to vector<16xi32>
    %shift_right_arithmetic3A_681 = arith.shrsi %get3A_678, %shift_right_arithmetic3A_680 : vector<16xi32>
    %swap3A_682 = arith.constant 1 : i32
    %swap3A_683 = arith.index_cast %swap3A_682 : i32 to index
    %swap3A_684 = arith.constant 96 : index
    %swap3A_685 = tpu.vector_load %arg10[%swap3A_683, %swap3A_684] {strides = array<i32>} : memref<4x128xi32, #tpu.memory_space<vmem>>, vector<16xi32>,
    tpu.vector_store %arg10[%swap3A_683, %swap3A_684], %shift_right_arithmetic3A_681 {strides = array<i32>} : memref<4x128xi32, #tpu.memory_space<vmem>>, vector<16xi32>,
    %and3A_686 = arith.constant 15 : i32
    %and3A_687 = vector.broadcast %and3A_686 : i32 to vector<16xi32>
    %and3A_688 = arith.andi %get3A_678, %and3A_687 : vector<16xi32>
    %swap3A_689 = arith.constant 224 : index
    %swap3A_690 = tpu.vector_load %arg12[%swap3A_689] {strides = array<i32>} : memref<512xi32, #tpu.memory_space<vmem>>, vector<16xi32>,
    tpu.vector_store %arg12[%swap3A_689], %and3A_688 {strides = array<i32>} : memref<512xi32, #tpu.memory_space<vmem>>, vector<16xi32>,
    %get3A_691 = arith.constant 1 : i32
    %get3A_692 = arith.index_cast %get3A_691 : i32 to index
    %get3A_693 = arith.constant 112 : index
    %get3A_694 = tpu.vector_load %arg7[%get3A_692, %get3A_693] {strides = array<i32>} : memref<4x128xi32, #tpu.memory_space<vmem>>, vector<16xi32>,
    %shift_right_arithmetic3A_695 = arith.constant 4 : i32
    %shift_right_arithmetic3A_696 = vector.broadcast %shift_right_arithmetic3A_695 : i32 to vector<16xi32>
    %shift_right_arithmetic3A_697 = arith.shrsi %get3A_694, %shift_right_arithmetic3A_696 : vector<16xi32>
    %swap3A_698 = arith.constant 1 : i32
    %swap3A_699 = arith.index_cast %swap3A_698 : i32 to index
    %swap3A_700 = arith.constant 112 : index
    %swap3A_701 = tpu.vector_load %arg9[%swap3A_699, %swap3A_700] {strides = array<i32>} : memref<4x128xi32, #tpu.memory_space<vmem>>, vector<16xi32>,
    tpu.vector_store %arg9[%swap3A_699, %swap3A_700], %shift_right_arithmetic3A_697 {strides = array<i32>} : memref<4x128xi32, #tpu.memory_space<vmem>>, vector<16xi32>,
    %and3A_702 = arith.constant 15 : i32
    %and3A_703 = vector.broadcast %and3A_702 : i32 to vector<16xi32>
    %and3A_704 = arith.andi %get3A_694, %and3A_703 : vector<16xi32>
    %swap3A_705 = arith.constant 240 : index
    %swap3A_706 = tpu.vector_load %arg11[%swap3A_705] {strides = array<i32>} : memref<512xi32, #tpu.memory_space<vmem>>, vector<16xi32>,
    tpu.vector_store %arg11[%swap3A_705], %and3A_704 {strides = array<i32>} : memref<512xi32, #tpu.memory_space<vmem>>, vector<16xi32>,
    %get3A_707 = arith.constant 1 : i32
    %get3A_708 = arith.index_cast %get3A_707 : i32 to index
    %get3A_709 = arith.constant 112 : index
    %get3A_710 = tpu.vector_load %arg8[%get3A_708, %get3A_709] {strides = array<i32>} : memref<4x128xi32, #tpu.memory_space<vmem>>, vector<16xi32>,
    %shift_right_arithmetic3A_711 = arith.constant 4 : i32
    %shift_right_arithmetic3A_712 = vector.broadcast %shift_right_arithmetic3A_711 : i32 to vector<16xi32>
    %shift_right_arithmetic3A_713 = arith.shrsi %get3A_710, %shift_right_arithmetic3A_712 : vector<16xi32>
    %swap3A_714 = arith.constant 1 : i32
    %swap3A_715 = arith.index_cast %swap3A_714 : i32 to index
    %swap3A_716 = arith.constant 112 : index
    %swap3A_717 = tpu.vector_load %arg10[%swap3A_715, %swap3A_716] {strides = array<i32>} : memref<4x128xi32, #tpu.memory_space<vmem>>, vector<16xi32>,
    tpu.vector_store %arg10[%swap3A_715, %swap3A_716], %shift_right_arithmetic3A_713 {strides = array<i32>} : memref<4x128xi32, #tpu.memory_space<vmem>>, vector<16xi32>,
    %and3A_718 = arith.constant 15 : i32
    %and3A_719 = vector.broadcast %and3A_718 : i32 to vector<16xi32>
    %and3A_720 = arith.andi %get3A_710, %and3A_719 : vector<16xi32>
    %swap3A_721 = arith.constant 240 : index
    %swap3A_722 = tpu.vector_load %arg12[%swap3A_721] {strides = array<i32>} : memref<512xi32, #tpu.memory_space<vmem>>, vector<16xi32>,
    tpu.vector_store %arg12[%swap3A_721], %and3A_720 {strides = array<i32>} : memref<512xi32, #tpu.memory_space<vmem>>, vector<16xi32>,
    %get3A_723 = arith.constant 2 : i32
    %get3A_724 = arith.index_cast %get3A_723 : i32 to index
    %get3A_725 = arith.constant 0 : index
    %get3A_726 = tpu.vector_load %arg7[%get3A_724, %get3A_725] {strides = array<i32>} : memref<4x128xi32, #tpu.memory_space<vmem>>, vector<16xi32>,
    %shift_right_arithmetic3A_727 = arith.constant 4 : i32
    %shift_right_arithmetic3A_728 = vector.broadcast %shift_right_arithmetic3A_727 : i32 to vector<16xi32>
    %shift_right_arithmetic3A_729 = arith.shrsi %get3A_726, %shift_right_arithmetic3A_728 : vector<16xi32>
    %swap3A_730 = arith.constant 2 : i32
    %swap3A_731 = arith.index_cast %swap3A_730 : i32 to index
    %swap3A_732 = arith.constant 0 : index
    %swap3A_733 = tpu.vector_load %arg9[%swap3A_731, %swap3A_732] {strides = array<i32>} : memref<4x128xi32, #tpu.memory_space<vmem>>, vector<16xi32>,
    tpu.vector_store %arg9[%swap3A_731, %swap3A_732], %shift_right_arithmetic3A_729 {strides = array<i32>} : memref<4x128xi32, #tpu.memory_space<vmem>>, vector<16xi32>,
    %and3A_734 = arith.constant 15 : i32
    %and3A_735 = vector.broadcast %and3A_734 : i32 to vector<16xi32>
    %and3A_736 = arith.andi %get3A_726, %and3A_735 : vector<16xi32>
    %swap3A_737 = arith.constant 256 : index
    %swap3A_738 = tpu.vector_load %arg11[%swap3A_737] {strides = array<i32>} : memref<512xi32, #tpu.memory_space<vmem>>, vector<16xi32>,
    tpu.vector_store %arg11[%swap3A_737], %and3A_736 {strides = array<i32>} : memref<512xi32, #tpu.memory_space<vmem>>, vector<16xi32>,
    %get3A_739 = arith.constant 2 : i32
    %get3A_740 = arith.index_cast %get3A_739 : i32 to index
    %get3A_741 = arith.constant 0 : index
    %get3A_742 = tpu.vector_load %arg8[%get3A_740, %get3A_741] {strides = array<i32>} : memref<4x128xi32, #tpu.memory_space<vmem>>, vector<16xi32>,
    %shift_right_arithmetic3A_743 = arith.constant 4 : i32
    %shift_right_arithmetic3A_744 = vector.broadcast %shift_right_arithmetic3A_743 : i32 to vector<16xi32>
    %shift_right_arithmetic3A_745 = arith.shrsi %get3A_742, %shift_right_arithmetic3A_744 : vector<16xi32>
    %swap3A_746 = arith.constant 2 : i32
    %swap3A_747 = arith.index_cast %swap3A_746 : i32 to index
    %swap3A_748 = arith.constant 0 : index
    %swap3A_749 = tpu.vector_load %arg10[%swap3A_747, %swap3A_748] {strides = array<i32>} : memref<4x128xi32, #tpu.memory_space<vmem>>, vector<16xi32>,
    tpu.vector_store %arg10[%swap3A_747, %swap3A_748], %shift_right_arithmetic3A_745 {strides = array<i32>} : memref<4x128xi32, #tpu.memory_space<vmem>>, vector<16xi32>,
    %and3A_750 = arith.constant 15 : i32
    %and3A_751 = vector.broadcast %and3A_750 : i32 to vector<16xi32>
    %and3A_752 = arith.andi %get3A_742, %and3A_751 : vector<16xi32>
    %swap3A_753 = arith.constant 256 : index
    %swap3A_754 = tpu.vector_load %arg12[%swap3A_753] {strides = array<i32>} : memref<512xi32, #tpu.memory_space<vmem>>, vector<16xi32>,
    tpu.vector_store %arg12[%swap3A_753], %and3A_752 {strides = array<i32>} : memref<512xi32, #tpu.memory_space<vmem>>, vector<16xi32>,
    %get3A_755 = arith.constant 2 : i32
    %get3A_756 = arith.index_cast %get3A_755 : i32 to index
    %get3A_757 = arith.constant 16 : index
    %get3A_758 = tpu.vector_load %arg7[%get3A_756, %get3A_757] {strides = array<i32>} : memref<4x128xi32, #tpu.memory_space<vmem>>, vector<16xi32>,
    %shift_right_arithmetic3A_759 = arith.constant 4 : i32
    %shift_right_arithmetic3A_760 = vector.broadcast %shift_right_arithmetic3A_759 : i32 to vector<16xi32>
    %shift_right_arithmetic3A_761 = arith.shrsi %get3A_758, %shift_right_arithmetic3A_760 : vector<16xi32>
    %swap3A_762 = arith.constant 2 : i32
    %swap3A_763 = arith.index_cast %swap3A_762 : i32 to index
    %swap3A_764 = arith.constant 16 : index
    %swap3A_765 = tpu.vector_load %arg9[%swap3A_763, %swap3A_764] {strides = array<i32>} : memref<4x128xi32, #tpu.memory_space<vmem>>, vector<16xi32>,
    tpu.vector_store %arg9[%swap3A_763, %swap3A_764], %shift_right_arithmetic3A_761 {strides = array<i32>} : memref<4x128xi32, #tpu.memory_space<vmem>>, vector<16xi32>,
    %and3A_766 = arith.constant 15 : i32
    %and3A_767 = vector.broadcast %and3A_766 : i32 to vector<16xi32>
    %and3A_768 = arith.andi %get3A_758, %and3A_767 : vector<16xi32>
    %swap3A_769 = arith.constant 272 : index
    %swap3A_770 = tpu.vector_load %arg11[%swap3A_769] {strides = array<i32>} : memref<512xi32, #tpu.memory_space<vmem>>, vector<16xi32>,
    tpu.vector_store %arg11[%swap3A_769], %and3A_768 {strides = array<i32>} : memref<512xi32, #tpu.memory_space<vmem>>, vector<16xi32>,
    %get3A_771 = arith.constant 2 : i32
    %get3A_772 = arith.index_cast %get3A_771 : i32 to index
    %get3A_773 = arith.constant 16 : index
    %get3A_774 = tpu.vector_load %arg8[%get3A_772, %get3A_773] {strides = array<i32>} : memref<4x128xi32, #tpu.memory_space<vmem>>, vector<16xi32>,
    %shift_right_arithmetic3A_775 = arith.constant 4 : i32
    %shift_right_arithmetic3A_776 = vector.broadcast %shift_right_arithmetic3A_775 : i32 to vector<16xi32>
    %shift_right_arithmetic3A_777 = arith.shrsi %get3A_774, %shift_right_arithmetic3A_776 : vector<16xi32>
    %swap3A_778 = arith.constant 2 : i32
    %swap3A_779 = arith.index_cast %swap3A_778 : i32 to index
    %swap3A_780 = arith.constant 16 : index
    %swap3A_781 = tpu.vector_load %arg10[%swap3A_779, %swap3A_780] {strides = array<i32>} : memref<4x128xi32, #tpu.memory_space<vmem>>, vector<16xi32>,
    tpu.vector_store %arg10[%swap3A_779, %swap3A_780], %shift_right_arithmetic3A_777 {strides = array<i32>} : memref<4x128xi32, #tpu.memory_space<vmem>>, vector<16xi32>,
    %and3A_782 = arith.constant 15 : i32
    %and3A_783 = vector.broadcast %and3A_782 : i32 to vector<16xi32>
    %and3A_784 = arith.andi %get3A_774, %and3A_783 : vector<16xi32>
    %swap3A_785 = arith.constant 272 : index
    %swap3A_786 = tpu.vector_load %arg12[%swap3A_785] {strides = array<i32>} : memref<512xi32, #tpu.memory_space<vmem>>, vector<16xi32>,
    tpu.vector_store %arg12[%swap3A_785], %and3A_784 {strides = array<i32>} : memref<512xi32, #tpu.memory_space<vmem>>, vector<16xi32>,
    %get3A_787 = arith.constant 2 : i32
    %get3A_788 = arith.index_cast %get3A_787 : i32 to index
    %get3A_789 = arith.constant 32 : index
    %get3A_790 = tpu.vector_load %arg7[%get3A_788, %get3A_789] {strides = array<i32>} : memref<4x128xi32, #tpu.memory_space<vmem>>, vector<16xi32>,
    %shift_right_arithmetic3A_791 = arith.constant 4 : i32
    %shift_right_arithmetic3A_792 = vector.broadcast %shift_right_arithmetic3A_791 : i32 to vector<16xi32>
    %shift_right_arithmetic3A_793 = arith.shrsi %get3A_790, %shift_right_arithmetic3A_792 : vector<16xi32>
    %swap3A_794 = arith.constant 2 : i32
    %swap3A_795 = arith.index_cast %swap3A_794 : i32 to index
    %swap3A_796 = arith.constant 32 : index
    %swap3A_797 = tpu.vector_load %arg9[%swap3A_795, %swap3A_796] {strides = array<i32>} : memref<4x128xi32, #tpu.memory_space<vmem>>, vector<16xi32>,
    tpu.vector_store %arg9[%swap3A_795, %swap3A_796], %shift_right_arithmetic3A_793 {strides = array<i32>} : memref<4x128xi32, #tpu.memory_space<vmem>>, vector<16xi32>,
    %and3A_798 = arith.constant 15 : i32
    %and3A_799 = vector.broadcast %and3A_798 : i32 to vector<16xi32>
    %and3A_800 = arith.andi %get3A_790, %and3A_799 : vector<16xi32>
    %swap3A_801 = arith.constant 288 : index
    %swap3A_802 = tpu.vector_load %arg11[%swap3A_801] {strides = array<i32>} : memref<512xi32, #tpu.memory_space<vmem>>, vector<16xi32>,
    tpu.vector_store %arg11[%swap3A_801], %and3A_800 {strides = array<i32>} : memref<512xi32, #tpu.memory_space<vmem>>, vector<16xi32>,
    %get3A_803 = arith.constant 2 : i32
    %get3A_804 = arith.index_cast %get3A_803 : i32 to index
    %get3A_805 = arith.constant 32 : index
    %get3A_806 = tpu.vector_load %arg8[%get3A_804, %get3A_805] {strides = array<i32>} : memref<4x128xi32, #tpu.memory_space<vmem>>, vector<16xi32>,
    %shift_right_arithmetic3A_807 = arith.constant 4 : i32
    %shift_right_arithmetic3A_808 = vector.broadcast %shift_right_arithmetic3A_807 : i32 to vector<16xi32>
    %shift_right_arithmetic3A_809 = arith.shrsi %get3A_806, %shift_right_arithmetic3A_808 : vector<16xi32>
    %swap3A_810 = arith.constant 2 : i32
    %swap3A_811 = arith.index_cast %swap3A_810 : i32 to index
    %swap3A_812 = arith.constant 32 : index
    %swap3A_813 = tpu.vector_load %arg10[%swap3A_811, %swap3A_812] {strides = array<i32>} : memref<4x128xi32, #tpu.memory_space<vmem>>, vector<16xi32>,
    tpu.vector_store %arg10[%swap3A_811, %swap3A_812], %shift_right_arithmetic3A_809 {strides = array<i32>} : memref<4x128xi32, #tpu.memory_space<vmem>>, vector<16xi32>,
    %and3A_814 = arith.constant 15 : i32
    %and3A_815 = vector.broadcast %and3A_814 : i32 to vector<16xi32>
    %and3A_816 = arith.andi %get3A_806, %and3A_815 : vector<16xi32>
    %swap3A_817 = arith.constant 288 : index
    %swap3A_818 = tpu.vector_load %arg12[%swap3A_817] {strides = array<i32>} : memref<512xi32, #tpu.memory_space<vmem>>, vector<16xi32>,
    tpu.vector_store %arg12[%swap3A_817], %and3A_816 {strides = array<i32>} : memref<512xi32, #tpu.memory_space<vmem>>, vector<16xi32>,
    %get3A_819 = arith.constant 2 : i32
    %get3A_820 = arith.index_cast %get3A_819 : i32 to index
    %get3A_821 = arith.constant 48 : index
    %get3A_822 = tpu.vector_load %arg7[%get3A_820, %get3A_821] {strides = array<i32>} : memref<4x128xi32, #tpu.memory_space<vmem>>, vector<16xi32>,
    %shift_right_arithmetic3A_823 = arith.constant 4 : i32
    %shift_right_arithmetic3A_824 = vector.broadcast %shift_right_arithmetic3A_823 : i32 to vector<16xi32>
    %shift_right_arithmetic3A_825 = arith.shrsi %get3A_822, %shift_right_arithmetic3A_824 : vector<16xi32>
    %swap3A_826 = arith.constant 2 : i32
    %swap3A_827 = arith.index_cast %swap3A_826 : i32 to index
    %swap3A_828 = arith.constant 48 : index
    %swap3A_829 = tpu.vector_load %arg9[%swap3A_827, %swap3A_828] {strides = array<i32>} : memref<4x128xi32, #tpu.memory_space<vmem>>, vector<16xi32>,
    tpu.vector_store %arg9[%swap3A_827, %swap3A_828], %shift_right_arithmetic3A_825 {strides = array<i32>} : memref<4x128xi32, #tpu.memory_space<vmem>>, vector<16xi32>,
    %and3A_830 = arith.constant 15 : i32
    %and3A_831 = vector.broadcast %and3A_830 : i32 to vector<16xi32>
    %and3A_832 = arith.andi %get3A_822, %and3A_831 : vector<16xi32>
    %swap3A_833 = arith.constant 304 : index
    %swap3A_834 = tpu.vector_load %arg11[%swap3A_833] {strides = array<i32>} : memref<512xi32, #tpu.memory_space<vmem>>, vector<16xi32>,
    tpu.vector_store %arg11[%swap3A_833], %and3A_832 {strides = array<i32>} : memref<512xi32, #tpu.memory_space<vmem>>, vector<16xi32>,
    %get3A_835 = arith.constant 2 : i32
    %get3A_836 = arith.index_cast %get3A_835 : i32 to index
    %get3A_837 = arith.constant 48 : index
    %get3A_838 = tpu.vector_load %arg8[%get3A_836, %get3A_837] {strides = array<i32>} : memref<4x128xi32, #tpu.memory_space<vmem>>, vector<16xi32>,
    %shift_right_arithmetic3A_839 = arith.constant 4 : i32
    %shift_right_arithmetic3A_840 = vector.broadcast %shift_right_arithmetic3A_839 : i32 to vector<16xi32>
    %shift_right_arithmetic3A_841 = arith.shrsi %get3A_838, %shift_right_arithmetic3A_840 : vector<16xi32>
    %swap3A_842 = arith.constant 2 : i32
    %swap3A_843 = arith.index_cast %swap3A_842 : i32 to index
    %swap3A_844 = arith.constant 48 : index
    %swap3A_845 = tpu.vector_load %arg10[%swap3A_843, %swap3A_844] {strides = array<i32>} : memref<4x128xi32, #tpu.memory_space<vmem>>, vector<16xi32>,
    tpu.vector_store %arg10[%swap3A_843, %swap3A_844], %shift_right_arithmetic3A_841 {strides = array<i32>} : memref<4x128xi32, #tpu.memory_space<vmem>>, vector<16xi32>,
    %and3A_846 = arith.constant 15 : i32
    %and3A_847 = vector.broadcast %and3A_846 : i32 to vector<16xi32>
    %and3A_848 = arith.andi %get3A_838, %and3A_847 : vector<16xi32>
    %swap3A_849 = arith.constant 304 : index
    %swap3A_850 = tpu.vector_load %arg12[%swap3A_849] {strides = array<i32>} : memref<512xi32, #tpu.memory_space<vmem>>, vector<16xi32>,
    tpu.vector_store %arg12[%swap3A_849], %and3A_848 {strides = array<i32>} : memref<512xi32, #tpu.memory_space<vmem>>, vector<16xi32>,
    %get3A_851 = arith.constant 2 : i32
    %get3A_852 = arith.index_cast %get3A_851 : i32 to index
    %get3A_853 = arith.constant 64 : index
    %get3A_854 = tpu.vector_load %arg7[%get3A_852, %get3A_853] {strides = array<i32>} : memref<4x128xi32, #tpu.memory_space<vmem>>, vector<16xi32>,
    %shift_right_arithmetic3A_855 = arith.constant 4 : i32
    %shift_right_arithmetic3A_856 = vector.broadcast %shift_right_arithmetic3A_855 : i32 to vector<16xi32>
    %shift_right_arithmetic3A_857 = arith.shrsi %get3A_854, %shift_right_arithmetic3A_856 : vector<16xi32>
    %swap3A_858 = arith.constant 2 : i32
    %swap3A_859 = arith.index_cast %swap3A_858 : i32 to index
    %swap3A_860 = arith.constant 64 : index
    %swap3A_861 = tpu.vector_load %arg9[%swap3A_859, %swap3A_860] {strides = array<i32>} : memref<4x128xi32, #tpu.memory_space<vmem>>, vector<16xi32>,
    tpu.vector_store %arg9[%swap3A_859, %swap3A_860], %shift_right_arithmetic3A_857 {strides = array<i32>} : memref<4x128xi32, #tpu.memory_space<vmem>>, vector<16xi32>,
    %and3A_862 = arith.constant 15 : i32
    %and3A_863 = vector.broadcast %and3A_862 : i32 to vector<16xi32>
    %and3A_864 = arith.andi %get3A_854, %and3A_863 : vector<16xi32>
    %swap3A_865 = arith.constant 320 : index
    %swap3A_866 = tpu.vector_load %arg11[%swap3A_865] {strides = array<i32>} : memref<512xi32, #tpu.memory_space<vmem>>, vector<16xi32>,
    tpu.vector_store %arg11[%swap3A_865], %and3A_864 {strides = array<i32>} : memref<512xi32, #tpu.memory_space<vmem>>, vector<16xi32>,
    %get3A_867 = arith.constant 2 : i32
    %get3A_868 = arith.index_cast %get3A_867 : i32 to index
    %get3A_869 = arith.constant 64 : index
    %get3A_870 = tpu.vector_load %arg8[%get3A_868, %get3A_869] {strides = array<i32>} : memref<4x128xi32, #tpu.memory_space<vmem>>, vector<16xi32>,
    %shift_right_arithmetic3A_871 = arith.constant 4 : i32
    %shift_right_arithmetic3A_872 = vector.broadcast %shift_right_arithmetic3A_871 : i32 to vector<16xi32>
    %shift_right_arithmetic3A_873 = arith.shrsi %get3A_870, %shift_right_arithmetic3A_872 : vector<16xi32>
    %swap3A_874 = arith.constant 2 : i32
    %swap3A_875 = arith.index_cast %swap3A_874 : i32 to index
    %swap3A_876 = arith.constant 64 : index
    %swap3A_877 = tpu.vector_load %arg10[%swap3A_875, %swap3A_876] {strides = array<i32>} : memref<4x128xi32, #tpu.memory_space<vmem>>, vector<16xi32>,
    tpu.vector_store %arg10[%swap3A_875, %swap3A_876], %shift_right_arithmetic3A_873 {strides = array<i32>} : memref<4x128xi32, #tpu.memory_space<vmem>>, vector<16xi32>,
    %and3A_878 = arith.constant 15 : i32
    %and3A_879 = vector.broadcast %and3A_878 : i32 to vector<16xi32>
    %and3A_880 = arith.andi %get3A_870, %and3A_879 : vector<16xi32>
    %swap3A_881 = arith.constant 320 : index
    %swap3A_882 = tpu.vector_load %arg12[%swap3A_881] {strides = array<i32>} : memref<512xi32, #tpu.memory_space<vmem>>, vector<16xi32>,
    tpu.vector_store %arg12[%swap3A_881], %and3A_880 {strides = array<i32>} : memref<512xi32, #tpu.memory_space<vmem>>, vector<16xi32>,
    %get3A_883 = arith.constant 2 : i32
    %get3A_884 = arith.index_cast %get3A_883 : i32 to index
    %get3A_885 = arith.constant 80 : index
    %get3A_886 = tpu.vector_load %arg7[%get3A_884, %get3A_885] {strides = array<i32>} : memref<4x128xi32, #tpu.memory_space<vmem>>, vector<16xi32>,
    %shift_right_arithmetic3A_887 = arith.constant 4 : i32
    %shift_right_arithmetic3A_888 = vector.broadcast %shift_right_arithmetic3A_887 : i32 to vector<16xi32>
    %shift_right_arithmetic3A_889 = arith.shrsi %get3A_886, %shift_right_arithmetic3A_888 : vector<16xi32>
    %swap3A_890 = arith.constant 2 : i32
    %swap3A_891 = arith.index_cast %swap3A_890 : i32 to index
    %swap3A_892 = arith.constant 80 : index
    %swap3A_893 = tpu.vector_load %arg9[%swap3A_891, %swap3A_892] {strides = array<i32>} : memref<4x128xi32, #tpu.memory_space<vmem>>, vector<16xi32>,
    tpu.vector_store %arg9[%swap3A_891, %swap3A_892], %shift_right_arithmetic3A_889 {strides = array<i32>} : memref<4x128xi32, #tpu.memory_space<vmem>>, vector<16xi32>,
    %and3A_894 = arith.constant 15 : i32
    %and3A_895 = vector.broadcast %and3A_894 : i32 to vector<16xi32>
    %and3A_896 = arith.andi %get3A_886, %and3A_895 : vector<16xi32>
    %swap3A_897 = arith.constant 336 : index
    %swap3A_898 = tpu.vector_load %arg11[%swap3A_897] {strides = array<i32>} : memref<512xi32, #tpu.memory_space<vmem>>, vector<16xi32>,
    tpu.vector_store %arg11[%swap3A_897], %and3A_896 {strides = array<i32>} : memref<512xi32, #tpu.memory_space<vmem>>, vector<16xi32>,
    %get3A_899 = arith.constant 2 : i32
    %get3A_900 = arith.index_cast %get3A_899 : i32 to index
    %get3A_901 = arith.constant 80 : index
    %get3A_902 = tpu.vector_load %arg8[%get3A_900, %get3A_901] {strides = array<i32>} : memref<4x128xi32, #tpu.memory_space<vmem>>, vector<16xi32>,
    %shift_right_arithmetic3A_903 = arith.constant 4 : i32
    %shift_right_arithmetic3A_904 = vector.broadcast %shift_right_arithmetic3A_903 : i32 to vector<16xi32>
    %shift_right_arithmetic3A_905 = arith.shrsi %get3A_902, %shift_right_arithmetic3A_904 : vector<16xi32>
    %swap3A_906 = arith.constant 2 : i32
    %swap3A_907 = arith.index_cast %swap3A_906 : i32 to index
    %swap3A_908 = arith.constant 80 : index
    %swap3A_909 = tpu.vector_load %arg10[%swap3A_907, %swap3A_908] {strides = array<i32>} : memref<4x128xi32, #tpu.memory_space<vmem>>, vector<16xi32>,
    tpu.vector_store %arg10[%swap3A_907, %swap3A_908], %shift_right_arithmetic3A_905 {strides = array<i32>} : memref<4x128xi32, #tpu.memory_space<vmem>>, vector<16xi32>,
    %and3A_910 = arith.constant 15 : i32
    %and3A_911 = vector.broadcast %and3A_910 : i32 to vector<16xi32>
    %and3A_912 = arith.andi %get3A_902, %and3A_911 : vector<16xi32>
    %swap3A_913 = arith.constant 336 : index
    %swap3A_914 = tpu.vector_load %arg12[%swap3A_913] {strides = array<i32>} : memref<512xi32, #tpu.memory_space<vmem>>, vector<16xi32>,
    tpu.vector_store %arg12[%swap3A_913], %and3A_912 {strides = array<i32>} : memref<512xi32, #tpu.memory_space<vmem>>, vector<16xi32>,
    %get3A_915 = arith.constant 2 : i32
    %get3A_916 = arith.index_cast %get3A_915 : i32 to index
    %get3A_917 = arith.constant 96 : index
    %get3A_918 = tpu.vector_load %arg7[%get3A_916, %get3A_917] {strides = array<i32>} : memref<4x128xi32, #tpu.memory_space<vmem>>, vector<16xi32>,
    %shift_right_arithmetic3A_919 = arith.constant 4 : i32
    %shift_right_arithmetic3A_920 = vector.broadcast %shift_right_arithmetic3A_919 : i32 to vector<16xi32>
    %shift_right_arithmetic3A_921 = arith.shrsi %get3A_918, %shift_right_arithmetic3A_920 : vector<16xi32>
    %swap3A_922 = arith.constant 2 : i32
    %swap3A_923 = arith.index_cast %swap3A_922 : i32 to index
    %swap3A_924 = arith.constant 96 : index
    %swap3A_925 = tpu.vector_load %arg9[%swap3A_923, %swap3A_924] {strides = array<i32>} : memref<4x128xi32, #tpu.memory_space<vmem>>, vector<16xi32>,
    tpu.vector_store %arg9[%swap3A_923, %swap3A_924], %shift_right_arithmetic3A_921 {strides = array<i32>} : memref<4x128xi32, #tpu.memory_space<vmem>>, vector<16xi32>,
    %and3A_926 = arith.constant 15 : i32
    %and3A_927 = vector.broadcast %and3A_926 : i32 to vector<16xi32>
    %and3A_928 = arith.andi %get3A_918, %and3A_927 : vector<16xi32>
    %swap3A_929 = arith.constant 352 : index
    %swap3A_930 = tpu.vector_load %arg11[%swap3A_929] {strides = array<i32>} : memref<512xi32, #tpu.memory_space<vmem>>, vector<16xi32>,
    tpu.vector_store %arg11[%swap3A_929], %and3A_928 {strides = array<i32>} : memref<512xi32, #tpu.memory_space<vmem>>, vector<16xi32>,
    %get3A_931 = arith.constant 2 : i32
    %get3A_932 = arith.index_cast %get3A_931 : i32 to index
    %get3A_933 = arith.constant 96 : index
    %get3A_934 = tpu.vector_load %arg8[%get3A_932, %get3A_933] {strides = array<i32>} : memref<4x128xi32, #tpu.memory_space<vmem>>, vector<16xi32>,
    %shift_right_arithmetic3A_935 = arith.constant 4 : i32
    %shift_right_arithmetic3A_936 = vector.broadcast %shift_right_arithmetic3A_935 : i32 to vector<16xi32>
    %shift_right_arithmetic3A_937 = arith.shrsi %get3A_934, %shift_right_arithmetic3A_936 : vector<16xi32>
    %swap3A_938 = arith.constant 2 : i32
    %swap3A_939 = arith.index_cast %swap3A_938 : i32 to index
    %swap3A_940 = arith.constant 96 : index
    %swap3A_941 = tpu.vector_load %arg10[%swap3A_939, %swap3A_940] {strides = array<i32>} : memref<4x128xi32, #tpu.memory_space<vmem>>, vector<16xi32>,
    tpu.vector_store %arg10[%swap3A_939, %swap3A_940], %shift_right_arithmetic3A_937 {strides = array<i32>} : memref<4x128xi32, #tpu.memory_space<vmem>>, vector<16xi32>,
    %and3A_942 = arith.constant 15 : i32
    %and3A_943 = vector.broadcast %and3A_942 : i32 to vector<16xi32>
    %and3A_944 = arith.andi %get3A_934, %and3A_943 : vector<16xi32>
    %swap3A_945 = arith.constant 352 : index
    %swap3A_946 = tpu.vector_load %arg12[%swap3A_945] {strides = array<i32>} : memref<512xi32, #tpu.memory_space<vmem>>, vector<16xi32>,
    tpu.vector_store %arg12[%swap3A_945], %and3A_944 {strides = array<i32>} : memref<512xi32, #tpu.memory_space<vmem>>, vector<16xi32>,
    %get3A_947 = arith.constant 2 : i32
    %get3A_948 = arith.index_cast %get3A_947 : i32 to index
    %get3A_949 = arith.constant 112 : index
    %get3A_950 = tpu.vector_load %arg7[%get3A_948, %get3A_949] {strides = array<i32>} : memref<4x128xi32, #tpu.memory_space<vmem>>, vector<16xi32>,
    %shift_right_arithmetic3A_951 = arith.constant 4 : i32
    %shift_right_arithmetic3A_952 = vector.broadcast %shift_right_arithmetic3A_951 : i32 to vector<16xi32>
    %shift_right_arithmetic3A_953 = arith.shrsi %get3A_950, %shift_right_arithmetic3A_952 : vector<16xi32>
    %swap3A_954 = arith.constant 2 : i32
    %swap3A_955 = arith.index_cast %swap3A_954 : i32 to index
    %swap3A_956 = arith.constant 112 : index
    %swap3A_957 = tpu.vector_load %arg9[%swap3A_955, %swap3A_956] {strides = array<i32>} : memref<4x128xi32, #tpu.memory_space<vmem>>, vector<16xi32>,
    tpu.vector_store %arg9[%swap3A_955, %swap3A_956], %shift_right_arithmetic3A_953 {strides = array<i32>} : memref<4x128xi32, #tpu.memory_space<vmem>>, vector<16xi32>,
    %and3A_958 = arith.constant 15 : i32
    %and3A_959 = vector.broadcast %and3A_958 : i32 to vector<16xi32>
    %and3A_960 = arith.andi %get3A_950, %and3A_959 : vector<16xi32>
    %swap3A_961 = arith.constant 368 : index
    %swap3A_962 = tpu.vector_load %arg11[%swap3A_961] {strides = array<i32>} : memref<512xi32, #tpu.memory_space<vmem>>, vector<16xi32>,
    tpu.vector_store %arg11[%swap3A_961], %and3A_960 {strides = array<i32>} : memref<512xi32, #tpu.memory_space<vmem>>, vector<16xi32>,
    %get3A_963 = arith.constant 2 : i32
    %get3A_964 = arith.index_cast %get3A_963 : i32 to index
    %get3A_965 = arith.constant 112 : index
    %get3A_966 = tpu.vector_load %arg8[%get3A_964, %get3A_965] {strides = array<i32>} : memref<4x128xi32, #tpu.memory_space<vmem>>, vector<16xi32>,
    %shift_right_arithmetic3A_967 = arith.constant 4 : i32
    %shift_right_arithmetic3A_968 = vector.broadcast %shift_right_arithmetic3A_967 : i32 to vector<16xi32>
    %shift_right_arithmetic3A_969 = arith.shrsi %get3A_966, %shift_right_arithmetic3A_968 : vector<16xi32>
    %swap3A_970 = arith.constant 2 : i32
    %swap3A_971 = arith.index_cast %swap3A_970 : i32 to index
    %swap3A_972 = arith.constant 112 : index
    %swap3A_973 = tpu.vector_load %arg10[%swap3A_971, %swap3A_972] {strides = array<i32>} : memref<4x128xi32, #tpu.memory_space<vmem>>, vector<16xi32>,
    tpu.vector_store %arg10[%swap3A_971, %swap3A_972], %shift_right_arithmetic3A_969 {strides = array<i32>} : memref<4x128xi32, #tpu.memory_space<vmem>>, vector<16xi32>,
    %and3A_974 = arith.constant 15 : i32
    %and3A_975 = vector.broadcast %and3A_974 : i32 to vector<16xi32>
    %and3A_976 = arith.andi %get3A_966, %and3A_975 : vector<16xi32>
    %swap3A_977 = arith.constant 368 : index
    %swap3A_978 = tpu.vector_load %arg12[%swap3A_977] {strides = array<i32>} : memref<512xi32, #tpu.memory_space<vmem>>, vector<16xi32>,
    tpu.vector_store %arg12[%swap3A_977], %and3A_976 {strides = array<i32>} : memref<512xi32, #tpu.memory_space<vmem>>, vector<16xi32>,
    %get3A_979 = arith.constant 3 : i32
    %get3A_980 = arith.index_cast %get3A_979 : i32 to index
    %get3A_981 = arith.constant 0 : index
    %get3A_982 = tpu.vector_load %arg7[%get3A_980, %get3A_981] {strides = array<i32>} : memref<4x128xi32, #tpu.memory_space<vmem>>, vector<16xi32>,
    %shift_right_arithmetic3A_983 = arith.constant 4 : i32
    %shift_right_arithmetic3A_984 = vector.broadcast %shift_right_arithmetic3A_983 : i32 to vector<16xi32>
    %shift_right_arithmetic3A_985 = arith.shrsi %get3A_982, %shift_right_arithmetic3A_984 : vector<16xi32>
    %swap3A_986 = arith.constant 3 : i32
    %swap3A_987 = arith.index_cast %swap3A_986 : i32 to index
    %swap3A_988 = arith.constant 0 : index
    %swap3A_989 = tpu.vector_load %arg9[%swap3A_987, %swap3A_988] {strides = array<i32>} : memref<4x128xi32, #tpu.memory_space<vmem>>, vector<16xi32>,
    tpu.vector_store %arg9[%swap3A_987, %swap3A_988], %shift_right_arithmetic3A_985 {strides = array<i32>} : memref<4x128xi32, #tpu.memory_space<vmem>>, vector<16xi32>,
    %and3A_990 = arith.constant 15 : i32
    %and3A_991 = vector.broadcast %and3A_990 : i32 to vector<16xi32>
    %and3A_992 = arith.andi %get3A_982, %and3A_991 : vector<16xi32>
    %swap3A_993 = arith.constant 384 : index
    %swap3A_994 = tpu.vector_load %arg11[%swap3A_993] {strides = array<i32>} : memref<512xi32, #tpu.memory_space<vmem>>, vector<16xi32>,
    tpu.vector_store %arg11[%swap3A_993], %and3A_992 {strides = array<i32>} : memref<512xi32, #tpu.memory_space<vmem>>, vector<16xi32>,
    %get3A_995 = arith.constant 3 : i32
    %get3A_996 = arith.index_cast %get3A_995 : i32 to index
    %get3A_997 = arith.constant 0 : index
    %get3A_998 = tpu.vector_load %arg8[%get3A_996, %get3A_997] {strides = array<i32>} : memref<4x128xi32, #tpu.memory_space<vmem>>, vector<16xi32>,
    %shift_right_arithmetic3A_999 = arith.constant 4 : i32
    %shift_right_arithmetic3A_1000 = vector.broadcast %shift_right_arithmetic3A_999 : i32 to vector<16xi32>
    %shift_right_arithmetic3A_1001 = arith.shrsi %get3A_998, %shift_right_arithmetic3A_1000 : vector<16xi32>
    %swap3A_1002 = arith.constant 3 : i32
    %swap3A_1003 = arith.index_cast %swap3A_1002 : i32 to index
    %swap3A_1004 = arith.constant 0 : index
    %swap3A_1005 = tpu.vector_load %arg10[%swap3A_1003, %swap3A_1004] {strides = array<i32>} : memref<4x128xi32, #tpu.memory_space<vmem>>, vector<16xi32>,
    tpu.vector_store %arg10[%swap3A_1003, %swap3A_1004], %shift_right_arithmetic3A_1001 {strides = array<i32>} : memref<4x128xi32, #tpu.memory_space<vmem>>, vector<16xi32>,
    %and3A_1006 = arith.constant 15 : i32
    %and3A_1007 = vector.broadcast %and3A_1006 : i32 to vector<16xi32>
    %and3A_1008 = arith.andi %get3A_998, %and3A_1007 : vector<16xi32>
    %swap3A_1009 = arith.constant 384 : index
    %swap3A_1010 = tpu.vector_load %arg12[%swap3A_1009] {strides = array<i32>} : memref<512xi32, #tpu.memory_space<vmem>>, vector<16xi32>,
    tpu.vector_store %arg12[%swap3A_1009], %and3A_1008 {strides = array<i32>} : memref<512xi32, #tpu.memory_space<vmem>>, vector<16xi32>,
    %get3A_1011 = arith.constant 3 : i32
    %get3A_1012 = arith.index_cast %get3A_1011 : i32 to index
    %get3A_1013 = arith.constant 16 : index
    %get3A_1014 = tpu.vector_load %arg7[%get3A_1012, %get3A_1013] {strides = array<i32>} : memref<4x128xi32, #tpu.memory_space<vmem>>, vector<16xi32>,
    %shift_right_arithmetic3A_1015 = arith.constant 4 : i32
    %shift_right_arithmetic3A_1016 = vector.broadcast %shift_right_arithmetic3A_1015 : i32 to vector<16xi32>
    %shift_right_arithmetic3A_1017 = arith.shrsi %get3A_1014, %shift_right_arithmetic3A_1016 : vector<16xi32>
    %swap3A_1018 = arith.constant 3 : i32
    %swap3A_1019 = arith.index_cast %swap3A_1018 : i32 to index
    %swap3A_1020 = arith.constant 16 : index
    %swap3A_1021 = tpu.vector_load %arg9[%swap3A_1019, %swap3A_1020] {strides = array<i32>} : memref<4x128xi32, #tpu.memory_space<vmem>>, vector<16xi32>,
    tpu.vector_store %arg9[%swap3A_1019, %swap3A_1020], %shift_right_arithmetic3A_1017 {strides = array<i32>} : memref<4x128xi32, #tpu.memory_space<vmem>>, vector<16xi32>,
    %and3A_1022 = arith.constant 15 : i32
    %and3A_1023 = vector.broadcast %and3A_1022 : i32 to vector<16xi32>
    %and3A_1024 = arith.andi %get3A_1014, %and3A_1023 : vector<16xi32>
    %swap3A_1025 = arith.constant 400 : index
    %swap3A_1026 = tpu.vector_load %arg11[%swap3A_1025] {strides = array<i32>} : memref<512xi32, #tpu.memory_space<vmem>>, vector<16xi32>,
    tpu.vector_store %arg11[%swap3A_1025], %and3A_1024 {strides = array<i32>} : memref<512xi32, #tpu.memory_space<vmem>>, vector<16xi32>,
    %get3A_1027 = arith.constant 3 : i32
    %get3A_1028 = arith.index_cast %get3A_1027 : i32 to index
    %get3A_1029 = arith.constant 16 : index
    %get3A_1030 = tpu.vector_load %arg8[%get3A_1028, %get3A_1029] {strides = array<i32>} : memref<4x128xi32, #tpu.memory_space<vmem>>, vector<16xi32>,
    %shift_right_arithmetic3A_1031 = arith.constant 4 : i32
    %shift_right_arithmetic3A_1032 = vector.broadcast %shift_right_arithmetic3A_1031 : i32 to vector<16xi32>
    %shift_right_arithmetic3A_1033 = arith.shrsi %get3A_1030, %shift_right_arithmetic3A_1032 : vector<16xi32>
    %swap3A_1034 = arith.constant 3 : i32
    %swap3A_1035 = arith.index_cast %swap3A_1034 : i32 to index
    %swap3A_1036 = arith.constant 16 : index
    %swap3A_1037 = tpu.vector_load %arg10[%swap3A_1035, %swap3A_1036] {strides = array<i32>} : memref<4x128xi32, #tpu.memory_space<vmem>>, vector<16xi32>,
    tpu.vector_store %arg10[%swap3A_1035, %swap3A_1036], %shift_right_arithmetic3A_1033 {strides = array<i32>} : memref<4x128xi32, #tpu.memory_space<vmem>>, vector<16xi32>,
    %and3A_1038 = arith.constant 15 : i32
    %and3A_1039 = vector.broadcast %and3A_1038 : i32 to vector<16xi32>
    %and3A_1040 = arith.andi %get3A_1030, %and3A_1039 : vector<16xi32>
    %swap3A_1041 = arith.constant 400 : index
    %swap3A_1042 = tpu.vector_load %arg12[%swap3A_1041] {strides = array<i32>} : memref<512xi32, #tpu.memory_space<vmem>>, vector<16xi32>,
    tpu.vector_store %arg12[%swap3A_1041], %and3A_1040 {strides = array<i32>} : memref<512xi32, #tpu.memory_space<vmem>>, vector<16xi32>,
    %get3A_1043 = arith.constant 3 : i32
    %get3A_1044 = arith.index_cast %get3A_1043 : i32 to index
    %get3A_1045 = arith.constant 32 : index
    %get3A_1046 = tpu.vector_load %arg7[%get3A_1044, %get3A_1045] {strides = array<i32>} : memref<4x128xi32, #tpu.memory_space<vmem>>, vector<16xi32>,
    %shift_right_arithmetic3A_1047 = arith.constant 4 : i32
    %shift_right_arithmetic3A_1048 = vector.broadcast %shift_right_arithmetic3A_1047 : i32 to vector<16xi32>
    %shift_right_arithmetic3A_1049 = arith.shrsi %get3A_1046, %shift_right_arithmetic3A_1048 : vector<16xi32>
    %swap3A_1050 = arith.constant 3 : i32
    %swap3A_1051 = arith.index_cast %swap3A_1050 : i32 to index
    %swap3A_1052 = arith.constant 32 : index
    %swap3A_1053 = tpu.vector_load %arg9[%swap3A_1051, %swap3A_1052] {strides = array<i32>} : memref<4x128xi32, #tpu.memory_space<vmem>>, vector<16xi32>,
    tpu.vector_store %arg9[%swap3A_1051, %swap3A_1052], %shift_right_arithmetic3A_1049 {strides = array<i32>} : memref<4x128xi32, #tpu.memory_space<vmem>>, vector<16xi32>,
    %and3A_1054 = arith.constant 15 : i32
    %and3A_1055 = vector.broadcast %and3A_1054 : i32 to vector<16xi32>
    %and3A_1056 = arith.andi %get3A_1046, %and3A_1055 : vector<16xi32>
    %swap3A_1057 = arith.constant 416 : index
    %swap3A_1058 = tpu.vector_load %arg11[%swap3A_1057] {strides = array<i32>} : memref<512xi32, #tpu.memory_space<vmem>>, vector<16xi32>,
    tpu.vector_store %arg11[%swap3A_1057], %and3A_1056 {strides = array<i32>} : memref<512xi32, #tpu.memory_space<vmem>>, vector<16xi32>,
    %get3A_1059 = arith.constant 3 : i32
    %get3A_1060 = arith.index_cast %get3A_1059 : i32 to index
    %get3A_1061 = arith.constant 32 : index
    %get3A_1062 = tpu.vector_load %arg8[%get3A_1060, %get3A_1061] {strides = array<i32>} : memref<4x128xi32, #tpu.memory_space<vmem>>, vector<16xi32>,
    %shift_right_arithmetic3A_1063 = arith.constant 4 : i32
    %shift_right_arithmetic3A_1064 = vector.broadcast %shift_right_arithmetic3A_1063 : i32 to vector<16xi32>
    %shift_right_arithmetic3A_1065 = arith.shrsi %get3A_1062, %shift_right_arithmetic3A_1064 : vector<16xi32>
    %swap3A_1066 = arith.constant 3 : i32
    %swap3A_1067 = arith.index_cast %swap3A_1066 : i32 to index
    %swap3A_1068 = arith.constant 32 : index
    %swap3A_1069 = tpu.vector_load %arg10[%swap3A_1067, %swap3A_1068] {strides = array<i32>} : memref<4x128xi32, #tpu.memory_space<vmem>>, vector<16xi32>,
    tpu.vector_store %arg10[%swap3A_1067, %swap3A_1068], %shift_right_arithmetic3A_1065 {strides = array<i32>} : memref<4x128xi32, #tpu.memory_space<vmem>>, vector<16xi32>,
    %and3A_1070 = arith.constant 15 : i32
    %and3A_1071 = vector.broadcast %and3A_1070 : i32 to vector<16xi32>
    %and3A_1072 = arith.andi %get3A_1062, %and3A_1071 : vector<16xi32>
    %swap3A_1073 = arith.constant 416 : index
    %swap3A_1074 = tpu.vector_load %arg12[%swap3A_1073] {strides = array<i32>} : memref<512xi32, #tpu.memory_space<vmem>>, vector<16xi32>,
    tpu.vector_store %arg12[%swap3A_1073], %and3A_1072 {strides = array<i32>} : memref<512xi32, #tpu.memory_space<vmem>>, vector<16xi32>,
    %get3A_1075 = arith.constant 3 : i32
    %get3A_1076 = arith.index_cast %get3A_1075 : i32 to index
    %get3A_1077 = arith.constant 48 : index
    %get3A_1078 = tpu.vector_load %arg7[%get3A_1076, %get3A_1077] {strides = array<i32>} : memref<4x128xi32, #tpu.memory_space<vmem>>, vector<16xi32>,
    %shift_right_arithmetic3A_1079 = arith.constant 4 : i32
    %shift_right_arithmetic3A_1080 = vector.broadcast %shift_right_arithmetic3A_1079 : i32 to vector<16xi32>
    %shift_right_arithmetic3A_1081 = arith.shrsi %get3A_1078, %shift_right_arithmetic3A_1080 : vector<16xi32>
    %swap3A_1082 = arith.constant 3 : i32
    %swap3A_1083 = arith.index_cast %swap3A_1082 : i32 to index
    %swap3A_1084 = arith.constant 48 : index
    %swap3A_1085 = tpu.vector_load %arg9[%swap3A_1083, %swap3A_1084] {strides = array<i32>} : memref<4x128xi32, #tpu.memory_space<vmem>>, vector<16xi32>,
    tpu.vector_store %arg9[%swap3A_1083, %swap3A_1084], %shift_right_arithmetic3A_1081 {strides = array<i32>} : memref<4x128xi32, #tpu.memory_space<vmem>>, vector<16xi32>,
    %and3A_1086 = arith.constant 15 : i32
    %and3A_1087 = vector.broadcast %and3A_1086 : i32 to vector<16xi32>
    %and3A_1088 = arith.andi %get3A_1078, %and3A_1087 : vector<16xi32>
    %swap3A_1089 = arith.constant 432 : index
    %swap3A_1090 = tpu.vector_load %arg11[%swap3A_1089] {strides = array<i32>} : memref<512xi32, #tpu.memory_space<vmem>>, vector<16xi32>,
    tpu.vector_store %arg11[%swap3A_1089], %and3A_1088 {strides = array<i32>} : memref<512xi32, #tpu.memory_space<vmem>>, vector<16xi32>,
    %get3A_1091 = arith.constant 3 : i32
    %get3A_1092 = arith.index_cast %get3A_1091 : i32 to index
    %get3A_1093 = arith.constant 48 : index
    %get3A_1094 = tpu.vector_load %arg8[%get3A_1092, %get3A_1093] {strides = array<i32>} : memref<4x128xi32, #tpu.memory_space<vmem>>, vector<16xi32>,
    %shift_right_arithmetic3A_1095 = arith.constant 4 : i32
    %shift_right_arithmetic3A_1096 = vector.broadcast %shift_right_arithmetic3A_1095 : i32 to vector<16xi32>
    %shift_right_arithmetic3A_1097 = arith.shrsi %get3A_1094, %shift_right_arithmetic3A_1096 : vector<16xi32>
    %swap3A_1098 = arith.constant 3 : i32
    %swap3A_1099 = arith.index_cast %swap3A_1098 : i32 to index
    %swap3A_1100 = arith.constant 48 : index
    %swap3A_1101 = tpu.vector_load %arg10[%swap3A_1099, %swap3A_1100] {strides = array<i32>} : memref<4x128xi32, #tpu.memory_space<vmem>>, vector<16xi32>,
    tpu.vector_store %arg10[%swap3A_1099, %swap3A_1100], %shift_right_arithmetic3A_1097 {strides = array<i32>} : memref<4x128xi32, #tpu.memory_space<vmem>>, vector<16xi32>,
    %and3A_1102 = arith.constant 15 : i32
    %and3A_1103 = vector.broadcast %and3A_1102 : i32 to vector<16xi32>
    %and3A_1104 = arith.andi %get3A_1094, %and3A_1103 : vector<16xi32>
    %swap3A_1105 = arith.constant 432 : index
    %swap3A_1106 = tpu.vector_load %arg12[%swap3A_1105] {strides = array<i32>} : memref<512xi32, #tpu.memory_space<vmem>>, vector<16xi32>,
    tpu.vector_store %arg12[%swap3A_1105], %and3A_1104 {strides = array<i32>} : memref<512xi32, #tpu.memory_space<vmem>>, vector<16xi32>,
    %get3A_1107 = arith.constant 3 : i32
    %get3A_1108 = arith.index_cast %get3A_1107 : i32 to index
    %get3A_1109 = arith.constant 64 : index
    %get3A_1110 = tpu.vector_load %arg7[%get3A_1108, %get3A_1109] {strides = array<i32>} : memref<4x128xi32, #tpu.memory_space<vmem>>, vector<16xi32>,
    %shift_right_arithmetic3A_1111 = arith.constant 4 : i32
    %shift_right_arithmetic3A_1112 = vector.broadcast %shift_right_arithmetic3A_1111 : i32 to vector<16xi32>
    %shift_right_arithmetic3A_1113 = arith.shrsi %get3A_1110, %shift_right_arithmetic3A_1112 : vector<16xi32>
    %swap3A_1114 = arith.constant 3 : i32
    %swap3A_1115 = arith.index_cast %swap3A_1114 : i32 to index
    %swap3A_1116 = arith.constant 64 : index
    %swap3A_1117 = tpu.vector_load %arg9[%swap3A_1115, %swap3A_1116] {strides = array<i32>} : memref<4x128xi32, #tpu.memory_space<vmem>>, vector<16xi32>,
    tpu.vector_store %arg9[%swap3A_1115, %swap3A_1116], %shift_right_arithmetic3A_1113 {strides = array<i32>} : memref<4x128xi32, #tpu.memory_space<vmem>>, vector<16xi32>,
    %and3A_1118 = arith.constant 15 : i32
    %and3A_1119 = vector.broadcast %and3A_1118 : i32 to vector<16xi32>
    %and3A_1120 = arith.andi %get3A_1110, %and3A_1119 : vector<16xi32>
    %swap3A_1121 = arith.constant 448 : index
    %swap3A_1122 = tpu.vector_load %arg11[%swap3A_1121] {strides = array<i32>} : memref<512xi32, #tpu.memory_space<vmem>>, vector<16xi32>,
    tpu.vector_store %arg11[%swap3A_1121], %and3A_1120 {strides = array<i32>} : memref<512xi32, #tpu.memory_space<vmem>>, vector<16xi32>,
    %get3A_1123 = arith.constant 3 : i32
    %get3A_1124 = arith.index_cast %get3A_1123 : i32 to index
    %get3A_1125 = arith.constant 64 : index
    %get3A_1126 = tpu.vector_load %arg8[%get3A_1124, %get3A_1125] {strides = array<i32>} : memref<4x128xi32, #tpu.memory_space<vmem>>, vector<16xi32>,
    %shift_right_arithmetic3A_1127 = arith.constant 4 : i32
    %shift_right_arithmetic3A_1128 = vector.broadcast %shift_right_arithmetic3A_1127 : i32 to vector<16xi32>
    %shift_right_arithmetic3A_1129 = arith.shrsi %get3A_1126, %shift_right_arithmetic3A_1128 : vector<16xi32>
    %swap3A_1130 = arith.constant 3 : i32
    %swap3A_1131 = arith.index_cast %swap3A_1130 : i32 to index
    %swap3A_1132 = arith.constant 64 : index
    %swap3A_1133 = tpu.vector_load %arg10[%swap3A_1131, %swap3A_1132] {strides = array<i32>} : memref<4x128xi32, #tpu.memory_space<vmem>>, vector<16xi32>,
    tpu.vector_store %arg10[%swap3A_1131, %swap3A_1132], %shift_right_arithmetic3A_1129 {strides = array<i32>} : memref<4x128xi32, #tpu.memory_space<vmem>>, vector<16xi32>,
    %and3A_1134 = arith.constant 15 : i32
    %and3A_1135 = vector.broadcast %and3A_1134 : i32 to vector<16xi32>
    %and3A_1136 = arith.andi %get3A_1126, %and3A_1135 : vector<16xi32>
    %swap3A_1137 = arith.constant 448 : index
    %swap3A_1138 = tpu.vector_load %arg12[%swap3A_1137] {strides = array<i32>} : memref<512xi32, #tpu.memory_space<vmem>>, vector<16xi32>,
    tpu.vector_store %arg12[%swap3A_1137], %and3A_1136 {strides = array<i32>} : memref<512xi32, #tpu.memory_space<vmem>>, vector<16xi32>,
    %get3A_1139 = arith.constant 3 : i32
    %get3A_1140 = arith.index_cast %get3A_1139 : i32 to index
    %get3A_1141 = arith.constant 80 : index
    %get3A_1142 = tpu.vector_load %arg7[%get3A_1140, %get3A_1141] {strides = array<i32>} : memref<4x128xi32, #tpu.memory_space<vmem>>, vector<16xi32>,
    %shift_right_arithmetic3A_1143 = arith.constant 4 : i32
    %shift_right_arithmetic3A_1144 = vector.broadcast %shift_right_arithmetic3A_1143 : i32 to vector<16xi32>
    %shift_right_arithmetic3A_1145 = arith.shrsi %get3A_1142, %shift_right_arithmetic3A_1144 : vector<16xi32>
    %swap3A_1146 = arith.constant 3 : i32
    %swap3A_1147 = arith.index_cast %swap3A_1146 : i32 to index
    %swap3A_1148 = arith.constant 80 : index
    %swap3A_1149 = tpu.vector_load %arg9[%swap3A_1147, %swap3A_1148] {strides = array<i32>} : memref<4x128xi32, #tpu.memory_space<vmem>>, vector<16xi32>,
    tpu.vector_store %arg9[%swap3A_1147, %swap3A_1148], %shift_right_arithmetic3A_1145 {strides = array<i32>} : memref<4x128xi32, #tpu.memory_space<vmem>>, vector<16xi32>,
    %and3A_1150 = arith.constant 15 : i32
    %and3A_1151 = vector.broadcast %and3A_1150 : i32 to vector<16xi32>
    %and3A_1152 = arith.andi %get3A_1142, %and3A_1151 : vector<16xi32>
    %swap3A_1153 = arith.constant 464 : index
    %swap3A_1154 = tpu.vector_load %arg11[%swap3A_1153] {strides = array<i32>} : memref<512xi32, #tpu.memory_space<vmem>>, vector<16xi32>,
    tpu.vector_store %arg11[%swap3A_1153], %and3A_1152 {strides = array<i32>} : memref<512xi32, #tpu.memory_space<vmem>>, vector<16xi32>,
    %get3A_1155 = arith.constant 3 : i32
    %get3A_1156 = arith.index_cast %get3A_1155 : i32 to index
    %get3A_1157 = arith.constant 80 : index
    %get3A_1158 = tpu.vector_load %arg8[%get3A_1156, %get3A_1157] {strides = array<i32>} : memref<4x128xi32, #tpu.memory_space<vmem>>, vector<16xi32>,
    %shift_right_arithmetic3A_1159 = arith.constant 4 : i32
    %shift_right_arithmetic3A_1160 = vector.broadcast %shift_right_arithmetic3A_1159 : i32 to vector<16xi32>
    %shift_right_arithmetic3A_1161 = arith.shrsi %get3A_1158, %shift_right_arithmetic3A_1160 : vector<16xi32>
    %swap3A_1162 = arith.constant 3 : i32
    %swap3A_1163 = arith.index_cast %swap3A_1162 : i32 to index
    %swap3A_1164 = arith.constant 80 : index
    %swap3A_1165 = tpu.vector_load %arg10[%swap3A_1163, %swap3A_1164] {strides = array<i32>} : memref<4x128xi32, #tpu.memory_space<vmem>>, vector<16xi32>,
    tpu.vector_store %arg10[%swap3A_1163, %swap3A_1164], %shift_right_arithmetic3A_1161 {strides = array<i32>} : memref<4x128xi32, #tpu.memory_space<vmem>>, vector<16xi32>,
    %and3A_1166 = arith.constant 15 : i32
    %and3A_1167 = vector.broadcast %and3A_1166 : i32 to vector<16xi32>
    %and3A_1168 = arith.andi %get3A_1158, %and3A_1167 : vector<16xi32>
    %swap3A_1169 = arith.constant 464 : index
    %swap3A_1170 = tpu.vector_load %arg12[%swap3A_1169] {strides = array<i32>} : memref<512xi32, #tpu.memory_space<vmem>>, vector<16xi32>,
    tpu.vector_store %arg12[%swap3A_1169], %and3A_1168 {strides = array<i32>} : memref<512xi32, #tpu.memory_space<vmem>>, vector<16xi32>,
    %get3A_1171 = arith.constant 3 : i32
    %get3A_1172 = arith.index_cast %get3A_1171 : i32 to index
    %get3A_1173 = arith.constant 96 : index
    %get3A_1174 = tpu.vector_load %arg7[%get3A_1172, %get3A_1173] {strides = array<i32>} : memref<4x128xi32, #tpu.memory_space<vmem>>, vector<16xi32>,
    %shift_right_arithmetic3A_1175 = arith.constant 4 : i32
    %shift_right_arithmetic3A_1176 = vector.broadcast %shift_right_arithmetic3A_1175 : i32 to vector<16xi32>
    %shift_right_arithmetic3A_1177 = arith.shrsi %get3A_1174, %shift_right_arithmetic3A_1176 : vector<16xi32>
    %swap3A_1178 = arith.constant 3 : i32
    %swap3A_1179 = arith.index_cast %swap3A_1178 : i32 to index
    %swap3A_1180 = arith.constant 96 : index
    %swap3A_1181 = tpu.vector_load %arg9[%swap3A_1179, %swap3A_1180] {strides = array<i32>} : memref<4x128xi32, #tpu.memory_space<vmem>>, vector<16xi32>,
    tpu.vector_store %arg9[%swap3A_1179, %swap3A_1180], %shift_right_arithmetic3A_1177 {strides = array<i32>} : memref<4x128xi32, #tpu.memory_space<vmem>>, vector<16xi32>,
    %and3A_1182 = arith.constant 15 : i32
    %and3A_1183 = vector.broadcast %and3A_1182 : i32 to vector<16xi32>
    %and3A_1184 = arith.andi %get3A_1174, %and3A_1183 : vector<16xi32>
    %swap3A_1185 = arith.constant 480 : index
    %swap3A_1186 = tpu.vector_load %arg11[%swap3A_1185] {strides = array<i32>} : memref<512xi32, #tpu.memory_space<vmem>>, vector<16xi32>,
    tpu.vector_store %arg11[%swap3A_1185], %and3A_1184 {strides = array<i32>} : memref<512xi32, #tpu.memory_space<vmem>>, vector<16xi32>,
    %get3A_1187 = arith.constant 3 : i32
    %get3A_1188 = arith.index_cast %get3A_1187 : i32 to index
    %get3A_1189 = arith.constant 96 : index
    %get3A_1190 = tpu.vector_load %arg8[%get3A_1188, %get3A_1189] {strides = array<i32>} : memref<4x128xi32, #tpu.memory_space<vmem>>, vector<16xi32>,
    %shift_right_arithmetic3A_1191 = arith.constant 4 : i32
    %shift_right_arithmetic3A_1192 = vector.broadcast %shift_right_arithmetic3A_1191 : i32 to vector<16xi32>
    %shift_right_arithmetic3A_1193 = arith.shrsi %get3A_1190, %shift_right_arithmetic3A_1192 : vector<16xi32>
    %swap3A_1194 = arith.constant 3 : i32
    %swap3A_1195 = arith.index_cast %swap3A_1194 : i32 to index
    %swap3A_1196 = arith.constant 96 : index
    %swap3A_1197 = tpu.vector_load %arg10[%swap3A_1195, %swap3A_1196] {strides = array<i32>} : memref<4x128xi32, #tpu.memory_space<vmem>>, vector<16xi32>,
    tpu.vector_store %arg10[%swap3A_1195, %swap3A_1196], %shift_right_arithmetic3A_1193 {strides = array<i32>} : memref<4x128xi32, #tpu.memory_space<vmem>>, vector<16xi32>,
    %and3A_1198 = arith.constant 15 : i32
    %and3A_1199 = vector.broadcast %and3A_1198 : i32 to vector<16xi32>
    %and3A_1200 = arith.andi %get3A_1190, %and3A_1199 : vector<16xi32>
    %swap3A_1201 = arith.constant 480 : index
    %swap3A_1202 = tpu.vector_load %arg12[%swap3A_1201] {strides = array<i32>} : memref<512xi32, #tpu.memory_space<vmem>>, vector<16xi32>,
    tpu.vector_store %arg12[%swap3A_1201], %and3A_1200 {strides = array<i32>} : memref<512xi32, #tpu.memory_space<vmem>>, vector<16xi32>,
    %get3A_1203 = arith.constant 3 : i32
    %get3A_1204 = arith.index_cast %get3A_1203 : i32 to index
    %get3A_1205 = arith.constant 112 : index
    %get3A_1206 = tpu.vector_load %arg7[%get3A_1204, %get3A_1205] {strides = array<i32>} : memref<4x128xi32, #tpu.memory_space<vmem>>, vector<16xi32>,
    %shift_right_arithmetic3A_1207 = arith.constant 4 : i32
    %shift_right_arithmetic3A_1208 = vector.broadcast %shift_right_arithmetic3A_1207 : i32 to vector<16xi32>
    %shift_right_arithmetic3A_1209 = arith.shrsi %get3A_1206, %shift_right_arithmetic3A_1208 : vector<16xi32>
    %swap3A_1210 = arith.constant 3 : i32
    %swap3A_1211 = arith.index_cast %swap3A_1210 : i32 to index
    %swap3A_1212 = arith.constant 112 : index
    %swap3A_1213 = tpu.vector_load %arg9[%swap3A_1211, %swap3A_1212] {strides = array<i32>} : memref<4x128xi32, #tpu.memory_space<vmem>>, vector<16xi32>,
    tpu.vector_store %arg9[%swap3A_1211, %swap3A_1212], %shift_right_arithmetic3A_1209 {strides = array<i32>} : memref<4x128xi32, #tpu.memory_space<vmem>>, vector<16xi32>,
    %and3A_1214 = arith.constant 15 : i32
    %and3A_1215 = vector.broadcast %and3A_1214 : i32 to vector<16xi32>
    %and3A_1216 = arith.andi %get3A_1206, %and3A_1215 : vector<16xi32>
    %swap3A_1217 = arith.constant 496 : index
    %swap3A_1218 = tpu.vector_load %arg11[%swap3A_1217] {strides = array<i32>} : memref<512xi32, #tpu.memory_space<vmem>>, vector<16xi32>,
    tpu.vector_store %arg11[%swap3A_1217], %and3A_1216 {strides = array<i32>} : memref<512xi32, #tpu.memory_space<vmem>>, vector<16xi32>,
    %get3A_1219 = arith.constant 3 : i32
    %get3A_1220 = arith.index_cast %get3A_1219 : i32 to index
    %get3A_1221 = arith.constant 112 : index
    %get3A_1222 = tpu.vector_load %arg8[%get3A_1220, %get3A_1221] {strides = array<i32>} : memref<4x128xi32, #tpu.memory_space<vmem>>, vector<16xi32>,
    %shift_right_arithmetic3A_1223 = arith.constant 4 : i32
    %shift_right_arithmetic3A_1224 = vector.broadcast %shift_right_arithmetic3A_1223 : i32 to vector<16xi32>
    %shift_right_arithmetic3A_1225 = arith.shrsi %get3A_1222, %shift_right_arithmetic3A_1224 : vector<16xi32>
    %swap3A_1226 = arith.constant 3 : i32
    %swap3A_1227 = arith.index_cast %swap3A_1226 : i32 to index
    %swap3A_1228 = arith.constant 112 : index
    %swap3A_1229 = tpu.vector_load %arg10[%swap3A_1227, %swap3A_1228] {strides = array<i32>} : memref<4x128xi32, #tpu.memory_space<vmem>>, vector<16xi32>,
    tpu.vector_store %arg10[%swap3A_1227, %swap3A_1228], %shift_right_arithmetic3A_1225 {strides = array<i32>} : memref<4x128xi32, #tpu.memory_space<vmem>>, vector<16xi32>,
    %and3A_1230 = arith.constant 15 : i32
    %and3A_1231 = vector.broadcast %and3A_1230 : i32 to vector<16xi32>
    %and3A_1232 = arith.andi %get3A_1222, %and3A_1231 : vector<16xi32>
    %swap3A_1233 = arith.constant 496 : index
    %swap3A_1234 = tpu.vector_load %arg12[%swap3A_1233] {strides = array<i32>} : memref<512xi32, #tpu.memory_space<vmem>>, vector<16xi32>,
    tpu.vector_store %arg12[%swap3A_1233], %and3A_1232 {strides = array<i32>} : memref<512xi32, #tpu.memory_space<vmem>>, vector<16xi32>,
    %dma_start3A_1235 = arith.constant 0 : i32
    %dma_start3A_1236 = arith.constant 0 : i32
    %dma_start3A_1237 = arith.constant 0 : i32
    %dma_start3A_1238 = arith.constant 0 : i32
    %dma_start3A_1239 = tpu.memref_slice %arg13[%dma_start3A_1237, %dma_start3A_1238] : memref<512x16xf32, #tpu.memory_space<vmem>> -> memref<128x16xf32, #tpu.memory_space<vmem>>
    %dma_start3A_1240 = arith.constant 0 : i32
    %dma_start3A_1241 = tpu.memref_slice %arg9[%dma_start3A_1235, %dma_start3A_1240] : memref<4x128xi32, #tpu.memory_space<vmem>> -> memref<1x128xi32, #tpu.memory_space<vmem>>
    %dma_start3A_1242 = tpu.memref_squeeze %dma_start3A_1241 : memref<1x128xi32, #tpu.memory_space<vmem>> -> memref<128xi32, #tpu.memory_space<vmem>>
    %dma_start3A_1243 = arith.constant 0 : i32
    %dma_start3A_1244 = arith.constant 0 : i32
    %dma_start3A_1245 = tpu.memref_slice %arg4[%dma_start3A_1243, %dma_start3A_1244] : memref<62500x16xf32, #tpu.memory_space<hbm>> -> memref<62500x16xf32, #tpu.memory_space<hbm>>
    %dma_start3A_1246 = tpu.memref_slice %arg17[%dma_start3A_1236] : memref<4x!tpu.dma_semaphore, #tpu.memory_space<semaphore_mem>> -> memref<1x!tpu.dma_semaphore, #tpu.memory_space<semaphore_mem>>
    %dma_start3A_1247 = tpu.memref_squeeze %dma_start3A_1246 : memref<1x!tpu.dma_semaphore, #tpu.memory_space<semaphore_mem>> -> memref<!tpu.dma_semaphore, #tpu.memory_space<semaphore_mem>>
    tpu.enqueue_indirect_dma source(%dma_start3A_1245 : memref<62500x16xf32, #tpu.memory_space<hbm>>) target(%dma_start3A_1239 : memref<128x16xf32, #tpu.memory_space<vmem>>) offsets(%dma_start3A_1242 : memref<128xi32, #tpu.memory_space<vmem>>) semaphore(%dma_start3A_1247 : memref<!tpu.dma_semaphore, #tpu.memory_space<semaphore_mem>>)
    %dma_start3A_1248 = arith.constant 0 : i32
    %dma_start3A_1249 = arith.constant 0 : i32
    %dma_start3A_1250 = arith.constant 0 : i32
    %dma_start3A_1251 = arith.constant 0 : i32
    %dma_start3A_1252 = tpu.memref_slice %arg14[%dma_start3A_1250, %dma_start3A_1251] : memref<512x16xf32, #tpu.memory_space<vmem>> -> memref<128x16xf32, #tpu.memory_space<vmem>>
    %dma_start3A_1253 = arith.constant 0 : i32
    %dma_start3A_1254 = tpu.memref_slice %arg10[%dma_start3A_1248, %dma_start3A_1253] : memref<4x128xi32, #tpu.memory_space<vmem>> -> memref<1x128xi32, #tpu.memory_space<vmem>>
    %dma_start3A_1255 = tpu.memref_squeeze %dma_start3A_1254 : memref<1x128xi32, #tpu.memory_space<vmem>> -> memref<128xi32, #tpu.memory_space<vmem>>
    %dma_start3A_1256 = arith.constant 0 : i32
    %dma_start3A_1257 = arith.constant 0 : i32
    %dma_start3A_1258 = tpu.memref_slice %arg4[%dma_start3A_1256, %dma_start3A_1257] : memref<62500x16xf32, #tpu.memory_space<hbm>> -> memref<62500x16xf32, #tpu.memory_space<hbm>>
    %dma_start3A_1259 = tpu.memref_slice %arg17[%dma_start3A_1249] : memref<4x!tpu.dma_semaphore, #tpu.memory_space<semaphore_mem>> -> memref<1x!tpu.dma_semaphore, #tpu.memory_space<semaphore_mem>>
    %dma_start3A_1260 = tpu.memref_squeeze %dma_start3A_1259 : memref<1x!tpu.dma_semaphore, #tpu.memory_space<semaphore_mem>> -> memref<!tpu.dma_semaphore, #tpu.memory_space<semaphore_mem>>
    tpu.enqueue_indirect_dma source(%dma_start3A_1258 : memref<62500x16xf32, #tpu.memory_space<hbm>>) target(%dma_start3A_1252 : memref<128x16xf32, #tpu.memory_space<vmem>>) offsets(%dma_start3A_1255 : memref<128xi32, #tpu.memory_space<vmem>>) semaphore(%dma_start3A_1260 : memref<!tpu.dma_semaphore, #tpu.memory_space<semaphore_mem>>)
    %dma_start3A_1261 = arith.constant 1 : i32
    %dma_start3A_1262 = arith.constant 1 : i32
    %dma_start3A_1263 = arith.constant 128 : i32
    %dma_start3A_1264 = arith.constant 0 : i32
    %dma_start3A_1265 = tpu.memref_slice %arg13[%dma_start3A_1263, %dma_start3A_1264] : memref<512x16xf32, #tpu.memory_space<vmem>> -> memref<128x16xf32, #tpu.memory_space<vmem>>
    %dma_start3A_1266 = arith.constant 0 : i32
    %dma_start3A_1267 = tpu.memref_slice %arg9[%dma_start3A_1261, %dma_start3A_1266] : memref<4x128xi32, #tpu.memory_space<vmem>> -> memref<1x128xi32, #tpu.memory_space<vmem>>
    %dma_start3A_1268 = tpu.memref_squeeze %dma_start3A_1267 : memref<1x128xi32, #tpu.memory_space<vmem>> -> memref<128xi32, #tpu.memory_space<vmem>>
    %dma_start3A_1269 = arith.constant 0 : i32
    %dma_start3A_1270 = arith.constant 0 : i32
    %dma_start3A_1271 = tpu.memref_slice %arg4[%dma_start3A_1269, %dma_start3A_1270] : memref<62500x16xf32, #tpu.memory_space<hbm>> -> memref<62500x16xf32, #tpu.memory_space<hbm>>
    %dma_start3A_1272 = tpu.memref_slice %arg17[%dma_start3A_1262] : memref<4x!tpu.dma_semaphore, #tpu.memory_space<semaphore_mem>> -> memref<1x!tpu.dma_semaphore, #tpu.memory_space<semaphore_mem>>
    %dma_start3A_1273 = tpu.memref_squeeze %dma_start3A_1272 : memref<1x!tpu.dma_semaphore, #tpu.memory_space<semaphore_mem>> -> memref<!tpu.dma_semaphore, #tpu.memory_space<semaphore_mem>>
    tpu.enqueue_indirect_dma source(%dma_start3A_1271 : memref<62500x16xf32, #tpu.memory_space<hbm>>) target(%dma_start3A_1265 : memref<128x16xf32, #tpu.memory_space<vmem>>) offsets(%dma_start3A_1268 : memref<128xi32, #tpu.memory_space<vmem>>) semaphore(%dma_start3A_1273 : memref<!tpu.dma_semaphore, #tpu.memory_space<semaphore_mem>>)
    %dma_start3A_1274 = arith.constant 1 : i32
    %dma_start3A_1275 = arith.constant 1 : i32
    %dma_start3A_1276 = arith.constant 128 : i32
    %dma_start3A_1277 = arith.constant 0 : i32
    %dma_start3A_1278 = tpu.memref_slice %arg14[%dma_start3A_1276, %dma_start3A_1277] : memref<512x16xf32, #tpu.memory_space<vmem>> -> memref<128x16xf32, #tpu.memory_space<vmem>>
    %dma_start3A_1279 = arith.constant 0 : i32
    %dma_start3A_1280 = tpu.memref_slice %arg10[%dma_start3A_1274, %dma_start3A_1279] : memref<4x128xi32, #tpu.memory_space<vmem>> -> memref<1x128xi32, #tpu.memory_space<vmem>>
    %dma_start3A_1281 = tpu.memref_squeeze %dma_start3A_1280 : memref<1x128xi32, #tpu.memory_space<vmem>> -> memref<128xi32, #tpu.memory_space<vmem>>
    %dma_start3A_1282 = arith.constant 0 : i32
    %dma_start3A_1283 = arith.constant 0 : i32
    %dma_start3A_1284 = tpu.memref_slice %arg4[%dma_start3A_1282, %dma_start3A_1283] : memref<62500x16xf32, #tpu.memory_space<hbm>> -> memref<62500x16xf32, #tpu.memory_space<hbm>>
    %dma_start3A_1285 = tpu.memref_slice %arg17[%dma_start3A_1275] : memref<4x!tpu.dma_semaphore, #tpu.memory_space<semaphore_mem>> -> memref<1x!tpu.dma_semaphore, #tpu.memory_space<semaphore_mem>>
    %dma_start3A_1286 = tpu.memref_squeeze %dma_start3A_1285 : memref<1x!tpu.dma_semaphore, #tpu.memory_space<semaphore_mem>> -> memref<!tpu.dma_semaphore, #tpu.memory_space<semaphore_mem>>
    tpu.enqueue_indirect_dma source(%dma_start3A_1284 : memref<62500x16xf32, #tpu.memory_space<hbm>>) target(%dma_start3A_1278 : memref<128x16xf32, #tpu.memory_space<vmem>>) offsets(%dma_start3A_1281 : memref<128xi32, #tpu.memory_space<vmem>>) semaphore(%dma_start3A_1286 : memref<!tpu.dma_semaphore, #tpu.memory_space<semaphore_mem>>)
    %dma_start3A_1287 = arith.constant 2 : i32
    %dma_start3A_1288 = arith.constant 2 : i32
    %dma_start3A_1289 = arith.constant 256 : i32
    %dma_start3A_1290 = arith.constant 0 : i32
    %dma_start3A_1291 = tpu.memref_slice %arg13[%dma_start3A_1289, %dma_start3A_1290] : memref<512x16xf32, #tpu.memory_space<vmem>> -> memref<128x16xf32, #tpu.memory_space<vmem>>
    %dma_start3A_1292 = arith.constant 0 : i32
    %dma_start3A_1293 = tpu.memref_slice %arg9[%dma_start3A_1287, %dma_start3A_1292] : memref<4x128xi32, #tpu.memory_space<vmem>> -> memref<1x128xi32, #tpu.memory_space<vmem>>
    %dma_start3A_1294 = tpu.memref_squeeze %dma_start3A_1293 : memref<1x128xi32, #tpu.memory_space<vmem>> -> memref<128xi32, #tpu.memory_space<vmem>>
    %dma_start3A_1295 = arith.constant 0 : i32
    %dma_start3A_1296 = arith.constant 0 : i32
    %dma_start3A_1297 = tpu.memref_slice %arg4[%dma_start3A_1295, %dma_start3A_1296] : memref<62500x16xf32, #tpu.memory_space<hbm>> -> memref<62500x16xf32, #tpu.memory_space<hbm>>
    %dma_start3A_1298 = tpu.memref_slice %arg17[%dma_start3A_1288] : memref<4x!tpu.dma_semaphore, #tpu.memory_space<semaphore_mem>> -> memref<1x!tpu.dma_semaphore, #tpu.memory_space<semaphore_mem>>
    %dma_start3A_1299 = tpu.memref_squeeze %dma_start3A_1298 : memref<1x!tpu.dma_semaphore, #tpu.memory_space<semaphore_mem>> -> memref<!tpu.dma_semaphore, #tpu.memory_space<semaphore_mem>>
    tpu.enqueue_indirect_dma source(%dma_start3A_1297 : memref<62500x16xf32, #tpu.memory_space<hbm>>) target(%dma_start3A_1291 : memref<128x16xf32, #tpu.memory_space<vmem>>) offsets(%dma_start3A_1294 : memref<128xi32, #tpu.memory_space<vmem>>) semaphore(%dma_start3A_1299 : memref<!tpu.dma_semaphore, #tpu.memory_space<semaphore_mem>>)
    %dma_start3A_1300 = arith.constant 2 : i32
    %dma_start3A_1301 = arith.constant 2 : i32
    %dma_start3A_1302 = arith.constant 256 : i32
    %dma_start3A_1303 = arith.constant 0 : i32
    %dma_start3A_1304 = tpu.memref_slice %arg14[%dma_start3A_1302, %dma_start3A_1303] : memref<512x16xf32, #tpu.memory_space<vmem>> -> memref<128x16xf32, #tpu.memory_space<vmem>>
    %dma_start3A_1305 = arith.constant 0 : i32
    %dma_start3A_1306 = tpu.memref_slice %arg10[%dma_start3A_1300, %dma_start3A_1305] : memref<4x128xi32, #tpu.memory_space<vmem>> -> memref<1x128xi32, #tpu.memory_space<vmem>>
    %dma_start3A_1307 = tpu.memref_squeeze %dma_start3A_1306 : memref<1x128xi32, #tpu.memory_space<vmem>> -> memref<128xi32, #tpu.memory_space<vmem>>
    %dma_start3A_1308 = arith.constant 0 : i32
    %dma_start3A_1309 = arith.constant 0 : i32
    %dma_start3A_1310 = tpu.memref_slice %arg4[%dma_start3A_1308, %dma_start3A_1309] : memref<62500x16xf32, #tpu.memory_space<hbm>> -> memref<62500x16xf32, #tpu.memory_space<hbm>>
    %dma_start3A_1311 = tpu.memref_slice %arg17[%dma_start3A_1301] : memref<4x!tpu.dma_semaphore, #tpu.memory_space<semaphore_mem>> -> memref<1x!tpu.dma_semaphore, #tpu.memory_space<semaphore_mem>>
    %dma_start3A_1312 = tpu.memref_squeeze %dma_start3A_1311 : memref<1x!tpu.dma_semaphore, #tpu.memory_space<semaphore_mem>> -> memref<!tpu.dma_semaphore, #tpu.memory_space<semaphore_mem>>
    tpu.enqueue_indirect_dma source(%dma_start3A_1310 : memref<62500x16xf32, #tpu.memory_space<hbm>>) target(%dma_start3A_1304 : memref<128x16xf32, #tpu.memory_space<vmem>>) offsets(%dma_start3A_1307 : memref<128xi32, #tpu.memory_space<vmem>>) semaphore(%dma_start3A_1312 : memref<!tpu.dma_semaphore, #tpu.memory_space<semaphore_mem>>)
    %dma_start3A_1313 = arith.constant 3 : i32
    %dma_start3A_1314 = arith.constant 3 : i32
    %dma_start3A_1315 = arith.constant 384 : i32
    %dma_start3A_1316 = arith.constant 0 : i32
    %dma_start3A_1317 = tpu.memref_slice %arg13[%dma_start3A_1315, %dma_start3A_1316] : memref<512x16xf32, #tpu.memory_space<vmem>> -> memref<128x16xf32, #tpu.memory_space<vmem>>
    %dma_start3A_1318 = arith.constant 0 : i32
    %dma_start3A_1319 = tpu.memref_slice %arg9[%dma_start3A_1313, %dma_start3A_1318] : memref<4x128xi32, #tpu.memory_space<vmem>> -> memref<1x128xi32, #tpu.memory_space<vmem>>
    %dma_start3A_1320 = tpu.memref_squeeze %dma_start3A_1319 : memref<1x128xi32, #tpu.memory_space<vmem>> -> memref<128xi32, #tpu.memory_space<vmem>>
    %dma_start3A_1321 = arith.constant 0 : i32
    %dma_start3A_1322 = arith.constant 0 : i32
    %dma_start3A_1323 = tpu.memref_slice %arg4[%dma_start3A_1321, %dma_start3A_1322] : memref<62500x16xf32, #tpu.memory_space<hbm>> -> memref<62500x16xf32, #tpu.memory_space<hbm>>
    %dma_start3A_1324 = tpu.memref_slice %arg17[%dma_start3A_1314] : memref<4x!tpu.dma_semaphore, #tpu.memory_space<semaphore_mem>> -> memref<1x!tpu.dma_semaphore, #tpu.memory_space<semaphore_mem>>
    %dma_start3A_1325 = tpu.memref_squeeze %dma_start3A_1324 : memref<1x!tpu.dma_semaphore, #tpu.memory_space<semaphore_mem>> -> memref<!tpu.dma_semaphore, #tpu.memory_space<semaphore_mem>>
    tpu.enqueue_indirect_dma source(%dma_start3A_1323 : memref<62500x16xf32, #tpu.memory_space<hbm>>) target(%dma_start3A_1317 : memref<128x16xf32, #tpu.memory_space<vmem>>) offsets(%dma_start3A_1320 : memref<128xi32, #tpu.memory_space<vmem>>) semaphore(%dma_start3A_1325 : memref<!tpu.dma_semaphore, #tpu.memory_space<semaphore_mem>>)
    %dma_start3A_1326 = arith.constant 3 : i32
    %dma_start3A_1327 = arith.constant 3 : i32
    %dma_start3A_1328 = arith.constant 384 : i32
    %dma_start3A_1329 = arith.constant 0 : i32
    %dma_start3A_1330 = tpu.memref_slice %arg14[%dma_start3A_1328, %dma_start3A_1329] : memref<512x16xf32, #tpu.memory_space<vmem>> -> memref<128x16xf32, #tpu.memory_space<vmem>>
    %dma_start3A_1331 = arith.constant 0 : i32
    %dma_start3A_1332 = tpu.memref_slice %arg10[%dma_start3A_1326, %dma_start3A_1331] : memref<4x128xi32, #tpu.memory_space<vmem>> -> memref<1x128xi32, #tpu.memory_space<vmem>>
    %dma_start3A_1333 = tpu.memref_squeeze %dma_start3A_1332 : memref<1x128xi32, #tpu.memory_space<vmem>> -> memref<128xi32, #tpu.memory_space<vmem>>
    %dma_start3A_1334 = arith.constant 0 : i32
    %dma_start3A_1335 = arith.constant 0 : i32
    %dma_start3A_1336 = tpu.memref_slice %arg4[%dma_start3A_1334, %dma_start3A_1335] : memref<62500x16xf32, #tpu.memory_space<hbm>> -> memref<62500x16xf32, #tpu.memory_space<hbm>>
    %dma_start3A_1337 = tpu.memref_slice %arg17[%dma_start3A_1327] : memref<4x!tpu.dma_semaphore, #tpu.memory_space<semaphore_mem>> -> memref<1x!tpu.dma_semaphore, #tpu.memory_space<semaphore_mem>>
    %dma_start3A_1338 = tpu.memref_squeeze %dma_start3A_1337 : memref<1x!tpu.dma_semaphore, #tpu.memory_space<semaphore_mem>> -> memref<!tpu.dma_semaphore, #tpu.memory_space<semaphore_mem>>
    tpu.enqueue_indirect_dma source(%dma_start3A_1336 : memref<62500x16xf32, #tpu.memory_space<hbm>>) target(%dma_start3A_1330 : memref<128x16xf32, #tpu.memory_space<vmem>>) offsets(%dma_start3A_1333 : memref<128xi32, #tpu.memory_space<vmem>>) semaphore(%dma_start3A_1338 : memref<!tpu.dma_semaphore, #tpu.memory_space<semaphore_mem>>)
    %dma_wait3A_1339 = arith.constant 0 : i32
    %dma_wait3A_1340 = arith.constant 0 : i32
    %dma_wait3A_1341 = arith.constant 0 : i32
    %dma_wait3A_1342 = arith.constant 0 : i32
    %dma_wait3A_1343 = tpu.memref_slice %arg13[%dma_wait3A_1341, %dma_wait3A_1342] : memref<512x16xf32, #tpu.memory_space<vmem>> -> memref<128x16xf32, #tpu.memory_space<vmem>>
    %dma_wait3A_1344 = arith.constant 0 : i32
    %dma_wait3A_1345 = tpu.memref_slice %arg9[%dma_wait3A_1339, %dma_wait3A_1344] : memref<4x128xi32, #tpu.memory_space<vmem>> -> memref<1x128xi32, #tpu.memory_space<vmem>>
    %dma_wait3A_1346 = tpu.memref_squeeze %dma_wait3A_1345 : memref<1x128xi32, #tpu.memory_space<vmem>> -> memref<128xi32, #tpu.memory_space<vmem>>
    %dma_wait3A_1347 = arith.constant 0 : i32
    %dma_wait3A_1348 = arith.constant 0 : i32
    %dma_wait3A_1349 = tpu.memref_slice %arg4[%dma_wait3A_1347, %dma_wait3A_1348] : memref<62500x16xf32, #tpu.memory_space<hbm>> -> memref<62500x16xf32, #tpu.memory_space<hbm>>
    %dma_wait3A_1350 = tpu.memref_slice %arg17[%dma_wait3A_1340] : memref<4x!tpu.dma_semaphore, #tpu.memory_space<semaphore_mem>> -> memref<1x!tpu.dma_semaphore, #tpu.memory_space<semaphore_mem>>
    %dma_wait3A_1351 = tpu.memref_squeeze %dma_wait3A_1350 : memref<1x!tpu.dma_semaphore, #tpu.memory_space<semaphore_mem>> -> memref<!tpu.dma_semaphore, #tpu.memory_space<semaphore_mem>>
    tpu.wait_indirect_dma semaphore(%dma_wait3A_1351 : memref<!tpu.dma_semaphore, #tpu.memory_space<semaphore_mem>>) src(%dma_wait3A_1349 : memref<62500x16xf32, #tpu.memory_space<hbm>>) dst(%dma_wait3A_1343 : memref<128x16xf32, #tpu.memory_space<vmem>>)
    %dma_wait3A_1352 = arith.constant 0 : i32
    %dma_wait3A_1353 = arith.constant 0 : i32
    %dma_wait3A_1354 = arith.constant 0 : i32
    %dma_wait3A_1355 = arith.constant 0 : i32
    %dma_wait3A_1356 = tpu.memref_slice %arg14[%dma_wait3A_1354, %dma_wait3A_1355] : memref<512x16xf32, #tpu.memory_space<vmem>> -> memref<128x16xf32, #tpu.memory_space<vmem>>
    %dma_wait3A_1357 = arith.constant 0 : i32
    %dma_wait3A_1358 = tpu.memref_slice %arg10[%dma_wait3A_1352, %dma_wait3A_1357] : memref<4x128xi32, #tpu.memory_space<vmem>> -> memref<1x128xi32, #tpu.memory_space<vmem>>
    %dma_wait3A_1359 = tpu.memref_squeeze %dma_wait3A_1358 : memref<1x128xi32, #tpu.memory_space<vmem>> -> memref<128xi32, #tpu.memory_space<vmem>>
    %dma_wait3A_1360 = arith.constant 0 : i32
    %dma_wait3A_1361 = arith.constant 0 : i32
    %dma_wait3A_1362 = tpu.memref_slice %arg4[%dma_wait3A_1360, %dma_wait3A_1361] : memref<62500x16xf32, #tpu.memory_space<hbm>> -> memref<62500x16xf32, #tpu.memory_space<hbm>>
    %dma_wait3A_1363 = tpu.memref_slice %arg17[%dma_wait3A_1353] : memref<4x!tpu.dma_semaphore, #tpu.memory_space<semaphore_mem>> -> memref<1x!tpu.dma_semaphore, #tpu.memory_space<semaphore_mem>>
    %dma_wait3A_1364 = tpu.memref_squeeze %dma_wait3A_1363 : memref<1x!tpu.dma_semaphore, #tpu.memory_space<semaphore_mem>> -> memref<!tpu.dma_semaphore, #tpu.memory_space<semaphore_mem>>
    tpu.wait_indirect_dma semaphore(%dma_wait3A_1364 : memref<!tpu.dma_semaphore, #tpu.memory_space<semaphore_mem>>) src(%dma_wait3A_1362 : memref<62500x16xf32, #tpu.memory_space<hbm>>) dst(%dma_wait3A_1356 : memref<128x16xf32, #tpu.memory_space<vmem>>)
    %dma_wait3A_1365 = arith.constant 1 : i32
    %dma_wait3A_1366 = arith.constant 1 : i32
    %dma_wait3A_1367 = arith.constant 128 : i32
    %dma_wait3A_1368 = arith.constant 0 : i32
    %dma_wait3A_1369 = tpu.memref_slice %arg13[%dma_wait3A_1367, %dma_wait3A_1368] : memref<512x16xf32, #tpu.memory_space<vmem>> -> memref<128x16xf32, #tpu.memory_space<vmem>>
    %dma_wait3A_1370 = arith.constant 0 : i32
    %dma_wait3A_1371 = tpu.memref_slice %arg9[%dma_wait3A_1365, %dma_wait3A_1370] : memref<4x128xi32, #tpu.memory_space<vmem>> -> memref<1x128xi32, #tpu.memory_space<vmem>>
    %dma_wait3A_1372 = tpu.memref_squeeze %dma_wait3A_1371 : memref<1x128xi32, #tpu.memory_space<vmem>> -> memref<128xi32, #tpu.memory_space<vmem>>
    %dma_wait3A_1373 = arith.constant 0 : i32
    %dma_wait3A_1374 = arith.constant 0 : i32
    %dma_wait3A_1375 = tpu.memref_slice %arg4[%dma_wait3A_1373, %dma_wait3A_1374] : memref<62500x16xf32, #tpu.memory_space<hbm>> -> memref<62500x16xf32, #tpu.memory_space<hbm>>
    %dma_wait3A_1376 = tpu.memref_slice %arg17[%dma_wait3A_1366] : memref<4x!tpu.dma_semaphore, #tpu.memory_space<semaphore_mem>> -> memref<1x!tpu.dma_semaphore, #tpu.memory_space<semaphore_mem>>
    %dma_wait3A_1377 = tpu.memref_squeeze %dma_wait3A_1376 : memref<1x!tpu.dma_semaphore, #tpu.memory_space<semaphore_mem>> -> memref<!tpu.dma_semaphore, #tpu.memory_space<semaphore_mem>>
    tpu.wait_indirect_dma semaphore(%dma_wait3A_1377 : memref<!tpu.dma_semaphore, #tpu.memory_space<semaphore_mem>>) src(%dma_wait3A_1375 : memref<62500x16xf32, #tpu.memory_space<hbm>>) dst(%dma_wait3A_1369 : memref<128x16xf32, #tpu.memory_space<vmem>>)
    %dma_wait3A_1378 = arith.constant 1 : i32
    %dma_wait3A_1379 = arith.constant 1 : i32
    %dma_wait3A_1380 = arith.constant 128 : i32
    %dma_wait3A_1381 = arith.constant 0 : i32
    %dma_wait3A_1382 = tpu.memref_slice %arg14[%dma_wait3A_1380, %dma_wait3A_1381] : memref<512x16xf32, #tpu.memory_space<vmem>> -> memref<128x16xf32, #tpu.memory_space<vmem>>
    %dma_wait3A_1383 = arith.constant 0 : i32
    %dma_wait3A_1384 = tpu.memref_slice %arg10[%dma_wait3A_1378, %dma_wait3A_1383] : memref<4x128xi32, #tpu.memory_space<vmem>> -> memref<1x128xi32, #tpu.memory_space<vmem>>
    %dma_wait3A_1385 = tpu.memref_squeeze %dma_wait3A_1384 : memref<1x128xi32, #tpu.memory_space<vmem>> -> memref<128xi32, #tpu.memory_space<vmem>>
    %dma_wait3A_1386 = arith.constant 0 : i32
    %dma_wait3A_1387 = arith.constant 0 : i32
    %dma_wait3A_1388 = tpu.memref_slice %arg4[%dma_wait3A_1386, %dma_wait3A_1387] : memref<62500x16xf32, #tpu.memory_space<hbm>> -> memref<62500x16xf32, #tpu.memory_space<hbm>>
    %dma_wait3A_1389 = tpu.memref_slice %arg17[%dma_wait3A_1379] : memref<4x!tpu.dma_semaphore, #tpu.memory_space<semaphore_mem>> -> memref<1x!tpu.dma_semaphore, #tpu.memory_space<semaphore_mem>>
    %dma_wait3A_1390 = tpu.memref_squeeze %dma_wait3A_1389 : memref<1x!tpu.dma_semaphore, #tpu.memory_space<semaphore_mem>> -> memref<!tpu.dma_semaphore, #tpu.memory_space<semaphore_mem>>
    tpu.wait_indirect_dma semaphore(%dma_wait3A_1390 : memref<!tpu.dma_semaphore, #tpu.memory_space<semaphore_mem>>) src(%dma_wait3A_1388 : memref<62500x16xf32, #tpu.memory_space<hbm>>) dst(%dma_wait3A_1382 : memref<128x16xf32, #tpu.memory_space<vmem>>)
    %dma_wait3A_1391 = arith.constant 2 : i32
    %dma_wait3A_1392 = arith.constant 2 : i32
    %dma_wait3A_1393 = arith.constant 256 : i32
    %dma_wait3A_1394 = arith.constant 0 : i32
    %dma_wait3A_1395 = tpu.memref_slice %arg13[%dma_wait3A_1393, %dma_wait3A_1394] : memref<512x16xf32, #tpu.memory_space<vmem>> -> memref<128x16xf32, #tpu.memory_space<vmem>>
    %dma_wait3A_1396 = arith.constant 0 : i32
    %dma_wait3A_1397 = tpu.memref_slice %arg9[%dma_wait3A_1391, %dma_wait3A_1396] : memref<4x128xi32, #tpu.memory_space<vmem>> -> memref<1x128xi32, #tpu.memory_space<vmem>>
    %dma_wait3A_1398 = tpu.memref_squeeze %dma_wait3A_1397 : memref<1x128xi32, #tpu.memory_space<vmem>> -> memref<128xi32, #tpu.memory_space<vmem>>
    %dma_wait3A_1399 = arith.constant 0 : i32
    %dma_wait3A_1400 = arith.constant 0 : i32
    %dma_wait3A_1401 = tpu.memref_slice %arg4[%dma_wait3A_1399, %dma_wait3A_1400] : memref<62500x16xf32, #tpu.memory_space<hbm>> -> memref<62500x16xf32, #tpu.memory_space<hbm>>
    %dma_wait3A_1402 = tpu.memref_slice %arg17[%dma_wait3A_1392] : memref<4x!tpu.dma_semaphore, #tpu.memory_space<semaphore_mem>> -> memref<1x!tpu.dma_semaphore, #tpu.memory_space<semaphore_mem>>
    %dma_wait3A_1403 = tpu.memref_squeeze %dma_wait3A_1402 : memref<1x!tpu.dma_semaphore, #tpu.memory_space<semaphore_mem>> -> memref<!tpu.dma_semaphore, #tpu.memory_space<semaphore_mem>>
    tpu.wait_indirect_dma semaphore(%dma_wait3A_1403 : memref<!tpu.dma_semaphore, #tpu.memory_space<semaphore_mem>>) src(%dma_wait3A_1401 : memref<62500x16xf32, #tpu.memory_space<hbm>>) dst(%dma_wait3A_1395 : memref<128x16xf32, #tpu.memory_space<vmem>>)
    %dma_wait3A_1404 = arith.constant 2 : i32
    %dma_wait3A_1405 = arith.constant 2 : i32
    %dma_wait3A_1406 = arith.constant 256 : i32
    %dma_wait3A_1407 = arith.constant 0 : i32
    %dma_wait3A_1408 = tpu.memref_slice %arg14[%dma_wait3A_1406, %dma_wait3A_1407] : memref<512x16xf32, #tpu.memory_space<vmem>> -> memref<128x16xf32, #tpu.memory_space<vmem>>
    %dma_wait3A_1409 = arith.constant 0 : i32
    %dma_wait3A_1410 = tpu.memref_slice %arg10[%dma_wait3A_1404, %dma_wait3A_1409] : memref<4x128xi32, #tpu.memory_space<vmem>> -> memref<1x128xi32, #tpu.memory_space<vmem>>
    %dma_wait3A_1411 = tpu.memref_squeeze %dma_wait3A_1410 : memref<1x128xi32, #tpu.memory_space<vmem>> -> memref<128xi32, #tpu.memory_space<vmem>>
    %dma_wait3A_1412 = arith.constant 0 : i32
    %dma_wait3A_1413 = arith.constant 0 : i32
    %dma_wait3A_1414 = tpu.memref_slice %arg4[%dma_wait3A_1412, %dma_wait3A_1413] : memref<62500x16xf32, #tpu.memory_space<hbm>> -> memref<62500x16xf32, #tpu.memory_space<hbm>>
    %dma_wait3A_1415 = tpu.memref_slice %arg17[%dma_wait3A_1405] : memref<4x!tpu.dma_semaphore, #tpu.memory_space<semaphore_mem>> -> memref<1x!tpu.dma_semaphore, #tpu.memory_space<semaphore_mem>>
    %dma_wait3A_1416 = tpu.memref_squeeze %dma_wait3A_1415 : memref<1x!tpu.dma_semaphore, #tpu.memory_space<semaphore_mem>> -> memref<!tpu.dma_semaphore, #tpu.memory_space<semaphore_mem>>
    tpu.wait_indirect_dma semaphore(%dma_wait3A_1416 : memref<!tpu.dma_semaphore, #tpu.memory_space<semaphore_mem>>) src(%dma_wait3A_1414 : memref<62500x16xf32, #tpu.memory_space<hbm>>) dst(%dma_wait3A_1408 : memref<128x16xf32, #tpu.memory_space<vmem>>)
    %dma_wait3A_1417 = arith.constant 3 : i32
    %dma_wait3A_1418 = arith.constant 3 : i32
    %dma_wait3A_1419 = arith.constant 384 : i32
    %dma_wait3A_1420 = arith.constant 0 : i32
    %dma_wait3A_1421 = tpu.memref_slice %arg13[%dma_wait3A_1419, %dma_wait3A_1420] : memref<512x16xf32, #tpu.memory_space<vmem>> -> memref<128x16xf32, #tpu.memory_space<vmem>>
    %dma_wait3A_1422 = arith.constant 0 : i32
    %dma_wait3A_1423 = tpu.memref_slice %arg9[%dma_wait3A_1417, %dma_wait3A_1422] : memref<4x128xi32, #tpu.memory_space<vmem>> -> memref<1x128xi32, #tpu.memory_space<vmem>>
    %dma_wait3A_1424 = tpu.memref_squeeze %dma_wait3A_1423 : memref<1x128xi32, #tpu.memory_space<vmem>> -> memref<128xi32, #tpu.memory_space<vmem>>
    %dma_wait3A_1425 = arith.constant 0 : i32
    %dma_wait3A_1426 = arith.constant 0 : i32
    %dma_wait3A_1427 = tpu.memref_slice %arg4[%dma_wait3A_1425, %dma_wait3A_1426] : memref<62500x16xf32, #tpu.memory_space<hbm>> -> memref<62500x16xf32, #tpu.memory_space<hbm>>
    %dma_wait3A_1428 = tpu.memref_slice %arg17[%dma_wait3A_1418] : memref<4x!tpu.dma_semaphore, #tpu.memory_space<semaphore_mem>> -> memref<1x!tpu.dma_semaphore, #tpu.memory_space<semaphore_mem>>
    %dma_wait3A_1429 = tpu.memref_squeeze %dma_wait3A_1428 : memref<1x!tpu.dma_semaphore, #tpu.memory_space<semaphore_mem>> -> memref<!tpu.dma_semaphore, #tpu.memory_space<semaphore_mem>>
    tpu.wait_indirect_dma semaphore(%dma_wait3A_1429 : memref<!tpu.dma_semaphore, #tpu.memory_space<semaphore_mem>>) src(%dma_wait3A_1427 : memref<62500x16xf32, #tpu.memory_space<hbm>>) dst(%dma_wait3A_1421 : memref<128x16xf32, #tpu.memory_space<vmem>>)
    %dma_wait3A_1430 = arith.constant 3 : i32
    %dma_wait3A_1431 = arith.constant 3 : i32
    %dma_wait3A_1432 = arith.constant 384 : i32
    %dma_wait3A_1433 = arith.constant 0 : i32
    %dma_wait3A_1434 = tpu.memref_slice %arg14[%dma_wait3A_1432, %dma_wait3A_1433] : memref<512x16xf32, #tpu.memory_space<vmem>> -> memref<128x16xf32, #tpu.memory_space<vmem>>
    %dma_wait3A_1435 = arith.constant 0 : i32
    %dma_wait3A_1436 = tpu.memref_slice %arg10[%dma_wait3A_1430, %dma_wait3A_1435] : memref<4x128xi32, #tpu.memory_space<vmem>> -> memref<1x128xi32, #tpu.memory_space<vmem>>
    %dma_wait3A_1437 = tpu.memref_squeeze %dma_wait3A_1436 : memref<1x128xi32, #tpu.memory_space<vmem>> -> memref<128xi32, #tpu.memory_space<vmem>>
    %dma_wait3A_1438 = arith.constant 0 : i32
    %dma_wait3A_1439 = arith.constant 0 : i32
    %dma_wait3A_1440 = tpu.memref_slice %arg4[%dma_wait3A_1438, %dma_wait3A_1439] : memref<62500x16xf32, #tpu.memory_space<hbm>> -> memref<62500x16xf32, #tpu.memory_space<hbm>>
    %dma_wait3A_1441 = tpu.memref_slice %arg17[%dma_wait3A_1431] : memref<4x!tpu.dma_semaphore, #tpu.memory_space<semaphore_mem>> -> memref<1x!tpu.dma_semaphore, #tpu.memory_space<semaphore_mem>>
    %dma_wait3A_1442 = tpu.memref_squeeze %dma_wait3A_1441 : memref<1x!tpu.dma_semaphore, #tpu.memory_space<semaphore_mem>> -> memref<!tpu.dma_semaphore, #tpu.memory_space<semaphore_mem>>
    tpu.wait_indirect_dma semaphore(%dma_wait3A_1442 : memref<!tpu.dma_semaphore, #tpu.memory_space<semaphore_mem>>) src(%dma_wait3A_1440 : memref<62500x16xf32, #tpu.memory_space<hbm>>) dst(%dma_wait3A_1434 : memref<128x16xf32, #tpu.memory_space<vmem>>)
    %iota3A = tpu.iota {dimensions = array<i32: 0>} : vector<16xi32>
    %get3A_1443 = arith.constant 0 : index
    %get3A_1444 = tpu.vector_load %arg16[%get3A_1443] {strides = array<i32>} : memref<16xf32, #tpu.memory_space<vmem>>, vector<16xf32>,
    %scan3A = arith.constant 0 : i32
    %scan3A_1445 = arith.constant 0 : i32
    %scan3A_1446 = arith.constant 32 : i32
    %scan3A_1447 = arith.addi %scan3A_1445, %scan3A_1446 : i32
    %scan3A_1448 = arith.constant 1 : i32
    scf.for %scan3A_1450 = %scan3A_1445 to %scan3A_1447 step %scan3A_1448  : i32 {
      %mul3A_1451 = arith.constant 16 : i32
      %mul3A_1452 = arith.muli %scan3A_1450, %mul3A_1451 : i32
      %multiple_of3A = tpu.assume_multiple %mul3A_1452, 16 : i32
      %mul3A_1453 = arith.constant 16 : i32
      %mul3A_1454 = arith.muli %scan3A_1450, %mul3A_1453 : i32
      %add3A_1455 = vector.broadcast %mul3A_1454 : i32 to vector<16xi32>
      %add3A_1456 = arith.addi %add3A_1455, %iota3A : vector<16xi32>
      %get3A_1457 = arith.index_cast %multiple_of3A : i32 to index
      %get3A_1458 = tpu.vector_load %arg11[%get3A_1457] {strides = array<i32>} : memref<512xi32, #tpu.memory_space<vmem>>, vector<16xi32>,
      %gather3A = tpu.vector_load_idx %arg13[%add3A_1456, %get3A_1458] : memref<512x16xf32, #tpu.memory_space<vmem>>[vector<16xi32>, vector<16xi32>], vector<16xf32>,
      %get3A_1459 = arith.index_cast %multiple_of3A : i32 to index
      %get3A_1460 = tpu.vector_load %arg12[%get3A_1459] {strides = array<i32>} : memref<512xi32, #tpu.memory_space<vmem>>, vector<16xi32>,
      %gather3A_1461 = tpu.vector_load_idx %arg14[%add3A_1456, %get3A_1460] : memref<512x16xf32, #tpu.memory_space<vmem>>[vector<16xi32>, vector<16xi32>], vector<16xf32>,
      %add3A_1462 = arith.addf %gather3A, %gather3A_1461 : vector<16xf32>
      %add3A_1463 = arith.addf %add3A_1462, %get3A_1444 : vector<16xf32>
      %swap3A_1464 = arith.index_cast %multiple_of3A : i32 to index
      %swap3A_1465 = tpu.vector_load %arg15[%swap3A_1464] {strides = array<i32>} : memref<512xf32, #tpu.memory_space<vmem>>, vector<16xf32>,
      tpu.vector_store %arg15[%swap3A_1464], %add3A_1463 {strides = array<i32>} : memref<512xf32, #tpu.memory_space<vmem>>, vector<16xf32>,
    }
    %scan3A_1449 = arith.constant 32 : i32
    "tpu.region"() ({
      %run_scoped3A = tpu.sem_alloc : memref<!tpu.dma_semaphore, #tpu.memory_space<semaphore_mem>>
      %dma_start3A_1450 = tpu.memref_slice %arg6[%mul3A_2] : memref<16384xf32, #tpu.memory_space<hbm>> -> memref<512xf32, #tpu.memory_space<hbm>>
      %dma_start3A_1451 = tpu.memref_slice %arg6[%mul3A_2] : memref<16384xf32, #tpu.memory_space<hbm>> -> memref<512xf32, #tpu.memory_space<hbm>>
      tpu.enqueue_dma source(%arg15 : memref<512xf32, #tpu.memory_space<vmem>>) target(%dma_start3A_1451 : memref<512xf32, #tpu.memory_space<hbm>>) target_semaphore(%run_scoped3A : memref<!tpu.dma_semaphore, #tpu.memory_space<semaphore_mem>>)
      %dma_wait3A_1452 = tpu.memref_slice %arg6[%mul3A_2] : memref<16384xf32, #tpu.memory_space<hbm>> -> memref<512xf32, #tpu.memory_space<hbm>>
      %dma_wait3A_1453 = tpu.memref_slice %arg6[%mul3A_2] : memref<16384xf32, #tpu.memory_space<hbm>> -> memref<512xf32, #tpu.memory_space<hbm>>
      tpu.wait_dma2 semaphore(%run_scoped3A : memref<!tpu.dma_semaphore, #tpu.memory_space<semaphore_mem>>) src(%arg15 : memref<512xf32, #tpu.memory_space<vmem>>) dst(%dma_wait3A_1453 : memref<512xf32, #tpu.memory_space<hbm>>)
      tpu.yield
    }) : () -> ()
    return
  }
}

</mosaic_0001>

<sc_bundles>
// kernel: kernel.4.cloned.1.call-start
scs
__scs_entry_jumppad:
0x0: {  	(pc) =	sbr.rel $0x88, $3  }
0x1: {  	(tag) =	ssettag $0x0;
	lr =	simm.s32 $0x1  }
0x2: {  	[smem:$0x3F9C] =	sst lr;
	_ =	strace $0xD0000000  }
0x3: {  	_ = 	snop  }
0x4: {  	_ = 	snop  }
0x5: {  	_ = 	snop  }
0x6: {  	_ = 	snop  }
0x7: {  	_ = 	snop  }
__scs_overlays_trampoline_lowered:
0x8: {  	[smem:$0x3FAB] =	sst s0  }
0x9: {  	[smem:$0x3FAC] =	sst s1  }
0xa: {  	[smem:$0x3FAD] =	sst s2  }
0xb: {  	[smem:$0x3FAE] =	sst s3  }
0xc: {  	[smem:$0x3FAF] =	sst s4  }
0xd: {  	[smem:$0x3FB0] =	sst s5  }
0xe: {  	[smem:$0x3FB1] =	sst s6  }
0xf: {  	[smem:$0x3FB2] =	sst s7  }
0x10: {  	[smem:$0x3FB3] =	sst s8  }
0x11: {  	[smem:$0x3FB4] =	sst s9;
	s0 =	simm.s32 @!p0 $0x0  }
0x12: {  	s1 =	sld [smem:$0x3F9A];
	s0 =	simm.s32 @p0 $0x1  }
0x13: {  	[smem:$0x3FB5] =	sst s0;
	s0 =	simm.s32 @!p1 $0x0  }
0x14: {  	s2 =	sld [smem:$0x3F99];
	s0 =	simm.s32 @p1 $0x1  }
0x15: {  	[smem:$0x3FB6] =	sst s0;
	s0 =	simm.s32 @!p2 $0x0  }
0x16: {  	s3 =	sld [smem:$0x3FDB];
	s0 =	simm.s32 @p2 $0x1  }
0x17: {  	s4 =	simm.s32 $0x1BF5;
	[smem:$0x3FB8] =	sst s0  }
0x18: {  	s0 =	sld [smem:$0x3F9B];
	_ =	swait.ge [sflag:s4], $0x0  }
0x19: {  	s7 =	sld [smem:$0x3F9C]  }
0x1a: {  	s8 =	sadd.s32 $0xFFFFE003, lr  }
0x1b: {  	s9 =	sadd.s32 $0xFFFFFEF7, lr;
	s5 =	simm.s32 $0xFFFFFFFF;
	p2 =	slt.u32 s8, $0xFFFFF086  }
0x1c: {  	p1 =	slt.u32 s9, $0xF7A;
	s5 =	simm.s32 @!p2 $0x0  }
0x1d: {  	s5 =	simm.s32 @p1 $0x1;
	p0 =	seq.s32 s7, s2  }
0x1e: {  	s7 =	smul.u32 @!p0 $0xF7A, s2;
	p2 =	seq.s32 @!p0 s5, $0x0  }
0x1f: {  	s9 =	smul.u32 $0xF7A, s1;
	s8 =	simm.s32 @!p0 $0x1BF5;
	p2 =	por !p2, p0  }
0x20: {  	[sflag:s8] =	ssyncset.s32 @!p0 $0xFFFFF086;
	s6 =	sadd.s32 @!p0 s3, s7;
	s7 =	simm.s32 @!p0 $0x108  }
0x21: {  	s3 =	sadd.s32 s3, s9;
	s6 =	sadd.s32 @!p0 $0x88, s6;
	s7 =	simm.s32 @p2 $0x1082  }
0x22: {  	[simem:s7], [sflag:s8] =	dma.local @!p0 [hbm:s6], $0xF7A  }
0x23: {  	s9 =	sor.u32 $0xD0000000, s2;
	s6 =	simm.s32 $0x108;
	_ =	swait.ge @!p0 [sflag:s8], $0x0  }
0x24: {  	s3 =	sadd.s32 $0x88, s3;
	s6 =	simm.s32 @!p1 $0x1082;
	[sflag:s4] =	ssyncset.s32 $0xFFFFF086  }
0x25: {  	[simem:s6], [sflag:s4] =	dma.local [hbm:s3], $0xF7A  }
0x26: {  	[smem:$0x3F9C] =	sst s1;
	(tag) =	ssettag s2;
	_ =	strace s9  }
0x27: {  	s1 =	sld [smem:$0x3FAC]  }
0x28: {  	s2 =	sld [smem:$0x3FAD]  }
0x29: {  	s4 =	sld [smem:$0x3FAF]  }
0x2a: {  	p0 =	seq.s32 s5, $0x0;
	s5 =	sld [smem:$0x3FB0]  }
0x2b: {  	s6 =	sld [smem:$0x3FB1]  }
0x2c: {  	s7 =	sld [smem:$0x3FB2]  }
0x2d: {  	s3 =	simm.s32 $0x108;
	s8 =	sld [smem:$0x3FB3]  }
0x2e: {  	s3 =	simm.s32 @!p0 $0x1082;
	s9 =	sld [smem:$0x3FB4]  }
0x2f: {  	lr =	sadd.s32 s0, s3;
	s0 =	sld [smem:$0x3FAB]  }
0x30: {  	s3 =	sld [smem:$0x3FAE]  }
0x31: {  	[smem:$0x3FB7] =	sst s10  }
0x32: {  	s10 =	sld [smem:$0x3FB5];
	_ =	sdelay $0x3  }
0x33: {  	p0 =	seq.s32 s10, $0x1;
	s10 =	sld [smem:$0x3FB7];
	_ =	sdelay $0x3  }
0x34: {  	[smem:$0x3FB7] =	sst s10  }
0x35: {  	s10 =	sld [smem:$0x3FB6];
	_ =	sdelay $0x3  }
0x36: {  	p1 =	seq.s32 s10, $0x1;
	s10 =	sld [smem:$0x3FB7];
	_ =	sdelay $0x3  }
0x37: {  	[smem:$0x3FB7] =	sst s10  }
0x38: {  	s10 =	sld [smem:$0x3FB8]  }
0x39: {  	_ = 	snop;
	(pc) =	sbr.ind lr, $3  }
0x3a: {  	_ = 	snop  }
0x3b: {  	_ = 	snop  }
0x3c: {  	p2 =	seq.s32 s10, $0x1;
	s10 =	sld [smem:$0x3FB7]  }
0x3d: {  	_ =	shalt  }
0x3e: {  	_ =	shalt  }
0x3f: {  	_ =	shalt  }
0x40: {  	_ =	shalt  }
0x41: {  	_ =	shalt  }
0x42: {  	_ =	shalt  }
0x43: {  	_ =	shalt  }
0x44: {  	_ =	shalt  }
0x45: {  	_ =	shalt  }
0x46: {  	_ =	shalt  }
0x47: {  	_ =	shalt  }
0x48: {  	_ =	shalt  }
0x49: {  	_ =	shalt  }
0x4a: {  	_ =	shalt  }
0x4b: {  	_ =	shalt  }
0x4c: {  	_ =	shalt  }
0x4d: {  	_ =	shalt  }
0x4e: {  	_ =	shalt  }
0x4f: {  	_ =	shalt  }
0x50: {  	_ =	shalt  }
0x51: {  	_ =	shalt  }
0x52: {  	_ =	shalt  }
0x53: {  	_ =	shalt  }
0x54: {  	_ =	shalt  }
0x55: {  	_ =	shalt  }
0x56: {  	_ =	shalt  }
0x57: {  	_ =	shalt  }
0x58: {  	_ =	shalt  }
0x59: {  	_ =	shalt  }
0x5a: {  	_ =	shalt  }
0x5b: {  	_ =	shalt  }
0x5c: {  	_ =	shalt  }
0x5d: {  	_ =	shalt  }
0x5e: {  	_ =	shalt  }
0x5f: {  	_ =	shalt  }
0x60: {  	_ =	shalt  }
0x61: {  	_ =	shalt  }
0x62: {  	_ =	shalt  }
0x63: {  	_ =	shalt  }
0x64: {  	_ =	shalt  }
0x65: {  	_ =	shalt  }
0x66: {  	_ =	shalt  }
0x67: {  	_ =	shalt  }
0x68: {  	_ =	shalt  }
0x69: {  	_ =	shalt  }
0x6a: {  	_ =	shalt  }
0x6b: {  	_ =	shalt  }
0x6c: {  	_ =	shalt  }
0x6d: {  	_ =	shalt  }
0x6e: {  	_ =	shalt  }
0x6f: {  	_ =	shalt  }
0x70: {  	_ =	shalt  }
0x71: {  	_ =	shalt  }
0x72: {  	_ =	shalt  }
0x73: {  	_ =	shalt  }
0x74: {  	_ =	shalt  }
0x75: {  	_ =	shalt  }
0x76: {  	_ =	shalt  }
0x77: {  	_ =	shalt  }
0x78: {  	_ =	shalt  }
0x79: {  	_ =	shalt  }
0x7a: {  	_ =	shalt  }
0x7b: {  	_ =	shalt  }
0x7c: {  	_ =	shalt  }
0x7d: {  	_ =	shalt  }
0x7e: {  	_ =	shalt  }
0x7f: {  	_ =	shalt  }
0x80: {  	_ =	shalt  }
0x81: {  	_ =	shalt  }
0x82: {  	_ =	shalt  }
0x83: {  	_ =	shalt  }
0x84: {  	_ =	shalt  }
0x85: {  	_ =	shalt  }
0x86: {  	_ =	shalt  }
0x87: {  	_ =	shalt  }
.Lfunc_end0:
.L_simem_size_0:
called_computation.1_lowered:
.L_overlay_start_0:
0x88: {  	s2 =	sld [smem:$0x3FD9]  }
0x89: {  	s3 =	sld [smem:$0x3FFE];
	_ =	sdelay $0x1  }
0x8a: {  	s1 =	srdreg.scid  }
0x8b: {  	s0 =	sand.u32 $0x1, s1  }
0x8c: {  	s17 =	sshll.u32 s0, $0xA;
	s2 =	sadd.s32 s3, s2  }
0x8d: {  	s2 =	sadd.s32 s2, s17  }
0x8e: {  	[smem:$0x3FC3] =	sst s2  }
0x8f: {  	_ = 	snop  }
0x90: {  	s18 =	sld [smem:$0x3FC9]  }
0x91: {  	s4 =	sld [smem:$0x3FC8];
	(tm) =	ssettm $0x1  }
0x92: {  	s19 =	sld [smem:$0x3FFB];
	_ =	sdelay $0x3  }
0x93: {  	_ =	strace s19  }
0x94: {  	s2 =	sld [smem:$0x3FFC];
	_ =	sdelay $0x3  }
0x95: {  	_ =	strace s2  }
0x96: {  	s2 =	sld [smem:$0x3FFD];
	_ =	sdelay $0x3  }
0x97: {  	_ =	strace s2  }
0x98: {  	_ =	strace $0x8FFFFFFF  }
0x99: {  	s20 =	sld [smem:$0x3FDB];
	_ =	sdelay $0x1  }
0x9a: {  	s5 =	simm.s32 $_scs_section_size  }
0x9b: {  	s6 =	simm.s32 $_size__tile_overlayer_lowered;
	s7 =	simm.s32 $_tile_overlayer_lowered  }
0x9c: {  	s8 =	simm.s32 $0x1BFF;
	s21 =	sshll.u32 s7, $0x1;
	s5 =	sadd.s32 s5, s20  }
0x9d: {  	s22 =	simm.s32 $0x0;
	s6 =	sshll.u32 s6, $0x1;
	s7 =	sadd.s32 s21, s5  }
0x9e: {  	[timem:s22], [sflag:s8] =	dma.local [hbm:s7], s6  }
0x9f: {  	_ =	swait.ge [sflag:s8], s6  }
0xa0: {  	s6 =	ssub.s32 $0x0, s6;
	[sflag:s8] =	ssyncset.done $0x0  }
0xa1: {  	[sflag:s8] =	ssyncadd.s32 s6;
	_ =	sdelay $0x1  }
0xa2: {  	s23 =	simm.s32 $0x1B8B  }
0xa3: {  	_ =	swait.ge [sflag:s23], $0x1  }
0xa4: {  	[sflag:s23] =	ssyncset.done $0x0  }
0xa5: {  	[sflag:s23] =	ssyncadd.s32 $0xFFFFFFFF  }
0xa6: {  	s6 =	sld [smem:$0x0]  }
0xa7: {  	s7 =	sand.u32 $0xFFFFFFFE, s1  }
0xa8: {  	p0 =	sne.s32 s1, s7  }
0xa9: {  	s7 =	sshll.u32 @p0 s7, $0xE  }
0xaa: {  	s7 =	sadd.s32 @p0 $0x11B8D, s7;
	s8 =	sshll.u32 @p0 s6, $0x11  }
0xab: {  	s7 =	sor.u32 @p0 s8, s7  }
0xac: {  	[sflag:s7] =	ssyncadd.remote.s32 @p0 $0x1;
	_ =	sdelay $0x1  }
0xad: {  	s7 =	simm.s32 @p0 $0x1B8D  }
0xae: {  	_ =	swait.eq @p0 [sflag:s7], $0x1  }
0xaf: {  	[sflag:s7] =	ssyncadd.s32 @p0 $0xFFFFFFFF  }
0xb0: {  	s8 =	sshll.u32 @!p0 s1, $0xE  }
0xb1: {  	s8 =	sor.u32 @!p0 $0x4000, s8;
	s7 =	simm.s32 @!p0 $0x1B8D  }
0xb2: {  	s6 =	sshll.u32 @!p0 s6, $0x11;
	s8 =	sadd.s32 @!p0 $0x11B8D, s8;
	_ =	swait.eq @!p0 [sflag:s7], $0x1  }
0xb3: {  	s6 =	sor.u32 @!p0 s6, s8;
	[sflag:s7] =	ssyncadd.s32 @!p0 $0xFFFFFFFF  }
0xb4: {  	s25 =	simm.s32 $0x1B8E;
	s24 =	sld [smem:$0x3FFE];
	[sflag:s6] =	ssyncadd.remote.s32 @!p0 $0x1  }
0xb5: {  	s26 =	simm.s32 $execute0_lowered;
	[smem:$0x3FD2] =	sst s25  }
0xb6: {  	s7 =	sshll.u32 s26, $0x1;
	_ =	strace $0x80000049;
	[dreg:$0x1] =	wrdreg $0xFFFFFFFF  }
0xb7: {  	s28 =	simm.s32 $_size_execute0_lowered;
	s5 =	sadd.s32 s5, s7;
	[dreg:$0x0] =	wrdreg $0x0  }
0xb8: {  	s7 =	sshll.u32 s28, $0x1;
	[dreg:$0x2] =	wrdreg s5  }
0xb9: {  	[dreg:$0x3] =	wrdreg s7  }
0xba: {  	[dreg:$0x4] =	wrdreg $0xC0  }
0xbb: {  	_ =	task [dreg:s22], $0x5FFFF  }
0xbc: {  	[dreg:$0x1] =	wrdreg $0xFFFFFFFF  }
0xbd: {  	[dreg:$0x0] =	wrdreg $0x60  }
0xbe: {  	[dreg:$0x2] =	wrdreg s18  }
0xbf: {  	[dreg:$0x3] =	wrdreg s4  }
0xc0: {  	[dreg:$0x4] =	wrdreg s24  }
0xc1: {  	[dreg:$0x5] =	wrdreg $0xA  }
0xc2: {  	_ =	task.clear_ibuf [dreg:s22], $0x6FFFF;
	_ =	strace $0x90000049  }
0xc3: {  	s29 =	simm.s32 $0xA;
	_ =	strace $0x8000004B  }
0xc4: {  	_ =	swait.ge [sflag:s29], $0x1  }
0xc5: {  	[sflag:s29] =	ssyncadd.s32 $0xFFFFFFFF  }
0xc6: {  	_ =	strace $0x9000004B  }
0xc7: {  	_ =	sfence  }
0xc8: {  	s30 =	sld [smem:$0x0];
	_ =	sdelay $0x2  }
0xc9: {  	s31 =	sshll.u32 s1, $0xD;
	s1 =	sshrl.u32 s1, $0x2  }
0xca: {  	s4 =	sand.u32 $0x4000, s31;
	s1 =	sadd.s32 s1, s30  }
0xcb: {  	s0 =	sor.u32 s4, s0;
	s1 =	sshll.u32 s1, $0x11  }
0xcc: {  	s0 =	sor.u32 s1, s0  }
0xcd: {  	s0 =	sadd.s32 $0x8F2B, s0  }
0xce: {  	[sflag:s0] =	ssyncadd.remote.s32 $0x1  }
0xcf: {  	_ =	sfence.sel $0xFFFF  }
0xd0: {  	[dreg:$0x0] =	wrdreg $0xFFFFFFFF;
	(pc) =	sbr.abs _section_cstart, $3  }
0xd1: {  	[dreg:$0x1] =	wrdreg $0xFFFFFFFF  }
0xd2: {  	_ =	task.clear_ibuf [dreg:s22], $0x2FFFF;
	_ =	strace $0x9FFFFFFF  }
0xd3: {  	(tm) =	ssettm $0x7FFFFFFF  }
tec
execute0_lowered:
.L_overlay_start_1:
0x0: {  	(tag) =	ssettag $0x1  }
0x1: {  	s0 =	rddreg [dreg:$0x0]  }
0x2: {  	s1 =	rddreg [dreg:$0x1]  }
0x3: {  	s5 =	rddreg [dreg:$0x2];
	s2 =	simm.s32 $0x0;
	s3 =	srdreg.scid  }
0x4: {  	s6 =	stileid.u32;
	s17 =	simm.s32 $0x80;
	s23 =	simm.s32 $0x1  }
0x5: {  	s28 =	simm.s32 $0x2C00;
	s20 =	simm.s32 $0x2400;
	s21 =	simm.s32 $0x780  }
0x6: {  	s22 =	simm.s32 $0x4400;
	s24 =	simm.s32 $0x2;
	s29 =	simm.s32 $0x4  }
0x7: {  	s30 =	simm.s32 $0x4C00;
	s31 =	simm.s32 $0x5;
	[smem:$0x7FF] =	sst s2  }
0x8: {  	s4 =	sand.u32 $0x1, s3;
	s6 =	sshll.u32 s6, $0x7;
	s3 =	sadd.s32 $0xF42E00, s5  }
0x9: {  	_ =	strace $0x8000004A;
	s7 =	sshll.u32 s4, $0x6;
	s25 =	ssub.s32 $0x2, s4  }
0xa: {  	s4 =	sadd.s32 $0xF61800, s5;
	s10 =	sor.u32 s7, s6;
	s26 =	sshrl.u32 s25, $0x1  }
0xb: {  	s13 =	sadd.s32 s10, s5;
	s14 =	ssub.s32 s25, s26;
	s5 =	sadd.s32 s0, s10  }
0xc: {  	s8 =	sor.u32 $0x10, s10;
	s6 =	sadd.s32 s1, s10;
	s11 =	sor.u32 $0x20, s10  }
0xd: {  	s12 =	sor.u32 $0x30, s10;
	s25 =	simm.s32 $0xC00;
	s26 =	simm.s32 $0x3  }
0xe: {  	s7 =	sadd.s32 s0, s8;
	s8 =	sadd.s32 s1, s8;
	s9 =	sadd.s32 s0, s11  }
0xf: {  	v0 =	vlaneseq.u32;
	s10 =	sadd.s32 s1, s11;
	s11 =	sadd.s32 s0, s12;
	s12 =	sadd.s32 s1, s12  }
0x10: {  	v0 =	vmul.u32 $0x10, v0;
	s13 =	sadd.s32 $0xF61A00, s13;
	s14 =	smax.u32 s14, $0x1;
	s0 =	simm.s32 $0x0  }
.LBB2_1:
0x11: {  	s1 =	simm.s32 $0x4E00  }
0x12: {  	[tilespmem:s1], [sflag:$0x1] =	stream.linear.gather [hbm4b:s4+s2], $0x10, $0x38;
	[tilespmem:$0x4E10] =	vst v63  }
0x13: {  	_ = 	snop  }
0x14: {  	[tilespmem:s2], [sflag:$0x1] =	stream.linear.gather [hbm4b:s5+s2], $0x80, $0x38;
	[tilespmem:$0x4E10] =	vst v63  }
0x15: {  	s16 =	simm.s32 $0x200  }
0x16: {  	[tilespmem:s16], [sflag:$0x1] =	stream.linear.gather [hbm4b:s6+s2], $0x80, $0x38;
	[tilespmem:$0x4E10] =	vst v63  }
0x17: {  	_ = 	snop  }
0x18: {  	[tilespmem:s17], [sflag:$0x1] =	stream.linear.gather [hbm4b:s7+s2], $0x80, $0x38;
	[tilespmem:$0x4E10] =	vst v63  }
0x19: {  	s18 =	simm.s32 $0x280  }
0x1a: {  	[tilespmem:s18], [sflag:$0x1] =	stream.linear.gather [hbm4b:s8+s2], $0x80, $0x38;
	[tilespmem:$0x4E10] =	vst v63  }
0x1b: {  	s19 =	simm.s32 $0x100  }
0x1c: {  	[tilespmem:s19], [sflag:$0x1] =	stream.linear.gather [hbm4b:s9+s2], $0x80, $0x38;
	[tilespmem:$0x4E10] =	vst v63  }
0x1d: {  	s15 =	simm.s32 $0x300  }
0x1e: {  	[tilespmem:s15], [sflag:$0x1] =	stream.linear.gather [hbm4b:s10+s2], $0x80, $0x38;
	[tilespmem:$0x4E10] =	vst v63  }
0x1f: {  	s16 =	simm.s32 $0x180  }
0x20: {  	[tilespmem:s16], [sflag:$0x1] =	stream.linear.gather [hbm4b:s11+s2], $0x80, $0x38;
	[tilespmem:$0x4E10] =	vst v63  }
0x21: {  	s18 =	simm.s32 $0x380  }
0x22: {  	[tilespmem:s18], [sflag:$0x1] =	stream.linear.gather [hbm4b:s12+s2], $0x80, $0x38;
	[tilespmem:$0x4E10] =	vst v63  }
0x23: {  	_ =	swait.ge [sflag:s23], $0x10  }
0x24: {  	[sflag:s23] =	ssyncset.done $0x0  }
0x25: {  	[sflag:s23] =	ssyncadd.s32 $0xFFFFFFF0  }
0x26: {  	_ =	swait.ge [sflag:s23], $0x80  }
0x27: {  	[sflag:s23] =	ssyncset.done $0x0  }
0x28: {  	[sflag:s23] =	ssyncadd.s32 $0xFFFFFF80  }
0x29: {  	_ =	swait.ge [sflag:s23], $0x80  }
0x2a: {  	[sflag:s23] =	ssyncset.done $0x0  }
0x2b: {  	[sflag:s23] =	ssyncadd.s32 $0xFFFFFF80  }
0x2c: {  	_ =	swait.ge [sflag:s23], $0x80  }
0x2d: {  	[sflag:s23] =	ssyncset.done $0x0  }
0x2e: {  	[sflag:s23] =	ssyncadd.s32 $0xFFFFFF80  }
0x2f: {  	_ =	swait.ge [sflag:s23], $0x80  }
0x30: {  	[sflag:s23] =	ssyncset.done $0x0  }
0x31: {  	[sflag:s23] =	ssyncadd.s32 $0xFFFFFF80  }
0x32: {  	_ =	swait.ge [sflag:s23], $0x80  }
0x33: {  	[sflag:s23] =	ssyncset.done $0x0  }
0x34: {  	[sflag:s23] =	ssyncadd.s32 $0xFFFFFF80  }
0x35: {  	_ =	swait.ge [sflag:s23], $0x80  }
0x36: {  	[sflag:s23] =	ssyncset.done $0x0  }
0x37: {  	[sflag:s23] =	ssyncadd.s32 $0xFFFFFF80  }
0x38: {  	_ =	swait.ge [sflag:s23], $0x80  }
0x39: {  	[sflag:s23] =	ssyncset.done $0x0  }
0x3a: {  	[sflag:s23] =	ssyncadd.s32 $0xFFFFFF80  }
0x3b: {  	_ =	swait.ge [sflag:s23], $0x80  }
0x3c: {  	[sflag:s23] =	ssyncset.done $0x0  }
0x3d: {  	[sflag:s23] =	ssyncadd.s32 $0xFFFFFF80  }
0x3e: {  	v1 =	vld [tilespmem:$0x0];
	_ =	sdelay $0x1  }
0x3f: {  	v2 =	vld [tilespmem:$0x200];
	_ =	sdelay $0x1  }
0x40: {  	v3 =	vld [tilespmem:$0x10]  }
0x41: {  	v4 =	vshra.s32 v1, $0x4  }
0x42: {  	v1 =	vand.u32 $0xF, v1;
	[tilespmem:$0x400] =	vst v4;
	v4 =	vld [tilespmem:$0x210]  }
0x43: {  	[tilespmem:$0x800] =	vst v1;
	v1 =	vshra.s32 v2, $0x4  }
0x44: {  	[tilespmem:$0x600] =	vst v1;
	v1 =	vand.u32 $0xF, v2;
	v2 =	vld [tilespmem:$0x20]  }
0x45: {  	[tilespmem:$0xA00] =	vst v1;
	v1 =	vshra.s32 v3, $0x4  }
0x46: {  	[tilespmem:$0x410] =	vst v1;
	v1 =	vand.u32 $0xF, v3;
	v3 =	vld [tilespmem:$0x220]  }
0x47: {  	[tilespmem:$0x810] =	vst v1;
	v1 =	vshra.s32 v4, $0x4  }
0x48: {  	[tilespmem:$0x610] =	vst v1;
	v1 =	vand.u32 $0xF, v4;
	v4 =	vld [tilespmem:$0x30]  }
0x49: {  	[tilespmem:$0xA10] =	vst v1;
	v1 =	vshra.s32 v2, $0x4  }
0x4a: {  	[tilespmem:$0x420] =	vst v1;
	v1 =	vand.u32 $0xF, v2;
	v2 =	vld [tilespmem:$0x230]  }
0x4b: {  	[tilespmem:$0x820] =	vst v1;
	v1 =	vshra.s32 v3, $0x4  }
0x4c: {  	[tilespmem:$0x620] =	vst v1;
	v1 =	vand.u32 $0xF, v3;
	v3 =	vld [tilespmem:$0x40]  }
0x4d: {  	[tilespmem:$0xA20] =	vst v1;
	v1 =	vshra.s32 v4, $0x4  }
0x4e: {  	[tilespmem:$0x430] =	vst v1;
	v1 =	vand.u32 $0xF, v4;
	v4 =	vld [tilespmem:$0x240]  }
0x4f: {  	[tilespmem:$0x830] =	vst v1;
	v1 =	vshra.s32 v2, $0x4  }
0x50: {  	[tilespmem:$0x630] =	vst v1;
	v1 =	vand.u32 $0xF, v2;
	v2 =	vld [tilespmem:$0x50]  }
0x51: {  	[tilespmem:$0xA30] =	vst v1;
	v1 =	vshra.s32 v3, $0x4  }
0x52: {  	[tilespmem:$0x440] =	vst v1;
	v1 =	vand.u32 $0xF, v3;
	v3 =	vld [tilespmem:$0x250]  }
0x53: {  	[tilespmem:$0x840] =	vst v1;
	v1 =	vshra.s32 v4, $0x4  }
0x54: {  	[tilespmem:$0x640] =	vst v1;
	v1 =	vand.u32 $0xF, v4;
	v4 =	vld [tilespmem:$0x60]  }
0x55: {  	[tilespmem:$0xA40] =	vst v1;
	v1 =	vshra.s32 v2, $0x4  }
0x56: {  	[tilespmem:$0x450] =	vst v1;
	v1 =	vand.u32 $0xF, v2;
	v2 =	vld [tilespmem:$0x260]  }
0x57: {  	[tilespmem:$0x850] =	vst v1;
	v1 =	vshra.s32 v3, $0x4  }
0x58: {  	[tilespmem:$0x650] =	vst v1;
	v1 =	vand.u32 $0xF, v3;
	v3 =	vld [tilespmem:$0x70]  }
0x59: {  	[tilespmem:$0xA50] =	vst v1;
	v1 =	vshra.s32 v4, $0x4  }
0x5a: {  	[tilespmem:$0x460] =	vst v1;
	v1 =	vand.u32 $0xF, v4;
	v4 =	vld [tilespmem:$0x270]  }
0x5b: {  	[tilespmem:$0x860] =	vst v1;
	v1 =	vshra.s32 v2, $0x4  }
0x5c: {  	[tilespmem:$0x660] =	vst v1;
	v1 =	vand.u32 $0xF, v2;
	v2 =	vld [tilespmem:$0x80]  }
0x5d: {  	[tilespmem:$0xA60] =	vst v1;
	v1 =	vshra.s32 v3, $0x4  }
0x5e: {  	[tilespmem:$0x470] =	vst v1;
	v1 =	vand.u32 $0xF, v3;
	v3 =	vld [tilespmem:$0x280]  }
0x5f: {  	[tilespmem:$0x870] =	vst v1;
	v1 =	vshra.s32 v4, $0x4  }
0x60: {  	[tilespmem:$0x670] =	vst v1;
	v1 =	vand.u32 $0xF, v4;
	v4 =	vld [tilespmem:$0x90]  }
0x61: {  	[tilespmem:$0xA70] =	vst v1;
	v1 =	vshra.s32 v2, $0x4  }
0x62: {  	[tilespmem:$0x480] =	vst v1;
	v1 =	vand.u32 $0xF, v2;
	v2 =	vld [tilespmem:$0x290]  }
0x63: {  	[tilespmem:$0x880] =	vst v1;
	v1 =	vshra.s32 v3, $0x4  }
0x64: {  	[tilespmem:$0x680] =	vst v1;
	v1 =	vand.u32 $0xF, v3;
	v3 =	vld [tilespmem:$0xA0]  }
0x65: {  	[tilespmem:$0xA80] =	vst v1;
	v1 =	vshra.s32 v4, $0x4  }
0x66: {  	[tilespmem:$0x490] =	vst v1;
	v1 =	vand.u32 $0xF, v4;
	v4 =	vld [tilespmem:$0x2A0]  }
0x67: {  	[tilespmem:$0x890] =	vst v1;
	v1 =	vshra.s32 v2, $0x4  }
0x68: {  	[tilespmem:$0x690] =	vst v1;
	v1 =	vand.u32 $0xF, v2;
	v2 =	vld [tilespmem:$0xB0]  }
0x69: {  	[tilespmem:$0xA90] =	vst v1;
	v1 =	vshra.s32 v3, $0x4  }
0x6a: {  	[tilespmem:$0x4A0] =	vst v1;
	v1 =	vand.u32 $0xF, v3;
	v3 =	vld [tilespmem:$0x2B0]  }
0x6b: {  	[tilespmem:$0x8A0] =	vst v1;
	v1 =	vshra.s32 v4, $0x4  }
0x6c: {  	[tilespmem:$0x6A0] =	vst v1;
	v1 =	vand.u32 $0xF, v4;
	v4 =	vld [tilespmem:$0xC0]  }
0x6d: {  	[tilespmem:$0xAA0] =	vst v1;
	v1 =	vshra.s32 v2, $0x4  }
0x6e: {  	[tilespmem:$0x4B0] =	vst v1;
	v1 =	vand.u32 $0xF, v2;
	v2 =	vld [tilespmem:$0x2C0]  }
0x6f: {  	[tilespmem:$0x8B0] =	vst v1;
	v1 =	vshra.s32 v3, $0x4  }
0x70: {  	[tilespmem:$0x6B0] =	vst v1;
	v1 =	vand.u32 $0xF, v3;
	v3 =	vld [tilespmem:$0xD0]  }
0x71: {  	[tilespmem:$0xAB0] =	vst v1;
	v1 =	vshra.s32 v4, $0x4  }
0x72: {  	[tilespmem:$0x4C0] =	vst v1;
	v1 =	vand.u32 $0xF, v4;
	v4 =	vld [tilespmem:$0x2D0]  }
0x73: {  	[tilespmem:$0x8C0] =	vst v1;
	v1 =	vshra.s32 v2, $0x4  }
0x74: {  	[tilespmem:$0x6C0] =	vst v1;
	v1 =	vand.u32 $0xF, v2;
	v2 =	vld [tilespmem:$0xE0]  }
0x75: {  	[tilespmem:$0xAC0] =	vst v1;
	v1 =	vshra.s32 v3, $0x4  }
0x76: {  	[tilespmem:$0x4D0] =	vst v1;
	v1 =	vand.u32 $0xF, v3;
	v3 =	vld [tilespmem:$0x2E0]  }
0x77: {  	[tilespmem:$0x8D0] =	vst v1;
	v1 =	vshra.s32 v4, $0x4  }
0x78: {  	[tilespmem:$0x6D0] =	vst v1;
	v1 =	vand.u32 $0xF, v4;
	v4 =	vld [tilespmem:$0xF0]  }
0x79: {  	[tilespmem:$0xAD0] =	vst v1;
	v1 =	vshra.s32 v2, $0x4  }
0x7a: {  	[tilespmem:$0x4E0] =	vst v1;
	v1 =	vand.u32 $0xF, v2;
	v2 =	vld [tilespmem:$0x2F0]  }
0x7b: {  	[tilespmem:$0x8E0] =	vst v1;
	v1 =	vshra.s32 v3, $0x4  }
0x7c: {  	[tilespmem:$0x6E0] =	vst v1;
	v1 =	vand.u32 $0xF, v3;
	v3 =	vld [tilespmem:$0x100]  }
0x7d: {  	[tilespmem:$0xAE0] =	vst v1;
	v1 =	vshra.s32 v4, $0x4  }
0x7e: {  	[tilespmem:$0x4F0] =	vst v1;
	v1 =	vand.u32 $0xF, v4;
	v4 =	vld [tilespmem:$0x300]  }
0x7f: {  	[tilespmem:$0x8F0] =	vst v1;
	v1 =	vshra.s32 v2, $0x4  }
0x80: {  	[tilespmem:$0x6F0] =	vst v1;
	v1 =	vand.u32 $0xF, v2;
	v2 =	vld [tilespmem:$0x110]  }
0x81: {  	[tilespmem:$0xAF0] =	vst v1;
	v1 =	vshra.s32 v3, $0x4  }
0x82: {  	[tilespmem:$0x500] =	vst v1;
	v1 =	vand.u32 $0xF, v3;
	v3 =	vld [tilespmem:$0x310]  }
0x83: {  	[tilespmem:$0x900] =	vst v1;
	v1 =	vshra.s32 v4, $0x4  }
0x84: {  	[tilespmem:$0x700] =	vst v1;
	v1 =	vand.u32 $0xF, v4;
	v4 =	vld [tilespmem:$0x120]  }
0x85: {  	[tilespmem:$0xB00] =	vst v1;
	v1 =	vshra.s32 v2, $0x4  }
0x86: {  	[tilespmem:$0x510] =	vst v1;
	v1 =	vand.u32 $0xF, v2;
	v2 =	vld [tilespmem:$0x320]  }
0x87: {  	[tilespmem:$0x910] =	vst v1;
	v1 =	vshra.s32 v3, $0x4  }
0x88: {  	[tilespmem:$0x710] =	vst v1;
	v1 =	vand.u32 $0xF, v3;
	v3 =	vld [tilespmem:$0x130]  }
0x89: {  	[tilespmem:$0xB10] =	vst v1;
	v1 =	vshra.s32 v4, $0x4  }
0x8a: {  	[tilespmem:$0x520] =	vst v1;
	v1 =	vand.u32 $0xF, v4;
	v4 =	vld [tilespmem:$0x330]  }
0x8b: {  	[tilespmem:$0x920] =	vst v1;
	v1 =	vshra.s32 v2, $0x4  }
0x8c: {  	[tilespmem:$0x720] =	vst v1;
	v1 =	vand.u32 $0xF, v2;
	v2 =	vld [tilespmem:$0x140]  }
0x8d: {  	[tilespmem:$0xB20] =	vst v1;
	v1 =	vshra.s32 v3, $0x4  }
0x8e: {  	[tilespmem:$0x530] =	vst v1;
	v1 =	vand.u32 $0xF, v3;
	v3 =	vld [tilespmem:$0x340]  }
0x8f: {  	[tilespmem:$0x930] =	vst v1;
	v1 =	vshra.s32 v4, $0x4  }
0x90: {  	[tilespmem:$0x730] =	vst v1;
	v1 =	vand.u32 $0xF, v4;
	v4 =	vld [tilespmem:$0x150]  }
0x91: {  	[tilespmem:$0xB30] =	vst v1;
	v1 =	vshra.s32 v2, $0x4  }
0x92: {  	[tilespmem:$0x540] =	vst v1;
	v1 =	vand.u32 $0xF, v2;
	v2 =	vld [tilespmem:$0x350]  }
0x93: {  	[tilespmem:$0x940] =	vst v1;
	v1 =	vshra.s32 v3, $0x4  }
0x94: {  	[tilespmem:$0x740] =	vst v1;
	v1 =	vand.u32 $0xF, v3;
	v3 =	vld [tilespmem:$0x160]  }
0x95: {  	[tilespmem:$0xB40] =	vst v1;
	v1 =	vshra.s32 v4, $0x4  }
0x96: {  	[tilespmem:$0x550] =	vst v1;
	v1 =	vand.u32 $0xF, v4;
	v4 =	vld [tilespmem:$0x360]  }
0x97: {  	[tilespmem:$0x950] =	vst v1;
	v1 =	vshra.s32 v2, $0x4  }
0x98: {  	[tilespmem:$0x750] =	vst v1;
	v1 =	vand.u32 $0xF, v2;
	v2 =	vld [tilespmem:$0x170]  }
0x99: {  	[tilespmem:$0xB50] =	vst v1;
	v1 =	vshra.s32 v3, $0x4  }
0x9a: {  	[tilespmem:$0x560] =	vst v1;
	v1 =	vand.u32 $0xF, v3;
	v3 =	vld [tilespmem:$0x370]  }
0x9b: {  	[tilespmem:$0x960] =	vst v1;
	v1 =	vshra.s32 v4, $0x4  }
0x9c: {  	[tilespmem:$0x760] =	vst v1;
	v1 =	vand.u32 $0xF, v4;
	v4 =	vld [tilespmem:$0x180]  }
0x9d: {  	[tilespmem:$0xB60] =	vst v1;
	v1 =	vshra.s32 v2, $0x4  }
0x9e: {  	[tilespmem:$0x570] =	vst v1;
	v1 =	vand.u32 $0xF, v2;
	v2 =	vld [tilespmem:$0x380]  }
0x9f: {  	[tilespmem:$0x970] =	vst v1;
	v1 =	vshra.s32 v3, $0x4  }
0xa0: {  	[tilespmem:$0x770] =	vst v1;
	v1 =	vand.u32 $0xF, v3;
	v3 =	vld [tilespmem:$0x190]  }
0xa1: {  	[tilespmem:$0xB70] =	vst v1;
	v1 =	vshra.s32 v4, $0x4  }
0xa2: {  	[tilespmem:$0x580] =	vst v1;
	v1 =	vand.u32 $0xF, v4;
	v4 =	vld [tilespmem:$0x390]  }
0xa3: {  	[tilespmem:$0x980] =	vst v1;
	v1 =	vshra.s32 v2, $0x4  }
0xa4: {  	[tilespmem:$0x780] =	vst v1;
	v1 =	vand.u32 $0xF, v2;
	v2 =	vld [tilespmem:$0x1A0]  }
0xa5: {  	[tilespmem:$0xB80] =	vst v1;
	v1 =	vshra.s32 v3, $0x4  }
0xa6: {  	[tilespmem:$0x590] =	vst v1;
	v1 =	vand.u32 $0xF, v3;
	v3 =	vld [tilespmem:$0x3A0]  }
0xa7: {  	[tilespmem:$0x990] =	vst v1;
	v1 =	vshra.s32 v4, $0x4  }
0xa8: {  	[tilespmem:$0x790] =	vst v1;
	v1 =	vand.u32 $0xF, v4;
	v4 =	vld [tilespmem:$0x1B0]  }
0xa9: {  	[tilespmem:$0xB90] =	vst v1;
	v1 =	vshra.s32 v2, $0x4  }
0xaa: {  	[tilespmem:$0x5A0] =	vst v1;
	v1 =	vand.u32 $0xF, v2;
	v2 =	vld [tilespmem:$0x3B0]  }
0xab: {  	[tilespmem:$0x9A0] =	vst v1;
	v1 =	vshra.s32 v3, $0x4  }
0xac: {  	[tilespmem:$0x7A0] =	vst v1;
	v1 =	vand.u32 $0xF, v3;
	v3 =	vld [tilespmem:$0x1C0]  }
0xad: {  	[tilespmem:$0xBA0] =	vst v1;
	v1 =	vshra.s32 v4, $0x4  }
0xae: {  	[tilespmem:$0x5B0] =	vst v1;
	v1 =	vand.u32 $0xF, v4;
	v4 =	vld [tilespmem:$0x3C0]  }
0xaf: {  	[tilespmem:$0x9B0] =	vst v1;
	v1 =	vshra.s32 v2, $0x4  }
0xb0: {  	[tilespmem:$0x7B0] =	vst v1;
	v1 =	vand.u32 $0xF, v2;
	v2 =	vld [tilespmem:$0x1D0]  }
0xb1: {  	[tilespmem:$0xBB0] =	vst v1;
	v1 =	vshra.s32 v3, $0x4  }
0xb2: {  	[tilespmem:$0x5C0] =	vst v1;
	v1 =	vand.u32 $0xF, v3;
	v3 =	vld [tilespmem:$0x3D0]  }
0xb3: {  	[tilespmem:$0x9C0] =	vst v1;
	v1 =	vshra.s32 v4, $0x4  }
0xb4: {  	[tilespmem:$0x7C0] =	vst v1;
	v1 =	vand.u32 $0xF, v4;
	v4 =	vld [tilespmem:$0x1E0]  }
0xb5: {  	[tilespmem:$0xBC0] =	vst v1;
	v1 =	vshra.s32 v2, $0x4  }
0xb6: {  	[tilespmem:$0x5D0] =	vst v1;
	v1 =	vand.u32 $0xF, v2;
	v2 =	vld [tilespmem:$0x3E0]  }
0xb7: {  	[tilespmem:$0x9D0] =	vst v1;
	v1 =	vshra.s32 v3, $0x4  }
0xb8: {  	[tilespmem:$0x7D0] =	vst v1;
	v1 =	vand.u32 $0xF, v3;
	v3 =	vld [tilespmem:$0x1F0]  }
0xb9: {  	[tilespmem:$0xBD0] =	vst v1;
	v1 =	vshra.s32 v4, $0x4  }
0xba: {  	[tilespmem:$0x5E0] =	vst v1;
	v1 =	vand.u32 $0xF, v4;
	v4 =	vld [tilespmem:$0x3F0]  }
0xbb: {  	[tilespmem:$0x9E0] =	vst v1;
	v1 =	vshra.s32 v2, $0x4  }
0xbc: {  	[tilespmem:$0x7E0] =	vst v1;
	v1 =	vand.u32 $0xF, v2  }
0xbd: {  	[tilespmem:$0xBE0] =	vst v1;
	v1 =	vshra.s32 v3, $0x4  }
0xbe: {  	[tilespmem:$0x5F0] =	vst v1;
	v1 =	vand.u32 $0xF, v3  }
0xbf: {  	[tilespmem:$0x9F0] =	vst v1;
	v1 =	vshra.s32 v4, $0x4  }
0xc0: {  	[tilespmem:$0x7F0] =	vst v1;
	v1 =	vand.u32 $0xF, v4  }
0xc1: {  	s19 =	simm.s32 $0x400;
	[tilespmem:$0xBF0] =	vst v1  }
0xc2: {  	[tilespmem:s25], [sflag:$0x1] =	stream.indirect.gather [hbm4b:s3+s17], $0x10, s19, s17, $0xb8;
	[tilespmem:$0x4E10] =	vst v63  }
0xc3: {  	s15 =	simm.s32 $0x600  }
0xc4: {  	[tilespmem:s28], [sflag:$0x1] =	stream.indirect.gather [hbm4b:s3+s17], $0x10, s15, s17, $0xb8;
	[tilespmem:$0x4E10] =	vst v63  }
0xc5: {  	s16 =	simm.s32 $0x480;
	s15 =	simm.s32 $0x1400  }
0xc6: {  	[tilespmem:s15], [sflag:$0x2] =	stream.indirect.gather [hbm4b:s3+s17], $0x10, s16, s17, $0xb8;
	[tilespmem:$0x4E10] =	vst v63  }
0xc7: {  	s18 =	simm.s32 $0x680;
	s19 =	simm.s32 $0x3400  }
0xc8: {  	[tilespmem:s19], [sflag:$0x2] =	stream.indirect.gather [hbm4b:s3+s17], $0x10, s18, s17, $0xb8;
	[tilespmem:$0x4E10] =	vst v63  }
0xc9: {  	s15 =	simm.s32 $0x500;
	s16 =	simm.s32 $0x1C00  }
0xca: {  	[tilespmem:s16], [sflag:$0x3] =	stream.indirect.gather [hbm4b:s3+s17], $0x10, s15, s17, $0xb8;
	[tilespmem:$0x4E10] =	vst v63  }
0xcb: {  	s18 =	simm.s32 $0x700;
	s19 =	simm.s32 $0x3C00  }
0xcc: {  	[tilespmem:s19], [sflag:$0x3] =	stream.indirect.gather [hbm4b:s3+s17], $0x10, s18, s17, $0xb8;
	[tilespmem:$0x4E10] =	vst v63  }
0xcd: {  	s16 =	simm.s32 $0x580  }
0xce: {  	[tilespmem:s20], [sflag:$0x4] =	stream.indirect.gather [hbm4b:s3+s17], $0x10, s16, s17, $0xb8;
	[tilespmem:$0x4E10] =	vst v63  }
0xcf: {  	_ = 	snop  }
0xd0: {  	[tilespmem:s22], [sflag:$0x4] =	stream.indirect.gather [hbm4b:s3+s17], $0x10, s21, s17, $0xb8;
	[tilespmem:$0x4E10] =	vst v63  }
0xd1: {  	_ =	swait.ge [sflag:s23], $0x800  }
0xd2: {  	[sflag:s23] =	ssyncset.done $0x0  }
0xd3: {  	[sflag:s23] =	ssyncadd.s32 $0xFFFFF800  }
0xd4: {  	_ =	swait.ge [sflag:s23], $0x800  }
0xd5: {  	[sflag:s23] =	ssyncset.done $0x0  }
0xd6: {  	[sflag:s23] =	ssyncadd.s32 $0xFFFFF800  }
0xd7: {  	_ =	swait.ge [sflag:s24], $0x800  }
0xd8: {  	[sflag:s24] =	ssyncset.done $0x0  }
0xd9: {  	[sflag:s24] =	ssyncadd.s32 $0xFFFFF800  }
0xda: {  	_ =	swait.ge [sflag:s24], $0x800  }
0xdb: {  	[sflag:s24] =	ssyncset.done $0x0  }
0xdc: {  	[sflag:s24] =	ssyncadd.s32 $0xFFFFF800  }
0xdd: {  	_ =	swait.ge [sflag:s26], $0x800  }
0xde: {  	[sflag:s26] =	ssyncset.done $0x0  }
0xdf: {  	[sflag:s26] =	ssyncadd.s32 $0xFFFFF800  }
0xe0: {  	_ =	swait.ge [sflag:s26], $0x800  }
0xe1: {  	[sflag:s26] =	ssyncset.done $0x0  }
0xe2: {  	[sflag:s26] =	ssyncadd.s32 $0xFFFFF800  }
0xe3: {  	_ =	swait.ge [sflag:s29], $0x800  }
0xe4: {  	[sflag:s29] =	ssyncset.done $0x0  }
0xe5: {  	[sflag:s29] =	ssyncadd.s32 $0xFFFFF800  }
0xe6: {  	_ =	swait.ge [sflag:s29], $0x800  }
0xe7: {  	[sflag:s29] =	ssyncset.done $0x0  }
0xe8: {  	s18 =	simm.s32 $0x800;
	[sflag:s29] =	ssyncadd.s32 $0xFFFFF800  }
0xe9: {  	s19 =	simm.s32 $0xA00;
	v1 =	vld [tilespmem:s18+$0x0]  }
0xea: {  	v2 =	vld [tilespmem:s19+$0x0];
	_ =	sdelay $0x1  }
0xeb: {  	v3 =	vmov s2  }
0xec: {  	v3 =	vshll.u32 v3, $0x4  }
0xed: {  	v3 =	vor.u32 v0, v3;
	v4 =	vand.u32 $0xFFFFFFF8, v1  }
0xee: {  	v1 =	vand.u32 $0x7, v1;
	v5 =	vand.u32 $0xFFFFFFF8, v2;
	v4 =	vadd.s32 v3, v4  }
0xef: {  	v2 =	vand.u32 $0x7, v2;
	v3 =	vadd.s32 v3, v5;
	v1 =	vor.u32 v1, v4  }
0xf0: {  	v2 =	vor.u32 v2, v3;
	_ =	sdelay $0x3  }
0xf1: {  	v3 =	vld.idx.msk [tilespmem:v1+s25+$0x0], $0xffff  }
0xf2: {  	v2 =	vld.idx.msk [tilespmem:v2+s28+$0x0], $0xffff;
	_ =	sdelay $0x1  }
0xf3: {  	v1 =	vld [tilespmem:$0x4E00];
	_ =	sdelay $0x2  }
0xf4: {  	v2 =	vadd.f32 v2, v3;
	_ =	sdelay $0x1  }
0xf5: {  	v2 =	vadd.f32 v2, v1;
	_ =	sdelay $0x1  }
0xf6: {  	s15 =	simm.s32 $0x810;
	[tilespmem:s30+$0x0] =	vst v2  }
0xf7: {  	s16 =	simm.s32 $0xA10;
	v3 =	vld [tilespmem:s15+$0x0]  }
0xf8: {  	s1 =	simm.s32 $0x4C00;
	s18 =	simm.s32 $0x10;
	s19 =	simm.s32 $0x20;
	v2 =	vld [tilespmem:s16+$0x0]  }
.LBB2_2:
0xf9: {  	p0 =	sne.s32 s19, $0x1F0  }
0xfa: {  	v4 =	vmov s18;
	s18 =	smov.u32 s19  }
0xfb: {  	v4 =	vshll.u32 v4, $0x4  }
0xfc: {  	v4 =	vor.u32 v0, v4;
	v5 =	vand.u32 $0xFFFFFFF8, v3  }
0xfd: {  	v3 =	vand.u32 $0x7, v3;
	v5 =	vadd.s32 v4, v5;
	v6 =	vand.u32 $0xFFFFFFF8, v2  }
0xfe: {  	v2 =	vand.u32 $0x7, v2;
	v3 =	vor.u32 v3, v5;
	v4 =	vadd.s32 v4, v6  }
0xff: {  	v2 =	vor.u32 v2, v4;
	_ =	sdelay $0x3  }
0x100: {  	v3 =	vld.idx.msk [tilespmem:v3+s25+$0x0], $0xffff  }
0x101: {  	v2 =	vld.idx.msk [tilespmem:v2+s28+$0x0], $0xffff;
	_ =	sdelay $0x5  }
0x102: {  	v2 =	vadd.f32 v2, v3;
	_ =	sdelay $0x1  }
.Ltmp0:
0x103: {  	v2 =	vadd.f32 v2, v1;
	(pc) =	sbr.rel @p0 .LBB2_2-.Ltmp0, $4  }
0x104: {  	s1 =	sadd.s32 $0x10, s1  }
0x105: {  	s15 =	sadd.s32 $0x10, s15;
	[tilespmem:s1+$0x0] =	vst v2  }
0x106: {  	s16 =	sadd.s32 $0x10, s16;
	v3 =	vld [tilespmem:s15+$0x0]  }
0x107: {  	s19 =	sadd.s32 $0x10, s19;
	v2 =	vld [tilespmem:s16+$0x0]  }
0x108: {  	_ = 	snop  }
0x109: {  	v4 =	vmov s18  }
0x10a: {  	v4 =	vshll.u32 v4, $0x4  }
0x10b: {  	v4 =	vor.u32 v0, v4;
	v5 =	vand.u32 $0xFFFFFFF8, v3  }
0x10c: {  	v3 =	vand.u32 $0x7, v3;
	v5 =	vadd.s32 v4, v5;
	v6 =	vand.u32 $0xFFFFFFF8, v2  }
0x10d: {  	v2 =	vand.u32 $0x7, v2;
	v3 =	vor.u32 v3, v5;
	v4 =	vadd.s32 v4, v6  }
0x10e: {  	v2 =	vor.u32 v2, v4;
	_ =	sdelay $0x3  }
0x10f: {  	v3 =	vld.idx.msk [tilespmem:v3+s25+$0x0], $0xffff  }
0x110: {  	v2 =	vld.idx.msk [tilespmem:v2+s28+$0x0], $0xffff;
	_ =	sdelay $0x4  }
0x111: {  	v2 =	vadd.f32 v2, v3;
	_ =	sdelay $0x1  }
0x112: {  	s0 =	sadd.s32 $0x1, s0;
	v1 =	vadd.f32 v2, v1  }
0x113: {  	s1 =	sadd.s32 $0x10, s1;
	p0 =	sne.s32 s0, s14  }
.Ltmp1:
0x114: {  	[tilespmem:s1+$0x0] =	vst v1;
	(pc) =	sbr.rel @p0 .LBB2_1-.Ltmp1, $4  }
0x115: {  	[hbm4b:s13+s2] =	stream.linear.scatter [tilespmem:s30], [sflag:$0x5], $0x200, $0x38;
	[tilespmem:$0x4E10] =	vst v63  }
0x116: {  	_ =	swait.ge [sflag:s31], $0x200  }
0x117: {  	[sflag:s31] =	ssyncset.done $0x0  }
0x118: {  	[sflag:s31] =	ssyncadd.s32 $0xFFFFFE00  }
0x119: {  	_ =	sfence.sel $0x180000  }
0x11a: {  	[bflag:$0x0] =	sbarrier.arrive $0xFFFF  }
0x11b: {  	_ =	strace $0x9000004A  }
0x11c: {  	s0 =	stileid.u32;
	[bflag:$0x2] =	sbarrier.arrive $0xFFFF  }
0x11d: {  	p0 =	sne.s32 s0, $0x0;
	s0 =	rddreg [dreg:$0x3]  }
0x11e: {  	s0 =	sadd.s32 @!p0 $0x100000, s0  }
0x11f: {  	[sflag:s0] =	ssyncadd.tile.s32 @!p0 $0x1;
	_ =	shalt  }
.Lfunc_end2:
_tile_overlayer_lowered:
.L_overlay_start_2:
0x120: {  	(tag) =	ssettag $0x2  }
0x121: {  	s0 =	rddreg [dreg:$0x0];
	s2 =	stileid.u32  }
0x122: {  	s1 =	rddreg [dreg:$0x1];
	p0 =	sne.s32 s2, $0x0  }
0x123: {  	s3 =	rddreg [dreg:$0x2];
	[bflag:$0x3] =	sbarrier.arrive $0xFFFF;
	s2 =	simm.s32 @!p0 $0x1C05  }
0x124: {  	[timem:s3], [sflag:s2] =	dma.local @!p0 [hbm:s0], s1  }
0x125: {  	s0 =	simm.s32 @!p0 $0x5  }
0x126: {  	_ =	swait.ge @!p0 [sflag:s0], s1  }
0x127: {  	s1 =	ssub.s32 @!p0 $0x0, s1;
	[sflag:s0] =	ssyncset.done @!p0 $0x0  }
0x128: {  	[sflag:s0] =	ssyncadd.s32 @!p0 s1  }
0x129: {  	[bflag:$0x3] =	sbarrier.arrive $0xFFFF  }
0x12a: {  	_ =	shalt  }

// kernel: kernel.7.cloned.1.call-start
scs
__scs_entry_jumppad:
0x0: {  	(pc) =	sbr.rel $0x88, $3  }
0x1: {  	(tag) =	ssettag $0x0;
	lr =	simm.s32 $0x1  }
0x2: {  	[smem:$0x3F9C] =	sst lr;
	_ =	strace $0xD0000000  }
0x3: {  	_ = 	snop  }
0x4: {  	_ = 	snop  }
0x5: {  	_ = 	snop  }
0x6: {  	_ = 	snop  }
0x7: {  	_ = 	snop  }
__scs_overlays_trampoline_lowered:
0x8: {  	[smem:$0x3FAB] =	sst s0  }
0x9: {  	[smem:$0x3FAC] =	sst s1  }
0xa: {  	[smem:$0x3FAD] =	sst s2  }
0xb: {  	[smem:$0x3FAE] =	sst s3  }
0xc: {  	[smem:$0x3FAF] =	sst s4  }
0xd: {  	[smem:$0x3FB0] =	sst s5  }
0xe: {  	[smem:$0x3FB1] =	sst s6  }
0xf: {  	[smem:$0x3FB2] =	sst s7  }
0x10: {  	[smem:$0x3FB3] =	sst s8  }
0x11: {  	[smem:$0x3FB4] =	sst s9;
	s0 =	simm.s32 @!p0 $0x0  }
0x12: {  	s1 =	sld [smem:$0x3F9A];
	s0 =	simm.s32 @p0 $0x1  }
0x13: {  	[smem:$0x3FB5] =	sst s0;
	s0 =	simm.s32 @!p1 $0x0  }
0x14: {  	s2 =	sld [smem:$0x3F99];
	s0 =	simm.s32 @p1 $0x1  }
0x15: {  	[smem:$0x3FB6] =	sst s0;
	s0 =	simm.s32 @!p2 $0x0  }
0x16: {  	s3 =	sld [smem:$0x3FDB];
	s0 =	simm.s32 @p2 $0x1  }
0x17: {  	s4 =	simm.s32 $0x1BF5;
	[smem:$0x3FB8] =	sst s0  }
0x18: {  	s0 =	sld [smem:$0x3F9B];
	_ =	swait.ge [sflag:s4], $0x0  }
0x19: {  	s7 =	sld [smem:$0x3F9C]  }
0x1a: {  	s8 =	sadd.s32 $0xFFFFE003, lr  }
0x1b: {  	s9 =	sadd.s32 $0xFFFFFEF7, lr;
	s5 =	simm.s32 $0xFFFFFFFF;
	p2 =	slt.u32 s8, $0xFFFFF086  }
0x1c: {  	p1 =	slt.u32 s9, $0xF7A;
	s5 =	simm.s32 @!p2 $0x0  }
0x1d: {  	s5 =	simm.s32 @p1 $0x1;
	p0 =	seq.s32 s7, s2  }
0x1e: {  	s7 =	smul.u32 @!p0 $0xF7A, s2;
	p2 =	seq.s32 @!p0 s5, $0x0  }
0x1f: {  	s9 =	smul.u32 $0xF7A, s1;
	s8 =	simm.s32 @!p0 $0x1BF5;
	p2 =	por !p2, p0  }
0x20: {  	[sflag:s8] =	ssyncset.s32 @!p0 $0xFFFFF086;
	s6 =	sadd.s32 @!p0 s3, s7;
	s7 =	simm.s32 @!p0 $0x108  }
0x21: {  	s3 =	sadd.s32 s3, s9;
	s6 =	sadd.s32 @!p0 $0x88, s6;
	s7 =	simm.s32 @p2 $0x1082  }
0x22: {  	[simem:s7], [sflag:s8] =	dma.local @!p0 [hbm:s6], $0xF7A  }
0x23: {  	s9 =	sor.u32 $0xD0000000, s2;
	s6 =	simm.s32 $0x108;
	_ =	swait.ge @!p0 [sflag:s8], $0x0  }
0x24: {  	s3 =	sadd.s32 $0x88, s3;
	s6 =	simm.s32 @!p1 $0x1082;
	[sflag:s4] =	ssyncset.s32 $0xFFFFF086  }
0x25: {  	[simem:s6], [sflag:s4] =	dma.local [hbm:s3], $0xF7A  }
0x26: {  	[smem:$0x3F9C] =	sst s1;
	(tag) =	ssettag s2;
	_ =	strace s9  }
0x27: {  	s1 =	sld [smem:$0x3FAC]  }
0x28: {  	s2 =	sld [smem:$0x3FAD]  }
0x29: {  	s4 =	sld [smem:$0x3FAF]  }
0x2a: {  	p0 =	seq.s32 s5, $0x0;
	s5 =	sld [smem:$0x3FB0]  }
0x2b: {  	s6 =	sld [smem:$0x3FB1]  }
0x2c: {  	s7 =	sld [smem:$0x3FB2]  }
0x2d: {  	s3 =	simm.s32 $0x108;
	s8 =	sld [smem:$0x3FB3]  }
0x2e: {  	s3 =	simm.s32 @!p0 $0x1082;
	s9 =	sld [smem:$0x3FB4]  }
0x2f: {  	lr =	sadd.s32 s0, s3;
	s0 =	sld [smem:$0x3FAB]  }
0x30: {  	s3 =	sld [smem:$0x3FAE]  }
0x31: {  	[smem:$0x3FB7] =	sst s10  }
0x32: {  	s10 =	sld [smem:$0x3FB5];
	_ =	sdelay $0x3  }
0x33: {  	p0 =	seq.s32 s10, $0x1;
	s10 =	sld [smem:$0x3FB7];
	_ =	sdelay $0x3  }
0x34: {  	[smem:$0x3FB7] =	sst s10  }
0x35: {  	s10 =	sld [smem:$0x3FB6];
	_ =	sdelay $0x3  }
0x36: {  	p1 =	seq.s32 s10, $0x1;
	s10 =	sld [smem:$0x3FB7];
	_ =	sdelay $0x3  }
0x37: {  	[smem:$0x3FB7] =	sst s10  }
0x38: {  	s10 =	sld [smem:$0x3FB8]  }
0x39: {  	_ = 	snop;
	(pc) =	sbr.ind lr, $3  }
0x3a: {  	_ = 	snop  }
0x3b: {  	_ = 	snop  }
0x3c: {  	p2 =	seq.s32 s10, $0x1;
	s10 =	sld [smem:$0x3FB7]  }
0x3d: {  	_ =	shalt  }
0x3e: {  	_ =	shalt  }
0x3f: {  	_ =	shalt  }
0x40: {  	_ =	shalt  }
0x41: {  	_ =	shalt  }
0x42: {  	_ =	shalt  }
0x43: {  	_ =	shalt  }
0x44: {  	_ =	shalt  }
0x45: {  	_ =	shalt  }
0x46: {  	_ =	shalt  }
0x47: {  	_ =	shalt  }
0x48: {  	_ =	shalt  }
0x49: {  	_ =	shalt  }
0x4a: {  	_ =	shalt  }
0x4b: {  	_ =	shalt  }
0x4c: {  	_ =	shalt  }
0x4d: {  	_ =	shalt  }
0x4e: {  	_ =	shalt  }
0x4f: {  	_ =	shalt  }
0x50: {  	_ =	shalt  }
0x51: {  	_ =	shalt  }
0x52: {  	_ =	shalt  }
0x53: {  	_ =	shalt  }
0x54: {  	_ =	shalt  }
0x55: {  	_ =	shalt  }
0x56: {  	_ =	shalt  }
0x57: {  	_ =	shalt  }
0x58: {  	_ =	shalt  }
0x59: {  	_ =	shalt  }
0x5a: {  	_ =	shalt  }
0x5b: {  	_ =	shalt  }
0x5c: {  	_ =	shalt  }
0x5d: {  	_ =	shalt  }
0x5e: {  	_ =	shalt  }
0x5f: {  	_ =	shalt  }
0x60: {  	_ =	shalt  }
0x61: {  	_ =	shalt  }
0x62: {  	_ =	shalt  }
0x63: {  	_ =	shalt  }
0x64: {  	_ =	shalt  }
0x65: {  	_ =	shalt  }
0x66: {  	_ =	shalt  }
0x67: {  	_ =	shalt  }
0x68: {  	_ =	shalt  }
0x69: {  	_ =	shalt  }
0x6a: {  	_ =	shalt  }
0x6b: {  	_ =	shalt  }
0x6c: {  	_ =	shalt  }
0x6d: {  	_ =	shalt  }
0x6e: {  	_ =	shalt  }
0x6f: {  	_ =	shalt  }
0x70: {  	_ =	shalt  }
0x71: {  	_ =	shalt  }
0x72: {  	_ =	shalt  }
0x73: {  	_ =	shalt  }
0x74: {  	_ =	shalt  }
0x75: {  	_ =	shalt  }
0x76: {  	_ =	shalt  }
0x77: {  	_ =	shalt  }
0x78: {  	_ =	shalt  }
0x79: {  	_ =	shalt  }
0x7a: {  	_ =	shalt  }
0x7b: {  	_ =	shalt  }
0x7c: {  	_ =	shalt  }
0x7d: {  	_ =	shalt  }
0x7e: {  	_ =	shalt  }
0x7f: {  	_ =	shalt  }
0x80: {  	_ =	shalt  }
0x81: {  	_ =	shalt  }
0x82: {  	_ =	shalt  }
0x83: {  	_ =	shalt  }
0x84: {  	_ =	shalt  }
0x85: {  	_ =	shalt  }
0x86: {  	_ =	shalt  }
0x87: {  	_ =	shalt  }
.Lfunc_end0:
.L_simem_size_0:
called_computation.2_lowered:
.L_overlay_start_0:
0x88: {  	s2 =	sld [smem:$0x3FD9]  }
0x89: {  	s3 =	sld [smem:$0x3FFE];
	_ =	sdelay $0x1  }
0x8a: {  	s1 =	srdreg.scid  }
0x8b: {  	s0 =	sand.u32 $0x1, s1  }
0x8c: {  	s17 =	sshll.u32 s0, $0xA;
	s2 =	sadd.s32 s3, s2  }
0x8d: {  	s2 =	sadd.s32 s2, s17  }
0x8e: {  	[smem:$0x3FC3] =	sst s2  }
0x8f: {  	_ = 	snop  }
0x90: {  	s2 =	sld [smem:$0x3FC9]  }
0x91: {  	s18 =	sld [smem:$0x3FC8]  }
0x92: {  	s4 =	sld [smem:$0x3FD0];
	(tm) =	ssettm $0x1  }
0x93: {  	s5 =	sld [smem:$0x3FFB];
	_ =	sdelay $0x3  }
0x94: {  	_ =	strace s5  }
0x95: {  	s5 =	sld [smem:$0x3FFC];
	_ =	sdelay $0x3  }
0x96: {  	_ =	strace s5  }
0x97: {  	s5 =	sld [smem:$0x3FFD];
	_ =	sdelay $0x3  }
0x98: {  	_ =	strace s5  }
0x99: {  	_ =	strace $0x8FFFFFFF  }
0x9a: {  	s19 =	sld [smem:$0x3FDB];
	_ =	sdelay $0x1  }
0x9b: {  	s6 =	simm.s32 $_scs_section_size  }
0x9c: {  	s7 =	simm.s32 $_size__tile_overlayer_lowered;
	s8 =	simm.s32 $_tile_overlayer_lowered  }
0x9d: {  	s22 =	simm.s32 $0x1BFF;
	s21 =	sshll.u32 s8, $0x1;
	s5 =	sadd.s32 s6, s19  }
0x9e: {  	s9 =	simm.s32 $0x0;
	s20 =	sshll.u32 s7, $0x1;
	s7 =	sadd.s32 s21, s5  }
0x9f: {  	[timem:s9], [sflag:s22] =	dma.local [hbm:s7], s20  }
0xa0: {  	_ =	swait.ge [sflag:s22], s20  }
0xa1: {  	s6 =	ssub.s32 $0x0, s20;
	[sflag:s22] =	ssyncset.done $0x0  }
0xa2: {  	[sflag:s22] =	ssyncadd.s32 s6;
	_ =	sdelay $0x1  }
0xa3: {  	s23 =	simm.s32 $0x1B8B  }
0xa4: {  	_ =	swait.ge [sflag:s23], $0x1  }
0xa5: {  	[sflag:s23] =	ssyncset.done $0x0  }
0xa6: {  	s25 =	simm.s32 $0x1B8E;
	s24 =	sld [smem:$0x3FFE];
	[sflag:s23] =	ssyncadd.s32 $0xFFFFFFFF  }
0xa7: {  	s26 =	simm.s32 $execute0_lowered;
	[smem:$0x3FD2] =	sst s25  }
0xa8: {  	s7 =	sshll.u32 s26, $0x1;
	_ =	strace $0x8000004C;
	[dreg:$0x1] =	wrdreg $0xFFFFFFFF  }
0xa9: {  	s28 =	simm.s32 $_size_execute0_lowered;
	s5 =	sadd.s32 s5, s7;
	[dreg:$0x0] =	wrdreg $0x0  }
0xaa: {  	s7 =	sshll.u32 s28, $0x1;
	[dreg:$0x2] =	wrdreg s5  }
0xab: {  	[dreg:$0x3] =	wrdreg s7  }
0xac: {  	[dreg:$0x4] =	wrdreg $0xC0  }
0xad: {  	_ =	task [dreg:s9], $0x5FFFF  }
0xae: {  	[dreg:$0x1] =	wrdreg $0xFFFFFFFF  }
0xaf: {  	[dreg:$0x0] =	wrdreg $0x60  }
0xb0: {  	[dreg:$0x2] =	wrdreg s2  }
0xb1: {  	[dreg:$0x3] =	wrdreg s18  }
0xb2: {  	[dreg:$0x4] =	wrdreg s24  }
0xb3: {  	[dreg:$0x5] =	wrdreg s4  }
0xb4: {  	[dreg:$0x6] =	wrdreg $0x9  }
0xb5: {  	_ =	task.clear_ibuf [dreg:s9], $0x7FFFF;
	_ =	strace $0x9000004C  }
0xb6: {  	s29 =	simm.s32 $0x9;
	_ =	strace $0x8000004E  }
0xb7: {  	_ =	swait.ge [sflag:s29], $0x1  }
0xb8: {  	[sflag:s29] =	ssyncadd.s32 $0xFFFFFFFF  }
0xb9: {  	_ =	strace $0x9000004E  }
0xba: {  	_ =	sfence  }
0xbb: {  	s30 =	sld [smem:$0x0];
	_ =	sdelay $0x2  }
0xbc: {  	s31 =	sshll.u32 s1, $0xD;
	s1 =	sshrl.u32 s1, $0x2  }
0xbd: {  	s3 =	sand.u32 $0x4000, s31;
	s1 =	sadd.s32 s1, s30  }
0xbe: {  	s0 =	sor.u32 s3, s0;
	s1 =	sshll.u32 s1, $0x11  }
0xbf: {  	s0 =	sor.u32 s1, s0  }
0xc0: {  	s0 =	sadd.s32 $0x8F2B, s0  }
0xc1: {  	[sflag:s0] =	ssyncadd.remote.s32 $0x1  }
0xc2: {  	_ =	sfence.sel $0xFFFF  }
0xc3: {  	[dreg:$0x0] =	wrdreg $0xFFFFFFFF;
	(pc) =	sbr.abs _section_cstart, $3  }
0xc4: {  	[dreg:$0x1] =	wrdreg $0xFFFFFFFF  }
0xc5: {  	_ =	task.clear_ibuf [dreg:s9], $0x2FFFF;
	_ =	strace $0x9FFFFFFF  }
0xc6: {  	(tm) =	ssettm $0x7FFFFFFF  }
0xc7: {  	_ =	shalt  }
tec
execute0_lowered:
.L_overlay_start_1:
0x0: {  	(tag) =	ssettag $0x1  }
0x1: {  	s0 =	rddreg [dreg:$0x0]  }
0x2: {  	s1 =	rddreg [dreg:$0x1]  }
0x3: {  	s4 =	rddreg [dreg:$0x2]  }
0x4: {  	s13 =	rddreg [dreg:$0x3];
	s3 =	srdreg.scid  }
0x5: {  	s2 =	simm.s32 $0x0;
	s5 =	stileid.u32;
	s17 =	simm.s32 $0x80  }
0x6: {  	s23 =	simm.s32 $0x1;
	s25 =	simm.s32 $0x800;
	s28 =	simm.s32 $0x4800  }
0x7: {  	s30 =	simm.s32 $0x8800;
	s16 =	simm.s32 $0x2;
	s18 =	simm.s32 $0x580  }
0x8: {  	s19 =	simm.s32 $0x780;
	s20 =	simm.s32 $0x3;
	s21 =	simm.s32 $0x4  }
0x9: {  	s22 =	simm.s32 $0x10A00;
	s24 =	simm.s32 $0x5;
	s26 =	simm.s32 $0x0  }
0xa: {  	s3 =	sand.u32 $0x1, s3;
	[smem:$0x7FF] =	sst s2;
	s5 =	sshll.u32 s5, $0x7  }
0xb: {  	s6 =	sshll.u32 s3, $0x6;
	_ =	strace $0x8000004D;
	s29 =	ssub.s32 $0x2, s3  }
0xc: {  	s3 =	sadd.s32 $0xF62200, s4;
	s14 =	sor.u32 s6, s5;
	s31 =	sshrl.u32 s29, $0x1  }
0xd: {  	s4 =	sadd.s32 s14, s4;
	s15 =	ssub.s32 s29, s31;
	s8 =	sor.u32 $0x10, s14  }
0xe: {  	s5 =	sadd.s32 s0, s14;
	s6 =	sadd.s32 s1, s14;
	s10 =	sor.u32 $0x20, s14  }
0xf: {  	s12 =	sor.u32 $0x30, s14;
	s13 =	sadd.s32 s13, s14;
	s4 =	sadd.s32 $0xF61A00, s4  }
0x10: {  	s7 =	sadd.s32 s0, s8;
	s8 =	sadd.s32 s1, s8;
	s9 =	sadd.s32 s0, s10  }
0x11: {  	v0 =	vlaneseq.u32;
	s10 =	sadd.s32 s1, s10;
	s11 =	sadd.s32 s0, s12;
	s12 =	sadd.s32 s1, s12  }
0x12: {  	v0 =	vmul.u32 $0x80, v0;
	s14 =	smax.u32 s15, $0x1;
	s0 =	simm.s32 $0xC800;
	s15 =	simm.s32 $0x700  }
.LBB2_1:
0x13: {  	s1 =	simm.s32 $0x10800  }
0x14: {  	[tilespmem:s1], [sflag:$0x1] =	stream.linear.gather [hbm4b:s4+s2], $0x200, $0x38;
	[tilespmem:$0x10C00] =	vst v63  }
0x15: {  	_ = 	snop  }
0x16: {  	[tilespmem:s2], [sflag:$0x1] =	stream.linear.gather [hbm4b:s5+s2], $0x80, $0x38;
	[tilespmem:$0x10C00] =	vst v63  }
0x17: {  	s31 =	simm.s32 $0x200  }
0x18: {  	[tilespmem:s31], [sflag:$0x1] =	stream.linear.gather [hbm4b:s6+s2], $0x80, $0x38;
	[tilespmem:$0x10C00] =	vst v63  }
0x19: {  	_ = 	snop  }
0x1a: {  	[tilespmem:s17], [sflag:$0x1] =	stream.linear.gather [hbm4b:s7+s2], $0x80, $0x38;
	[tilespmem:$0x10C00] =	vst v63  }
0x1b: {  	s31 =	simm.s32 $0x280  }
0x1c: {  	[tilespmem:s31], [sflag:$0x1] =	stream.linear.gather [hbm4b:s8+s2], $0x80, $0x38;
	[tilespmem:$0x10C00] =	vst v63  }
0x1d: {  	s31 =	simm.s32 $0x100  }
0x1e: {  	[tilespmem:s31], [sflag:$0x1] =	stream.linear.gather [hbm4b:s9+s2], $0x80, $0x38;
	[tilespmem:$0x10C00] =	vst v63  }
0x1f: {  	s31 =	simm.s32 $0x300  }
0x20: {  	[tilespmem:s31], [sflag:$0x1] =	stream.linear.gather [hbm4b:s10+s2], $0x80, $0x38;
	[tilespmem:$0x10C00] =	vst v63  }
0x21: {  	s31 =	simm.s32 $0x180  }
0x22: {  	[tilespmem:s31], [sflag:$0x1] =	stream.linear.gather [hbm4b:s11+s2], $0x80, $0x38;
	[tilespmem:$0x10C00] =	vst v63  }
0x23: {  	s31 =	simm.s32 $0x380  }
0x24: {  	[tilespmem:s31], [sflag:$0x1] =	stream.linear.gather [hbm4b:s12+s2], $0x80, $0x38;
	[tilespmem:$0x10C00] =	vst v63  }
0x25: {  	_ =	swait.ge [sflag:s23], $0x200  }
0x26: {  	[sflag:s23] =	ssyncset.done $0x0  }
0x27: {  	[sflag:s23] =	ssyncadd.s32 $0xFFFFFE00  }
0x28: {  	_ =	swait.ge [sflag:s23], $0x80  }
0x29: {  	[sflag:s23] =	ssyncset.done $0x0  }
0x2a: {  	[sflag:s23] =	ssyncadd.s32 $0xFFFFFF80  }
0x2b: {  	_ =	swait.ge [sflag:s23], $0x80  }
0x2c: {  	[sflag:s23] =	ssyncset.done $0x0  }
0x2d: {  	[sflag:s23] =	ssyncadd.s32 $0xFFFFFF80  }
0x2e: {  	_ =	swait.ge [sflag:s23], $0x80  }
0x2f: {  	[sflag:s23] =	ssyncset.done $0x0  }
0x30: {  	[sflag:s23] =	ssyncadd.s32 $0xFFFFFF80  }
0x31: {  	_ =	swait.ge [sflag:s23], $0x80  }
0x32: {  	[sflag:s23] =	ssyncset.done $0x0  }
0x33: {  	[sflag:s23] =	ssyncadd.s32 $0xFFFFFF80  }
0x34: {  	_ =	swait.ge [sflag:s23], $0x80  }
0x35: {  	[sflag:s23] =	ssyncset.done $0x0  }
0x36: {  	[sflag:s23] =	ssyncadd.s32 $0xFFFFFF80  }
0x37: {  	_ =	swait.ge [sflag:s23], $0x80  }
0x38: {  	[sflag:s23] =	ssyncset.done $0x0  }
0x39: {  	[sflag:s23] =	ssyncadd.s32 $0xFFFFFF80  }
0x3a: {  	_ =	swait.ge [sflag:s23], $0x80  }
0x3b: {  	[sflag:s23] =	ssyncset.done $0x0  }
0x3c: {  	[sflag:s23] =	ssyncadd.s32 $0xFFFFFF80  }
0x3d: {  	_ =	swait.ge [sflag:s23], $0x80  }
0x3e: {  	[sflag:s23] =	ssyncset.done $0x0  }
0x3f: {  	[sflag:s23] =	ssyncadd.s32 $0xFFFFFF80  }
0x40: {  	v1 =	vld [tilespmem:$0x0]  }
0x41: {  	v2 =	vld [tilespmem:$0x200]  }
0x42: {  	v3 =	vld [tilespmem:$0x10]  }
0x43: {  	v4 =	vld [tilespmem:$0x210]  }
0x44: {  	v5 =	vld [tilespmem:$0x20]  }
0x45: {  	v6 =	vld [tilespmem:$0x220];
	v1 =	vshra.s32 v1, $0x1  }
0x46: {  	[tilespmem:$0x400] =	vst v1;
	v1 =	vshra.s32 v2, $0x1;
	v2 =	vld [tilespmem:$0x30]  }
0x47: {  	[tilespmem:$0x600] =	vst v1;
	v1 =	vshra.s32 v3, $0x1;
	v3 =	vld [tilespmem:$0x230]  }
0x48: {  	v30 =	vld [tilespmem:$0x40];
	[tilespmem:$0x410] =	vst v1;
	v1 =	vshra.s32 v4, $0x1  }
0x49: {  	v31 =	vld [tilespmem:$0x240];
	[tilespmem:$0x610] =	vst v1;
	v1 =	vshra.s32 v5, $0x1  }
0x4a: {  	v32 =	vld [tilespmem:$0x50];
	[tilespmem:$0x420] =	vst v1;
	v1 =	vshra.s32 v6, $0x1  }
0x4b: {  	[tilespmem:$0x620] =	vst v1;
	v1 =	vshra.s32 v2, $0x1;
	v2 =	vld [tilespmem:$0x250]  }
0x4c: {  	[tilespmem:$0x430] =	vst v1;
	v1 =	vshra.s32 v3, $0x1;
	v3 =	vld [tilespmem:$0x60]  }
0x4d: {  	v33 =	vld [tilespmem:$0x260];
	[tilespmem:$0x630] =	vst v1;
	v1 =	vshra.s32 v30, $0x1  }
0x4e: {  	v34 =	vld [tilespmem:$0x70];
	[tilespmem:$0x440] =	vst v1;
	v1 =	vshra.s32 v31, $0x1  }
0x4f: {  	v35 =	vld [tilespmem:$0x270];
	[tilespmem:$0x640] =	vst v1;
	v1 =	vshra.s32 v32, $0x1  }
0x50: {  	[tilespmem:$0x450] =	vst v1;
	v1 =	vshra.s32 v2, $0x1;
	v2 =	vld [tilespmem:$0x80]  }
0x51: {  	[tilespmem:$0x650] =	vst v1;
	v1 =	vshra.s32 v3, $0x1;
	v3 =	vld [tilespmem:$0x280]  }
0x52: {  	v36 =	vld [tilespmem:$0x90];
	[tilespmem:$0x460] =	vst v1;
	v1 =	vshra.s32 v33, $0x1  }
0x53: {  	v37 =	vld [tilespmem:$0x290];
	[tilespmem:$0x660] =	vst v1;
	v1 =	vshra.s32 v34, $0x1  }
0x54: {  	v38 =	vld [tilespmem:$0xA0];
	[tilespmem:$0x470] =	vst v1;
	v1 =	vshra.s32 v35, $0x1  }
0x55: {  	[tilespmem:$0x670] =	vst v1;
	v1 =	vshra.s32 v2, $0x1;
	v2 =	vld [tilespmem:$0x2A0]  }
0x56: {  	[tilespmem:$0x480] =	vst v1;
	v1 =	vshra.s32 v3, $0x1;
	v3 =	vld [tilespmem:$0xB0]  }
0x57: {  	v39 =	vld [tilespmem:$0x2B0];
	[tilespmem:$0x680] =	vst v1;
	v1 =	vshra.s32 v36, $0x1  }
0x58: {  	v40 =	vld [tilespmem:$0xC0];
	[tilespmem:$0x490] =	vst v1;
	v1 =	vshra.s32 v37, $0x1  }
0x59: {  	v41 =	vld [tilespmem:$0x2C0];
	[tilespmem:$0x690] =	vst v1;
	v1 =	vshra.s32 v38, $0x1  }
0x5a: {  	[tilespmem:$0x4A0] =	vst v1;
	v1 =	vshra.s32 v2, $0x1;
	v2 =	vld [tilespmem:$0xD0]  }
0x5b: {  	[tilespmem:$0x6A0] =	vst v1;
	v1 =	vshra.s32 v3, $0x1;
	v3 =	vld [tilespmem:$0x2D0]  }
0x5c: {  	v42 =	vld [tilespmem:$0xE0];
	[tilespmem:$0x4B0] =	vst v1;
	v1 =	vshra.s32 v39, $0x1  }
0x5d: {  	v43 =	vld [tilespmem:$0x2E0];
	[tilespmem:$0x6B0] =	vst v1;
	v1 =	vshra.s32 v40, $0x1  }
0x5e: {  	v44 =	vld [tilespmem:$0xF0];
	[tilespmem:$0x4C0] =	vst v1;
	v1 =	vshra.s32 v41, $0x1  }
0x5f: {  	[tilespmem:$0x6C0] =	vst v1;
	v1 =	vshra.s32 v2, $0x1;
	v2 =	vld [tilespmem:$0x2F0]  }
0x60: {  	[tilespmem:$0x4D0] =	vst v1;
	v1 =	vshra.s32 v3, $0x1;
	v3 =	vld [tilespmem:$0x100]  }
0x61: {  	v45 =	vld [tilespmem:$0x300];
	[tilespmem:$0x6D0] =	vst v1;
	v1 =	vshra.s32 v42, $0x1  }
0x62: {  	v46 =	vld [tilespmem:$0x110];
	[tilespmem:$0x4E0] =	vst v1;
	v1 =	vshra.s32 v43, $0x1  }
0x63: {  	v47 =	vld [tilespmem:$0x310];
	[tilespmem:$0x6E0] =	vst v1;
	v1 =	vshra.s32 v44, $0x1  }
0x64: {  	[tilespmem:$0x4F0] =	vst v1;
	v1 =	vshra.s32 v2, $0x1;
	v2 =	vld [tilespmem:$0x120]  }
0x65: {  	[tilespmem:$0x6F0] =	vst v1;
	v1 =	vshra.s32 v3, $0x1;
	v3 =	vld [tilespmem:$0x320]  }
0x66: {  	v48 =	vld [tilespmem:$0x130];
	[tilespmem:$0x500] =	vst v1;
	v1 =	vshra.s32 v45, $0x1  }
0x67: {  	v49 =	vld [tilespmem:$0x330];
	[tilespmem:$0x700] =	vst v1;
	v1 =	vshra.s32 v46, $0x1  }
0x68: {  	v50 =	vld [tilespmem:$0x140];
	[tilespmem:$0x510] =	vst v1;
	v1 =	vshra.s32 v47, $0x1  }
0x69: {  	[tilespmem:$0x710] =	vst v1;
	v1 =	vshra.s32 v2, $0x1;
	v2 =	vld [tilespmem:$0x340]  }
0x6a: {  	[tilespmem:$0x520] =	vst v1;
	v1 =	vshra.s32 v3, $0x1;
	v3 =	vld [tilespmem:$0x150]  }
0x6b: {  	v51 =	vld [tilespmem:$0x350];
	[tilespmem:$0x720] =	vst v1;
	v1 =	vshra.s32 v48, $0x1  }
0x6c: {  	v52 =	vld [tilespmem:$0x160];
	[tilespmem:$0x530] =	vst v1;
	v1 =	vshra.s32 v49, $0x1  }
0x6d: {  	v53 =	vld [tilespmem:$0x360];
	[tilespmem:$0x730] =	vst v1;
	v1 =	vshra.s32 v50, $0x1  }
0x6e: {  	[tilespmem:$0x540] =	vst v1;
	v1 =	vshra.s32 v2, $0x1;
	v2 =	vld [tilespmem:$0x170]  }
0x6f: {  	[tilespmem:$0x740] =	vst v1;
	v1 =	vshra.s32 v3, $0x1;
	v3 =	vld [tilespmem:$0x370]  }
0x70: {  	v54 =	vld [tilespmem:$0x180];
	[tilespmem:$0x550] =	vst v1;
	v1 =	vshra.s32 v51, $0x1  }
0x71: {  	v55 =	vld [tilespmem:$0x380];
	[tilespmem:$0x750] =	vst v1;
	v1 =	vshra.s32 v52, $0x1  }
0x72: {  	v56 =	vld [tilespmem:$0x190];
	[tilespmem:$0x560] =	vst v1;
	v1 =	vshra.s32 v53, $0x1  }
0x73: {  	[tilespmem:$0x760] =	vst v1;
	v1 =	vshra.s32 v2, $0x1;
	v2 =	vld [tilespmem:$0x390]  }
0x74: {  	[tilespmem:$0x570] =	vst v1;
	v1 =	vshra.s32 v3, $0x1;
	v3 =	vld [tilespmem:$0x1A0]  }
0x75: {  	v57 =	vld [tilespmem:$0x3A0];
	[tilespmem:$0x770] =	vst v1;
	v1 =	vshra.s32 v54, $0x1  }
0x76: {  	v58 =	vld [tilespmem:$0x1B0];
	[tilespmem:$0x580] =	vst v1;
	v1 =	vshra.s32 v55, $0x1  }
0x77: {  	v59 =	vld [tilespmem:$0x3B0];
	[tilespmem:$0x780] =	vst v1;
	v1 =	vshra.s32 v56, $0x1  }
0x78: {  	[tilespmem:$0x590] =	vst v1;
	v1 =	vshra.s32 v2, $0x1;
	v2 =	vld [tilespmem:$0x1C0]  }
0x79: {  	[tilespmem:$0x790] =	vst v1;
	v1 =	vshra.s32 v3, $0x1;
	v3 =	vld [tilespmem:$0x3C0]  }
0x7a: {  	v60 =	vld [tilespmem:$0x1D0];
	[tilespmem:$0x5A0] =	vst v1;
	v1 =	vshra.s32 v57, $0x1  }
0x7b: {  	v61 =	vld [tilespmem:$0x3D0];
	[tilespmem:$0x7A0] =	vst v1;
	v1 =	vshra.s32 v58, $0x1  }
0x7c: {  	v62 =	vld [tilespmem:$0x1E0];
	[tilespmem:$0x5B0] =	vst v1;
	v1 =	vshra.s32 v59, $0x1  }
0x7d: {  	[tilespmem:$0x7B0] =	vst v1;
	v1 =	vshra.s32 v2, $0x1;
	v2 =	vld [tilespmem:$0x3E0]  }
0x7e: {  	[tilespmem:$0x5C0] =	vst v1;
	v1 =	vshra.s32 v3, $0x1;
	v3 =	vld [tilespmem:$0x1F0]  }
0x7f: {  	v63 =	vld [tilespmem:$0x3F0];
	[tilespmem:$0x7C0] =	vst v1;
	v1 =	vshra.s32 v60, $0x1  }
0x80: {  	[tilespmem:$0x5D0] =	vst v1;
	v1 =	vshra.s32 v61, $0x1  }
0x81: {  	[tilespmem:$0x7D0] =	vst v1;
	v1 =	vshra.s32 v62, $0x1  }
0x82: {  	[tilespmem:$0x5E0] =	vst v1;
	v1 =	vshra.s32 v2, $0x1  }
0x83: {  	[tilespmem:$0x7E0] =	vst v1;
	v1 =	vshra.s32 v3, $0x1  }
0x84: {  	[tilespmem:$0x5F0] =	vst v1;
	v1 =	vshra.s32 v63, $0x1  }
0x85: {  	s31 =	simm.s32 $0x400;
	[tilespmem:$0x7F0] =	vst v1  }
0x86: {  	[tilespmem:s25], [sflag:$0x1] =	stream.indirect.gather [hbm4b:s3+s17], $0x80, s31, s17, $0xb8;
	[tilespmem:$0x10C00] =	vst v63  }
0x87: {  	s31 =	simm.s32 $0x600  }
0x88: {  	[tilespmem:s28], [sflag:$0x1] =	stream.indirect.gather [hbm4b:s3+s17], $0x80, s31, s17, $0xb8;
	[tilespmem:$0x10C00] =	vst v63  }
0x89: {  	s31 =	simm.s32 $0x480  }
0x8a: {  	[tilespmem:s30], [sflag:$0x2] =	stream.indirect.gather [hbm4b:s3+s17], $0x80, s31, s17, $0xb8;
	[tilespmem:$0x10C00] =	vst v63  }
0x8b: {  	s31 =	simm.s32 $0x680  }
0x8c: {  	[tilespmem:s0], [sflag:$0x2] =	stream.indirect.gather [hbm4b:s3+s17], $0x80, s31, s17, $0xb8;
	[tilespmem:$0x10C00] =	vst v63  }
0x8d: {  	_ =	swait.ge [sflag:s23], $0x4000  }
0x8e: {  	[sflag:s23] =	ssyncset.done $0x0  }
0x8f: {  	[sflag:s23] =	ssyncadd.s32 $0xFFFFC000  }
0x90: {  	_ =	swait.ge [sflag:s23], $0x4000  }
0x91: {  	[sflag:s23] =	ssyncset.done $0x0  }
0x92: {  	s29 =	simm.s32 $0x0;
	[sflag:s23] =	ssyncadd.s32 $0xFFFFC000  }
.LBB2_2:
0x93: {  	s31 =	sshll.u32 s29, $0x4  }
0x94: {  	v1 =	vld [tilespmem:s31+$0x0]  }
0x95: {  	v2 =	vld [tilespmem:s31+$0x200];
	_ =	sdelay $0x2  }
0x96: {  	v3 =	vmov s31  }
0x97: {  	v3 =	vshll.u32 v3, $0x7;
	v1 =	vshll.u32 v1, $0x6  }
0x98: {  	v3 =	vor.u32 v0, v3;
	v2 =	vshll.u32 v2, $0x6;
	v1 =	vand.u32 $0x40, v1  }
0x99: {  	v2 =	vand.u32 $0x40, v2;
	v1 =	vor.u32 v3, v1  }
0x9a: {  	v2 =	vor.u32 v3, v2  }
0x9b: {  	v3 =	vor.u32 $0x1, v1  }
0x9c: {  	v4 =	vor.u32 $0x1, v2  }
0x9d: {  	v5 =	vld [tilespmem:s31+$0x10800];
	v6 =	vor.u32 $0x2, v1  }
0x9e: {  	v7 =	vor.u32 $0x2, v2;
	v8 =	vld.idx.msk [tilespmem:v1+s25+$0x0], $0xffff  }
0x9f: {  	v10 =	vor.u32 $0x3, v1;
	v9 =	vld.idx.msk [tilespmem:v2+s28+$0x0], $0xffff  }
0xa0: {  	v15 =	vadd.s32 $0x4, v2;
	v11 =	vld.idx.msk [tilespmem:v3+s25+$0x0], $0xffff  }
0xa1: {  	v3 =	vor.u32 $0x3, v2;
	v12 =	vld.idx.msk [tilespmem:v4+s28+$0x0], $0xffff  }
0xa2: {  	v13 =	vadd.s32 $0x4, v1;
	v6 =	vld.idx.msk [tilespmem:v6+s25+$0x0], $0xffff  }
0xa3: {  	v2 =	vor.u32 $0x1, v13;
	v14 =	vld.idx.msk [tilespmem:v7+s28+$0x0], $0xffff  }
0xa4: {  	v17 =	vor.u32 $0x2, v13;
	v1 =	vld.idx.msk [tilespmem:v10+s25+$0x0], $0xffff  }
0xa5: {  	v16 =	vor.u32 $0x1, v15;
	v4 =	vld.idx.msk [tilespmem:v15+s28+$0x0], $0xffff;
	v8 =	vmul.f32 v9, v8  }
0xa6: {  	v10 =	vor.u32 $0x2, v15;
	v7 =	vld.idx.msk [tilespmem:v3+s28+$0x0], $0xffff  }
0xa7: {  	v3 =	vld.idx.msk [tilespmem:v13+s25+$0x0], $0xffff;
	v12 =	vmul.f32 v12, v11;
	v11 =	vor.u32 $0x3, v13;
	v18 =	vadd.f32 v8, v5  }
0xa8: {  	v9 =	vor.u32 $0x3, v15;
	v2 =	vld.idx.msk [tilespmem:v2+s25+$0x0], $0xffff  }
0xa9: {  	v14 =	vmul.f32 v14, v6;
	v6 =	vld.idx.msk [tilespmem:v17+s25+$0x0], $0xffff;
	v8 =	vadd.s32 $0x4, v13;
	v13 =	vadd.f32 v12, v18  }
0xaa: {  	s1 =	simm.s32 $0x4;
	v5 =	vld.idx.msk [tilespmem:v16+s28+$0x0], $0xffff;
	v12 =	vadd.s32 $0x4, v15  }
.LBB2_3:
0xab: {  	v15 =	vor.u32 $0x1, v8;
	v16 =	vld.idx.msk [tilespmem:v10+s28+$0x0], $0xffff;
	v10 =	vadd.f32 v14, v13;
	v13 =	vmul.f32 v7, v1  }
0xac: {  	v14 =	vor.u32 $0x1, v12;
	s1 =	sadd.s32 $0x4, s1;
	v1 =	vld.idx.msk [tilespmem:v11+s25+$0x0], $0xffff  }
0xad: {  	v17 =	vor.u32 $0x2, v8;
	p0 =	slt.u32 s1, $0x3C;
	v18 =	vmul.f32 v4, v3;
	v7 =	vld.idx.msk [tilespmem:v9+s28+$0x0], $0xffff;
	v9 =	vadd.f32 v13, v10  }
.Ltmp0:
0xae: {  	v10 =	vor.u32 $0x2, v12;
	v3 =	vld.idx.msk [tilespmem:v8+s25+$0x0], $0xffff;
	(pc) =	sbr.rel @p0 .LBB2_3-.Ltmp0, $4  }
0xaf: {  	v11 =	vor.u32 $0x3, v8;
	v4 =	vld.idx.msk [tilespmem:v12+s28+$0x0], $0xffff;
	v13 =	vadd.f32 v18, v9;
	v18 =	vmul.f32 v5, v2  }
0xb0: {  	v9 =	vor.u32 $0x3, v12;
	v2 =	vld.idx.msk [tilespmem:v15+s25+$0x0], $0xffff  }
0xb1: {  	v8 =	vadd.s32 $0x4, v8;
	v5 =	vld.idx.msk [tilespmem:v14+s28+$0x0], $0xffff;
	v13 =	vadd.f32 v18, v13;
	v14 =	vmul.f32 v16, v6  }
0xb2: {  	v12 =	vadd.s32 $0x4, v12;
	v6 =	vld.idx.msk [tilespmem:v17+s25+$0x0], $0xffff  }
0xb3: {  	_ =	sdelay $0x2  }
0xb4: {  	v8 =	vadd.f32 v14, v13;
	v1 =	vmul.f32 v7, v1  }
0xb5: {  	v61 =	vld.idx.msk [tilespmem:v10+s28+$0x0], $0xffff  }
0xb6: {  	v62 =	vld.idx.msk [tilespmem:v11+s25+$0x0], $0xffff;
	v3 =	vmul.f32 v4, v3;
	v1 =	vadd.f32 v1, v8  }
0xb7: {  	v63 =	vld.idx.msk [tilespmem:v9+s28+$0x0], $0xffff  }
0xb8: {  	v2 =	vmul.f32 v5, v2;
	v1 =	vadd.f32 v3, v1;
	_ =	sdelay $0x1  }
0xb9: {  	s29 =	sadd.s32 $0x1, s29;
	v1 =	vadd.f32 v2, v1;
	v2 =	vmul.f32 v61, v6  }
0xba: {  	p0 =	sne.s32 s29, $0x8  }
.Ltmp1:
0xbb: {  	v1 =	vadd.f32 v2, v1;
	v2 =	vmul.f32 v63, v62;
	(pc) =	sbr.rel @p0 .LBB2_2-.Ltmp1, $3  }
0xbc: {  	_ = 	snop  }
0xbd: {  	v1 =	vadd.f32 v2, v1;
	_ =	sdelay $0x1  }
0xbe: {  	[tilespmem:s31+$0x10A00] =	vst v1  }
0xbf: {  	s1 =	simm.s32 $0x500  }
0xc0: {  	[tilespmem:s25], [sflag:$0x3] =	stream.indirect.gather [hbm4b:s3+s17], $0x80, s1, s17, $0xb8;
	[tilespmem:$0x10C00] =	vst v63  }
0xc1: {  	_ = 	snop  }
0xc2: {  	[tilespmem:s28], [sflag:$0x3] =	stream.indirect.gather [hbm4b:s3+s17], $0x80, s15, s17, $0xb8;
	[tilespmem:$0x10C00] =	vst v63  }
0xc3: {  	_ =	swait.ge [sflag:s16], $0x4000  }
0xc4: {  	[sflag:s16] =	ssyncset.done $0x0  }
0xc5: {  	[sflag:s16] =	ssyncadd.s32 $0xFFFFC000  }
0xc6: {  	_ =	swait.ge [sflag:s16], $0x4000  }
0xc7: {  	[sflag:s16] =	ssyncset.done $0x0  }
0xc8: {  	s29 =	simm.s32 $0x0;
	[sflag:s16] =	ssyncadd.s32 $0xFFFFC000  }
.LBB2_6:
0xc9: {  	s1 =	sshll.u32 s29, $0x4  }
0xca: {  	s31 =	sor.u32 $0x80, s1;
	v2 =	vld [tilespmem:s1+$0x280]  }
0xcb: {  	v1 =	vld [tilespmem:s31+$0x0];
	_ =	sdelay $0x2  }
0xcc: {  	v3 =	vmov s1  }
0xcd: {  	v3 =	vshll.u32 v3, $0x7;
	v2 =	vshll.u32 v2, $0x6  }
0xce: {  	v3 =	vor.u32 v0, v3;
	v1 =	vshll.u32 v1, $0x6;
	v2 =	vand.u32 $0x40, v2  }
0xcf: {  	v1 =	vand.u32 $0x40, v1;
	v2 =	vor.u32 v3, v2  }
0xd0: {  	v1 =	vor.u32 v3, v1  }
0xd1: {  	v4 =	vor.u32 $0x1, v2  }
0xd2: {  	v3 =	vor.u32 $0x1, v1  }
0xd3: {  	v5 =	vld [tilespmem:s1+$0x10880];
	v7 =	vor.u32 $0x2, v2  }
0xd4: {  	v15 =	vadd.s32 $0x4, v2;
	v9 =	vld.idx.msk [tilespmem:v2+s0+$0x0], $0xffff  }
0xd5: {  	v6 =	vor.u32 $0x2, v1;
	v8 =	vld.idx.msk [tilespmem:v1+s30+$0x0], $0xffff  }
0xd6: {  	v10 =	vor.u32 $0x3, v1;
	v12 =	vld.idx.msk [tilespmem:v4+s0+$0x0], $0xffff  }
0xd7: {  	v11 =	vld.idx.msk [tilespmem:v3+s30+$0x0], $0xffff;
	v3 =	vor.u32 $0x3, v2  }
0xd8: {  	v13 =	vadd.s32 $0x4, v1;
	v14 =	vld.idx.msk [tilespmem:v7+s0+$0x0], $0xffff  }
0xd9: {  	v4 =	vld.idx.msk [tilespmem:v15+s0+$0x0], $0xffff;
	v2 =	vor.u32 $0x1, v13  }
0xda: {  	v17 =	vor.u32 $0x2, v13;
	v6 =	vld.idx.msk [tilespmem:v6+s30+$0x0], $0xffff  }
0xdb: {  	v16 =	vor.u32 $0x1, v15;
	v1 =	vld.idx.msk [tilespmem:v10+s30+$0x0], $0xffff;
	v8 =	vmul.f32 v9, v8  }
0xdc: {  	v10 =	vor.u32 $0x2, v15;
	v7 =	vld.idx.msk [tilespmem:v3+s0+$0x0], $0xffff  }
0xdd: {  	v3 =	vld.idx.msk [tilespmem:v13+s30+$0x0], $0xffff;
	v12 =	vmul.f32 v12, v11;
	v11 =	vor.u32 $0x3, v13;
	v18 =	vadd.f32 v8, v5  }
0xde: {  	v9 =	vor.u32 $0x3, v15;
	v2 =	vld.idx.msk [tilespmem:v2+s30+$0x0], $0xffff  }
0xdf: {  	v14 =	vmul.f32 v14, v6;
	v6 =	vld.idx.msk [tilespmem:v17+s30+$0x0], $0xffff;
	v8 =	vadd.s32 $0x4, v13;
	v13 =	vadd.f32 v12, v18  }
0xe0: {  	s1 =	simm.s32 $0x4;
	v5 =	vld.idx.msk [tilespmem:v16+s0+$0x0], $0xffff;
	v12 =	vadd.s32 $0x4, v15  }
.LBB2_7:
0xe1: {  	v15 =	vor.u32 $0x1, v8;
	v16 =	vld.idx.msk [tilespmem:v10+s0+$0x0], $0xffff;
	v10 =	vadd.f32 v14, v13;
	v13 =	vmul.f32 v7, v1  }
0xe2: {  	v14 =	vor.u32 $0x1, v12;
	s1 =	sadd.s32 $0x4, s1;
	v1 =	vld.idx.msk [tilespmem:v11+s30+$0x0], $0xffff  }
0xe3: {  	v17 =	vor.u32 $0x2, v8;
	p0 =	slt.u32 s1, $0x3C;
	v18 =	vmul.f32 v4, v3;
	v7 =	vld.idx.msk [tilespmem:v9+s0+$0x0], $0xffff;
	v9 =	vadd.f32 v13, v10  }
.Ltmp2:
0xe4: {  	v10 =	vor.u32 $0x2, v12;
	v3 =	vld.idx.msk [tilespmem:v8+s30+$0x0], $0xffff;
	(pc) =	sbr.rel @p0 .LBB2_7-.Ltmp2, $4  }
0xe5: {  	v11 =	vor.u32 $0x3, v8;
	v4 =	vld.idx.msk [tilespmem:v12+s0+$0x0], $0xffff;
	v13 =	vadd.f32 v18, v9;
	v18 =	vmul.f32 v5, v2  }
0xe6: {  	v9 =	vor.u32 $0x3, v12;
	v2 =	vld.idx.msk [tilespmem:v15+s30+$0x0], $0xffff  }
0xe7: {  	v8 =	vadd.s32 $0x4, v8;
	v5 =	vld.idx.msk [tilespmem:v14+s0+$0x0], $0xffff;
	v13 =	vadd.f32 v18, v13;
	v14 =	vmul.f32 v16, v6  }
0xe8: {  	v12 =	vadd.s32 $0x4, v12;
	v6 =	vld.idx.msk [tilespmem:v17+s30+$0x0], $0xffff  }
0xe9: {  	_ =	sdelay $0x2  }
0xea: {  	v8 =	vadd.f32 v14, v13;
	v1 =	vmul.f32 v7, v1  }
0xeb: {  	v61 =	vld.idx.msk [tilespmem:v10+s0+$0x0], $0xffff  }
0xec: {  	v62 =	vld.idx.msk [tilespmem:v11+s30+$0x0], $0xffff;
	v3 =	vmul.f32 v4, v3;
	v1 =	vadd.f32 v1, v8  }
0xed: {  	v63 =	vld.idx.msk [tilespmem:v9+s0+$0x0], $0xffff  }
0xee: {  	v2 =	vmul.f32 v5, v2;
	v1 =	vadd.f32 v3, v1;
	_ =	sdelay $0x1  }
0xef: {  	s29 =	sadd.s32 $0x1, s29;
	v1 =	vadd.f32 v2, v1;
	v2 =	vmul.f32 v61, v6  }
0xf0: {  	p0 =	sne.s32 s29, $0x8  }
.Ltmp3:
0xf1: {  	v1 =	vadd.f32 v2, v1;
	v2 =	vmul.f32 v63, v62;
	(pc) =	sbr.rel @p0 .LBB2_6-.Ltmp3, $3  }
0xf2: {  	_ = 	snop  }
0xf3: {  	v1 =	vadd.f32 v2, v1;
	_ =	sdelay $0x1  }
0xf4: {  	[tilespmem:s31+$0x10A00] =	vst v1  }
0xf5: {  	[tilespmem:s30], [sflag:$0x4] =	stream.indirect.gather [hbm4b:s3+s17], $0x80, s18, s17, $0xb8;
	[tilespmem:$0x10C00] =	vst v63  }
0xf6: {  	_ = 	snop  }
0xf7: {  	[tilespmem:s0], [sflag:$0x4] =	stream.indirect.gather [hbm4b:s3+s17], $0x80, s19, s17, $0xb8;
	[tilespmem:$0x10C00] =	vst v63  }
0xf8: {  	_ =	swait.ge [sflag:s20], $0x4000  }
0xf9: {  	[sflag:s20] =	ssyncset.done $0x0  }
0xfa: {  	[sflag:s20] =	ssyncadd.s32 $0xFFFFC000  }
0xfb: {  	_ =	swait.ge [sflag:s20], $0x4000  }
0xfc: {  	[sflag:s20] =	ssyncset.done $0x0  }
0xfd: {  	s29 =	simm.s32 $0x0;
	[sflag:s20] =	ssyncadd.s32 $0xFFFFC000  }
.LBB2_10:
0xfe: {  	s1 =	sshll.u32 s29, $0x4  }
0xff: {  	s31 =	sor.u32 $0x100, s1;
	v2 =	vld [tilespmem:s1+$0x300]  }
0x100: {  	v1 =	vld [tilespmem:s31+$0x0];
	_ =	sdelay $0x2  }
0x101: {  	v3 =	vmov s1  }
0x102: {  	v3 =	vshll.u32 v3, $0x7;
	v2 =	vshll.u32 v2, $0x6  }
0x103: {  	v3 =	vor.u32 v0, v3;
	v1 =	vshll.u32 v1, $0x6;
	v2 =	vand.u32 $0x40, v2  }
0x104: {  	v1 =	vand.u32 $0x40, v1;
	v2 =	vor.u32 v3, v2  }
0x105: {  	v1 =	vor.u32 v3, v1  }
0x106: {  	v4 =	vor.u32 $0x1, v2  }
0x107: {  	v3 =	vor.u32 $0x1, v1  }
0x108: {  	v5 =	vld [tilespmem:s1+$0x10900];
	v7 =	vor.u32 $0x2, v2  }
0x109: {  	v15 =	vadd.s32 $0x4, v2;
	v9 =	vld.idx.msk [tilespmem:v2+s28+$0x0], $0xffff  }
0x10a: {  	v6 =	vor.u32 $0x2, v1;
	v8 =	vld.idx.msk [tilespmem:v1+s25+$0x0], $0xffff  }
0x10b: {  	v10 =	vor.u32 $0x3, v1;
	v12 =	vld.idx.msk [tilespmem:v4+s28+$0x0], $0xffff  }
0x10c: {  	v11 =	vld.idx.msk [tilespmem:v3+s25+$0x0], $0xffff;
	v3 =	vor.u32 $0x3, v2  }
0x10d: {  	v13 =	vadd.s32 $0x4, v1;
	v14 =	vld.idx.msk [tilespmem:v7+s28+$0x0], $0xffff  }
0x10e: {  	v4 =	vld.idx.msk [tilespmem:v15+s28+$0x0], $0xffff;
	v2 =	vor.u32 $0x1, v13  }
0x10f: {  	v17 =	vor.u32 $0x2, v13;
	v6 =	vld.idx.msk [tilespmem:v6+s25+$0x0], $0xffff  }
0x110: {  	v16 =	vor.u32 $0x1, v15;
	v1 =	vld.idx.msk [tilespmem:v10+s25+$0x0], $0xffff;
	v8 =	vmul.f32 v9, v8  }
0x111: {  	v10 =	vor.u32 $0x2, v15;
	v7 =	vld.idx.msk [tilespmem:v3+s28+$0x0], $0xffff  }
0x112: {  	v3 =	vld.idx.msk [tilespmem:v13+s25+$0x0], $0xffff;
	v12 =	vmul.f32 v12, v11;
	v11 =	vor.u32 $0x3, v13;
	v18 =	vadd.f32 v8, v5  }
0x113: {  	v9 =	vor.u32 $0x3, v15;
	v2 =	vld.idx.msk [tilespmem:v2+s25+$0x0], $0xffff  }
0x114: {  	v14 =	vmul.f32 v14, v6;
	v6 =	vld.idx.msk [tilespmem:v17+s25+$0x0], $0xffff;
	v8 =	vadd.s32 $0x4, v13;
	v13 =	vadd.f32 v12, v18  }
0x115: {  	s1 =	simm.s32 $0x4;
	v5 =	vld.idx.msk [tilespmem:v16+s28+$0x0], $0xffff;
	v12 =	vadd.s32 $0x4, v15  }
.LBB2_11:
0x116: {  	v15 =	vor.u32 $0x1, v8;
	v16 =	vld.idx.msk [tilespmem:v10+s28+$0x0], $0xffff;
	v10 =	vadd.f32 v14, v13;
	v13 =	vmul.f32 v7, v1  }
0x117: {  	v14 =	vor.u32 $0x1, v12;
	s1 =	sadd.s32 $0x4, s1;
	v1 =	vld.idx.msk [tilespmem:v11+s25+$0x0], $0xffff  }
0x118: {  	v17 =	vor.u32 $0x2, v8;
	p0 =	slt.u32 s1, $0x3C;
	v18 =	vmul.f32 v4, v3;
	v7 =	vld.idx.msk [tilespmem:v9+s28+$0x0], $0xffff;
	v9 =	vadd.f32 v13, v10  }
.Ltmp4:
0x119: {  	v10 =	vor.u32 $0x2, v12;
	v3 =	vld.idx.msk [tilespmem:v8+s25+$0x0], $0xffff;
	(pc) =	sbr.rel @p0 .LBB2_11-.Ltmp4, $4  }
0x11a: {  	v11 =	vor.u32 $0x3, v8;
	v4 =	vld.idx.msk [tilespmem:v12+s28+$0x0], $0xffff;
	v13 =	vadd.f32 v18, v9;
	v18 =	vmul.f32 v5, v2  }
0x11b: {  	v9 =	vor.u32 $0x3, v12;
	v2 =	vld.idx.msk [tilespmem:v15+s25+$0x0], $0xffff  }
0x11c: {  	v8 =	vadd.s32 $0x4, v8;
	v5 =	vld.idx.msk [tilespmem:v14+s28+$0x0], $0xffff;
	v13 =	vadd.f32 v18, v13;
	v14 =	vmul.f32 v16, v6  }
0x11d: {  	v12 =	vadd.s32 $0x4, v12;
	v6 =	vld.idx.msk [tilespmem:v17+s25+$0x0], $0xffff  }
0x11e: {  	_ =	sdelay $0x2  }
0x11f: {  	v8 =	vadd.f32 v14, v13;
	v1 =	vmul.f32 v7, v1  }
0x120: {  	v61 =	vld.idx.msk [tilespmem:v10+s28+$0x0], $0xffff  }
0x121: {  	v62 =	vld.idx.msk [tilespmem:v11+s25+$0x0], $0xffff;
	v3 =	vmul.f32 v4, v3;
	v1 =	vadd.f32 v1, v8  }
0x122: {  	v63 =	vld.idx.msk [tilespmem:v9+s28+$0x0], $0xffff  }
0x123: {  	v2 =	vmul.f32 v5, v2;
	v1 =	vadd.f32 v3, v1;
	_ =	sdelay $0x1  }
0x124: {  	s29 =	sadd.s32 $0x1, s29;
	v1 =	vadd.f32 v2, v1;
	v2 =	vmul.f32 v61, v6  }
0x125: {  	p0 =	sne.s32 s29, $0x8  }
.Ltmp5:
0x126: {  	v1 =	vadd.f32 v2, v1;
	v2 =	vmul.f32 v63, v62;
	(pc) =	sbr.rel @p0 .LBB2_10-.Ltmp5, $3  }
0x127: {  	_ = 	snop  }
0x128: {  	v1 =	vadd.f32 v2, v1;
	_ =	sdelay $0x1  }
0x129: {  	[tilespmem:s31+$0x10A00] =	vst v1  }
0x12a: {  	_ =	swait.ge [sflag:s21], $0x4000  }
0x12b: {  	[sflag:s21] =	ssyncset.done $0x0  }
0x12c: {  	[sflag:s21] =	ssyncadd.s32 $0xFFFFC000  }
0x12d: {  	_ =	swait.ge [sflag:s21], $0x4000  }
0x12e: {  	[sflag:s21] =	ssyncset.done $0x0  }
0x12f: {  	s29 =	simm.s32 $0x0;
	[sflag:s21] =	ssyncadd.s32 $0xFFFFC000  }
.LBB2_14:
0x130: {  	s1 =	sshll.u32 s29, $0x4  }
0x131: {  	s31 =	sor.u32 $0x180, s1;
	v2 =	vld [tilespmem:s1+$0x380]  }
0x132: {  	v1 =	vld [tilespmem:s31+$0x0];
	_ =	sdelay $0x2  }
0x133: {  	v3 =	vmov s1  }
0x134: {  	v3 =	vshll.u32 v3, $0x7;
	v2 =	vshll.u32 v2, $0x6  }
0x135: {  	v3 =	vor.u32 v0, v3;
	v1 =	vshll.u32 v1, $0x6;
	v2 =	vand.u32 $0x40, v2  }
0x136: {  	v1 =	vand.u32 $0x40, v1;
	v2 =	vor.u32 v3, v2  }
0x137: {  	v1 =	vor.u32 v3, v1  }
0x138: {  	v4 =	vor.u32 $0x1, v2  }
0x139: {  	v3 =	vor.u32 $0x1, v1  }
0x13a: {  	v5 =	vld [tilespmem:s1+$0x10980];
	v7 =	vor.u32 $0x2, v2  }
0x13b: {  	v15 =	vadd.s32 $0x4, v2;
	v9 =	vld.idx.msk [tilespmem:v2+s0+$0x0], $0xffff  }
0x13c: {  	v6 =	vor.u32 $0x2, v1;
	v8 =	vld.idx.msk [tilespmem:v1+s30+$0x0], $0xffff  }
0x13d: {  	v10 =	vor.u32 $0x3, v1;
	v12 =	vld.idx.msk [tilespmem:v4+s0+$0x0], $0xffff  }
0x13e: {  	v11 =	vld.idx.msk [tilespmem:v3+s30+$0x0], $0xffff;
	v3 =	vor.u32 $0x3, v2  }
0x13f: {  	v13 =	vadd.s32 $0x4, v1;
	v14 =	vld.idx.msk [tilespmem:v7+s0+$0x0], $0xffff  }
0x140: {  	v4 =	vld.idx.msk [tilespmem:v15+s0+$0x0], $0xffff;
	v2 =	vor.u32 $0x1, v13  }
0x141: {  	v17 =	vor.u32 $0x2, v13;
	v6 =	vld.idx.msk [tilespmem:v6+s30+$0x0], $0xffff  }
0x142: {  	v16 =	vor.u32 $0x1, v15;
	v1 =	vld.idx.msk [tilespmem:v10+s30+$0x0], $0xffff;
	v8 =	vmul.f32 v9, v8  }
0x143: {  	v10 =	vor.u32 $0x2, v15;
	v7 =	vld.idx.msk [tilespmem:v3+s0+$0x0], $0xffff  }
0x144: {  	v3 =	vld.idx.msk [tilespmem:v13+s30+$0x0], $0xffff;
	v12 =	vmul.f32 v12, v11;
	v11 =	vor.u32 $0x3, v13;
	v18 =	vadd.f32 v8, v5  }
0x145: {  	v9 =	vor.u32 $0x3, v15;
	v2 =	vld.idx.msk [tilespmem:v2+s30+$0x0], $0xffff  }
0x146: {  	v14 =	vmul.f32 v14, v6;
	v6 =	vld.idx.msk [tilespmem:v17+s30+$0x0], $0xffff;
	v8 =	vadd.s32 $0x4, v13;
	v13 =	vadd.f32 v12, v18  }
0x147: {  	s1 =	simm.s32 $0x4;
	v5 =	vld.idx.msk [tilespmem:v16+s0+$0x0], $0xffff;
	v12 =	vadd.s32 $0x4, v15  }
.LBB2_15:
0x148: {  	v15 =	vor.u32 $0x1, v8;
	v16 =	vld.idx.msk [tilespmem:v10+s0+$0x0], $0xffff;
	v10 =	vadd.f32 v14, v13;
	v13 =	vmul.f32 v7, v1  }
0x149: {  	v14 =	vor.u32 $0x1, v12;
	s1 =	sadd.s32 $0x4, s1;
	v1 =	vld.idx.msk [tilespmem:v11+s30+$0x0], $0xffff  }
0x14a: {  	v17 =	vor.u32 $0x2, v8;
	p0 =	slt.u32 s1, $0x3C;
	v18 =	vmul.f32 v4, v3;
	v7 =	vld.idx.msk [tilespmem:v9+s0+$0x0], $0xffff;
	v9 =	vadd.f32 v13, v10  }
.Ltmp6:
0x14b: {  	v10 =	vor.u32 $0x2, v12;
	v3 =	vld.idx.msk [tilespmem:v8+s30+$0x0], $0xffff;
	(pc) =	sbr.rel @p0 .LBB2_15-.Ltmp6, $4  }
0x14c: {  	v11 =	vor.u32 $0x3, v8;
	v4 =	vld.idx.msk [tilespmem:v12+s0+$0x0], $0xffff;
	v13 =	vadd.f32 v18, v9;
	v18 =	vmul.f32 v5, v2  }
0x14d: {  	v9 =	vor.u32 $0x3, v12;
	v2 =	vld.idx.msk [tilespmem:v15+s30+$0x0], $0xffff  }
0x14e: {  	v8 =	vadd.s32 $0x4, v8;
	v5 =	vld.idx.msk [tilespmem:v14+s0+$0x0], $0xffff;
	v13 =	vadd.f32 v18, v13;
	v14 =	vmul.f32 v16, v6  }
0x14f: {  	v12 =	vadd.s32 $0x4, v12;
	v6 =	vld.idx.msk [tilespmem:v17+s30+$0x0], $0xffff  }
0x150: {  	_ =	sdelay $0x2  }
0x151: {  	v8 =	vadd.f32 v14, v13;
	v1 =	vmul.f32 v7, v1  }
0x152: {  	v61 =	vld.idx.msk [tilespmem:v10+s0+$0x0], $0xffff  }
0x153: {  	v62 =	vld.idx.msk [tilespmem:v11+s30+$0x0], $0xffff;
	v3 =	vmul.f32 v4, v3;
	v1 =	vadd.f32 v1, v8  }
0x154: {  	v63 =	vld.idx.msk [tilespmem:v9+s0+$0x0], $0xffff  }
0x155: {  	v2 =	vmul.f32 v5, v2;
	v1 =	vadd.f32 v3, v1;
	_ =	sdelay $0x1  }
0x156: {  	s29 =	sadd.s32 $0x1, s29;
	v1 =	vadd.f32 v2, v1;
	v2 =	vmul.f32 v61, v6  }
0x157: {  	p0 =	sne.s32 s29, $0x8  }
.Ltmp7:
0x158: {  	v1 =	vadd.f32 v2, v1;
	v2 =	vmul.f32 v63, v62;
	(pc) =	sbr.rel @p0 .LBB2_14-.Ltmp7, $3  }
0x159: {  	_ = 	snop  }
0x15a: {  	v1 =	vadd.f32 v2, v1;
	_ =	sdelay $0x1  }
0x15b: {  	[tilespmem:s31+$0x10A00] =	vst v1  }
0x15c: {  	s26 =	sadd.s32 $0x1, s26  }
0x15d: {  	p0 =	sne.s32 s26, s14  }
.Ltmp8:
0x15e: {  	_ = 	snop;
	(pc) =	sbr.rel @p0 .LBB2_1-.Ltmp8, $4  }
0x15f: {  	[hbm4b:s13+s2] =	stream.linear.scatter [tilespmem:s22], [sflag:$0x5], $0x200, $0x38;
	[tilespmem:$0x10C00] =	vst v63  }
0x160: {  	_ =	swait.ge [sflag:s24], $0x200  }
0x161: {  	[sflag:s24] =	ssyncset.done $0x0  }
0x162: {  	[sflag:s24] =	ssyncadd.s32 $0xFFFFFE00  }
0x163: {  	_ =	sfence.sel $0x180000  }
0x164: {  	[bflag:$0x0] =	sbarrier.arrive $0xFFFF  }
0x165: {  	_ =	strace $0x9000004D  }
0x166: {  	s0 =	stileid.u32;
	[bflag:$0x2] =	sbarrier.arrive $0xFFFF  }
0x167: {  	p0 =	sne.s32 s0, $0x0;
	s0 =	rddreg [dreg:$0x4]  }
0x168: {  	s0 =	sadd.s32 @!p0 $0x100000, s0  }
0x169: {  	[sflag:s0] =	ssyncadd.tile.s32 @!p0 $0x1;
	_ =	shalt  }
.Lfunc_end2:
_tile_overlayer_lowered:
.L_overlay_start_2:
0x16a: {  	(tag) =	ssettag $0x2  }
0x16b: {  	s0 =	rddreg [dreg:$0x0];
	s2 =	stileid.u32  }
0x16c: {  	s1 =	rddreg [dreg:$0x1];
	p0 =	sne.s32 s2, $0x0  }
0x16d: {  	s3 =	rddreg [dreg:$0x2];
	[bflag:$0x3] =	sbarrier.arrive $0xFFFF;
	s2 =	simm.s32 @!p0 $0x1C05  }
0x16e: {  	[timem:s3], [sflag:s2] =	dma.local @!p0 [hbm:s0], s1  }
0x16f: {  	s0 =	simm.s32 @!p0 $0x5  }
0x170: {  	_ =	swait.ge @!p0 [sflag:s0], s1  }
0x171: {  	s1 =	ssub.s32 @!p0 $0x0, s1;
	[sflag:s0] =	ssyncset.done @!p0 $0x0  }
0x172: {  	[sflag:s0] =	ssyncadd.s32 @!p0 s1  }
0x173: {  	[bflag:$0x3] =	sbarrier.arrive $0xFFFF  }
0x174: {  	_ =	shalt  }

// kernel: sparse-core-data-format-call.cloned.1.call-start
scs
called_computation_lowered:
.L_overlay_start_0:
0x0: {  	s2 =	sld [smem:$0x3FD9]  }
0x1: {  	s3 =	sld [smem:$0x3FFE];
	_ =	sdelay $0x1  }
0x2: {  	s1 =	srdreg.scid  }
0x3: {  	s0 =	sand.u32 $0x1, s1  }
0x4: {  	s18 =	sshll.u32 s0, $0xA;
	s2 =	sadd.s32 s3, s2  }
0x5: {  	s2 =	sadd.s32 s2, s18  }
0x6: {  	[smem:$0x3FC3] =	sst s2  }
0x7: {  	_ = 	snop  }
0x8: {  	s2 =	sld [smem:$0x3FC7];
	(tm) =	ssettm $0x1  }
0x9: {  	s19 =	sld [smem:$0x3FFB];
	_ =	sdelay $0x3  }
0xa: {  	_ =	strace s19  }
0xb: {  	s3 =	sld [smem:$0x3FFC];
	_ =	sdelay $0x3  }
0xc: {  	_ =	strace s3  }
0xd: {  	s3 =	sld [smem:$0x3FFD];
	_ =	sdelay $0x3  }
0xe: {  	_ =	strace s3  }
0xf: {  	_ =	strace $0x8FFFFFFF  }
0x10: {  	s20 =	sld [smem:$0x3FDB];
	_ =	sdelay $0x1  }
0x11: {  	s4 =	simm.s32 $_scs_section_size  }
0x12: {  	s5 =	simm.s32 $_size__tile_overlayer_lowered;
	s6 =	simm.s32 $_tile_overlayer_lowered  }
0x13: {  	s23 =	simm.s32 $0x1BFF;
	s22 =	sshll.u32 s6, $0x1;
	s3 =	sadd.s32 s4, s20  }
0x14: {  	s7 =	simm.s32 $0x0;
	s21 =	sshll.u32 s5, $0x1;
	s5 =	sadd.s32 s22, s3  }
0x15: {  	[timem:s7], [sflag:s23] =	dma.local [hbm:s5], s21  }
0x16: {  	_ =	swait.ge [sflag:s23], s21  }
0x17: {  	s4 =	ssub.s32 $0x0, s21;
	[sflag:s23] =	ssyncset.done $0x0  }
0x18: {  	[sflag:s23] =	ssyncadd.s32 s4;
	_ =	sdelay $0x1  }
0x19: {  	s24 =	simm.s32 $0x1B8B  }
0x1a: {  	_ =	swait.ge [sflag:s24], $0x1  }
0x1b: {  	[sflag:s24] =	ssyncset.done $0x0  }
0x1c: {  	s26 =	simm.s32 $0x1B8E;
	s25 =	sld [smem:$0x3FFE];
	[sflag:s24] =	ssyncadd.s32 $0xFFFFFFFF  }
0x1d: {  	s27 =	simm.s32 $execute0_lowered;
	[smem:$0x3FD2] =	sst s26  }
0x1e: {  	s5 =	sshll.u32 s27, $0x1;
	_ =	strace $0x80000046;
	[dreg:$0x1] =	wrdreg $0xFFFFFFFF  }
0x1f: {  	s28 =	simm.s32 $_size_execute0_lowered;
	s3 =	sadd.s32 s3, s5;
	[dreg:$0x0] =	wrdreg $0x0  }
0x20: {  	s5 =	sshll.u32 s28, $0x1;
	[dreg:$0x2] =	wrdreg s3  }
0x21: {  	[dreg:$0x3] =	wrdreg s5  }
0x22: {  	[dreg:$0x4] =	wrdreg $0xC0  }
0x23: {  	_ =	task [dreg:s7], $0x5FFFF  }
0x24: {  	[dreg:$0x1] =	wrdreg $0xFFFFFFFF  }
0x25: {  	[dreg:$0x0] =	wrdreg $0x60  }
0x26: {  	[dreg:$0x2] =	wrdreg s2  }
0x27: {  	[dreg:$0x3] =	wrdreg s25  }
0x28: {  	[dreg:$0x4] =	wrdreg $0x9  }
0x29: {  	_ =	task.clear_ibuf [dreg:s7], $0x5FFFF;
	_ =	strace $0x90000046  }
0x2a: {  	s29 =	simm.s32 $0x9;
	_ =	strace $0x80000048  }
0x2b: {  	_ =	swait.ge [sflag:s29], $0x1  }
0x2c: {  	[sflag:s29] =	ssyncadd.s32 $0xFFFFFFFF  }
0x2d: {  	_ =	strace $0x90000048  }
0x2e: {  	_ =	sfence  }
0x2f: {  	s30 =	sld [smem:$0x0];
	_ =	sdelay $0x2  }
0x30: {  	s31 =	sshll.u32 s1, $0xD;
	s1 =	sshrl.u32 s1, $0x2  }
0x31: {  	s3 =	sand.u32 $0x4000, s31;
	s1 =	sadd.s32 s1, s30  }
0x32: {  	s0 =	sor.u32 s3, s0;
	s1 =	sshll.u32 s1, $0x11  }
0x33: {  	s0 =	sor.u32 s1, s0  }
0x34: {  	s0 =	sadd.s32 $0x8F2B, s0  }
0x35: {  	[sflag:s0] =	ssyncadd.remote.s32 $0x1  }
0x36: {  	_ =	sfence.sel $0xFFFF  }
0x37: {  	[dreg:$0x0] =	wrdreg $0xFFFFFFFF;
	(pc) =	sbr.abs _section_cstart, $3  }
0x38: {  	[dreg:$0x1] =	wrdreg $0xFFFFFFFF  }
0x39: {  	_ =	task.clear_ibuf [dreg:s7], $0x2FFFF;
	_ =	strace $0x9FFFFFFF  }
0x3a: {  	(tm) =	ssettm $0x7FFFFFFF  }
0x3b: {  	_ =	shalt  }
tec
execute0_lowered:
.L_overlay_start_1:
0x0: {  	(tag) =	ssettag $0x1  }
0x1: {  	s0 =	srdreg.scid;
	s2 =	rddreg [dreg:$0x0]  }
0x2: {  	s5 =	rddreg [dreg:$0x1];
	s1 =	stileid.u32  }
0x3: {  	s4 =	simm.s32 $0x1;
	s6 =	simm.s32 $0x2;
	s15 =	simm.s32 $0x0  }
0x4: {  	p0 =	por $0x0, $0x0;
	s8 =	simm.s32 $0x80;
	s0 =	sshll.u32 s0, $0x4  }
0x5: {  	s14 =	simm.s32 $0x0;
	s9 =	simm.s32 $0x0;
	s3 =	sand.u32 $0x10, s0  }
.Ltmp0:
0x6: {  	s10 =	simm.s32 $0x0;
	s3 =	sor.u32 s1, s3;
	(pc) =	sbr.rel .LBB1_1-.Ltmp0, $4  }
0x7: {  	s0 =	rddreg [dreg:$0x2];
	_ =	strace $0x80000047;
	s3 =	sshll.u32 s3, $0x7  }
0x8: {  	s12 =	simm.s32 $0x0;
	[sflag:s4] =	ssyncpa.u1 $0x0;
	s7 =	ssub.s32 $0xF4200, s3  }
0x9: {  	s13 =	simm.s32 $0x0;
	[sflag:s6] =	ssyncpa.u1 $0x0;
	s6 =	sshrl.u32 s7, $0xC  }
0xa: {  	s5 =	sadd.s32 $0xA00, s5;
	s11 =	smov.u32 s3;
	s7 =	sadd.s32 $0x2, s6  }
.LBB1_5:
0xb: {  	p1 =	slt.u32 s13, $0x2  }
0xc: {  	s17 =	smov.u32 s15;
	p2 =	sgt.s32 @!p1 s15, $0xF41C0;
	s16 =	sshra.s32 @!p1 s15, $0x1F  }
0xd: {  	p3 =	sgt.s32 @!p1 s14, $0x40;
	s18 =	sshra.s32 @!p1 s14, $0x1F;
	p2 =	por !p2, p1  }
0xe: {  	s15 =	sand.u32 @!p1 s16, s15;
	p3 =	por !p3, p1;
	s16 =	smov.u32 s14  }
0xf: {  	s14 =	sand.u32 @!p1 s18, s14;
	s17 =	simm.s32 @p2 $0xF41C0;
	s16 =	simm.s32 @p3 $0x40  }
0x10: {  	s15 =	ssub.s32 @!p1 s17, s15;
	s14 =	ssub.s32 @!p1 s16, s14  }
0x11: {  	s18 =	smov.u32 s12;
	s16 =	sadd.s32 @!p1 $0xFFF0BE40, s15;
	s17 =	sadd.s32 @!p1 $0xFFFFFFC0, s14  }
0x12: {  	s15 =	ssub.s32 @!p1 $0xF4240, s15;
	p2 =	sgt.s32 @!p1 s16, $0x7F;
	p3 =	sgt.s32 @!p1 s17, $0x3F  }
0x13: {  	s14 =	ssub.s32 @!p1 $0x80, s14;
	p2 =	por !p2, p1;
	p3 =	por !p3, p1  }
0x14: {  	s16 =	sadd.s32 $0x1000, s11;
	s15 =	simm.s32 @!p2 $0x0;
	s14 =	simm.s32 @!p3 $0x0  }
0x15: {  	p2 =	sgt.s32 s16, $0xF423F;
	s14 =	smul.u32 @!p1 s14, s15;
	s15 =	sadd.s32 $0x40, s12  }
0x16: {  	s18 =	smov.u32 @p2 s15  }
0x17: {  	s16 =	smov.u32 @p2 s3;
	p2 =	sgt.s32 s18, $0x3F  }
0x18: {  	s18 =	simm.s32 @p2 $0x0;
	p2 =	sne.s32 s13, s7  }
.Ltmp1:
0x19: {  	p0 =	por !p0, !p0;
	s17 =	simm.s32 @!p1 $0x2;
	(pc) =	sbr.rel @!p2 .LBB1_6-.Ltmp1, $4  }
0x1a: {  	s15 =	smov.u32 s9;
	s9 =	smov.u32 s11;
	s14 =	sand.u32 @!p1 $0x3FFFFFFF, s14  }
0x1b: {  	s11 =	smov.u32 s16;
	_ =	swait.ge @!p1 [sflag:s17], s14;
	s19 =	ssub.s32 @!p1 $0x0, s14  }
0x1c: {  	s14 =	smov.u32 s10;
	s13 =	sadd.s32 $0x1, s13;
	[sflag:s17] =	ssyncset.done @!p1 $0x0  }
0x1d: {  	s10 =	smov.u32 s12;
	s12 =	smov.u32 s18;
	[sflag:s17] =	ssyncadd.s32 @!p1 s19  }
.LBB1_1:
0x1e: {  	p1 =	sgt.u32 s13, s6  }
0x1f: {  	s16 =	sshrl.u32 @!p1 s12, $0x3  }
0x20: {  	s17 =	sshll.u32 @!p1 s11, $0x3;
	s16 =	smul.u32 @!p1 $0x7A1400, s16  }
0x21: {  	s18 =	sshll.u32 @!p1 s12, $0x7;
	s17 =	sand.u32 @!p1 $0xFFFFFC00, s17  }
0x22: {  	s16 =	sadd.s32 @!p1 s16, s17;
	s17 =	sand.u32 @!p1 $0x380, s18  }
0x23: {  	s18 =	sand.u32 @!p1 $0x7F, s11;
	s16 =	sor.u32 @!p1 s17, s16  }
0x24: {  	s17 =	sor.u32 @!p1 s18, s16  }
0x25: {  	s18 =	smulhi.u32 @!p1 $0x218D6287, s17;
	_ =	sdelay $0x1  }
0x26: {  	s16 =	smulhi.u32 @!p1 $0x218D6287, s16;
	s18 =	sshrl.u32 @!p1 s18, $0x11  }
0x27: {  	s18 =	smul.u32 @!p1 $0xF4280, s18  }
0x28: {  	s19 =	sxor.u32 @!p1 $0xFFFFFFFF, s13;
	s16 =	sshrl.u32 @!p1 s16, $0x11  }
0x29: {  	s19 =	sshll.u32 @!p1 s19, $0xD;
	s16 =	sand.u32 @!p1 $0x3F, s16;
	s17 =	ssub.s32 @!p1 s17, s18  }
0x2a: {  	s16 =	smul.u32 @!p1 $0x1E850, s16;
	s18 =	sshrl.u32 @!p1 s17, $0x3;
	s17 =	sand.u32 @!p1 $0x7, s17  }
0x2b: {  	s19 =	sand.u32 @!p1 $0x2000, s19;
	s18 =	sadd.s32 @!p1 s2, s18;
	s17 =	sshll.u32 @!p1 s17, $0x12  }
0x2c: {  	s16 =	sadd.s32 @!p1 s16, s18;
	s17 =	sor.u32 @!p1 $0x400, s17;
	s18 =	simm.s32 @!p1 $0x7A1400  }
0x2d: {  	[tilespmem:s19], [sflag:$0x1] =	stream.strided.gather @!p1 [hbm4b:s16+s17], $0x2000, s18, s17, $0x38;
	[tilespmem:$0x8100] =	vst v63  }
0x2e: {  	p1 =	seq.s32 s13, $0x0  }
0x2f: {  	p2 =	sge.u32 @!p1 s13, s7  }
0x30: {  	p1 =	por p1, p2  }
.Ltmp2:
0x31: {  	_ = 	snop;
	(pc) =	sbr.rel @p1 .LBB1_5-.Ltmp2, $1  }
0x32: {  	_ =	sdelay $0x3  }
0x33: {  	s16 =	simm.s32 $0x1  }
0x34: {  	_ =	swait.ge [sflag:s4], $0x2000;
	s16 =	simm.s32 @!p0 $0x0  }
0x35: {  	[sflag:s4] =	ssyncset.done $0x0;
	s17 =	sshll.u32 s16, $0xD  }
0x36: {  	[sflag:s4] =	ssyncadd.s32 $0xFFFFE000;
	s17 =	sor.u32 $0x40, s17  }
0x37: {  	s16 =	smul.u32 $0x8200, s16;
	v0 =	vld [tilespmem:s17+$0x30]  }
0x38: {  	v1 =	vld [tilespmem:s17+$0xFFFFFFD0]  }
0x39: {  	s16 =	sshrl.u32 s16, $0x2;
	v5 =	vld [tilespmem:s17+$0xFFFFFFE0]  }
0x3a: {  	v6 =	vld [tilespmem:s17+$0xFFFFFFF0];
	s19 =	sor.u32 $0x4000, s16  }
0x3b: {  	s31 =	sand.u32 $0x1, s13;
	v4 =	vld [tilespmem:s17+$0x0];
	s18 =	sadd.s32 $0x0, s19  }
0x3c: {  	v3 =	vld [tilespmem:s17+$0x10];
	s16 =	smul.u32 $0x8200, s31;
	[tilespmem:s18+$0x1C70 ss:$0x41] =	vst.msk $0xffff, v0  }
0x3d: {  	v2 =	vld [tilespmem:s17+$0x20];
	[tilespmem:s18+$0x410 ss:$0x41] =	vst.msk $0xffff, v1  }
0x3e: {  	s16 =	sshrl.u32 s16, $0x2;
	v1 =	vld [tilespmem:s17+$0xFFFFFFC0];
	[tilespmem:s18+$0x820 ss:$0x41] =	vst.msk $0xffff, v5;
	s17 =	sadd.s32 $0x80, s17  }
0x3f: {  	s20 =	simm.s32 $0x4;
	s21 =	simm.s32 $0x8;
	s16 =	sor.u32 $0x4000, s16;
	[tilespmem:s18+$0xC30 ss:$0x41] =	vst.msk $0xffff, v6;
	v0 =	vld [tilespmem:s17+$0x30]  }
.LBB1_3:
0x40: {  	p1 =	sne.s32 s21, $0xFC;
	v5 =	vld [tilespmem:s17+$0xFFFFFFD0];
	[tilespmem:s18+$0x1040 ss:$0x41] =	vst.msk $0xffff, v4  }
0x41: {  	v6 =	vld [tilespmem:s17+$0xFFFFFFE0];
	[tilespmem:s18+$0x1450 ss:$0x41] =	vst.msk $0xffff, v3  }
0x42: {  	s22 =	sshra.s32 s20, $0x2;
	s20 =	smov.u32 s21;
	v7 =	vld [tilespmem:s17+$0xFFFFFFF0];
	[tilespmem:s18+$0x1860 ss:$0x41] =	vst.msk $0xffff, v2  }
.Ltmp3:
0x43: {  	v4 =	vld [tilespmem:s17+$0x0];
	[tilespmem:s18+$0x0 ss:$0x41] =	vst.msk $0xffff, v1;
	s18 =	sadd.s32 s22, s19;
	(pc) =	sbr.rel @p1 .LBB1_3-.Ltmp3, $4  }
0x44: {  	v3 =	vld [tilespmem:s17+$0x10];
	[tilespmem:s18+$0x1C70 ss:$0x41] =	vst.msk $0xffff, v0  }
0x45: {  	[tilespmem:s18+$0x410 ss:$0x41] =	vst.msk $0xffff, v5;
	v2 =	vld [tilespmem:s17+$0x20]  }
0x46: {  	v1 =	vld [tilespmem:s17+$0xFFFFFFC0];
	[tilespmem:s18+$0x820 ss:$0x41] =	vst.msk $0xffff, v6;
	s17 =	sadd.s32 $0x80, s17  }
0x47: {  	s21 =	sadd.s32 $0x4, s21;
	v0 =	vld [tilespmem:s17+$0x30];
	[tilespmem:s18+$0xC30 ss:$0x41] =	vst.msk $0xffff, v7  }
0x48: {  	s21 =	sshll.u32 s9, $0x7;
	s22 =	sshll.u32 s10, $0x3;
	s20 =	sshra.s32 s20, $0x2  }
0x49: {  	p1 =	sgt.s32 s9, $0xF41C0;
	s30 =	sshra.s32 s9, $0x1F;
	s25 =	sshra.s32 s10, $0x1F  }
0x4a: {  	v5 =	vld [tilespmem:s17+$0xFFFFFFD0];
	s28 =	sshrl.u32 s10, $0x3;
	s23 =	sand.u32 $0xFFFFFC00, s21;
	s22 =	sand.u32 $0xFFFFFC00, s22  }
0x4b: {  	[tilespmem:s18+$0x1040 ss:$0x41] =	vst.msk $0xffff, v4;
	v58 =	vld [tilespmem:s17+$0xFFFFFFE0];
	s21 =	sand.u32 $0x380, s21;
	s19 =	sadd.s32 s20, s19;
	s22 =	sadd.s32 s22, s23  }
0x4c: {  	v59 =	vld [tilespmem:s17+$0xFFFFFFF0];
	[tilespmem:s18+$0x1450 ss:$0x41] =	vst.msk $0xffff, v3;
	s29 =	sor.u32 s21, s22;
	s21 =	smov.u32 s9;
	s22 =	sand.u32 s30, s9  }
0x4d: {  	v60 =	vld [tilespmem:s17+$0x0];
	[tilespmem:s18+$0x1860 ss:$0x41] =	vst.msk $0xffff, v2;
	s30 =	sand.u32 $0x7, s10;
	s20 =	sshrl.u32 s29, $0x7;
	s21 =	simm.s32 @!p1 $0xF41C0  }
0x4e: {  	v61 =	vld [tilespmem:s17+$0x10];
	[tilespmem:s18+$0x0 ss:$0x41] =	vst.msk $0xffff, v1;
	p1 =	sgt.s32 s10, $0x40;
	s24 =	ssub.s32 s21, s22;
	s21 =	smov.u32 s10  }
0x4f: {  	v62 =	vld [tilespmem:s17+$0x20];
	[tilespmem:s19+$0x1C70 ss:$0x41] =	vst.msk $0xffff, v0;
	s31 =	smulhi.u32 $0x218DEF5, s20;
	s22 =	sand.u32 s25, s10;
	s21 =	simm.s32 @!p1 $0x40  }
0x50: {  	v63 =	vld [tilespmem:s17+$0xFFFFFFC0];
	[tilespmem:s19+$0x410 ss:$0x41] =	vst.msk $0xffff, v5;
	s26 =	sadd.s32 $0xFFF0BE40, s24;
	s17 =	ssub.s32 $0xF4240, s24;
	s21 =	ssub.s32 s21, s22  }
0x51: {  	[tilespmem:s19+$0x820 ss:$0x41] =	vst.msk $0xffff, v58;
	s23 =	sshrl.u32 s31, $0xD;
	p1 =	sgt.s32 s26, $0x7F;
	s27 =	sadd.s32 $0xFFFFFFC0, s21  }
0x52: {  	[tilespmem:s19+$0xC30 ss:$0x41] =	vst.msk $0xffff, v59;
	s23 =	smul.u32 $0xF4240, s23;
	s18 =	ssub.s32 $0x80, s21;
	p2 =	sgt.s32 s27, $0x3F  }
.Ltmp4:
0x53: {  	[tilespmem:s19+$0x1040 ss:$0x41] =	vst.msk $0xffff, v60;
	s17 =	simm.s32 @p1 $0x0;
	s18 =	simm.s32 @p2 $0x0;
	(pc) =	sbr.rel .LBB1_5-.Ltmp4, $4  }
0x54: {  	s29 =	sand.u32 $0xF, s28;
	[tilespmem:s19+$0x1450 ss:$0x41] =	vst.msk $0xffff, v61;
	s20 =	ssub.s32 s20, s23;
	s17 =	smul.u32 s18, s17  }
0x55: {  	[tilespmem:s19+$0x1860 ss:$0x41] =	vst.msk $0xffff, v62;
	s21 =	sshll.u32 s30, $0x12;
	s20 =	sshll.u32 s20, $0x4;
	s18 =	sadd.s32 s5, s29  }
0x56: {  	[tilespmem:s19+$0x0 ss:$0x41] =	vst.msk $0xffff, v63;
	s31 =	sor.u32 $0x40, s21;
	s18 =	sadd.s32 s20, s18;
	s17 =	sand.u32 $0x3FFFFFFF, s17  }
0x57: {  	[hbm4b:s18+s31] =	stream.strided.scatter [tilespmem:s16], [sflag:$0x2], s17, s8, s31, $0x18;
	[tilespmem:$0x8100] =	vst v63  }
.LBB1_6:
0x58: {  	_ =	sfence.sel $0x180000  }
0x59: {  	s2 =	simm.s32 $0x1;
	[bflag:$0x0] =	sbarrier.arrive $0xFFFF  }
0x5a: {  	s31 =	simm.s32 $0x2;
	[sflag:s2] =	ssyncpa.u1 $0x1  }
0x5b: {  	[sflag:s31] =	ssyncpa.u1 $0x1  }
0x5c: {  	p0 =	sne.s32 s1, $0x0;
	_ =	strace $0x90000047  }
0x5d: {  	s0 =	sadd.s32 @!p0 $0x100000, s0;
	[bflag:$0x2] =	sbarrier.arrive $0xFFFF  }
0x5e: {  	[sflag:s0] =	ssyncadd.tile.s32 @!p0 $0x1;
	_ =	shalt  }
.Lfunc_end1:
_tile_overlayer_lowered:
.L_overlay_start_2:
0x5f: {  	(tag) =	ssettag $0x2  }
0x60: {  	s0 =	rddreg [dreg:$0x0];
	s2 =	stileid.u32  }
0x61: {  	s1 =	rddreg [dreg:$0x1];
	p0 =	sne.s32 s2, $0x0  }
0x62: {  	s3 =	rddreg [dreg:$0x2];
	[bflag:$0x3] =	sbarrier.arrive $0xFFFF;
	s2 =	simm.s32 @!p0 $0x1C01  }
0x63: {  	[timem:s3], [sflag:s2] =	dma.local @!p0 [hbm:s0], s1  }
0x64: {  	s0 =	simm.s32 @!p0 $0x1  }
0x65: {  	_ =	swait.ge @!p0 [sflag:s0], s1  }
0x66: {  	s1 =	ssub.s32 @!p0 $0x0, s1;
	[sflag:s0] =	ssyncset.done @!p0 $0x0  }
0x67: {  	[sflag:s0] =	ssyncadd.s32 @!p0 s1  }
0x68: {  	[bflag:$0x3] =	sbarrier.arrive $0xFFFF  }
0x69: {  	_ =	shalt  }

</sc_bundles>
